<compile_context>
chip_gen: v7x
topology: tpu7x:2x2x1
jax: 0.10.2.dev20260603
libtpu: 0.0.44.dev20260713+nightly
codegen_flags: <defaults>
</compile_context>

<pallas_src>
import functools

import jax
import jax.numpy as jnp
from jax import lax
from jax.experimental import pallas as pl
from jax.experimental.pallas import tpu as pltpu
from jax.experimental.pallas import tpu_sc as plsc

N = 10000
E = 320000
EB = 128
NBLK = E // EB
NS = 16
NC = 2
RPT = 624
RPT_LAST = N - 15 * RPT
D_IN = 128
D_HID = 256
DH = D_HID // 2


@functools.cache
def _build_deg_kernel():
    @functools.partial(
        pl.kernel,
        mesh=plsc.VectorSubcoreMesh(core_axis_name="c", subcore_axis_name="s"),
        out_type=jax.ShapeDtypeStruct((NC * N, DH), jnp.float32),
        scratch_types=[
            pltpu.VMEM((EB,), jnp.int32),
            pltpu.VMEM((EB, DH), jnp.float32),
            pltpu.VMEM_SHARED((N, DH), jnp.float32),
        ],
    )
    def deg_kernel(dst_hbm, ones_hbm, zeros_hbm, out_hbm, idx_v, ones_v, acc):
        c = lax.axis_index("c")
        s = lax.axis_index("s")
        r0 = pl.multiple_of(s * RPT, 8)

        def stripe_copy(mk_src, mk_dst):
            @pl.when(s < NS - 1)
            def _():
                pltpu.sync_copy(mk_src(RPT), mk_dst(RPT))

            @pl.when(s == NS - 1)
            def _():
                pltpu.sync_copy(mk_src(RPT_LAST), mk_dst(RPT_LAST))

        stripe_copy(lambda nr: zeros_hbm.at[pl.ds(r0, nr)],
                    lambda nr: acc.at[pl.ds(r0, nr)])
        pltpu.sync_copy(ones_hbm, ones_v)
        plsc.subcore_barrier()

        half = NBLK // NC

        def body(i, carry):
            off = s + i * NS

            @pl.when(off < half)
            def _():
                b = c * half + off
                pltpu.sync_copy(dst_hbm.at[pl.ds(b * EB, EB)], idx_v)
                pltpu.sync_copy(ones_v, acc.at[idx_v], add=True)

            return carry

        lax.fori_loop(0, (half + NS - 1) // NS, body, 0)
        plsc.subcore_barrier()
        stripe_copy(lambda nr: acc.at[pl.ds(r0, nr)],
                    lambda nr: out_hbm.at[pl.ds(c * N + r0, nr)])

    return deg_kernel


IG = 16
BPT = 160
NGRP = BPT // IG
NBLK_PAD = NS * BPT // 16 * 16 + IG * 2


@functools.cache
def _build_agg_kernel():
    @functools.partial(
        pl.kernel,
        mesh=plsc.VectorSubcoreMesh(core_axis_name="c", subcore_axis_name="s"),
        out_type=(
            jax.ShapeDtypeStruct((N, DH), jnp.float32),
            jax.ShapeDtypeStruct((N, DH), jnp.float32),
        ),
        scratch_types=[
            pltpu.VMEM((EB, DH), jnp.float32),
            pltpu.VMEM((IG, EB), jnp.int32),
            pltpu.VMEM((IG, EB), jnp.int32),
            pltpu.VMEM_SHARED((N, DH), jnp.float32),
            pltpu.SemaphoreType.DMA,
        ],
    )
    def agg_kernel(g0_hbm, g1_hbm, src2_hbm, dst2_hbm, o0_hbm, o1_hbm,
                   rows0, sidx_v, didx_v, acc, gsem0):
        c = lax.axis_index("c")
        s = lax.axis_index("s")
        r0 = pl.multiple_of(s * RPT, 8)

        def stripe_copy(mk_src, mk_dst):
            @pl.when(s < NS - 1)
            def _():
                pltpu.sync_copy(mk_src(RPT), mk_dst(RPT))

            @pl.when(s == NS - 1)
            def _():
                pltpu.sync_copy(mk_src(RPT_LAST), mk_dst(RPT_LAST))

        def run(g_hbm, o_hbm):
            stripe_copy(lambda nr: g_hbm.at[pl.ds(r0, nr)],
                        lambda nr: acc.at[pl.ds(r0, nr)])
            plsc.subcore_barrier()

            b0 = s * BPT

            def group(g, carry):
                gb = pl.multiple_of(b0 + g * IG, 8)

                @pl.when(gb < NBLK)
                def _():
                    pltpu.sync_copy(src2_hbm.at[pl.ds(gb, IG)], sidx_v)
                    pltpu.sync_copy(dst2_hbm.at[pl.ds(gb, IG)], didx_v)

                    for j in range(IG):
                        @pl.when(gb + j < NBLK)
                        def _():
                            pltpu.async_copy(
                                g_hbm.at[sidx_v.at[j]], rows0, gsem0).wait()
                            pltpu.sync_copy(rows0, acc.at[didx_v.at[j]],
                                            add=True)

                return carry

            lax.fori_loop(0, NGRP, group, 0)
            plsc.subcore_barrier()
            stripe_copy(lambda nr: acc.at[pl.ds(r0, nr)],
                        lambda nr: o_hbm.at[pl.ds(r0, nr)])

        @pl.when(c == 0)
        def _():
            run(g0_hbm, o0_hbm)

        @pl.when(c == 1)
        def _():
            run(g1_hbm, o1_hbm)

    return agg_kernel


_RB = 1000
_GRID = N // _RB


def _tca_body(deg0, deg1, x, w1, d_out, g0_out, g1_out):
    deg = 1.0 + deg0[:, 0] + deg1[:, 0]
    dv = lax.rsqrt(deg)[:, None]
    h = jnp.dot(x[...], w1[...], preferred_element_type=jnp.float32)
    g = h * dv
    d_out[...] = dv
    g0_out[...] = g[:, :DH]
    g1_out[...] = g[:, DH:]


def _tcb_body(s0, s1, d, b1, w2, g0_out, g1_out):
    dv = d[...]
    a = jnp.concatenate([s0[...], s1[...]], axis=1) * dv + b1[...]
    a = jnp.maximum(a, 0.0)
    h = jnp.dot(a, w2[...], preferred_element_type=jnp.float32)
    g = h * dv
    g0_out[...] = g[:, :DH]
    g1_out[...] = g[:, DH:]


def _tcc_body(s0, s1, d, b2, wc1, bc1, wc2, bc2, out):
    dv = d[...]
    a = jnp.concatenate([s0[...], s1[...]], axis=1) * dv + b2[...]
    a = jnp.maximum(a, 0.0)
    h = jnp.dot(a, wc1[...], preferred_element_type=jnp.float32) + bc1[...]
    h = 0.5 * h * (1.0 + lax.erf(h * (2.0 ** -0.5)))
    o = jnp.dot(h, wc2[...], preferred_element_type=jnp.float32) + bc2[...]
    out[...] = jax.nn.sigmoid(o)


def _row_spec(cols):
    return pl.BlockSpec((_RB, cols), lambda i: (i, 0))


def _full_spec(r, cols):
    return pl.BlockSpec((r, cols), lambda i: (0, 0))


_tca_call = pl.pallas_call(
    _tca_body,
    grid=(_GRID,),
    in_specs=[_row_spec(DH), _row_spec(DH), _row_spec(D_IN), _full_spec(D_IN, D_HID)],
    out_specs=[_row_spec(1), _row_spec(DH), _row_spec(DH)],
    out_shape=[
        jax.ShapeDtypeStruct((N, 1), jnp.float32),
        jax.ShapeDtypeStruct((N, DH), jnp.float32),
        jax.ShapeDtypeStruct((N, DH), jnp.float32),
    ],
)

_tcb_call = pl.pallas_call(
    _tcb_body,
    grid=(_GRID,),
    in_specs=[_row_spec(DH), _row_spec(DH), _row_spec(1), _full_spec(1, D_HID),
              _full_spec(D_HID, D_HID)],
    out_specs=[_row_spec(DH), _row_spec(DH)],
    out_shape=[
        jax.ShapeDtypeStruct((N, DH), jnp.float32),
        jax.ShapeDtypeStruct((N, DH), jnp.float32),
    ],
)

_tcc_call = pl.pallas_call(
    _tcc_body,
    grid=(_GRID,),
    in_specs=[_row_spec(DH), _row_spec(DH), _row_spec(1), _full_spec(1, D_HID),
              _full_spec(D_HID, 64), _full_spec(1, 64), _full_spec(64, 1),
              _full_spec(1, 1)],
    out_specs=[_row_spec(1)],
    out_shape=[jax.ShapeDtypeStruct((N, 1), jnp.float32)],
)


def kernel(x, edge_index, W1, b1, W2, b2, Wc1, bc1, Wc2, bc2):
    edge_index = edge_index.astype(jnp.int32)
    src = edge_index[0]
    dst = edge_index[1]
    ones = jnp.ones((EB, DH), jnp.float32)
    zeros = jnp.zeros((N, DH), jnp.float32)

    pad = ((0, NBLK_PAD - NBLK), (0, 0))
    src2 = jnp.pad(src.reshape(NBLK, EB), pad)
    dst2 = jnp.pad(dst.reshape(NBLK, EB), pad)

    degp = _build_deg_kernel()(dst, ones, zeros)
    d, g0, g1 = _tca_call(degp[:N], degp[N:], x, W1)
    s0, s1 = _build_agg_kernel()(g0, g1, src2, dst2)
    t0, t1 = _tcb_call(s0, s1, d, b1.reshape(1, D_HID), W2)
    u0, u1 = _build_agg_kernel()(t0, t1, src2, dst2)
    (out,) = _tcc_call(u0, u1, d, b2.reshape(1, D_HID), Wc1, bc1.reshape(1, 64),
                       Wc2, bc2.reshape(1, 1))
    return out

# --- scband reference (transcript-rebuilt; emitter-appended) ---
"""Pipeline reference for scband-vanilla-gcn-30872224924146 (READ-ONLY COPY).

The authoritative reference and input builder live on the scoring server;
editing this copy changes nothing except your own understanding.
"""

import jax, jax.numpy as jnp
import numpy as np

N_NODES = 10000
N_EDGES = 320000
D_IN = 128
D_HID = 256


def gcn_conv(x, edge_index, W, b):
    # Faithful port of torch_geometric GCNConv (add_self_loops=True, normalize=True, bias=True)
    N = x.shape[0]
    src = edge_index[0]
    dst = edge_index[1]
    loop = jnp.arange(N, dtype=src.dtype)
    src = jnp.concatenate([src, loop])
    dst = jnp.concatenate([dst, loop])
    ew = jnp.ones(src.shape[0], dtype=x.dtype)
    # degree computed on destination (col) index, as in gcn_norm with source_to_target flow
    deg = jnp.zeros((N,), dtype=x.dtype).at[dst].add(ew)
    deg_inv_sqrt = jnp.where(deg > 0, 1.0 / jnp.sqrt(deg), 0.0)
    norm = deg_inv_sqrt[src] * ew * deg_inv_sqrt[dst]
    h = x @ W  # linear transform first (GCNConv order)
    msg = h[src] * norm[:, None]  # gather
    out = jnp.zeros((N, h.shape[1]), dtype=x.dtype).at[dst].add(msg)  # scatter-add
    return out + b


def setup_inputs(seed: int = 0) -> dict:
    key = jax.random.key(seed)
    ks = jax.random.split(key, 10)
    x = jax.random.normal(ks[0], (N_NODES, D_IN), dtype=jnp.float32)
    edge_index = jax.random.randint(ks[1], (2, N_EDGES), 0, N_NODES, dtype=jnp.int64 if jax.config.jax_enable_x64 else jnp.int32)
    # parameters (Glorot-ish scaling)
    W1 = jax.random.normal(ks[2], (D_IN, D_HID), dtype=jnp.float32) * (1.0 / np.sqrt(D_IN))
    b1 = jnp.zeros((D_HID,), dtype=jnp.float32)
    W2 = jax.random.normal(ks[3], (D_HID, D_HID), dtype=jnp.float32) * (1.0 / np.sqrt(D_HID))
    b2 = jnp.zeros((D_HID,), dtype=jnp.float32)
    Wc1 = jax.random.normal(ks[4], (D_HID, 64), dtype=jnp.float32) * (1.0 / np.sqrt(D_HID))
    bc1 = jnp.zeros((64,), dtype=jnp.float32)
    Wc2 = jax.random.normal(ks[5], (64, 1), dtype=jnp.float32) * (1.0 / np.sqrt(64))
    bc2 = jnp.zeros((1,), dtype=jnp.float32)
    return {"x": x, "edge_index": edge_index, "W1": W1, "b1": b1, "W2": W2, "b2": b2, "Wc1": Wc1, "bc1": bc1, "Wc2": Wc2, "bc2": bc2}


def reference(x, edge_index, W1, b1, W2, b2, Wc1, bc1, Wc2, bc2):
    h = jax.nn.relu(gcn_conv(x, edge_index, W1, b1))
    # dropout is identity in eval mode
    h = jax.nn.relu(gcn_conv(h, edge_index, W2, b2))
    h = jax.nn.gelu(h @ Wc1 + bc1, approximate=False)
    out = jax.nn.sigmoid(h @ Wc2 + bc2)
    return out

if __name__ == "__main__":
    import jax
    _d = setup_inputs()
    print(jax.jit(kernel)(*tuple(_d.values())))

</pallas_src>

<mosaic_0001>
#map = affine_map<(d0, d1) -> (0)>
#map1 = affine_map<(d0, d1) -> (0, 0)>
module attributes {stable_mosaic.version = 14 : i64} {
  func.func @deg_kernel(%arg0: i32, %arg1: i32, %arg2: memref<320000xi32, #tpu.memory_space<hbm>>, %arg3: memref<128x128xf32, #tpu.memory_space<hbm>>, %arg4: memref<10000x128xf32, #tpu.memory_space<hbm>>, %arg5: memref<20000x128xf32, #tpu.memory_space<hbm>>, %arg6: memref<128xi32, #tpu.memory_space<vmem>>, %arg7: memref<128x128xf32, #tpu.memory_space<vmem>>, %arg8: memref<10000x128xf32, #tpu.memory_space<vmem_shared>>) attributes {dimension_semantics = [#tpu.dimension_semantics<core_parallel>, #tpu.dimension_semantics<subcore_parallel>], iteration_bounds = array<i64: 2, 16>, scalar_prefetch = 0 : i64, scratch_operands = 3 : i64, tpu.core_type = #tpu.core_type<sc_vector_subcore>, window_params = [{transform_indices = #map}, {transform_indices = #map1}, {transform_indices = #map1}, {transform_indices = #map1}]} {
    %mul3A = arith.constant 624 : i32
    %mul3A_0 = arith.muli %arg1, %mul3A : i32
    %multiple_of3A = tpu.assume_multiple %mul3A_0, 8 : i32
    %lt3A = arith.constant 15 : i32
    %lt3A_1 = arith.cmpi slt, %arg1, %lt3A : i32
    %convert_element_type3A = arith.extui %lt3A_1 : i1 to i32
    %cond3A = arith.constant 0 : i32
    %cond3A_2 = arith.cmpi ne, %convert_element_type3A, %cond3A : i32
    scf.if %cond3A_2 {
      "tpu.region"() ({
        %run_scoped3A = tpu.sem_alloc : memref<!tpu.dma_semaphore, #tpu.memory_space<semaphore_mem>>
        %dma_start3A = arith.constant 0 : i32
        %dma_start3A_23 = tpu.memref_slice %arg8[%multiple_of3A, %dma_start3A] : memref<10000x128xf32, #tpu.memory_space<vmem_shared>> -> memref<624x128xf32, #tpu.memory_space<vmem_shared>>
        %dma_start3A_24 = arith.constant 0 : i32
        %dma_start3A_25 = tpu.memref_slice %arg4[%multiple_of3A, %dma_start3A_24] : memref<10000x128xf32, #tpu.memory_space<hbm>> -> memref<624x128xf32, #tpu.memory_space<hbm>>
        tpu.enqueue_dma source(%dma_start3A_25 : memref<624x128xf32, #tpu.memory_space<hbm>>) target(%dma_start3A_23 : memref<624x128xf32, #tpu.memory_space<vmem_shared>>) target_semaphore(%run_scoped3A : memref<!tpu.dma_semaphore, #tpu.memory_space<semaphore_mem>>)
        %dma_wait3A = arith.constant 0 : i32
        %dma_wait3A_26 = tpu.memref_slice %arg8[%multiple_of3A, %dma_wait3A] : memref<10000x128xf32, #tpu.memory_space<vmem_shared>> -> memref<624x128xf32, #tpu.memory_space<vmem_shared>>
        %dma_wait3A_27 = arith.constant 0 : i32
        %dma_wait3A_28 = tpu.memref_slice %arg4[%multiple_of3A, %dma_wait3A_27] : memref<10000x128xf32, #tpu.memory_space<hbm>> -> memref<624x128xf32, #tpu.memory_space<hbm>>
        tpu.wait_dma2 semaphore(%run_scoped3A : memref<!tpu.dma_semaphore, #tpu.memory_space<semaphore_mem>>) src(%dma_wait3A_28 : memref<624x128xf32, #tpu.memory_space<hbm>>) dst(%dma_wait3A_26 : memref<624x128xf32, #tpu.memory_space<vmem_shared>>)
        tpu.yield
      }) : () -> ()
    } else {
    }
    %eq3A = arith.constant 15 : i32
    %eq3A_3 = arith.cmpi eq, %arg1, %eq3A : i32
    %convert_element_type3A_4 = arith.extui %eq3A_3 : i1 to i32
    %cond3A_5 = arith.constant 0 : i32
    %cond3A_6 = arith.cmpi ne, %convert_element_type3A_4, %cond3A_5 : i32
    scf.if %cond3A_6 {
      "tpu.region"() ({
        %run_scoped3A = tpu.sem_alloc : memref<!tpu.dma_semaphore, #tpu.memory_space<semaphore_mem>>
        %dma_start3A = arith.constant 0 : i32
        %dma_start3A_23 = tpu.memref_slice %arg8[%multiple_of3A, %dma_start3A] : memref<10000x128xf32, #tpu.memory_space<vmem_shared>> -> memref<640x128xf32, #tpu.memory_space<vmem_shared>>
        %dma_start3A_24 = arith.constant 0 : i32
        %dma_start3A_25 = tpu.memref_slice %arg4[%multiple_of3A, %dma_start3A_24] : memref<10000x128xf32, #tpu.memory_space<hbm>> -> memref<640x128xf32, #tpu.memory_space<hbm>>
        tpu.enqueue_dma source(%dma_start3A_25 : memref<640x128xf32, #tpu.memory_space<hbm>>) target(%dma_start3A_23 : memref<640x128xf32, #tpu.memory_space<vmem_shared>>) target_semaphore(%run_scoped3A : memref<!tpu.dma_semaphore, #tpu.memory_space<semaphore_mem>>)
        %dma_wait3A = arith.constant 0 : i32
        %dma_wait3A_26 = tpu.memref_slice %arg8[%multiple_of3A, %dma_wait3A] : memref<10000x128xf32, #tpu.memory_space<vmem_shared>> -> memref<640x128xf32, #tpu.memory_space<vmem_shared>>
        %dma_wait3A_27 = arith.constant 0 : i32
        %dma_wait3A_28 = tpu.memref_slice %arg4[%multiple_of3A, %dma_wait3A_27] : memref<10000x128xf32, #tpu.memory_space<hbm>> -> memref<640x128xf32, #tpu.memory_space<hbm>>
        tpu.wait_dma2 semaphore(%run_scoped3A : memref<!tpu.dma_semaphore, #tpu.memory_space<semaphore_mem>>) src(%dma_wait3A_28 : memref<640x128xf32, #tpu.memory_space<hbm>>) dst(%dma_wait3A_26 : memref<640x128xf32, #tpu.memory_space<vmem_shared>>)
        tpu.yield
      }) : () -> ()
    } else {
    }
    "tpu.region"() ({
      %run_scoped3A = tpu.sem_alloc : memref<!tpu.dma_semaphore, #tpu.memory_space<semaphore_mem>>
      tpu.enqueue_dma source(%arg3 : memref<128x128xf32, #tpu.memory_space<hbm>>) target(%arg7 : memref<128x128xf32, #tpu.memory_space<vmem>>) target_semaphore(%run_scoped3A : memref<!tpu.dma_semaphore, #tpu.memory_space<semaphore_mem>>)
      tpu.wait_dma2 semaphore(%run_scoped3A : memref<!tpu.dma_semaphore, #tpu.memory_space<semaphore_mem>>) src(%arg3 : memref<128x128xf32, #tpu.memory_space<hbm>>) dst(%arg7 : memref<128x128xf32, #tpu.memory_space<vmem>>)
      tpu.yield
    }) : () -> ()
    %barrier3A = arith.constant 0 : index
    tpu.barrier barrier_id(%barrier3A)
    %scan3A = arith.constant 0 : i32
    %scan3A_7 = arith.constant 0 : i32
    %scan3A_8 = arith.constant 79 : i32
    %scan3A_9 = arith.addi %scan3A_7, %scan3A_8 : i32
    %scan3A_10 = arith.constant 1 : i32
    scf.for %scan3A_23 = %scan3A_7 to %scan3A_9 step %scan3A_10  : i32 {
      %mul3A_24 = arith.constant 16 : i32
      %mul3A_25 = arith.muli %scan3A_23, %mul3A_24 : i32
      %add3A = arith.addi %arg1, %mul3A_25 : i32
      %lt3A_26 = arith.constant 1250 : i32
      %lt3A_27 = arith.cmpi slt, %add3A, %lt3A_26 : i32
      %convert_element_type3A_28 = arith.extui %lt3A_27 : i1 to i32
      %cond3A_29 = arith.constant 0 : i32
      %cond3A_30 = arith.cmpi ne, %convert_element_type3A_28, %cond3A_29 : i32
      scf.if %cond3A_30 {
        %mul3A_31 = arith.constant 1250 : i32
        %mul3A_32 = arith.muli %arg0, %mul3A_31 : i32
        %add3A_33 = arith.addi %mul3A_32, %add3A : i32
        %mul3A_34 = arith.constant 128 : i32
        %mul3A_35 = arith.muli %add3A_33, %mul3A_34 : i32
        "tpu.region"() ({
          %run_scoped3A = tpu.sem_alloc : memref<!tpu.dma_semaphore, #tpu.memory_space<semaphore_mem>>
          %dma_start3A = tpu.memref_slice %arg2[%mul3A_35] : memref<320000xi32, #tpu.memory_space<hbm>> -> memref<128xi32, #tpu.memory_space<hbm>>
          %dma_start3A_36 = tpu.memref_slice %arg2[%mul3A_35] : memref<320000xi32, #tpu.memory_space<hbm>> -> memref<128xi32, #tpu.memory_space<hbm>>
          tpu.enqueue_dma source(%dma_start3A_36 : memref<128xi32, #tpu.memory_space<hbm>>) target(%arg6 : memref<128xi32, #tpu.memory_space<vmem>>) target_semaphore(%run_scoped3A : memref<!tpu.dma_semaphore, #tpu.memory_space<semaphore_mem>>)
          %dma_wait3A = tpu.memref_slice %arg2[%mul3A_35] : memref<320000xi32, #tpu.memory_space<hbm>> -> memref<128xi32, #tpu.memory_space<hbm>>
          %dma_wait3A_37 = tpu.memref_slice %arg2[%mul3A_35] : memref<320000xi32, #tpu.memory_space<hbm>> -> memref<128xi32, #tpu.memory_space<hbm>>
          tpu.wait_dma2 semaphore(%run_scoped3A : memref<!tpu.dma_semaphore, #tpu.memory_space<semaphore_mem>>) src(%dma_wait3A_37 : memref<128xi32, #tpu.memory_space<hbm>>) dst(%arg6 : memref<128xi32, #tpu.memory_space<vmem>>)
          tpu.yield
        }) : () -> ()
        "tpu.region"() ({
          %run_scoped3A = tpu.sem_alloc : memref<!tpu.dma_semaphore, #tpu.memory_space<semaphore_mem>>
          %dma_start3A = arith.constant 0 : i32
          %dma_start3A_36 = arith.constant 0 : i32
          %dma_start3A_37 = tpu.memref_slice %arg8[%dma_start3A, %dma_start3A_36] : memref<10000x128xf32, #tpu.memory_space<vmem_shared>> -> memref<10000x128xf32, #tpu.memory_space<vmem_shared>>
          tpu.enqueue_indirect_dma source(%arg7 : memref<128x128xf32, #tpu.memory_space<vmem>>) target(%dma_start3A_37 : memref<10000x128xf32, #tpu.memory_space<vmem_shared>>) offsets(%arg6 : memref<128xi32, #tpu.memory_space<vmem>>) semaphore(%run_scoped3A : memref<!tpu.dma_semaphore, #tpu.memory_space<semaphore_mem>>) {add = true}
          %dma_wait3A = arith.constant 0 : i32
          %dma_wait3A_38 = arith.constant 0 : i32
          %dma_wait3A_39 = tpu.memref_slice %arg8[%dma_wait3A, %dma_wait3A_38] : memref<10000x128xf32, #tpu.memory_space<vmem_shared>> -> memref<10000x128xf32, #tpu.memory_space<vmem_shared>>
          tpu.wait_indirect_dma semaphore(%run_scoped3A : memref<!tpu.dma_semaphore, #tpu.memory_space<semaphore_mem>>) src(%arg7 : memref<128x128xf32, #tpu.memory_space<vmem>>) dst(%dma_wait3A_39 : memref<10000x128xf32, #tpu.memory_space<vmem_shared>>)
          tpu.yield
        }) : () -> ()
      } else {
      }
    }
    %scan3A_11 = arith.constant 79 : i32
    %barrier3A_12 = arith.constant 0 : index
    tpu.barrier barrier_id(%barrier3A_12)
    %lt3A_13 = arith.constant 15 : i32
    %lt3A_14 = arith.cmpi slt, %arg1, %lt3A_13 : i32
    %convert_element_type3A_15 = arith.extui %lt3A_14 : i1 to i32
    %cond3A_16 = arith.constant 0 : i32
    %cond3A_17 = arith.cmpi ne, %convert_element_type3A_15, %cond3A_16 : i32
    scf.if %cond3A_17 {
      %mul3A_23 = arith.constant 10000 : i32
      %mul3A_24 = arith.muli %arg0, %mul3A_23 : i32
      %add3A = arith.addi %mul3A_24, %multiple_of3A : i32
      "tpu.region"() ({
        %run_scoped3A = tpu.sem_alloc : memref<!tpu.dma_semaphore, #tpu.memory_space<semaphore_mem>>
        %dma_start3A = arith.constant 0 : i32
        %dma_start3A_25 = tpu.memref_slice %arg5[%add3A, %dma_start3A] : memref<20000x128xf32, #tpu.memory_space<hbm>> -> memref<624x128xf32, #tpu.memory_space<hbm>>
        %dma_start3A_26 = arith.constant 0 : i32
        %dma_start3A_27 = tpu.memref_slice %arg8[%multiple_of3A, %dma_start3A_26] : memref<10000x128xf32, #tpu.memory_space<vmem_shared>> -> memref<624x128xf32, #tpu.memory_space<vmem_shared>>
        tpu.enqueue_dma source(%dma_start3A_27 : memref<624x128xf32, #tpu.memory_space<vmem_shared>>) target(%dma_start3A_25 : memref<624x128xf32, #tpu.memory_space<hbm>>) target_semaphore(%run_scoped3A : memref<!tpu.dma_semaphore, #tpu.memory_space<semaphore_mem>>)
        %dma_wait3A = arith.constant 0 : i32
        %dma_wait3A_28 = tpu.memref_slice %arg5[%add3A, %dma_wait3A] : memref<20000x128xf32, #tpu.memory_space<hbm>> -> memref<624x128xf32, #tpu.memory_space<hbm>>
        %dma_wait3A_29 = arith.constant 0 : i32
        %dma_wait3A_30 = tpu.memref_slice %arg8[%multiple_of3A, %dma_wait3A_29] : memref<10000x128xf32, #tpu.memory_space<vmem_shared>> -> memref<624x128xf32, #tpu.memory_space<vmem_shared>>
        tpu.wait_dma2 semaphore(%run_scoped3A : memref<!tpu.dma_semaphore, #tpu.memory_space<semaphore_mem>>) src(%dma_wait3A_30 : memref<624x128xf32, #tpu.memory_space<vmem_shared>>) dst(%dma_wait3A_28 : memref<624x128xf32, #tpu.memory_space<hbm>>)
        tpu.yield
      }) : () -> ()
    } else {
    }
    %eq3A_18 = arith.constant 15 : i32
    %eq3A_19 = arith.cmpi eq, %arg1, %eq3A_18 : i32
    %convert_element_type3A_20 = arith.extui %eq3A_19 : i1 to i32
    %cond3A_21 = arith.constant 0 : i32
    %cond3A_22 = arith.cmpi ne, %convert_element_type3A_20, %cond3A_21 : i32
    scf.if %cond3A_22 {
      %mul3A_23 = arith.constant 10000 : i32
      %mul3A_24 = arith.muli %arg0, %mul3A_23 : i32
      %add3A = arith.addi %mul3A_24, %multiple_of3A : i32
      "tpu.region"() ({
        %run_scoped3A = tpu.sem_alloc : memref<!tpu.dma_semaphore, #tpu.memory_space<semaphore_mem>>
        %dma_start3A = arith.constant 0 : i32
        %dma_start3A_25 = tpu.memref_slice %arg5[%add3A, %dma_start3A] : memref<20000x128xf32, #tpu.memory_space<hbm>> -> memref<640x128xf32, #tpu.memory_space<hbm>>
        %dma_start3A_26 = arith.constant 0 : i32
        %dma_start3A_27 = tpu.memref_slice %arg8[%multiple_of3A, %dma_start3A_26] : memref<10000x128xf32, #tpu.memory_space<vmem_shared>> -> memref<640x128xf32, #tpu.memory_space<vmem_shared>>
        tpu.enqueue_dma source(%dma_start3A_27 : memref<640x128xf32, #tpu.memory_space<vmem_shared>>) target(%dma_start3A_25 : memref<640x128xf32, #tpu.memory_space<hbm>>) target_semaphore(%run_scoped3A : memref<!tpu.dma_semaphore, #tpu.memory_space<semaphore_mem>>)
        %dma_wait3A = arith.constant 0 : i32
        %dma_wait3A_28 = tpu.memref_slice %arg5[%add3A, %dma_wait3A] : memref<20000x128xf32, #tpu.memory_space<hbm>> -> memref<640x128xf32, #tpu.memory_space<hbm>>
        %dma_wait3A_29 = arith.constant 0 : i32
        %dma_wait3A_30 = tpu.memref_slice %arg8[%multiple_of3A, %dma_wait3A_29] : memref<10000x128xf32, #tpu.memory_space<vmem_shared>> -> memref<640x128xf32, #tpu.memory_space<vmem_shared>>
        tpu.wait_dma2 semaphore(%run_scoped3A : memref<!tpu.dma_semaphore, #tpu.memory_space<semaphore_mem>>) src(%dma_wait3A_30 : memref<640x128xf32, #tpu.memory_space<vmem_shared>>) dst(%dma_wait3A_28 : memref<640x128xf32, #tpu.memory_space<hbm>>)
        tpu.yield
      }) : () -> ()
    } else {
    }
    return
  }
}

#map = affine_map<(d0, d1) -> (0, 0)>
module attributes {stable_mosaic.version = 14 : i64} {
  func.func @agg_kernel(%arg0: i32, %arg1: i32, %arg2: memref<10000x128xf32, #tpu.memory_space<hbm>>, %arg3: memref<10000x128xf32, #tpu.memory_space<hbm>>, %arg4: memref<2592x128xi32, #tpu.memory_space<hbm>>, %arg5: memref<2592x128xi32, #tpu.memory_space<hbm>>, %arg6: memref<10000x128xf32, #tpu.memory_space<hbm>>, %arg7: memref<10000x128xf32, #tpu.memory_space<hbm>>, %arg8: memref<128x128xf32, #tpu.memory_space<vmem>>, %arg9: memref<16x128xi32, #tpu.memory_space<vmem>>, %arg10: memref<16x128xi32, #tpu.memory_space<vmem>>, %arg11: memref<10000x128xf32, #tpu.memory_space<vmem_shared>>, %arg12: memref<!tpu.dma_semaphore, #tpu.memory_space<semaphore_mem>>) attributes {dimension_semantics = [#tpu.dimension_semantics<core_parallel>, #tpu.dimension_semantics<subcore_parallel>], iteration_bounds = array<i64: 2, 16>, scalar_prefetch = 0 : i64, scratch_operands = 5 : i64, tpu.core_type = #tpu.core_type<sc_vector_subcore>, window_params = [{transform_indices = #map}, {transform_indices = #map}, {transform_indices = #map}, {transform_indices = #map}, {transform_indices = #map}, {transform_indices = #map}]} {
    %mul3A = arith.constant 624 : i32
    %mul3A_0 = arith.muli %arg1, %mul3A : i32
    %multiple_of3A = tpu.assume_multiple %mul3A_0, 8 : i32
    %eq3A = arith.constant 0 : i32
    %eq3A_1 = arith.cmpi eq, %arg0, %eq3A : i32
    %convert_element_type3A = arith.extui %eq3A_1 : i1 to i32
    %cond3A = arith.constant 0 : i32
    %cond3A_2 = arith.cmpi ne, %convert_element_type3A, %cond3A : i32
    scf.if %cond3A_2 {
      %lt3A = arith.constant 15 : i32
      %lt3A_8 = arith.cmpi slt, %arg1, %lt3A : i32
      %convert_element_type3A_9 = arith.extui %lt3A_8 : i1 to i32
      %cond3A_10 = arith.constant 0 : i32
      %cond3A_11 = arith.cmpi ne, %convert_element_type3A_9, %cond3A_10 : i32
      scf.if %cond3A_11 {
        "tpu.region"() ({
          %run_scoped3A = tpu.sem_alloc : memref<!tpu.dma_semaphore, #tpu.memory_space<semaphore_mem>>
          %dma_start3A = arith.constant 0 : i32
          %dma_start3A_35 = tpu.memref_slice %arg11[%multiple_of3A, %dma_start3A] : memref<10000x128xf32, #tpu.memory_space<vmem_shared>> -> memref<624x128xf32, #tpu.memory_space<vmem_shared>>
          %dma_start3A_36 = arith.constant 0 : i32
          %dma_start3A_37 = tpu.memref_slice %arg2[%multiple_of3A, %dma_start3A_36] : memref<10000x128xf32, #tpu.memory_space<hbm>> -> memref<624x128xf32, #tpu.memory_space<hbm>>
          tpu.enqueue_dma source(%dma_start3A_37 : memref<624x128xf32, #tpu.memory_space<hbm>>) target(%dma_start3A_35 : memref<624x128xf32, #tpu.memory_space<vmem_shared>>) target_semaphore(%run_scoped3A : memref<!tpu.dma_semaphore, #tpu.memory_space<semaphore_mem>>)
          %dma_wait3A = arith.constant 0 : i32
          %dma_wait3A_38 = tpu.memref_slice %arg11[%multiple_of3A, %dma_wait3A] : memref<10000x128xf32, #tpu.memory_space<vmem_shared>> -> memref<624x128xf32, #tpu.memory_space<vmem_shared>>
          %dma_wait3A_39 = arith.constant 0 : i32
          %dma_wait3A_40 = tpu.memref_slice %arg2[%multiple_of3A, %dma_wait3A_39] : memref<10000x128xf32, #tpu.memory_space<hbm>> -> memref<624x128xf32, #tpu.memory_space<hbm>>
          tpu.wait_dma2 semaphore(%run_scoped3A : memref<!tpu.dma_semaphore, #tpu.memory_space<semaphore_mem>>) src(%dma_wait3A_40 : memref<624x128xf32, #tpu.memory_space<hbm>>) dst(%dma_wait3A_38 : memref<624x128xf32, #tpu.memory_space<vmem_shared>>)
          tpu.yield
        }) : () -> ()
      } else {
      }
      %eq3A_12 = arith.constant 15 : i32
      %eq3A_13 = arith.cmpi eq, %arg1, %eq3A_12 : i32
      %convert_element_type3A_14 = arith.extui %eq3A_13 : i1 to i32
      %cond3A_15 = arith.constant 0 : i32
      %cond3A_16 = arith.cmpi ne, %convert_element_type3A_14, %cond3A_15 : i32
      scf.if %cond3A_16 {
        "tpu.region"() ({
          %run_scoped3A = tpu.sem_alloc : memref<!tpu.dma_semaphore, #tpu.memory_space<semaphore_mem>>
          %dma_start3A = arith.constant 0 : i32
          %dma_start3A_35 = tpu.memref_slice %arg11[%multiple_of3A, %dma_start3A] : memref<10000x128xf32, #tpu.memory_space<vmem_shared>> -> memref<640x128xf32, #tpu.memory_space<vmem_shared>>
          %dma_start3A_36 = arith.constant 0 : i32
          %dma_start3A_37 = tpu.memref_slice %arg2[%multiple_of3A, %dma_start3A_36] : memref<10000x128xf32, #tpu.memory_space<hbm>> -> memref<640x128xf32, #tpu.memory_space<hbm>>
          tpu.enqueue_dma source(%dma_start3A_37 : memref<640x128xf32, #tpu.memory_space<hbm>>) target(%dma_start3A_35 : memref<640x128xf32, #tpu.memory_space<vmem_shared>>) target_semaphore(%run_scoped3A : memref<!tpu.dma_semaphore, #tpu.memory_space<semaphore_mem>>)
          %dma_wait3A = arith.constant 0 : i32
          %dma_wait3A_38 = tpu.memref_slice %arg11[%multiple_of3A, %dma_wait3A] : memref<10000x128xf32, #tpu.memory_space<vmem_shared>> -> memref<640x128xf32, #tpu.memory_space<vmem_shared>>
          %dma_wait3A_39 = arith.constant 0 : i32
          %dma_wait3A_40 = tpu.memref_slice %arg2[%multiple_of3A, %dma_wait3A_39] : memref<10000x128xf32, #tpu.memory_space<hbm>> -> memref<640x128xf32, #tpu.memory_space<hbm>>
          tpu.wait_dma2 semaphore(%run_scoped3A : memref<!tpu.dma_semaphore, #tpu.memory_space<semaphore_mem>>) src(%dma_wait3A_40 : memref<640x128xf32, #tpu.memory_space<hbm>>) dst(%dma_wait3A_38 : memref<640x128xf32, #tpu.memory_space<vmem_shared>>)
          tpu.yield
        }) : () -> ()
      } else {
      }
      %barrier3A = arith.constant 0 : index
      tpu.barrier barrier_id(%barrier3A)
      %mul3A_17 = arith.constant 160 : i32
      %mul3A_18 = arith.muli %arg1, %mul3A_17 : i32
      %scan3A = arith.constant 0 : i32
      %scan3A_19 = arith.constant 0 : i32
      %scan3A_20 = arith.constant 10 : i32
      %scan3A_21 = arith.addi %scan3A_19, %scan3A_20 : i32
      %scan3A_22 = arith.constant 1 : i32
      scf.for %scan3A_35 = %scan3A_19 to %scan3A_21 step %scan3A_22  : i32 {
        %mul3A_36 = arith.constant 16 : i32
        %mul3A_37 = arith.muli %scan3A_35, %mul3A_36 : i32
        %add3A = arith.addi %mul3A_18, %mul3A_37 : i32
        %multiple_of3A_38 = tpu.assume_multiple %add3A, 8 : i32
        %lt3A_39 = arith.constant 2500 : i32
        %lt3A_40 = arith.cmpi slt, %multiple_of3A_38, %lt3A_39 : i32
        %convert_element_type3A_41 = arith.extui %lt3A_40 : i1 to i32
        %cond3A_42 = arith.constant 0 : i32
        %cond3A_43 = arith.cmpi ne, %convert_element_type3A_41, %cond3A_42 : i32
        scf.if %cond3A_43 {
          "tpu.region"() ({
            %run_scoped3A = tpu.sem_alloc : memref<!tpu.dma_semaphore, #tpu.memory_space<semaphore_mem>>
            %dma_start3A = arith.constant 0 : i32
            %dma_start3A_156 = tpu.memref_slice %arg4[%multiple_of3A_38, %dma_start3A] : memref<2592x128xi32, #tpu.memory_space<hbm>> -> memref<16x128xi32, #tpu.memory_space<hbm>>
            %dma_start3A_157 = arith.constant 0 : i32
            %dma_start3A_158 = tpu.memref_slice %arg4[%multiple_of3A_38, %dma_start3A_157] : memref<2592x128xi32, #tpu.memory_space<hbm>> -> memref<16x128xi32, #tpu.memory_space<hbm>>
            tpu.enqueue_dma source(%dma_start3A_158 : memref<16x128xi32, #tpu.memory_space<hbm>>) target(%arg9 : memref<16x128xi32, #tpu.memory_space<vmem>>) target_semaphore(%run_scoped3A : memref<!tpu.dma_semaphore, #tpu.memory_space<semaphore_mem>>)
            %dma_wait3A = arith.constant 0 : i32
            %dma_wait3A_159 = tpu.memref_slice %arg4[%multiple_of3A_38, %dma_wait3A] : memref<2592x128xi32, #tpu.memory_space<hbm>> -> memref<16x128xi32, #tpu.memory_space<hbm>>
            %dma_wait3A_160 = arith.constant 0 : i32
            %dma_wait3A_161 = tpu.memref_slice %arg4[%multiple_of3A_38, %dma_wait3A_160] : memref<2592x128xi32, #tpu.memory_space<hbm>> -> memref<16x128xi32, #tpu.memory_space<hbm>>
            tpu.wait_dma2 semaphore(%run_scoped3A : memref<!tpu.dma_semaphore, #tpu.memory_space<semaphore_mem>>) src(%dma_wait3A_161 : memref<16x128xi32, #tpu.memory_space<hbm>>) dst(%arg9 : memref<16x128xi32, #tpu.memory_space<vmem>>)
            tpu.yield
          }) : () -> ()
          "tpu.region"() ({
            %run_scoped3A = tpu.sem_alloc : memref<!tpu.dma_semaphore, #tpu.memory_space<semaphore_mem>>
            %dma_start3A = arith.constant 0 : i32
            %dma_start3A_156 = tpu.memref_slice %arg5[%multiple_of3A_38, %dma_start3A] : memref<2592x128xi32, #tpu.memory_space<hbm>> -> memref<16x128xi32, #tpu.memory_space<hbm>>
            %dma_start3A_157 = arith.constant 0 : i32
            %dma_start3A_158 = tpu.memref_slice %arg5[%multiple_of3A_38, %dma_start3A_157] : memref<2592x128xi32, #tpu.memory_space<hbm>> -> memref<16x128xi32, #tpu.memory_space<hbm>>
            tpu.enqueue_dma source(%dma_start3A_158 : memref<16x128xi32, #tpu.memory_space<hbm>>) target(%arg10 : memref<16x128xi32, #tpu.memory_space<vmem>>) target_semaphore(%run_scoped3A : memref<!tpu.dma_semaphore, #tpu.memory_space<semaphore_mem>>)
            %dma_wait3A = arith.constant 0 : i32
            %dma_wait3A_159 = tpu.memref_slice %arg5[%multiple_of3A_38, %dma_wait3A] : memref<2592x128xi32, #tpu.memory_space<hbm>> -> memref<16x128xi32, #tpu.memory_space<hbm>>
            %dma_wait3A_160 = arith.constant 0 : i32
            %dma_wait3A_161 = tpu.memref_slice %arg5[%multiple_of3A_38, %dma_wait3A_160] : memref<2592x128xi32, #tpu.memory_space<hbm>> -> memref<16x128xi32, #tpu.memory_space<hbm>>
            tpu.wait_dma2 semaphore(%run_scoped3A : memref<!tpu.dma_semaphore, #tpu.memory_space<semaphore_mem>>) src(%dma_wait3A_161 : memref<16x128xi32, #tpu.memory_space<hbm>>) dst(%arg10 : memref<16x128xi32, #tpu.memory_space<vmem>>)
            tpu.yield
          }) : () -> ()
          %add3A_44 = arith.constant 0 : i32
          %add3A_45 = arith.addi %multiple_of3A_38, %add3A_44 : i32
          %lt3A_46 = arith.constant 2500 : i32
          %lt3A_47 = arith.cmpi slt, %add3A_45, %lt3A_46 : i32
          %convert_element_type3A_48 = arith.extui %lt3A_47 : i1 to i32
          %cond3A_49 = arith.constant 0 : i32
          %cond3A_50 = arith.cmpi ne, %convert_element_type3A_48, %cond3A_49 : i32
          scf.if %cond3A_50 {
            %dma_start3A = arith.constant 0 : i32
            %dma_start3A_156 = arith.constant 0 : i32
            %dma_start3A_157 = tpu.memref_slice %arg9[%dma_start3A, %dma_start3A_156] : memref<16x128xi32, #tpu.memory_space<vmem>> -> memref<1x128xi32, #tpu.memory_space<vmem>>
            %dma_start3A_158 = tpu.memref_squeeze %dma_start3A_157 : memref<1x128xi32, #tpu.memory_space<vmem>> -> memref<128xi32, #tpu.memory_space<vmem>>
            %dma_start3A_159 = arith.constant 0 : i32
            %dma_start3A_160 = arith.constant 0 : i32
            %dma_start3A_161 = tpu.memref_slice %arg2[%dma_start3A_159, %dma_start3A_160] : memref<10000x128xf32, #tpu.memory_space<hbm>> -> memref<10000x128xf32, #tpu.memory_space<hbm>>
            tpu.enqueue_indirect_dma source(%dma_start3A_161 : memref<10000x128xf32, #tpu.memory_space<hbm>>) target(%arg8 : memref<128x128xf32, #tpu.memory_space<vmem>>) offsets(%dma_start3A_158 : memref<128xi32, #tpu.memory_space<vmem>>) semaphore(%arg12 : memref<!tpu.dma_semaphore, #tpu.memory_space<semaphore_mem>>)
            %dma_wait3A = arith.constant 0 : i32
            %dma_wait3A_162 = arith.constant 0 : i32
            %dma_wait3A_163 = tpu.memref_slice %arg9[%dma_wait3A, %dma_wait3A_162] : memref<16x128xi32, #tpu.memory_space<vmem>> -> memref<1x128xi32, #tpu.memory_space<vmem>>
            %dma_wait3A_164 = tpu.memref_squeeze %dma_wait3A_163 : memref<1x128xi32, #tpu.memory_space<vmem>> -> memref<128xi32, #tpu.memory_space<vmem>>
            %dma_wait3A_165 = arith.constant 0 : i32
            %dma_wait3A_166 = arith.constant 0 : i32
            %dma_wait3A_167 = tpu.memref_slice %arg2[%dma_wait3A_165, %dma_wait3A_166] : memref<10000x128xf32, #tpu.memory_space<hbm>> -> memref<10000x128xf32, #tpu.memory_space<hbm>>
            tpu.wait_indirect_dma semaphore(%arg12 : memref<!tpu.dma_semaphore, #tpu.memory_space<semaphore_mem>>) src(%dma_wait3A_167 : memref<10000x128xf32, #tpu.memory_space<hbm>>) dst(%arg8 : memref<128x128xf32, #tpu.memory_space<vmem>>)
            %run_scoped3A = arith.constant 0 : i32
            "tpu.region"() ({
              %run_scoped3A_168 = tpu.sem_alloc : memref<!tpu.dma_semaphore, #tpu.memory_space<semaphore_mem>>
              %dma_start3A_169 = arith.constant 0 : i32
              %dma_start3A_170 = tpu.memref_slice %arg10[%run_scoped3A, %dma_start3A_169] : memref<16x128xi32, #tpu.memory_space<vmem>> -> memref<1x128xi32, #tpu.memory_space<vmem>>
              %dma_start3A_171 = tpu.memref_squeeze %dma_start3A_170 : memref<1x128xi32, #tpu.memory_space<vmem>> -> memref<128xi32, #tpu.memory_space<vmem>>
              %dma_start3A_172 = arith.constant 0 : i32
              %dma_start3A_173 = arith.constant 0 : i32
              %dma_start3A_174 = tpu.memref_slice %arg11[%dma_start3A_172, %dma_start3A_173] : memref<10000x128xf32, #tpu.memory_space<vmem_shared>> -> memref<10000x128xf32, #tpu.memory_space<vmem_shared>>
              tpu.enqueue_indirect_dma source(%arg8 : memref<128x128xf32, #tpu.memory_space<vmem>>) target(%dma_start3A_174 : memref<10000x128xf32, #tpu.memory_space<vmem_shared>>) offsets(%dma_start3A_171 : memref<128xi32, #tpu.memory_space<vmem>>) semaphore(%run_scoped3A_168 : memref<!tpu.dma_semaphore, #tpu.memory_space<semaphore_mem>>) {add = true}
              %dma_wait3A_175 = arith.constant 0 : i32
              %dma_wait3A_176 = tpu.memref_slice %arg10[%run_scoped3A, %dma_wait3A_175] : memref<16x128xi32, #tpu.memory_space<vmem>> -> memref<1x128xi32, #tpu.memory_space<vmem>>
              %dma_wait3A_177 = tpu.memref_squeeze %dma_wait3A_176 : memref<1x128xi32, #tpu.memory_space<vmem>> -> memref<128xi32, #tpu.memory_space<vmem>>
              %dma_wait3A_178 = arith.constant 0 : i32
              %dma_wait3A_179 = arith.constant 0 : i32
              %dma_wait3A_180 = tpu.memref_slice %arg11[%dma_wait3A_178, %dma_wait3A_179] : memref<10000x128xf32, #tpu.memory_space<vmem_shared>> -> memref<10000x128xf32, #tpu.memory_space<vmem_shared>>
              tpu.wait_indirect_dma semaphore(%run_scoped3A_168 : memref<!tpu.dma_semaphore, #tpu.memory_space<semaphore_mem>>) src(%arg8 : memref<128x128xf32, #tpu.memory_space<vmem>>) dst(%dma_wait3A_180 : memref<10000x128xf32, #tpu.memory_space<vmem_shared>>)
              tpu.yield
            }) : () -> ()
          } else {
          }
          %add3A_51 = arith.constant 1 : i32
          %add3A_52 = arith.addi %multiple_of3A_38, %add3A_51 : i32
          %lt3A_53 = arith.constant 2500 : i32
          %lt3A_54 = arith.cmpi slt, %add3A_52, %lt3A_53 : i32
          %convert_element_type3A_55 = arith.extui %lt3A_54 : i1 to i32
          %cond3A_56 = arith.constant 0 : i32
          %cond3A_57 = arith.cmpi ne, %convert_element_type3A_55, %cond3A_56 : i32
          scf.if %cond3A_57 {
            %dma_start3A = arith.constant 1 : i32
            %dma_start3A_156 = arith.constant 0 : i32
            %dma_start3A_157 = tpu.memref_slice %arg9[%dma_start3A, %dma_start3A_156] : memref<16x128xi32, #tpu.memory_space<vmem>> -> memref<1x128xi32, #tpu.memory_space<vmem>>
            %dma_start3A_158 = tpu.memref_squeeze %dma_start3A_157 : memref<1x128xi32, #tpu.memory_space<vmem>> -> memref<128xi32, #tpu.memory_space<vmem>>
            %dma_start3A_159 = arith.constant 0 : i32
            %dma_start3A_160 = arith.constant 0 : i32
            %dma_start3A_161 = tpu.memref_slice %arg2[%dma_start3A_159, %dma_start3A_160] : memref<10000x128xf32, #tpu.memory_space<hbm>> -> memref<10000x128xf32, #tpu.memory_space<hbm>>
            tpu.enqueue_indirect_dma source(%dma_start3A_161 : memref<10000x128xf32, #tpu.memory_space<hbm>>) target(%arg8 : memref<128x128xf32, #tpu.memory_space<vmem>>) offsets(%dma_start3A_158 : memref<128xi32, #tpu.memory_space<vmem>>) semaphore(%arg12 : memref<!tpu.dma_semaphore, #tpu.memory_space<semaphore_mem>>)
            %dma_wait3A = arith.constant 1 : i32
            %dma_wait3A_162 = arith.constant 0 : i32
            %dma_wait3A_163 = tpu.memref_slice %arg9[%dma_wait3A, %dma_wait3A_162] : memref<16x128xi32, #tpu.memory_space<vmem>> -> memref<1x128xi32, #tpu.memory_space<vmem>>
            %dma_wait3A_164 = tpu.memref_squeeze %dma_wait3A_163 : memref<1x128xi32, #tpu.memory_space<vmem>> -> memref<128xi32, #tpu.memory_space<vmem>>
            %dma_wait3A_165 = arith.constant 0 : i32
            %dma_wait3A_166 = arith.constant 0 : i32
            %dma_wait3A_167 = tpu.memref_slice %arg2[%dma_wait3A_165, %dma_wait3A_166] : memref<10000x128xf32, #tpu.memory_space<hbm>> -> memref<10000x128xf32, #tpu.memory_space<hbm>>
            tpu.wait_indirect_dma semaphore(%arg12 : memref<!tpu.dma_semaphore, #tpu.memory_space<semaphore_mem>>) src(%dma_wait3A_167 : memref<10000x128xf32, #tpu.memory_space<hbm>>) dst(%arg8 : memref<128x128xf32, #tpu.memory_space<vmem>>)
            %run_scoped3A = arith.constant 1 : i32
            "tpu.region"() ({
              %run_scoped3A_168 = tpu.sem_alloc : memref<!tpu.dma_semaphore, #tpu.memory_space<semaphore_mem>>
              %dma_start3A_169 = arith.constant 0 : i32
              %dma_start3A_170 = tpu.memref_slice %arg10[%run_scoped3A, %dma_start3A_169] : memref<16x128xi32, #tpu.memory_space<vmem>> -> memref<1x128xi32, #tpu.memory_space<vmem>>
              %dma_start3A_171 = tpu.memref_squeeze %dma_start3A_170 : memref<1x128xi32, #tpu.memory_space<vmem>> -> memref<128xi32, #tpu.memory_space<vmem>>
              %dma_start3A_172 = arith.constant 0 : i32
              %dma_start3A_173 = arith.constant 0 : i32
              %dma_start3A_174 = tpu.memref_slice %arg11[%dma_start3A_172, %dma_start3A_173] : memref<10000x128xf32, #tpu.memory_space<vmem_shared>> -> memref<10000x128xf32, #tpu.memory_space<vmem_shared>>
              tpu.enqueue_indirect_dma source(%arg8 : memref<128x128xf32, #tpu.memory_space<vmem>>) target(%dma_start3A_174 : memref<10000x128xf32, #tpu.memory_space<vmem_shared>>) offsets(%dma_start3A_171 : memref<128xi32, #tpu.memory_space<vmem>>) semaphore(%run_scoped3A_168 : memref<!tpu.dma_semaphore, #tpu.memory_space<semaphore_mem>>) {add = true}
              %dma_wait3A_175 = arith.constant 0 : i32
              %dma_wait3A_176 = tpu.memref_slice %arg10[%run_scoped3A, %dma_wait3A_175] : memref<16x128xi32, #tpu.memory_space<vmem>> -> memref<1x128xi32, #tpu.memory_space<vmem>>
              %dma_wait3A_177 = tpu.memref_squeeze %dma_wait3A_176 : memref<1x128xi32, #tpu.memory_space<vmem>> -> memref<128xi32, #tpu.memory_space<vmem>>
              %dma_wait3A_178 = arith.constant 0 : i32
              %dma_wait3A_179 = arith.constant 0 : i32
              %dma_wait3A_180 = tpu.memref_slice %arg11[%dma_wait3A_178, %dma_wait3A_179] : memref<10000x128xf32, #tpu.memory_space<vmem_shared>> -> memref<10000x128xf32, #tpu.memory_space<vmem_shared>>
              tpu.wait_indirect_dma semaphore(%run_scoped3A_168 : memref<!tpu.dma_semaphore, #tpu.memory_space<semaphore_mem>>) src(%arg8 : memref<128x128xf32, #tpu.memory_space<vmem>>) dst(%dma_wait3A_180 : memref<10000x128xf32, #tpu.memory_space<vmem_shared>>)
              tpu.yield
            }) : () -> ()
          } else {
          }
          %add3A_58 = arith.constant 2 : i32
          %add3A_59 = arith.addi %multiple_of3A_38, %add3A_58 : i32
          %lt3A_60 = arith.constant 2500 : i32
          %lt3A_61 = arith.cmpi slt, %add3A_59, %lt3A_60 : i32
          %convert_element_type3A_62 = arith.extui %lt3A_61 : i1 to i32
          %cond3A_63 = arith.constant 0 : i32
          %cond3A_64 = arith.cmpi ne, %convert_element_type3A_62, %cond3A_63 : i32
          scf.if %cond3A_64 {
            %dma_start3A = arith.constant 2 : i32
            %dma_start3A_156 = arith.constant 0 : i32
            %dma_start3A_157 = tpu.memref_slice %arg9[%dma_start3A, %dma_start3A_156] : memref<16x128xi32, #tpu.memory_space<vmem>> -> memref<1x128xi32, #tpu.memory_space<vmem>>
            %dma_start3A_158 = tpu.memref_squeeze %dma_start3A_157 : memref<1x128xi32, #tpu.memory_space<vmem>> -> memref<128xi32, #tpu.memory_space<vmem>>
            %dma_start3A_159 = arith.constant 0 : i32
            %dma_start3A_160 = arith.constant 0 : i32
            %dma_start3A_161 = tpu.memref_slice %arg2[%dma_start3A_159, %dma_start3A_160] : memref<10000x128xf32, #tpu.memory_space<hbm>> -> memref<10000x128xf32, #tpu.memory_space<hbm>>
            tpu.enqueue_indirect_dma source(%dma_start3A_161 : memref<10000x128xf32, #tpu.memory_space<hbm>>) target(%arg8 : memref<128x128xf32, #tpu.memory_space<vmem>>) offsets(%dma_start3A_158 : memref<128xi32, #tpu.memory_space<vmem>>) semaphore(%arg12 : memref<!tpu.dma_semaphore, #tpu.memory_space<semaphore_mem>>)
            %dma_wait3A = arith.constant 2 : i32
            %dma_wait3A_162 = arith.constant 0 : i32
            %dma_wait3A_163 = tpu.memref_slice %arg9[%dma_wait3A, %dma_wait3A_162] : memref<16x128xi32, #tpu.memory_space<vmem>> -> memref<1x128xi32, #tpu.memory_space<vmem>>
            %dma_wait3A_164 = tpu.memref_squeeze %dma_wait3A_163 : memref<1x128xi32, #tpu.memory_space<vmem>> -> memref<128xi32, #tpu.memory_space<vmem>>
            %dma_wait3A_165 = arith.constant 0 : i32
            %dma_wait3A_166 = arith.constant 0 : i32
            %dma_wait3A_167 = tpu.memref_slice %arg2[%dma_wait3A_165, %dma_wait3A_166] : memref<10000x128xf32, #tpu.memory_space<hbm>> -> memref<10000x128xf32, #tpu.memory_space<hbm>>
            tpu.wait_indirect_dma semaphore(%arg12 : memref<!tpu.dma_semaphore, #tpu.memory_space<semaphore_mem>>) src(%dma_wait3A_167 : memref<10000x128xf32, #tpu.memory_space<hbm>>) dst(%arg8 : memref<128x128xf32, #tpu.memory_space<vmem>>)
            %run_scoped3A = arith.constant 2 : i32
            "tpu.region"() ({
              %run_scoped3A_168 = tpu.sem_alloc : memref<!tpu.dma_semaphore, #tpu.memory_space<semaphore_mem>>
              %dma_start3A_169 = arith.constant 0 : i32
              %dma_start3A_170 = tpu.memref_slice %arg10[%run_scoped3A, %dma_start3A_169] : memref<16x128xi32, #tpu.memory_space<vmem>> -> memref<1x128xi32, #tpu.memory_space<vmem>>
              %dma_start3A_171 = tpu.memref_squeeze %dma_start3A_170 : memref<1x128xi32, #tpu.memory_space<vmem>> -> memref<128xi32, #tpu.memory_space<vmem>>
              %dma_start3A_172 = arith.constant 0 : i32
              %dma_start3A_173 = arith.constant 0 : i32
              %dma_start3A_174 = tpu.memref_slice %arg11[%dma_start3A_172, %dma_start3A_173] : memref<10000x128xf32, #tpu.memory_space<vmem_shared>> -> memref<10000x128xf32, #tpu.memory_space<vmem_shared>>
              tpu.enqueue_indirect_dma source(%arg8 : memref<128x128xf32, #tpu.memory_space<vmem>>) target(%dma_start3A_174 : memref<10000x128xf32, #tpu.memory_space<vmem_shared>>) offsets(%dma_start3A_171 : memref<128xi32, #tpu.memory_space<vmem>>) semaphore(%run_scoped3A_168 : memref<!tpu.dma_semaphore, #tpu.memory_space<semaphore_mem>>) {add = true}
              %dma_wait3A_175 = arith.constant 0 : i32
              %dma_wait3A_176 = tpu.memref_slice %arg10[%run_scoped3A, %dma_wait3A_175] : memref<16x128xi32, #tpu.memory_space<vmem>> -> memref<1x128xi32, #tpu.memory_space<vmem>>
              %dma_wait3A_177 = tpu.memref_squeeze %dma_wait3A_176 : memref<1x128xi32, #tpu.memory_space<vmem>> -> memref<128xi32, #tpu.memory_space<vmem>>
              %dma_wait3A_178 = arith.constant 0 : i32
              %dma_wait3A_179 = arith.constant 0 : i32
              %dma_wait3A_180 = tpu.memref_slice %arg11[%dma_wait3A_178, %dma_wait3A_179] : memref<10000x128xf32, #tpu.memory_space<vmem_shared>> -> memref<10000x128xf32, #tpu.memory_space<vmem_shared>>
              tpu.wait_indirect_dma semaphore(%run_scoped3A_168 : memref<!tpu.dma_semaphore, #tpu.memory_space<semaphore_mem>>) src(%arg8 : memref<128x128xf32, #tpu.memory_space<vmem>>) dst(%dma_wait3A_180 : memref<10000x128xf32, #tpu.memory_space<vmem_shared>>)
              tpu.yield
            }) : () -> ()
          } else {
          }
          %add3A_65 = arith.constant 3 : i32
          %add3A_66 = arith.addi %multiple_of3A_38, %add3A_65 : i32
          %lt3A_67 = arith.constant 2500 : i32
          %lt3A_68 = arith.cmpi slt, %add3A_66, %lt3A_67 : i32
          %convert_element_type3A_69 = arith.extui %lt3A_68 : i1 to i32
          %cond3A_70 = arith.constant 0 : i32
          %cond3A_71 = arith.cmpi ne, %convert_element_type3A_69, %cond3A_70 : i32
          scf.if %cond3A_71 {
            %dma_start3A = arith.constant 3 : i32
            %dma_start3A_156 = arith.constant 0 : i32
            %dma_start3A_157 = tpu.memref_slice %arg9[%dma_start3A, %dma_start3A_156] : memref<16x128xi32, #tpu.memory_space<vmem>> -> memref<1x128xi32, #tpu.memory_space<vmem>>
            %dma_start3A_158 = tpu.memref_squeeze %dma_start3A_157 : memref<1x128xi32, #tpu.memory_space<vmem>> -> memref<128xi32, #tpu.memory_space<vmem>>
            %dma_start3A_159 = arith.constant 0 : i32
            %dma_start3A_160 = arith.constant 0 : i32
            %dma_start3A_161 = tpu.memref_slice %arg2[%dma_start3A_159, %dma_start3A_160] : memref<10000x128xf32, #tpu.memory_space<hbm>> -> memref<10000x128xf32, #tpu.memory_space<hbm>>
            tpu.enqueue_indirect_dma source(%dma_start3A_161 : memref<10000x128xf32, #tpu.memory_space<hbm>>) target(%arg8 : memref<128x128xf32, #tpu.memory_space<vmem>>) offsets(%dma_start3A_158 : memref<128xi32, #tpu.memory_space<vmem>>) semaphore(%arg12 : memref<!tpu.dma_semaphore, #tpu.memory_space<semaphore_mem>>)
            %dma_wait3A = arith.constant 3 : i32
            %dma_wait3A_162 = arith.constant 0 : i32
            %dma_wait3A_163 = tpu.memref_slice %arg9[%dma_wait3A, %dma_wait3A_162] : memref<16x128xi32, #tpu.memory_space<vmem>> -> memref<1x128xi32, #tpu.memory_space<vmem>>
            %dma_wait3A_164 = tpu.memref_squeeze %dma_wait3A_163 : memref<1x128xi32, #tpu.memory_space<vmem>> -> memref<128xi32, #tpu.memory_space<vmem>>
            %dma_wait3A_165 = arith.constant 0 : i32
            %dma_wait3A_166 = arith.constant 0 : i32
            %dma_wait3A_167 = tpu.memref_slice %arg2[%dma_wait3A_165, %dma_wait3A_166] : memref<10000x128xf32, #tpu.memory_space<hbm>> -> memref<10000x128xf32, #tpu.memory_space<hbm>>
            tpu.wait_indirect_dma semaphore(%arg12 : memref<!tpu.dma_semaphore, #tpu.memory_space<semaphore_mem>>) src(%dma_wait3A_167 : memref<10000x128xf32, #tpu.memory_space<hbm>>) dst(%arg8 : memref<128x128xf32, #tpu.memory_space<vmem>>)
            %run_scoped3A = arith.constant 3 : i32
            "tpu.region"() ({
              %run_scoped3A_168 = tpu.sem_alloc : memref<!tpu.dma_semaphore, #tpu.memory_space<semaphore_mem>>
              %dma_start3A_169 = arith.constant 0 : i32
              %dma_start3A_170 = tpu.memref_slice %arg10[%run_scoped3A, %dma_start3A_169] : memref<16x128xi32, #tpu.memory_space<vmem>> -> memref<1x128xi32, #tpu.memory_space<vmem>>
              %dma_start3A_171 = tpu.memref_squeeze %dma_start3A_170 : memref<1x128xi32, #tpu.memory_space<vmem>> -> memref<128xi32, #tpu.memory_space<vmem>>
              %dma_start3A_172 = arith.constant 0 : i32
              %dma_start3A_173 = arith.constant 0 : i32
              %dma_start3A_174 = tpu.memref_slice %arg11[%dma_start3A_172, %dma_start3A_173] : memref<10000x128xf32, #tpu.memory_space<vmem_shared>> -> memref<10000x128xf32, #tpu.memory_space<vmem_shared>>
              tpu.enqueue_indirect_dma source(%arg8 : memref<128x128xf32, #tpu.memory_space<vmem>>) target(%dma_start3A_174 : memref<10000x128xf32, #tpu.memory_space<vmem_shared>>) offsets(%dma_start3A_171 : memref<128xi32, #tpu.memory_space<vmem>>) semaphore(%run_scoped3A_168 : memref<!tpu.dma_semaphore, #tpu.memory_space<semaphore_mem>>) {add = true}
              %dma_wait3A_175 = arith.constant 0 : i32
              %dma_wait3A_176 = tpu.memref_slice %arg10[%run_scoped3A, %dma_wait3A_175] : memref<16x128xi32, #tpu.memory_space<vmem>> -> memref<1x128xi32, #tpu.memory_space<vmem>>
              %dma_wait3A_177 = tpu.memref_squeeze %dma_wait3A_176 : memref<1x128xi32, #tpu.memory_space<vmem>> -> memref<128xi32, #tpu.memory_space<vmem>>
              %dma_wait3A_178 = arith.constant 0 : i32
              %dma_wait3A_179 = arith.constant 0 : i32
              %dma_wait3A_180 = tpu.memref_slice %arg11[%dma_wait3A_178, %dma_wait3A_179] : memref<10000x128xf32, #tpu.memory_space<vmem_shared>> -> memref<10000x128xf32, #tpu.memory_space<vmem_shared>>
              tpu.wait_indirect_dma semaphore(%run_scoped3A_168 : memref<!tpu.dma_semaphore, #tpu.memory_space<semaphore_mem>>) src(%arg8 : memref<128x128xf32, #tpu.memory_space<vmem>>) dst(%dma_wait3A_180 : memref<10000x128xf32, #tpu.memory_space<vmem_shared>>)
              tpu.yield
            }) : () -> ()
          } else {
          }
          %add3A_72 = arith.constant 4 : i32
          %add3A_73 = arith.addi %multiple_of3A_38, %add3A_72 : i32
          %lt3A_74 = arith.constant 2500 : i32
          %lt3A_75 = arith.cmpi slt, %add3A_73, %lt3A_74 : i32
          %convert_element_type3A_76 = arith.extui %lt3A_75 : i1 to i32
          %cond3A_77 = arith.constant 0 : i32
          %cond3A_78 = arith.cmpi ne, %convert_element_type3A_76, %cond3A_77 : i32
          scf.if %cond3A_78 {
            %dma_start3A = arith.constant 4 : i32
            %dma_start3A_156 = arith.constant 0 : i32
            %dma_start3A_157 = tpu.memref_slice %arg9[%dma_start3A, %dma_start3A_156] : memref<16x128xi32, #tpu.memory_space<vmem>> -> memref<1x128xi32, #tpu.memory_space<vmem>>
            %dma_start3A_158 = tpu.memref_squeeze %dma_start3A_157 : memref<1x128xi32, #tpu.memory_space<vmem>> -> memref<128xi32, #tpu.memory_space<vmem>>
            %dma_start3A_159 = arith.constant 0 : i32
            %dma_start3A_160 = arith.constant 0 : i32
            %dma_start3A_161 = tpu.memref_slice %arg2[%dma_start3A_159, %dma_start3A_160] : memref<10000x128xf32, #tpu.memory_space<hbm>> -> memref<10000x128xf32, #tpu.memory_space<hbm>>
            tpu.enqueue_indirect_dma source(%dma_start3A_161 : memref<10000x128xf32, #tpu.memory_space<hbm>>) target(%arg8 : memref<128x128xf32, #tpu.memory_space<vmem>>) offsets(%dma_start3A_158 : memref<128xi32, #tpu.memory_space<vmem>>) semaphore(%arg12 : memref<!tpu.dma_semaphore, #tpu.memory_space<semaphore_mem>>)
            %dma_wait3A = arith.constant 4 : i32
            %dma_wait3A_162 = arith.constant 0 : i32
            %dma_wait3A_163 = tpu.memref_slice %arg9[%dma_wait3A, %dma_wait3A_162] : memref<16x128xi32, #tpu.memory_space<vmem>> -> memref<1x128xi32, #tpu.memory_space<vmem>>
            %dma_wait3A_164 = tpu.memref_squeeze %dma_wait3A_163 : memref<1x128xi32, #tpu.memory_space<vmem>> -> memref<128xi32, #tpu.memory_space<vmem>>
            %dma_wait3A_165 = arith.constant 0 : i32
            %dma_wait3A_166 = arith.constant 0 : i32
            %dma_wait3A_167 = tpu.memref_slice %arg2[%dma_wait3A_165, %dma_wait3A_166] : memref<10000x128xf32, #tpu.memory_space<hbm>> -> memref<10000x128xf32, #tpu.memory_space<hbm>>
            tpu.wait_indirect_dma semaphore(%arg12 : memref<!tpu.dma_semaphore, #tpu.memory_space<semaphore_mem>>) src(%dma_wait3A_167 : memref<10000x128xf32, #tpu.memory_space<hbm>>) dst(%arg8 : memref<128x128xf32, #tpu.memory_space<vmem>>)
            %run_scoped3A = arith.constant 4 : i32
            "tpu.region"() ({
              %run_scoped3A_168 = tpu.sem_alloc : memref<!tpu.dma_semaphore, #tpu.memory_space<semaphore_mem>>
              %dma_start3A_169 = arith.constant 0 : i32
              %dma_start3A_170 = tpu.memref_slice %arg10[%run_scoped3A, %dma_start3A_169] : memref<16x128xi32, #tpu.memory_space<vmem>> -> memref<1x128xi32, #tpu.memory_space<vmem>>
              %dma_start3A_171 = tpu.memref_squeeze %dma_start3A_170 : memref<1x128xi32, #tpu.memory_space<vmem>> -> memref<128xi32, #tpu.memory_space<vmem>>
              %dma_start3A_172 = arith.constant 0 : i32
              %dma_start3A_173 = arith.constant 0 : i32
              %dma_start3A_174 = tpu.memref_slice %arg11[%dma_start3A_172, %dma_start3A_173] : memref<10000x128xf32, #tpu.memory_space<vmem_shared>> -> memref<10000x128xf32, #tpu.memory_space<vmem_shared>>
              tpu.enqueue_indirect_dma source(%arg8 : memref<128x128xf32, #tpu.memory_space<vmem>>) target(%dma_start3A_174 : memref<10000x128xf32, #tpu.memory_space<vmem_shared>>) offsets(%dma_start3A_171 : memref<128xi32, #tpu.memory_space<vmem>>) semaphore(%run_scoped3A_168 : memref<!tpu.dma_semaphore, #tpu.memory_space<semaphore_mem>>) {add = true}
              %dma_wait3A_175 = arith.constant 0 : i32
              %dma_wait3A_176 = tpu.memref_slice %arg10[%run_scoped3A, %dma_wait3A_175] : memref<16x128xi32, #tpu.memory_space<vmem>> -> memref<1x128xi32, #tpu.memory_space<vmem>>
              %dma_wait3A_177 = tpu.memref_squeeze %dma_wait3A_176 : memref<1x128xi32, #tpu.memory_space<vmem>> -> memref<128xi32, #tpu.memory_space<vmem>>
              %dma_wait3A_178 = arith.constant 0 : i32
              %dma_wait3A_179 = arith.constant 0 : i32
              %dma_wait3A_180 = tpu.memref_slice %arg11[%dma_wait3A_178, %dma_wait3A_179] : memref<10000x128xf32, #tpu.memory_space<vmem_shared>> -> memref<10000x128xf32, #tpu.memory_space<vmem_shared>>
              tpu.wait_indirect_dma semaphore(%run_scoped3A_168 : memref<!tpu.dma_semaphore, #tpu.memory_space<semaphore_mem>>) src(%arg8 : memref<128x128xf32, #tpu.memory_space<vmem>>) dst(%dma_wait3A_180 : memref<10000x128xf32, #tpu.memory_space<vmem_shared>>)
              tpu.yield
            }) : () -> ()
          } else {
          }
          %add3A_79 = arith.constant 5 : i32
          %add3A_80 = arith.addi %multiple_of3A_38, %add3A_79 : i32
          %lt3A_81 = arith.constant 2500 : i32
          %lt3A_82 = arith.cmpi slt, %add3A_80, %lt3A_81 : i32
          %convert_element_type3A_83 = arith.extui %lt3A_82 : i1 to i32
          %cond3A_84 = arith.constant 0 : i32
          %cond3A_85 = arith.cmpi ne, %convert_element_type3A_83, %cond3A_84 : i32
          scf.if %cond3A_85 {
            %dma_start3A = arith.constant 5 : i32
            %dma_start3A_156 = arith.constant 0 : i32
            %dma_start3A_157 = tpu.memref_slice %arg9[%dma_start3A, %dma_start3A_156] : memref<16x128xi32, #tpu.memory_space<vmem>> -> memref<1x128xi32, #tpu.memory_space<vmem>>
            %dma_start3A_158 = tpu.memref_squeeze %dma_start3A_157 : memref<1x128xi32, #tpu.memory_space<vmem>> -> memref<128xi32, #tpu.memory_space<vmem>>
            %dma_start3A_159 = arith.constant 0 : i32
            %dma_start3A_160 = arith.constant 0 : i32
            %dma_start3A_161 = tpu.memref_slice %arg2[%dma_start3A_159, %dma_start3A_160] : memref<10000x128xf32, #tpu.memory_space<hbm>> -> memref<10000x128xf32, #tpu.memory_space<hbm>>
            tpu.enqueue_indirect_dma source(%dma_start3A_161 : memref<10000x128xf32, #tpu.memory_space<hbm>>) target(%arg8 : memref<128x128xf32, #tpu.memory_space<vmem>>) offsets(%dma_start3A_158 : memref<128xi32, #tpu.memory_space<vmem>>) semaphore(%arg12 : memref<!tpu.dma_semaphore, #tpu.memory_space<semaphore_mem>>)
            %dma_wait3A = arith.constant 5 : i32
            %dma_wait3A_162 = arith.constant 0 : i32
            %dma_wait3A_163 = tpu.memref_slice %arg9[%dma_wait3A, %dma_wait3A_162] : memref<16x128xi32, #tpu.memory_space<vmem>> -> memref<1x128xi32, #tpu.memory_space<vmem>>
            %dma_wait3A_164 = tpu.memref_squeeze %dma_wait3A_163 : memref<1x128xi32, #tpu.memory_space<vmem>> -> memref<128xi32, #tpu.memory_space<vmem>>
            %dma_wait3A_165 = arith.constant 0 : i32
            %dma_wait3A_166 = arith.constant 0 : i32
            %dma_wait3A_167 = tpu.memref_slice %arg2[%dma_wait3A_165, %dma_wait3A_166] : memref<10000x128xf32, #tpu.memory_space<hbm>> -> memref<10000x128xf32, #tpu.memory_space<hbm>>
            tpu.wait_indirect_dma semaphore(%arg12 : memref<!tpu.dma_semaphore, #tpu.memory_space<semaphore_mem>>) src(%dma_wait3A_167 : memref<10000x128xf32, #tpu.memory_space<hbm>>) dst(%arg8 : memref<128x128xf32, #tpu.memory_space<vmem>>)
            %run_scoped3A = arith.constant 5 : i32
            "tpu.region"() ({
              %run_scoped3A_168 = tpu.sem_alloc : memref<!tpu.dma_semaphore, #tpu.memory_space<semaphore_mem>>
              %dma_start3A_169 = arith.constant 0 : i32
              %dma_start3A_170 = tpu.memref_slice %arg10[%run_scoped3A, %dma_start3A_169] : memref<16x128xi32, #tpu.memory_space<vmem>> -> memref<1x128xi32, #tpu.memory_space<vmem>>
              %dma_start3A_171 = tpu.memref_squeeze %dma_start3A_170 : memref<1x128xi32, #tpu.memory_space<vmem>> -> memref<128xi32, #tpu.memory_space<vmem>>
              %dma_start3A_172 = arith.constant 0 : i32
              %dma_start3A_173 = arith.constant 0 : i32
              %dma_start3A_174 = tpu.memref_slice %arg11[%dma_start3A_172, %dma_start3A_173] : memref<10000x128xf32, #tpu.memory_space<vmem_shared>> -> memref<10000x128xf32, #tpu.memory_space<vmem_shared>>
              tpu.enqueue_indirect_dma source(%arg8 : memref<128x128xf32, #tpu.memory_space<vmem>>) target(%dma_start3A_174 : memref<10000x128xf32, #tpu.memory_space<vmem_shared>>) offsets(%dma_start3A_171 : memref<128xi32, #tpu.memory_space<vmem>>) semaphore(%run_scoped3A_168 : memref<!tpu.dma_semaphore, #tpu.memory_space<semaphore_mem>>) {add = true}
              %dma_wait3A_175 = arith.constant 0 : i32
              %dma_wait3A_176 = tpu.memref_slice %arg10[%run_scoped3A, %dma_wait3A_175] : memref<16x128xi32, #tpu.memory_space<vmem>> -> memref<1x128xi32, #tpu.memory_space<vmem>>
              %dma_wait3A_177 = tpu.memref_squeeze %dma_wait3A_176 : memref<1x128xi32, #tpu.memory_space<vmem>> -> memref<128xi32, #tpu.memory_space<vmem>>
              %dma_wait3A_178 = arith.constant 0 : i32
              %dma_wait3A_179 = arith.constant 0 : i32
              %dma_wait3A_180 = tpu.memref_slice %arg11[%dma_wait3A_178, %dma_wait3A_179] : memref<10000x128xf32, #tpu.memory_space<vmem_shared>> -> memref<10000x128xf32, #tpu.memory_space<vmem_shared>>
              tpu.wait_indirect_dma semaphore(%run_scoped3A_168 : memref<!tpu.dma_semaphore, #tpu.memory_space<semaphore_mem>>) src(%arg8 : memref<128x128xf32, #tpu.memory_space<vmem>>) dst(%dma_wait3A_180 : memref<10000x128xf32, #tpu.memory_space<vmem_shared>>)
              tpu.yield
            }) : () -> ()
          } else {
          }
          %add3A_86 = arith.constant 6 : i32
          %add3A_87 = arith.addi %multiple_of3A_38, %add3A_86 : i32
          %lt3A_88 = arith.constant 2500 : i32
          %lt3A_89 = arith.cmpi slt, %add3A_87, %lt3A_88 : i32
          %convert_element_type3A_90 = arith.extui %lt3A_89 : i1 to i32
          %cond3A_91 = arith.constant 0 : i32
          %cond3A_92 = arith.cmpi ne, %convert_element_type3A_90, %cond3A_91 : i32
          scf.if %cond3A_92 {
            %dma_start3A = arith.constant 6 : i32
            %dma_start3A_156 = arith.constant 0 : i32
            %dma_start3A_157 = tpu.memref_slice %arg9[%dma_start3A, %dma_start3A_156] : memref<16x128xi32, #tpu.memory_space<vmem>> -> memref<1x128xi32, #tpu.memory_space<vmem>>
            %dma_start3A_158 = tpu.memref_squeeze %dma_start3A_157 : memref<1x128xi32, #tpu.memory_space<vmem>> -> memref<128xi32, #tpu.memory_space<vmem>>
            %dma_start3A_159 = arith.constant 0 : i32
            %dma_start3A_160 = arith.constant 0 : i32
            %dma_start3A_161 = tpu.memref_slice %arg2[%dma_start3A_159, %dma_start3A_160] : memref<10000x128xf32, #tpu.memory_space<hbm>> -> memref<10000x128xf32, #tpu.memory_space<hbm>>
            tpu.enqueue_indirect_dma source(%dma_start3A_161 : memref<10000x128xf32, #tpu.memory_space<hbm>>) target(%arg8 : memref<128x128xf32, #tpu.memory_space<vmem>>) offsets(%dma_start3A_158 : memref<128xi32, #tpu.memory_space<vmem>>) semaphore(%arg12 : memref<!tpu.dma_semaphore, #tpu.memory_space<semaphore_mem>>)
            %dma_wait3A = arith.constant 6 : i32
            %dma_wait3A_162 = arith.constant 0 : i32
            %dma_wait3A_163 = tpu.memref_slice %arg9[%dma_wait3A, %dma_wait3A_162] : memref<16x128xi32, #tpu.memory_space<vmem>> -> memref<1x128xi32, #tpu.memory_space<vmem>>
            %dma_wait3A_164 = tpu.memref_squeeze %dma_wait3A_163 : memref<1x128xi32, #tpu.memory_space<vmem>> -> memref<128xi32, #tpu.memory_space<vmem>>
            %dma_wait3A_165 = arith.constant 0 : i32
            %dma_wait3A_166 = arith.constant 0 : i32
            %dma_wait3A_167 = tpu.memref_slice %arg2[%dma_wait3A_165, %dma_wait3A_166] : memref<10000x128xf32, #tpu.memory_space<hbm>> -> memref<10000x128xf32, #tpu.memory_space<hbm>>
            tpu.wait_indirect_dma semaphore(%arg12 : memref<!tpu.dma_semaphore, #tpu.memory_space<semaphore_mem>>) src(%dma_wait3A_167 : memref<10000x128xf32, #tpu.memory_space<hbm>>) dst(%arg8 : memref<128x128xf32, #tpu.memory_space<vmem>>)
            %run_scoped3A = arith.constant 6 : i32
            "tpu.region"() ({
              %run_scoped3A_168 = tpu.sem_alloc : memref<!tpu.dma_semaphore, #tpu.memory_space<semaphore_mem>>
              %dma_start3A_169 = arith.constant 0 : i32
              %dma_start3A_170 = tpu.memref_slice %arg10[%run_scoped3A, %dma_start3A_169] : memref<16x128xi32, #tpu.memory_space<vmem>> -> memref<1x128xi32, #tpu.memory_space<vmem>>
              %dma_start3A_171 = tpu.memref_squeeze %dma_start3A_170 : memref<1x128xi32, #tpu.memory_space<vmem>> -> memref<128xi32, #tpu.memory_space<vmem>>
              %dma_start3A_172 = arith.constant 0 : i32
              %dma_start3A_173 = arith.constant 0 : i32
              %dma_start3A_174 = tpu.memref_slice %arg11[%dma_start3A_172, %dma_start3A_173] : memref<10000x128xf32, #tpu.memory_space<vmem_shared>> -> memref<10000x128xf32, #tpu.memory_space<vmem_shared>>
              tpu.enqueue_indirect_dma source(%arg8 : memref<128x128xf32, #tpu.memory_space<vmem>>) target(%dma_start3A_174 : memref<10000x128xf32, #tpu.memory_space<vmem_shared>>) offsets(%dma_start3A_171 : memref<128xi32, #tpu.memory_space<vmem>>) semaphore(%run_scoped3A_168 : memref<!tpu.dma_semaphore, #tpu.memory_space<semaphore_mem>>) {add = true}
              %dma_wait3A_175 = arith.constant 0 : i32
              %dma_wait3A_176 = tpu.memref_slice %arg10[%run_scoped3A, %dma_wait3A_175] : memref<16x128xi32, #tpu.memory_space<vmem>> -> memref<1x128xi32, #tpu.memory_space<vmem>>
              %dma_wait3A_177 = tpu.memref_squeeze %dma_wait3A_176 : memref<1x128xi32, #tpu.memory_space<vmem>> -> memref<128xi32, #tpu.memory_space<vmem>>
              %dma_wait3A_178 = arith.constant 0 : i32
              %dma_wait3A_179 = arith.constant 0 : i32
              %dma_wait3A_180 = tpu.memref_slice %arg11[%dma_wait3A_178, %dma_wait3A_179] : memref<10000x128xf32, #tpu.memory_space<vmem_shared>> -> memref<10000x128xf32, #tpu.memory_space<vmem_shared>>
              tpu.wait_indirect_dma semaphore(%run_scoped3A_168 : memref<!tpu.dma_semaphore, #tpu.memory_space<semaphore_mem>>) src(%arg8 : memref<128x128xf32, #tpu.memory_space<vmem>>) dst(%dma_wait3A_180 : memref<10000x128xf32, #tpu.memory_space<vmem_shared>>)
              tpu.yield
            }) : () -> ()
          } else {
          }
          %add3A_93 = arith.constant 7 : i32
          %add3A_94 = arith.addi %multiple_of3A_38, %add3A_93 : i32
          %lt3A_95 = arith.constant 2500 : i32
          %lt3A_96 = arith.cmpi slt, %add3A_94, %lt3A_95 : i32
          %convert_element_type3A_97 = arith.extui %lt3A_96 : i1 to i32
          %cond3A_98 = arith.constant 0 : i32
          %cond3A_99 = arith.cmpi ne, %convert_element_type3A_97, %cond3A_98 : i32
          scf.if %cond3A_99 {
            %dma_start3A = arith.constant 7 : i32
            %dma_start3A_156 = arith.constant 0 : i32
            %dma_start3A_157 = tpu.memref_slice %arg9[%dma_start3A, %dma_start3A_156] : memref<16x128xi32, #tpu.memory_space<vmem>> -> memref<1x128xi32, #tpu.memory_space<vmem>>
            %dma_start3A_158 = tpu.memref_squeeze %dma_start3A_157 : memref<1x128xi32, #tpu.memory_space<vmem>> -> memref<128xi32, #tpu.memory_space<vmem>>
            %dma_start3A_159 = arith.constant 0 : i32
            %dma_start3A_160 = arith.constant 0 : i32
            %dma_start3A_161 = tpu.memref_slice %arg2[%dma_start3A_159, %dma_start3A_160] : memref<10000x128xf32, #tpu.memory_space<hbm>> -> memref<10000x128xf32, #tpu.memory_space<hbm>>
            tpu.enqueue_indirect_dma source(%dma_start3A_161 : memref<10000x128xf32, #tpu.memory_space<hbm>>) target(%arg8 : memref<128x128xf32, #tpu.memory_space<vmem>>) offsets(%dma_start3A_158 : memref<128xi32, #tpu.memory_space<vmem>>) semaphore(%arg12 : memref<!tpu.dma_semaphore, #tpu.memory_space<semaphore_mem>>)
            %dma_wait3A = arith.constant 7 : i32
            %dma_wait3A_162 = arith.constant 0 : i32
            %dma_wait3A_163 = tpu.memref_slice %arg9[%dma_wait3A, %dma_wait3A_162] : memref<16x128xi32, #tpu.memory_space<vmem>> -> memref<1x128xi32, #tpu.memory_space<vmem>>
            %dma_wait3A_164 = tpu.memref_squeeze %dma_wait3A_163 : memref<1x128xi32, #tpu.memory_space<vmem>> -> memref<128xi32, #tpu.memory_space<vmem>>
            %dma_wait3A_165 = arith.constant 0 : i32
            %dma_wait3A_166 = arith.constant 0 : i32
            %dma_wait3A_167 = tpu.memref_slice %arg2[%dma_wait3A_165, %dma_wait3A_166] : memref<10000x128xf32, #tpu.memory_space<hbm>> -> memref<10000x128xf32, #tpu.memory_space<hbm>>
            tpu.wait_indirect_dma semaphore(%arg12 : memref<!tpu.dma_semaphore, #tpu.memory_space<semaphore_mem>>) src(%dma_wait3A_167 : memref<10000x128xf32, #tpu.memory_space<hbm>>) dst(%arg8 : memref<128x128xf32, #tpu.memory_space<vmem>>)
            %run_scoped3A = arith.constant 7 : i32
            "tpu.region"() ({
              %run_scoped3A_168 = tpu.sem_alloc : memref<!tpu.dma_semaphore, #tpu.memory_space<semaphore_mem>>
              %dma_start3A_169 = arith.constant 0 : i32
              %dma_start3A_170 = tpu.memref_slice %arg10[%run_scoped3A, %dma_start3A_169] : memref<16x128xi32, #tpu.memory_space<vmem>> -> memref<1x128xi32, #tpu.memory_space<vmem>>
              %dma_start3A_171 = tpu.memref_squeeze %dma_start3A_170 : memref<1x128xi32, #tpu.memory_space<vmem>> -> memref<128xi32, #tpu.memory_space<vmem>>
              %dma_start3A_172 = arith.constant 0 : i32
              %dma_start3A_173 = arith.constant 0 : i32
              %dma_start3A_174 = tpu.memref_slice %arg11[%dma_start3A_172, %dma_start3A_173] : memref<10000x128xf32, #tpu.memory_space<vmem_shared>> -> memref<10000x128xf32, #tpu.memory_space<vmem_shared>>
              tpu.enqueue_indirect_dma source(%arg8 : memref<128x128xf32, #tpu.memory_space<vmem>>) target(%dma_start3A_174 : memref<10000x128xf32, #tpu.memory_space<vmem_shared>>) offsets(%dma_start3A_171 : memref<128xi32, #tpu.memory_space<vmem>>) semaphore(%run_scoped3A_168 : memref<!tpu.dma_semaphore, #tpu.memory_space<semaphore_mem>>) {add = true}
              %dma_wait3A_175 = arith.constant 0 : i32
              %dma_wait3A_176 = tpu.memref_slice %arg10[%run_scoped3A, %dma_wait3A_175] : memref<16x128xi32, #tpu.memory_space<vmem>> -> memref<1x128xi32, #tpu.memory_space<vmem>>
              %dma_wait3A_177 = tpu.memref_squeeze %dma_wait3A_176 : memref<1x128xi32, #tpu.memory_space<vmem>> -> memref<128xi32, #tpu.memory_space<vmem>>
              %dma_wait3A_178 = arith.constant 0 : i32
              %dma_wait3A_179 = arith.constant 0 : i32
              %dma_wait3A_180 = tpu.memref_slice %arg11[%dma_wait3A_178, %dma_wait3A_179] : memref<10000x128xf32, #tpu.memory_space<vmem_shared>> -> memref<10000x128xf32, #tpu.memory_space<vmem_shared>>
              tpu.wait_indirect_dma semaphore(%run_scoped3A_168 : memref<!tpu.dma_semaphore, #tpu.memory_space<semaphore_mem>>) src(%arg8 : memref<128x128xf32, #tpu.memory_space<vmem>>) dst(%dma_wait3A_180 : memref<10000x128xf32, #tpu.memory_space<vmem_shared>>)
              tpu.yield
            }) : () -> ()
          } else {
          }
          %add3A_100 = arith.constant 8 : i32
          %add3A_101 = arith.addi %multiple_of3A_38, %add3A_100 : i32
          %lt3A_102 = arith.constant 2500 : i32
          %lt3A_103 = arith.cmpi slt, %add3A_101, %lt3A_102 : i32
          %convert_element_type3A_104 = arith.extui %lt3A_103 : i1 to i32
          %cond3A_105 = arith.constant 0 : i32
          %cond3A_106 = arith.cmpi ne, %convert_element_type3A_104, %cond3A_105 : i32
          scf.if %cond3A_106 {
            %dma_start3A = arith.constant 8 : i32
            %dma_start3A_156 = arith.constant 0 : i32
            %dma_start3A_157 = tpu.memref_slice %arg9[%dma_start3A, %dma_start3A_156] : memref<16x128xi32, #tpu.memory_space<vmem>> -> memref<1x128xi32, #tpu.memory_space<vmem>>
            %dma_start3A_158 = tpu.memref_squeeze %dma_start3A_157 : memref<1x128xi32, #tpu.memory_space<vmem>> -> memref<128xi32, #tpu.memory_space<vmem>>
            %dma_start3A_159 = arith.constant 0 : i32
            %dma_start3A_160 = arith.constant 0 : i32
            %dma_start3A_161 = tpu.memref_slice %arg2[%dma_start3A_159, %dma_start3A_160] : memref<10000x128xf32, #tpu.memory_space<hbm>> -> memref<10000x128xf32, #tpu.memory_space<hbm>>
            tpu.enqueue_indirect_dma source(%dma_start3A_161 : memref<10000x128xf32, #tpu.memory_space<hbm>>) target(%arg8 : memref<128x128xf32, #tpu.memory_space<vmem>>) offsets(%dma_start3A_158 : memref<128xi32, #tpu.memory_space<vmem>>) semaphore(%arg12 : memref<!tpu.dma_semaphore, #tpu.memory_space<semaphore_mem>>)
            %dma_wait3A = arith.constant 8 : i32
            %dma_wait3A_162 = arith.constant 0 : i32
            %dma_wait3A_163 = tpu.memref_slice %arg9[%dma_wait3A, %dma_wait3A_162] : memref<16x128xi32, #tpu.memory_space<vmem>> -> memref<1x128xi32, #tpu.memory_space<vmem>>
            %dma_wait3A_164 = tpu.memref_squeeze %dma_wait3A_163 : memref<1x128xi32, #tpu.memory_space<vmem>> -> memref<128xi32, #tpu.memory_space<vmem>>
            %dma_wait3A_165 = arith.constant 0 : i32
            %dma_wait3A_166 = arith.constant 0 : i32
            %dma_wait3A_167 = tpu.memref_slice %arg2[%dma_wait3A_165, %dma_wait3A_166] : memref<10000x128xf32, #tpu.memory_space<hbm>> -> memref<10000x128xf32, #tpu.memory_space<hbm>>
            tpu.wait_indirect_dma semaphore(%arg12 : memref<!tpu.dma_semaphore, #tpu.memory_space<semaphore_mem>>) src(%dma_wait3A_167 : memref<10000x128xf32, #tpu.memory_space<hbm>>) dst(%arg8 : memref<128x128xf32, #tpu.memory_space<vmem>>)
            %run_scoped3A = arith.constant 8 : i32
            "tpu.region"() ({
              %run_scoped3A_168 = tpu.sem_alloc : memref<!tpu.dma_semaphore, #tpu.memory_space<semaphore_mem>>
              %dma_start3A_169 = arith.constant 0 : i32
              %dma_start3A_170 = tpu.memref_slice %arg10[%run_scoped3A, %dma_start3A_169] : memref<16x128xi32, #tpu.memory_space<vmem>> -> memref<1x128xi32, #tpu.memory_space<vmem>>
              %dma_start3A_171 = tpu.memref_squeeze %dma_start3A_170 : memref<1x128xi32, #tpu.memory_space<vmem>> -> memref<128xi32, #tpu.memory_space<vmem>>
              %dma_start3A_172 = arith.constant 0 : i32
              %dma_start3A_173 = arith.constant 0 : i32
              %dma_start3A_174 = tpu.memref_slice %arg11[%dma_start3A_172, %dma_start3A_173] : memref<10000x128xf32, #tpu.memory_space<vmem_shared>> -> memref<10000x128xf32, #tpu.memory_space<vmem_shared>>
              tpu.enqueue_indirect_dma source(%arg8 : memref<128x128xf32, #tpu.memory_space<vmem>>) target(%dma_start3A_174 : memref<10000x128xf32, #tpu.memory_space<vmem_shared>>) offsets(%dma_start3A_171 : memref<128xi32, #tpu.memory_space<vmem>>) semaphore(%run_scoped3A_168 : memref<!tpu.dma_semaphore, #tpu.memory_space<semaphore_mem>>) {add = true}
              %dma_wait3A_175 = arith.constant 0 : i32
              %dma_wait3A_176 = tpu.memref_slice %arg10[%run_scoped3A, %dma_wait3A_175] : memref<16x128xi32, #tpu.memory_space<vmem>> -> memref<1x128xi32, #tpu.memory_space<vmem>>
              %dma_wait3A_177 = tpu.memref_squeeze %dma_wait3A_176 : memref<1x128xi32, #tpu.memory_space<vmem>> -> memref<128xi32, #tpu.memory_space<vmem>>
              %dma_wait3A_178 = arith.constant 0 : i32
              %dma_wait3A_179 = arith.constant 0 : i32
              %dma_wait3A_180 = tpu.memref_slice %arg11[%dma_wait3A_178, %dma_wait3A_179] : memref<10000x128xf32, #tpu.memory_space<vmem_shared>> -> memref<10000x128xf32, #tpu.memory_space<vmem_shared>>
              tpu.wait_indirect_dma semaphore(%run_scoped3A_168 : memref<!tpu.dma_semaphore, #tpu.memory_space<semaphore_mem>>) src(%arg8 : memref<128x128xf32, #tpu.memory_space<vmem>>) dst(%dma_wait3A_180 : memref<10000x128xf32, #tpu.memory_space<vmem_shared>>)
              tpu.yield
            }) : () -> ()
          } else {
          }
          %add3A_107 = arith.constant 9 : i32
          %add3A_108 = arith.addi %multiple_of3A_38, %add3A_107 : i32
          %lt3A_109 = arith.constant 2500 : i32
          %lt3A_110 = arith.cmpi slt, %add3A_108, %lt3A_109 : i32
          %convert_element_type3A_111 = arith.extui %lt3A_110 : i1 to i32
          %cond3A_112 = arith.constant 0 : i32
          %cond3A_113 = arith.cmpi ne, %convert_element_type3A_111, %cond3A_112 : i32
          scf.if %cond3A_113 {
            %dma_start3A = arith.constant 9 : i32
            %dma_start3A_156 = arith.constant 0 : i32
            %dma_start3A_157 = tpu.memref_slice %arg9[%dma_start3A, %dma_start3A_156] : memref<16x128xi32, #tpu.memory_space<vmem>> -> memref<1x128xi32, #tpu.memory_space<vmem>>
            %dma_start3A_158 = tpu.memref_squeeze %dma_start3A_157 : memref<1x128xi32, #tpu.memory_space<vmem>> -> memref<128xi32, #tpu.memory_space<vmem>>
            %dma_start3A_159 = arith.constant 0 : i32
            %dma_start3A_160 = arith.constant 0 : i32
            %dma_start3A_161 = tpu.memref_slice %arg2[%dma_start3A_159, %dma_start3A_160] : memref<10000x128xf32, #tpu.memory_space<hbm>> -> memref<10000x128xf32, #tpu.memory_space<hbm>>
            tpu.enqueue_indirect_dma source(%dma_start3A_161 : memref<10000x128xf32, #tpu.memory_space<hbm>>) target(%arg8 : memref<128x128xf32, #tpu.memory_space<vmem>>) offsets(%dma_start3A_158 : memref<128xi32, #tpu.memory_space<vmem>>) semaphore(%arg12 : memref<!tpu.dma_semaphore, #tpu.memory_space<semaphore_mem>>)
            %dma_wait3A = arith.constant 9 : i32
            %dma_wait3A_162 = arith.constant 0 : i32
            %dma_wait3A_163 = tpu.memref_slice %arg9[%dma_wait3A, %dma_wait3A_162] : memref<16x128xi32, #tpu.memory_space<vmem>> -> memref<1x128xi32, #tpu.memory_space<vmem>>
            %dma_wait3A_164 = tpu.memref_squeeze %dma_wait3A_163 : memref<1x128xi32, #tpu.memory_space<vmem>> -> memref<128xi32, #tpu.memory_space<vmem>>
            %dma_wait3A_165 = arith.constant 0 : i32
            %dma_wait3A_166 = arith.constant 0 : i32
            %dma_wait3A_167 = tpu.memref_slice %arg2[%dma_wait3A_165, %dma_wait3A_166] : memref<10000x128xf32, #tpu.memory_space<hbm>> -> memref<10000x128xf32, #tpu.memory_space<hbm>>
            tpu.wait_indirect_dma semaphore(%arg12 : memref<!tpu.dma_semaphore, #tpu.memory_space<semaphore_mem>>) src(%dma_wait3A_167 : memref<10000x128xf32, #tpu.memory_space<hbm>>) dst(%arg8 : memref<128x128xf32, #tpu.memory_space<vmem>>)
            %run_scoped3A = arith.constant 9 : i32
            "tpu.region"() ({
              %run_scoped3A_168 = tpu.sem_alloc : memref<!tpu.dma_semaphore, #tpu.memory_space<semaphore_mem>>
              %dma_start3A_169 = arith.constant 0 : i32
              %dma_start3A_170 = tpu.memref_slice %arg10[%run_scoped3A, %dma_start3A_169] : memref<16x128xi32, #tpu.memory_space<vmem>> -> memref<1x128xi32, #tpu.memory_space<vmem>>
              %dma_start3A_171 = tpu.memref_squeeze %dma_start3A_170 : memref<1x128xi32, #tpu.memory_space<vmem>> -> memref<128xi32, #tpu.memory_space<vmem>>
              %dma_start3A_172 = arith.constant 0 : i32
              %dma_start3A_173 = arith.constant 0 : i32
              %dma_start3A_174 = tpu.memref_slice %arg11[%dma_start3A_172, %dma_start3A_173] : memref<10000x128xf32, #tpu.memory_space<vmem_shared>> -> memref<10000x128xf32, #tpu.memory_space<vmem_shared>>
              tpu.enqueue_indirect_dma source(%arg8 : memref<128x128xf32, #tpu.memory_space<vmem>>) target(%dma_start3A_174 : memref<10000x128xf32, #tpu.memory_space<vmem_shared>>) offsets(%dma_start3A_171 : memref<128xi32, #tpu.memory_space<vmem>>) semaphore(%run_scoped3A_168 : memref<!tpu.dma_semaphore, #tpu.memory_space<semaphore_mem>>) {add = true}
              %dma_wait3A_175 = arith.constant 0 : i32
              %dma_wait3A_176 = tpu.memref_slice %arg10[%run_scoped3A, %dma_wait3A_175] : memref<16x128xi32, #tpu.memory_space<vmem>> -> memref<1x128xi32, #tpu.memory_space<vmem>>
              %dma_wait3A_177 = tpu.memref_squeeze %dma_wait3A_176 : memref<1x128xi32, #tpu.memory_space<vmem>> -> memref<128xi32, #tpu.memory_space<vmem>>
              %dma_wait3A_178 = arith.constant 0 : i32
              %dma_wait3A_179 = arith.constant 0 : i32
              %dma_wait3A_180 = tpu.memref_slice %arg11[%dma_wait3A_178, %dma_wait3A_179] : memref<10000x128xf32, #tpu.memory_space<vmem_shared>> -> memref<10000x128xf32, #tpu.memory_space<vmem_shared>>
              tpu.wait_indirect_dma semaphore(%run_scoped3A_168 : memref<!tpu.dma_semaphore, #tpu.memory_space<semaphore_mem>>) src(%arg8 : memref<128x128xf32, #tpu.memory_space<vmem>>) dst(%dma_wait3A_180 : memref<10000x128xf32, #tpu.memory_space<vmem_shared>>)
              tpu.yield
            }) : () -> ()
          } else {
          }
          %add3A_114 = arith.constant 10 : i32
          %add3A_115 = arith.addi %multiple_of3A_38, %add3A_114 : i32
          %lt3A_116 = arith.constant 2500 : i32
          %lt3A_117 = arith.cmpi slt, %add3A_115, %lt3A_116 : i32
          %convert_element_type3A_118 = arith.extui %lt3A_117 : i1 to i32
          %cond3A_119 = arith.constant 0 : i32
          %cond3A_120 = arith.cmpi ne, %convert_element_type3A_118, %cond3A_119 : i32
          scf.if %cond3A_120 {
            %dma_start3A = arith.constant 10 : i32
            %dma_start3A_156 = arith.constant 0 : i32
            %dma_start3A_157 = tpu.memref_slice %arg9[%dma_start3A, %dma_start3A_156] : memref<16x128xi32, #tpu.memory_space<vmem>> -> memref<1x128xi32, #tpu.memory_space<vmem>>
            %dma_start3A_158 = tpu.memref_squeeze %dma_start3A_157 : memref<1x128xi32, #tpu.memory_space<vmem>> -> memref<128xi32, #tpu.memory_space<vmem>>
            %dma_start3A_159 = arith.constant 0 : i32
            %dma_start3A_160 = arith.constant 0 : i32
            %dma_start3A_161 = tpu.memref_slice %arg2[%dma_start3A_159, %dma_start3A_160] : memref<10000x128xf32, #tpu.memory_space<hbm>> -> memref<10000x128xf32, #tpu.memory_space<hbm>>
            tpu.enqueue_indirect_dma source(%dma_start3A_161 : memref<10000x128xf32, #tpu.memory_space<hbm>>) target(%arg8 : memref<128x128xf32, #tpu.memory_space<vmem>>) offsets(%dma_start3A_158 : memref<128xi32, #tpu.memory_space<vmem>>) semaphore(%arg12 : memref<!tpu.dma_semaphore, #tpu.memory_space<semaphore_mem>>)
            %dma_wait3A = arith.constant 10 : i32
            %dma_wait3A_162 = arith.constant 0 : i32
            %dma_wait3A_163 = tpu.memref_slice %arg9[%dma_wait3A, %dma_wait3A_162] : memref<16x128xi32, #tpu.memory_space<vmem>> -> memref<1x128xi32, #tpu.memory_space<vmem>>
            %dma_wait3A_164 = tpu.memref_squeeze %dma_wait3A_163 : memref<1x128xi32, #tpu.memory_space<vmem>> -> memref<128xi32, #tpu.memory_space<vmem>>
            %dma_wait3A_165 = arith.constant 0 : i32
            %dma_wait3A_166 = arith.constant 0 : i32
            %dma_wait3A_167 = tpu.memref_slice %arg2[%dma_wait3A_165, %dma_wait3A_166] : memref<10000x128xf32, #tpu.memory_space<hbm>> -> memref<10000x128xf32, #tpu.memory_space<hbm>>
            tpu.wait_indirect_dma semaphore(%arg12 : memref<!tpu.dma_semaphore, #tpu.memory_space<semaphore_mem>>) src(%dma_wait3A_167 : memref<10000x128xf32, #tpu.memory_space<hbm>>) dst(%arg8 : memref<128x128xf32, #tpu.memory_space<vmem>>)
            %run_scoped3A = arith.constant 10 : i32
            "tpu.region"() ({
              %run_scoped3A_168 = tpu.sem_alloc : memref<!tpu.dma_semaphore, #tpu.memory_space<semaphore_mem>>
              %dma_start3A_169 = arith.constant 0 : i32
              %dma_start3A_170 = tpu.memref_slice %arg10[%run_scoped3A, %dma_start3A_169] : memref<16x128xi32, #tpu.memory_space<vmem>> -> memref<1x128xi32, #tpu.memory_space<vmem>>
              %dma_start3A_171 = tpu.memref_squeeze %dma_start3A_170 : memref<1x128xi32, #tpu.memory_space<vmem>> -> memref<128xi32, #tpu.memory_space<vmem>>
              %dma_start3A_172 = arith.constant 0 : i32
              %dma_start3A_173 = arith.constant 0 : i32
              %dma_start3A_174 = tpu.memref_slice %arg11[%dma_start3A_172, %dma_start3A_173] : memref<10000x128xf32, #tpu.memory_space<vmem_shared>> -> memref<10000x128xf32, #tpu.memory_space<vmem_shared>>
              tpu.enqueue_indirect_dma source(%arg8 : memref<128x128xf32, #tpu.memory_space<vmem>>) target(%dma_start3A_174 : memref<10000x128xf32, #tpu.memory_space<vmem_shared>>) offsets(%dma_start3A_171 : memref<128xi32, #tpu.memory_space<vmem>>) semaphore(%run_scoped3A_168 : memref<!tpu.dma_semaphore, #tpu.memory_space<semaphore_mem>>) {add = true}
              %dma_wait3A_175 = arith.constant 0 : i32
              %dma_wait3A_176 = tpu.memref_slice %arg10[%run_scoped3A, %dma_wait3A_175] : memref<16x128xi32, #tpu.memory_space<vmem>> -> memref<1x128xi32, #tpu.memory_space<vmem>>
              %dma_wait3A_177 = tpu.memref_squeeze %dma_wait3A_176 : memref<1x128xi32, #tpu.memory_space<vmem>> -> memref<128xi32, #tpu.memory_space<vmem>>
              %dma_wait3A_178 = arith.constant 0 : i32
              %dma_wait3A_179 = arith.constant 0 : i32
              %dma_wait3A_180 = tpu.memref_slice %arg11[%dma_wait3A_178, %dma_wait3A_179] : memref<10000x128xf32, #tpu.memory_space<vmem_shared>> -> memref<10000x128xf32, #tpu.memory_space<vmem_shared>>
              tpu.wait_indirect_dma semaphore(%run_scoped3A_168 : memref<!tpu.dma_semaphore, #tpu.memory_space<semaphore_mem>>) src(%arg8 : memref<128x128xf32, #tpu.memory_space<vmem>>) dst(%dma_wait3A_180 : memref<10000x128xf32, #tpu.memory_space<vmem_shared>>)
              tpu.yield
            }) : () -> ()
          } else {
          }
          %add3A_121 = arith.constant 11 : i32
          %add3A_122 = arith.addi %multiple_of3A_38, %add3A_121 : i32
          %lt3A_123 = arith.constant 2500 : i32
          %lt3A_124 = arith.cmpi slt, %add3A_122, %lt3A_123 : i32
          %convert_element_type3A_125 = arith.extui %lt3A_124 : i1 to i32
          %cond3A_126 = arith.constant 0 : i32
          %cond3A_127 = arith.cmpi ne, %convert_element_type3A_125, %cond3A_126 : i32
          scf.if %cond3A_127 {
            %dma_start3A = arith.constant 11 : i32
            %dma_start3A_156 = arith.constant 0 : i32
            %dma_start3A_157 = tpu.memref_slice %arg9[%dma_start3A, %dma_start3A_156] : memref<16x128xi32, #tpu.memory_space<vmem>> -> memref<1x128xi32, #tpu.memory_space<vmem>>
            %dma_start3A_158 = tpu.memref_squeeze %dma_start3A_157 : memref<1x128xi32, #tpu.memory_space<vmem>> -> memref<128xi32, #tpu.memory_space<vmem>>
            %dma_start3A_159 = arith.constant 0 : i32
            %dma_start3A_160 = arith.constant 0 : i32
            %dma_start3A_161 = tpu.memref_slice %arg2[%dma_start3A_159, %dma_start3A_160] : memref<10000x128xf32, #tpu.memory_space<hbm>> -> memref<10000x128xf32, #tpu.memory_space<hbm>>
            tpu.enqueue_indirect_dma source(%dma_start3A_161 : memref<10000x128xf32, #tpu.memory_space<hbm>>) target(%arg8 : memref<128x128xf32, #tpu.memory_space<vmem>>) offsets(%dma_start3A_158 : memref<128xi32, #tpu.memory_space<vmem>>) semaphore(%arg12 : memref<!tpu.dma_semaphore, #tpu.memory_space<semaphore_mem>>)
            %dma_wait3A = arith.constant 11 : i32
            %dma_wait3A_162 = arith.constant 0 : i32
            %dma_wait3A_163 = tpu.memref_slice %arg9[%dma_wait3A, %dma_wait3A_162] : memref<16x128xi32, #tpu.memory_space<vmem>> -> memref<1x128xi32, #tpu.memory_space<vmem>>
            %dma_wait3A_164 = tpu.memref_squeeze %dma_wait3A_163 : memref<1x128xi32, #tpu.memory_space<vmem>> -> memref<128xi32, #tpu.memory_space<vmem>>
            %dma_wait3A_165 = arith.constant 0 : i32
            %dma_wait3A_166 = arith.constant 0 : i32
            %dma_wait3A_167 = tpu.memref_slice %arg2[%dma_wait3A_165, %dma_wait3A_166] : memref<10000x128xf32, #tpu.memory_space<hbm>> -> memref<10000x128xf32, #tpu.memory_space<hbm>>
            tpu.wait_indirect_dma semaphore(%arg12 : memref<!tpu.dma_semaphore, #tpu.memory_space<semaphore_mem>>) src(%dma_wait3A_167 : memref<10000x128xf32, #tpu.memory_space<hbm>>) dst(%arg8 : memref<128x128xf32, #tpu.memory_space<vmem>>)
            %run_scoped3A = arith.constant 11 : i32
            "tpu.region"() ({
              %run_scoped3A_168 = tpu.sem_alloc : memref<!tpu.dma_semaphore, #tpu.memory_space<semaphore_mem>>
              %dma_start3A_169 = arith.constant 0 : i32
              %dma_start3A_170 = tpu.memref_slice %arg10[%run_scoped3A, %dma_start3A_169] : memref<16x128xi32, #tpu.memory_space<vmem>> -> memref<1x128xi32, #tpu.memory_space<vmem>>
              %dma_start3A_171 = tpu.memref_squeeze %dma_start3A_170 : memref<1x128xi32, #tpu.memory_space<vmem>> -> memref<128xi32, #tpu.memory_space<vmem>>
              %dma_start3A_172 = arith.constant 0 : i32
              %dma_start3A_173 = arith.constant 0 : i32
              %dma_start3A_174 = tpu.memref_slice %arg11[%dma_start3A_172, %dma_start3A_173] : memref<10000x128xf32, #tpu.memory_space<vmem_shared>> -> memref<10000x128xf32, #tpu.memory_space<vmem_shared>>
              tpu.enqueue_indirect_dma source(%arg8 : memref<128x128xf32, #tpu.memory_space<vmem>>) target(%dma_start3A_174 : memref<10000x128xf32, #tpu.memory_space<vmem_shared>>) offsets(%dma_start3A_171 : memref<128xi32, #tpu.memory_space<vmem>>) semaphore(%run_scoped3A_168 : memref<!tpu.dma_semaphore, #tpu.memory_space<semaphore_mem>>) {add = true}
              %dma_wait3A_175 = arith.constant 0 : i32
              %dma_wait3A_176 = tpu.memref_slice %arg10[%run_scoped3A, %dma_wait3A_175] : memref<16x128xi32, #tpu.memory_space<vmem>> -> memref<1x128xi32, #tpu.memory_space<vmem>>
              %dma_wait3A_177 = tpu.memref_squeeze %dma_wait3A_176 : memref<1x128xi32, #tpu.memory_space<vmem>> -> memref<128xi32, #tpu.memory_space<vmem>>
              %dma_wait3A_178 = arith.constant 0 : i32
              %dma_wait3A_179 = arith.constant 0 : i32
              %dma_wait3A_180 = tpu.memref_slice %arg11[%dma_wait3A_178, %dma_wait3A_179] : memref<10000x128xf32, #tpu.memory_space<vmem_shared>> -> memref<10000x128xf32, #tpu.memory_space<vmem_shared>>
              tpu.wait_indirect_dma semaphore(%run_scoped3A_168 : memref<!tpu.dma_semaphore, #tpu.memory_space<semaphore_mem>>) src(%arg8 : memref<128x128xf32, #tpu.memory_space<vmem>>) dst(%dma_wait3A_180 : memref<10000x128xf32, #tpu.memory_space<vmem_shared>>)
              tpu.yield
            }) : () -> ()
          } else {
          }
          %add3A_128 = arith.constant 12 : i32
          %add3A_129 = arith.addi %multiple_of3A_38, %add3A_128 : i32
          %lt3A_130 = arith.constant 2500 : i32
          %lt3A_131 = arith.cmpi slt, %add3A_129, %lt3A_130 : i32
          %convert_element_type3A_132 = arith.extui %lt3A_131 : i1 to i32
          %cond3A_133 = arith.constant 0 : i32
          %cond3A_134 = arith.cmpi ne, %convert_element_type3A_132, %cond3A_133 : i32
          scf.if %cond3A_134 {
            %dma_start3A = arith.constant 12 : i32
            %dma_start3A_156 = arith.constant 0 : i32
            %dma_start3A_157 = tpu.memref_slice %arg9[%dma_start3A, %dma_start3A_156] : memref<16x128xi32, #tpu.memory_space<vmem>> -> memref<1x128xi32, #tpu.memory_space<vmem>>
            %dma_start3A_158 = tpu.memref_squeeze %dma_start3A_157 : memref<1x128xi32, #tpu.memory_space<vmem>> -> memref<128xi32, #tpu.memory_space<vmem>>
            %dma_start3A_159 = arith.constant 0 : i32
            %dma_start3A_160 = arith.constant 0 : i32
            %dma_start3A_161 = tpu.memref_slice %arg2[%dma_start3A_159, %dma_start3A_160] : memref<10000x128xf32, #tpu.memory_space<hbm>> -> memref<10000x128xf32, #tpu.memory_space<hbm>>
            tpu.enqueue_indirect_dma source(%dma_start3A_161 : memref<10000x128xf32, #tpu.memory_space<hbm>>) target(%arg8 : memref<128x128xf32, #tpu.memory_space<vmem>>) offsets(%dma_start3A_158 : memref<128xi32, #tpu.memory_space<vmem>>) semaphore(%arg12 : memref<!tpu.dma_semaphore, #tpu.memory_space<semaphore_mem>>)
            %dma_wait3A = arith.constant 12 : i32
            %dma_wait3A_162 = arith.constant 0 : i32
            %dma_wait3A_163 = tpu.memref_slice %arg9[%dma_wait3A, %dma_wait3A_162] : memref<16x128xi32, #tpu.memory_space<vmem>> -> memref<1x128xi32, #tpu.memory_space<vmem>>
            %dma_wait3A_164 = tpu.memref_squeeze %dma_wait3A_163 : memref<1x128xi32, #tpu.memory_space<vmem>> -> memref<128xi32, #tpu.memory_space<vmem>>
            %dma_wait3A_165 = arith.constant 0 : i32
            %dma_wait3A_166 = arith.constant 0 : i32
            %dma_wait3A_167 = tpu.memref_slice %arg2[%dma_wait3A_165, %dma_wait3A_166] : memref<10000x128xf32, #tpu.memory_space<hbm>> -> memref<10000x128xf32, #tpu.memory_space<hbm>>
            tpu.wait_indirect_dma semaphore(%arg12 : memref<!tpu.dma_semaphore, #tpu.memory_space<semaphore_mem>>) src(%dma_wait3A_167 : memref<10000x128xf32, #tpu.memory_space<hbm>>) dst(%arg8 : memref<128x128xf32, #tpu.memory_space<vmem>>)
            %run_scoped3A = arith.constant 12 : i32
            "tpu.region"() ({
              %run_scoped3A_168 = tpu.sem_alloc : memref<!tpu.dma_semaphore, #tpu.memory_space<semaphore_mem>>
              %dma_start3A_169 = arith.constant 0 : i32
              %dma_start3A_170 = tpu.memref_slice %arg10[%run_scoped3A, %dma_start3A_169] : memref<16x128xi32, #tpu.memory_space<vmem>> -> memref<1x128xi32, #tpu.memory_space<vmem>>
              %dma_start3A_171 = tpu.memref_squeeze %dma_start3A_170 : memref<1x128xi32, #tpu.memory_space<vmem>> -> memref<128xi32, #tpu.memory_space<vmem>>
              %dma_start3A_172 = arith.constant 0 : i32
              %dma_start3A_173 = arith.constant 0 : i32
              %dma_start3A_174 = tpu.memref_slice %arg11[%dma_start3A_172, %dma_start3A_173] : memref<10000x128xf32, #tpu.memory_space<vmem_shared>> -> memref<10000x128xf32, #tpu.memory_space<vmem_shared>>
              tpu.enqueue_indirect_dma source(%arg8 : memref<128x128xf32, #tpu.memory_space<vmem>>) target(%dma_start3A_174 : memref<10000x128xf32, #tpu.memory_space<vmem_shared>>) offsets(%dma_start3A_171 : memref<128xi32, #tpu.memory_space<vmem>>) semaphore(%run_scoped3A_168 : memref<!tpu.dma_semaphore, #tpu.memory_space<semaphore_mem>>) {add = true}
              %dma_wait3A_175 = arith.constant 0 : i32
              %dma_wait3A_176 = tpu.memref_slice %arg10[%run_scoped3A, %dma_wait3A_175] : memref<16x128xi32, #tpu.memory_space<vmem>> -> memref<1x128xi32, #tpu.memory_space<vmem>>
              %dma_wait3A_177 = tpu.memref_squeeze %dma_wait3A_176 : memref<1x128xi32, #tpu.memory_space<vmem>> -> memref<128xi32, #tpu.memory_space<vmem>>
              %dma_wait3A_178 = arith.constant 0 : i32
              %dma_wait3A_179 = arith.constant 0 : i32
              %dma_wait3A_180 = tpu.memref_slice %arg11[%dma_wait3A_178, %dma_wait3A_179] : memref<10000x128xf32, #tpu.memory_space<vmem_shared>> -> memref<10000x128xf32, #tpu.memory_space<vmem_shared>>
              tpu.wait_indirect_dma semaphore(%run_scoped3A_168 : memref<!tpu.dma_semaphore, #tpu.memory_space<semaphore_mem>>) src(%arg8 : memref<128x128xf32, #tpu.memory_space<vmem>>) dst(%dma_wait3A_180 : memref<10000x128xf32, #tpu.memory_space<vmem_shared>>)
              tpu.yield
            }) : () -> ()
          } else {
          }
          %add3A_135 = arith.constant 13 : i32
          %add3A_136 = arith.addi %multiple_of3A_38, %add3A_135 : i32
          %lt3A_137 = arith.constant 2500 : i32
          %lt3A_138 = arith.cmpi slt, %add3A_136, %lt3A_137 : i32
          %convert_element_type3A_139 = arith.extui %lt3A_138 : i1 to i32
          %cond3A_140 = arith.constant 0 : i32
          %cond3A_141 = arith.cmpi ne, %convert_element_type3A_139, %cond3A_140 : i32
          scf.if %cond3A_141 {
            %dma_start3A = arith.constant 13 : i32
            %dma_start3A_156 = arith.constant 0 : i32
            %dma_start3A_157 = tpu.memref_slice %arg9[%dma_start3A, %dma_start3A_156] : memref<16x128xi32, #tpu.memory_space<vmem>> -> memref<1x128xi32, #tpu.memory_space<vmem>>
            %dma_start3A_158 = tpu.memref_squeeze %dma_start3A_157 : memref<1x128xi32, #tpu.memory_space<vmem>> -> memref<128xi32, #tpu.memory_space<vmem>>
            %dma_start3A_159 = arith.constant 0 : i32
            %dma_start3A_160 = arith.constant 0 : i32
            %dma_start3A_161 = tpu.memref_slice %arg2[%dma_start3A_159, %dma_start3A_160] : memref<10000x128xf32, #tpu.memory_space<hbm>> -> memref<10000x128xf32, #tpu.memory_space<hbm>>
            tpu.enqueue_indirect_dma source(%dma_start3A_161 : memref<10000x128xf32, #tpu.memory_space<hbm>>) target(%arg8 : memref<128x128xf32, #tpu.memory_space<vmem>>) offsets(%dma_start3A_158 : memref<128xi32, #tpu.memory_space<vmem>>) semaphore(%arg12 : memref<!tpu.dma_semaphore, #tpu.memory_space<semaphore_mem>>)
            %dma_wait3A = arith.constant 13 : i32
            %dma_wait3A_162 = arith.constant 0 : i32
            %dma_wait3A_163 = tpu.memref_slice %arg9[%dma_wait3A, %dma_wait3A_162] : memref<16x128xi32, #tpu.memory_space<vmem>> -> memref<1x128xi32, #tpu.memory_space<vmem>>
            %dma_wait3A_164 = tpu.memref_squeeze %dma_wait3A_163 : memref<1x128xi32, #tpu.memory_space<vmem>> -> memref<128xi32, #tpu.memory_space<vmem>>
            %dma_wait3A_165 = arith.constant 0 : i32
            %dma_wait3A_166 = arith.constant 0 : i32
            %dma_wait3A_167 = tpu.memref_slice %arg2[%dma_wait3A_165, %dma_wait3A_166] : memref<10000x128xf32, #tpu.memory_space<hbm>> -> memref<10000x128xf32, #tpu.memory_space<hbm>>
            tpu.wait_indirect_dma semaphore(%arg12 : memref<!tpu.dma_semaphore, #tpu.memory_space<semaphore_mem>>) src(%dma_wait3A_167 : memref<10000x128xf32, #tpu.memory_space<hbm>>) dst(%arg8 : memref<128x128xf32, #tpu.memory_space<vmem>>)
            %run_scoped3A = arith.constant 13 : i32
            "tpu.region"() ({
              %run_scoped3A_168 = tpu.sem_alloc : memref<!tpu.dma_semaphore, #tpu.memory_space<semaphore_mem>>
              %dma_start3A_169 = arith.constant 0 : i32
              %dma_start3A_170 = tpu.memref_slice %arg10[%run_scoped3A, %dma_start3A_169] : memref<16x128xi32, #tpu.memory_space<vmem>> -> memref<1x128xi32, #tpu.memory_space<vmem>>
              %dma_start3A_171 = tpu.memref_squeeze %dma_start3A_170 : memref<1x128xi32, #tpu.memory_space<vmem>> -> memref<128xi32, #tpu.memory_space<vmem>>
              %dma_start3A_172 = arith.constant 0 : i32
              %dma_start3A_173 = arith.constant 0 : i32
              %dma_start3A_174 = tpu.memref_slice %arg11[%dma_start3A_172, %dma_start3A_173] : memref<10000x128xf32, #tpu.memory_space<vmem_shared>> -> memref<10000x128xf32, #tpu.memory_space<vmem_shared>>
              tpu.enqueue_indirect_dma source(%arg8 : memref<128x128xf32, #tpu.memory_space<vmem>>) target(%dma_start3A_174 : memref<10000x128xf32, #tpu.memory_space<vmem_shared>>) offsets(%dma_start3A_171 : memref<128xi32, #tpu.memory_space<vmem>>) semaphore(%run_scoped3A_168 : memref<!tpu.dma_semaphore, #tpu.memory_space<semaphore_mem>>) {add = true}
              %dma_wait3A_175 = arith.constant 0 : i32
              %dma_wait3A_176 = tpu.memref_slice %arg10[%run_scoped3A, %dma_wait3A_175] : memref<16x128xi32, #tpu.memory_space<vmem>> -> memref<1x128xi32, #tpu.memory_space<vmem>>
              %dma_wait3A_177 = tpu.memref_squeeze %dma_wait3A_176 : memref<1x128xi32, #tpu.memory_space<vmem>> -> memref<128xi32, #tpu.memory_space<vmem>>
              %dma_wait3A_178 = arith.constant 0 : i32
              %dma_wait3A_179 = arith.constant 0 : i32
              %dma_wait3A_180 = tpu.memref_slice %arg11[%dma_wait3A_178, %dma_wait3A_179] : memref<10000x128xf32, #tpu.memory_space<vmem_shared>> -> memref<10000x128xf32, #tpu.memory_space<vmem_shared>>
              tpu.wait_indirect_dma semaphore(%run_scoped3A_168 : memref<!tpu.dma_semaphore, #tpu.memory_space<semaphore_mem>>) src(%arg8 : memref<128x128xf32, #tpu.memory_space<vmem>>) dst(%dma_wait3A_180 : memref<10000x128xf32, #tpu.memory_space<vmem_shared>>)
              tpu.yield
            }) : () -> ()
          } else {
          }
          %add3A_142 = arith.constant 14 : i32
          %add3A_143 = arith.addi %multiple_of3A_38, %add3A_142 : i32
          %lt3A_144 = arith.constant 2500 : i32
          %lt3A_145 = arith.cmpi slt, %add3A_143, %lt3A_144 : i32
          %convert_element_type3A_146 = arith.extui %lt3A_145 : i1 to i32
          %cond3A_147 = arith.constant 0 : i32
          %cond3A_148 = arith.cmpi ne, %convert_element_type3A_146, %cond3A_147 : i32
          scf.if %cond3A_148 {
            %dma_start3A = arith.constant 14 : i32
            %dma_start3A_156 = arith.constant 0 : i32
            %dma_start3A_157 = tpu.memref_slice %arg9[%dma_start3A, %dma_start3A_156] : memref<16x128xi32, #tpu.memory_space<vmem>> -> memref<1x128xi32, #tpu.memory_space<vmem>>
            %dma_start3A_158 = tpu.memref_squeeze %dma_start3A_157 : memref<1x128xi32, #tpu.memory_space<vmem>> -> memref<128xi32, #tpu.memory_space<vmem>>
            %dma_start3A_159 = arith.constant 0 : i32
            %dma_start3A_160 = arith.constant 0 : i32
            %dma_start3A_161 = tpu.memref_slice %arg2[%dma_start3A_159, %dma_start3A_160] : memref<10000x128xf32, #tpu.memory_space<hbm>> -> memref<10000x128xf32, #tpu.memory_space<hbm>>
            tpu.enqueue_indirect_dma source(%dma_start3A_161 : memref<10000x128xf32, #tpu.memory_space<hbm>>) target(%arg8 : memref<128x128xf32, #tpu.memory_space<vmem>>) offsets(%dma_start3A_158 : memref<128xi32, #tpu.memory_space<vmem>>) semaphore(%arg12 : memref<!tpu.dma_semaphore, #tpu.memory_space<semaphore_mem>>)
            %dma_wait3A = arith.constant 14 : i32
            %dma_wait3A_162 = arith.constant 0 : i32
            %dma_wait3A_163 = tpu.memref_slice %arg9[%dma_wait3A, %dma_wait3A_162] : memref<16x128xi32, #tpu.memory_space<vmem>> -> memref<1x128xi32, #tpu.memory_space<vmem>>
            %dma_wait3A_164 = tpu.memref_squeeze %dma_wait3A_163 : memref<1x128xi32, #tpu.memory_space<vmem>> -> memref<128xi32, #tpu.memory_space<vmem>>
            %dma_wait3A_165 = arith.constant 0 : i32
            %dma_wait3A_166 = arith.constant 0 : i32
            %dma_wait3A_167 = tpu.memref_slice %arg2[%dma_wait3A_165, %dma_wait3A_166] : memref<10000x128xf32, #tpu.memory_space<hbm>> -> memref<10000x128xf32, #tpu.memory_space<hbm>>
            tpu.wait_indirect_dma semaphore(%arg12 : memref<!tpu.dma_semaphore, #tpu.memory_space<semaphore_mem>>) src(%dma_wait3A_167 : memref<10000x128xf32, #tpu.memory_space<hbm>>) dst(%arg8 : memref<128x128xf32, #tpu.memory_space<vmem>>)
            %run_scoped3A = arith.constant 14 : i32
            "tpu.region"() ({
              %run_scoped3A_168 = tpu.sem_alloc : memref<!tpu.dma_semaphore, #tpu.memory_space<semaphore_mem>>
              %dma_start3A_169 = arith.constant 0 : i32
              %dma_start3A_170 = tpu.memref_slice %arg10[%run_scoped3A, %dma_start3A_169] : memref<16x128xi32, #tpu.memory_space<vmem>> -> memref<1x128xi32, #tpu.memory_space<vmem>>
              %dma_start3A_171 = tpu.memref_squeeze %dma_start3A_170 : memref<1x128xi32, #tpu.memory_space<vmem>> -> memref<128xi32, #tpu.memory_space<vmem>>
              %dma_start3A_172 = arith.constant 0 : i32
              %dma_start3A_173 = arith.constant 0 : i32
              %dma_start3A_174 = tpu.memref_slice %arg11[%dma_start3A_172, %dma_start3A_173] : memref<10000x128xf32, #tpu.memory_space<vmem_shared>> -> memref<10000x128xf32, #tpu.memory_space<vmem_shared>>
              tpu.enqueue_indirect_dma source(%arg8 : memref<128x128xf32, #tpu.memory_space<vmem>>) target(%dma_start3A_174 : memref<10000x128xf32, #tpu.memory_space<vmem_shared>>) offsets(%dma_start3A_171 : memref<128xi32, #tpu.memory_space<vmem>>) semaphore(%run_scoped3A_168 : memref<!tpu.dma_semaphore, #tpu.memory_space<semaphore_mem>>) {add = true}
              %dma_wait3A_175 = arith.constant 0 : i32
              %dma_wait3A_176 = tpu.memref_slice %arg10[%run_scoped3A, %dma_wait3A_175] : memref<16x128xi32, #tpu.memory_space<vmem>> -> memref<1x128xi32, #tpu.memory_space<vmem>>
              %dma_wait3A_177 = tpu.memref_squeeze %dma_wait3A_176 : memref<1x128xi32, #tpu.memory_space<vmem>> -> memref<128xi32, #tpu.memory_space<vmem>>
              %dma_wait3A_178 = arith.constant 0 : i32
              %dma_wait3A_179 = arith.constant 0 : i32
              %dma_wait3A_180 = tpu.memref_slice %arg11[%dma_wait3A_178, %dma_wait3A_179] : memref<10000x128xf32, #tpu.memory_space<vmem_shared>> -> memref<10000x128xf32, #tpu.memory_space<vmem_shared>>
              tpu.wait_indirect_dma semaphore(%run_scoped3A_168 : memref<!tpu.dma_semaphore, #tpu.memory_space<semaphore_mem>>) src(%arg8 : memref<128x128xf32, #tpu.memory_space<vmem>>) dst(%dma_wait3A_180 : memref<10000x128xf32, #tpu.memory_space<vmem_shared>>)
              tpu.yield
            }) : () -> ()
          } else {
          }
          %add3A_149 = arith.constant 15 : i32
          %add3A_150 = arith.addi %multiple_of3A_38, %add3A_149 : i32
          %lt3A_151 = arith.constant 2500 : i32
          %lt3A_152 = arith.cmpi slt, %add3A_150, %lt3A_151 : i32
          %convert_element_type3A_153 = arith.extui %lt3A_152 : i1 to i32
          %cond3A_154 = arith.constant 0 : i32
          %cond3A_155 = arith.cmpi ne, %convert_element_type3A_153, %cond3A_154 : i32
          scf.if %cond3A_155 {
            %dma_start3A = arith.constant 15 : i32
            %dma_start3A_156 = arith.constant 0 : i32
            %dma_start3A_157 = tpu.memref_slice %arg9[%dma_start3A, %dma_start3A_156] : memref<16x128xi32, #tpu.memory_space<vmem>> -> memref<1x128xi32, #tpu.memory_space<vmem>>
            %dma_start3A_158 = tpu.memref_squeeze %dma_start3A_157 : memref<1x128xi32, #tpu.memory_space<vmem>> -> memref<128xi32, #tpu.memory_space<vmem>>
            %dma_start3A_159 = arith.constant 0 : i32
            %dma_start3A_160 = arith.constant 0 : i32
            %dma_start3A_161 = tpu.memref_slice %arg2[%dma_start3A_159, %dma_start3A_160] : memref<10000x128xf32, #tpu.memory_space<hbm>> -> memref<10000x128xf32, #tpu.memory_space<hbm>>
            tpu.enqueue_indirect_dma source(%dma_start3A_161 : memref<10000x128xf32, #tpu.memory_space<hbm>>) target(%arg8 : memref<128x128xf32, #tpu.memory_space<vmem>>) offsets(%dma_start3A_158 : memref<128xi32, #tpu.memory_space<vmem>>) semaphore(%arg12 : memref<!tpu.dma_semaphore, #tpu.memory_space<semaphore_mem>>)
            %dma_wait3A = arith.constant 15 : i32
            %dma_wait3A_162 = arith.constant 0 : i32
            %dma_wait3A_163 = tpu.memref_slice %arg9[%dma_wait3A, %dma_wait3A_162] : memref<16x128xi32, #tpu.memory_space<vmem>> -> memref<1x128xi32, #tpu.memory_space<vmem>>
            %dma_wait3A_164 = tpu.memref_squeeze %dma_wait3A_163 : memref<1x128xi32, #tpu.memory_space<vmem>> -> memref<128xi32, #tpu.memory_space<vmem>>
            %dma_wait3A_165 = arith.constant 0 : i32
            %dma_wait3A_166 = arith.constant 0 : i32
            %dma_wait3A_167 = tpu.memref_slice %arg2[%dma_wait3A_165, %dma_wait3A_166] : memref<10000x128xf32, #tpu.memory_space<hbm>> -> memref<10000x128xf32, #tpu.memory_space<hbm>>
            tpu.wait_indirect_dma semaphore(%arg12 : memref<!tpu.dma_semaphore, #tpu.memory_space<semaphore_mem>>) src(%dma_wait3A_167 : memref<10000x128xf32, #tpu.memory_space<hbm>>) dst(%arg8 : memref<128x128xf32, #tpu.memory_space<vmem>>)
            %run_scoped3A = arith.constant 15 : i32
            "tpu.region"() ({
              %run_scoped3A_168 = tpu.sem_alloc : memref<!tpu.dma_semaphore, #tpu.memory_space<semaphore_mem>>
              %dma_start3A_169 = arith.constant 0 : i32
              %dma_start3A_170 = tpu.memref_slice %arg10[%run_scoped3A, %dma_start3A_169] : memref<16x128xi32, #tpu.memory_space<vmem>> -> memref<1x128xi32, #tpu.memory_space<vmem>>
              %dma_start3A_171 = tpu.memref_squeeze %dma_start3A_170 : memref<1x128xi32, #tpu.memory_space<vmem>> -> memref<128xi32, #tpu.memory_space<vmem>>
              %dma_start3A_172 = arith.constant 0 : i32
              %dma_start3A_173 = arith.constant 0 : i32
              %dma_start3A_174 = tpu.memref_slice %arg11[%dma_start3A_172, %dma_start3A_173] : memref<10000x128xf32, #tpu.memory_space<vmem_shared>> -> memref<10000x128xf32, #tpu.memory_space<vmem_shared>>
              tpu.enqueue_indirect_dma source(%arg8 : memref<128x128xf32, #tpu.memory_space<vmem>>) target(%dma_start3A_174 : memref<10000x128xf32, #tpu.memory_space<vmem_shared>>) offsets(%dma_start3A_171 : memref<128xi32, #tpu.memory_space<vmem>>) semaphore(%run_scoped3A_168 : memref<!tpu.dma_semaphore, #tpu.memory_space<semaphore_mem>>) {add = true}
              %dma_wait3A_175 = arith.constant 0 : i32
              %dma_wait3A_176 = tpu.memref_slice %arg10[%run_scoped3A, %dma_wait3A_175] : memref<16x128xi32, #tpu.memory_space<vmem>> -> memref<1x128xi32, #tpu.memory_space<vmem>>
              %dma_wait3A_177 = tpu.memref_squeeze %dma_wait3A_176 : memref<1x128xi32, #tpu.memory_space<vmem>> -> memref<128xi32, #tpu.memory_space<vmem>>
              %dma_wait3A_178 = arith.constant 0 : i32
              %dma_wait3A_179 = arith.constant 0 : i32
              %dma_wait3A_180 = tpu.memref_slice %arg11[%dma_wait3A_178, %dma_wait3A_179] : memref<10000x128xf32, #tpu.memory_space<vmem_shared>> -> memref<10000x128xf32, #tpu.memory_space<vmem_shared>>
              tpu.wait_indirect_dma semaphore(%run_scoped3A_168 : memref<!tpu.dma_semaphore, #tpu.memory_space<semaphore_mem>>) src(%arg8 : memref<128x128xf32, #tpu.memory_space<vmem>>) dst(%dma_wait3A_180 : memref<10000x128xf32, #tpu.memory_space<vmem_shared>>)
              tpu.yield
            }) : () -> ()
          } else {
          }
        } else {
        }
      }
      %scan3A_23 = arith.constant 10 : i32
      %barrier3A_24 = arith.constant 0 : index
      tpu.barrier barrier_id(%barrier3A_24)
      %lt3A_25 = arith.constant 15 : i32
      %lt3A_26 = arith.cmpi slt, %arg1, %lt3A_25 : i32
      %convert_element_type3A_27 = arith.extui %lt3A_26 : i1 to i32
      %cond3A_28 = arith.constant 0 : i32
      %cond3A_29 = arith.cmpi ne, %convert_element_type3A_27, %cond3A_28 : i32
      scf.if %cond3A_29 {
        "tpu.region"() ({
          %run_scoped3A = tpu.sem_alloc : memref<!tpu.dma_semaphore, #tpu.memory_space<semaphore_mem>>
          %dma_start3A = arith.constant 0 : i32
          %dma_start3A_35 = tpu.memref_slice %arg6[%multiple_of3A, %dma_start3A] : memref<10000x128xf32, #tpu.memory_space<hbm>> -> memref<624x128xf32, #tpu.memory_space<hbm>>
          %dma_start3A_36 = arith.constant 0 : i32
          %dma_start3A_37 = tpu.memref_slice %arg11[%multiple_of3A, %dma_start3A_36] : memref<10000x128xf32, #tpu.memory_space<vmem_shared>> -> memref<624x128xf32, #tpu.memory_space<vmem_shared>>
          tpu.enqueue_dma source(%dma_start3A_37 : memref<624x128xf32, #tpu.memory_space<vmem_shared>>) target(%dma_start3A_35 : memref<624x128xf32, #tpu.memory_space<hbm>>) target_semaphore(%run_scoped3A : memref<!tpu.dma_semaphore, #tpu.memory_space<semaphore_mem>>)
          %dma_wait3A = arith.constant 0 : i32
          %dma_wait3A_38 = tpu.memref_slice %arg6[%multiple_of3A, %dma_wait3A] : memref<10000x128xf32, #tpu.memory_space<hbm>> -> memref<624x128xf32, #tpu.memory_space<hbm>>
          %dma_wait3A_39 = arith.constant 0 : i32
          %dma_wait3A_40 = tpu.memref_slice %arg11[%multiple_of3A, %dma_wait3A_39] : memref<10000x128xf32, #tpu.memory_space<vmem_shared>> -> memref<624x128xf32, #tpu.memory_space<vmem_shared>>
          tpu.wait_dma2 semaphore(%run_scoped3A : memref<!tpu.dma_semaphore, #tpu.memory_space<semaphore_mem>>) src(%dma_wait3A_40 : memref<624x128xf32, #tpu.memory_space<vmem_shared>>) dst(%dma_wait3A_38 : memref<624x128xf32, #tpu.memory_space<hbm>>)
          tpu.yield
        }) : () -> ()
      } else {
      }
      %eq3A_30 = arith.constant 15 : i32
      %eq3A_31 = arith.cmpi eq, %arg1, %eq3A_30 : i32
      %convert_element_type3A_32 = arith.extui %eq3A_31 : i1 to i32
      %cond3A_33 = arith.constant 0 : i32
      %cond3A_34 = arith.cmpi ne, %convert_element_type3A_32, %cond3A_33 : i32
      scf.if %cond3A_34 {
        "tpu.region"() ({
          %run_scoped3A = tpu.sem_alloc : memref<!tpu.dma_semaphore, #tpu.memory_space<semaphore_mem>>
          %dma_start3A = arith.constant 0 : i32
          %dma_start3A_35 = tpu.memref_slice %arg6[%multiple_of3A, %dma_start3A] : memref<10000x128xf32, #tpu.memory_space<hbm>> -> memref<640x128xf32, #tpu.memory_space<hbm>>
          %dma_start3A_36 = arith.constant 0 : i32
          %dma_start3A_37 = tpu.memref_slice %arg11[%multiple_of3A, %dma_start3A_36] : memref<10000x128xf32, #tpu.memory_space<vmem_shared>> -> memref<640x128xf32, #tpu.memory_space<vmem_shared>>
          tpu.enqueue_dma source(%dma_start3A_37 : memref<640x128xf32, #tpu.memory_space<vmem_shared>>) target(%dma_start3A_35 : memref<640x128xf32, #tpu.memory_space<hbm>>) target_semaphore(%run_scoped3A : memref<!tpu.dma_semaphore, #tpu.memory_space<semaphore_mem>>)
          %dma_wait3A = arith.constant 0 : i32
          %dma_wait3A_38 = tpu.memref_slice %arg6[%multiple_of3A, %dma_wait3A] : memref<10000x128xf32, #tpu.memory_space<hbm>> -> memref<640x128xf32, #tpu.memory_space<hbm>>
          %dma_wait3A_39 = arith.constant 0 : i32
          %dma_wait3A_40 = tpu.memref_slice %arg11[%multiple_of3A, %dma_wait3A_39] : memref<10000x128xf32, #tpu.memory_space<vmem_shared>> -> memref<640x128xf32, #tpu.memory_space<vmem_shared>>
          tpu.wait_dma2 semaphore(%run_scoped3A : memref<!tpu.dma_semaphore, #tpu.memory_space<semaphore_mem>>) src(%dma_wait3A_40 : memref<640x128xf32, #tpu.memory_space<vmem_shared>>) dst(%dma_wait3A_38 : memref<640x128xf32, #tpu.memory_space<hbm>>)
          tpu.yield
        }) : () -> ()
      } else {
      }
    } else {
    }
    %eq3A_3 = arith.constant 1 : i32
    %eq3A_4 = arith.cmpi eq, %arg0, %eq3A_3 : i32
    %convert_element_type3A_5 = arith.extui %eq3A_4 : i1 to i32
    %cond3A_6 = arith.constant 0 : i32
    %cond3A_7 = arith.cmpi ne, %convert_element_type3A_5, %cond3A_6 : i32
    scf.if %cond3A_7 {
      %lt3A = arith.constant 15 : i32
      %lt3A_8 = arith.cmpi slt, %arg1, %lt3A : i32
      %convert_element_type3A_9 = arith.extui %lt3A_8 : i1 to i32
      %cond3A_10 = arith.constant 0 : i32
      %cond3A_11 = arith.cmpi ne, %convert_element_type3A_9, %cond3A_10 : i32
      scf.if %cond3A_11 {
        "tpu.region"() ({
          %run_scoped3A = tpu.sem_alloc : memref<!tpu.dma_semaphore, #tpu.memory_space<semaphore_mem>>
          %dma_start3A = arith.constant 0 : i32
          %dma_start3A_35 = tpu.memref_slice %arg11[%multiple_of3A, %dma_start3A] : memref<10000x128xf32, #tpu.memory_space<vmem_shared>> -> memref<624x128xf32, #tpu.memory_space<vmem_shared>>
          %dma_start3A_36 = arith.constant 0 : i32
          %dma_start3A_37 = tpu.memref_slice %arg3[%multiple_of3A, %dma_start3A_36] : memref<10000x128xf32, #tpu.memory_space<hbm>> -> memref<624x128xf32, #tpu.memory_space<hbm>>
          tpu.enqueue_dma source(%dma_start3A_37 : memref<624x128xf32, #tpu.memory_space<hbm>>) target(%dma_start3A_35 : memref<624x128xf32, #tpu.memory_space<vmem_shared>>) target_semaphore(%run_scoped3A : memref<!tpu.dma_semaphore, #tpu.memory_space<semaphore_mem>>)
          %dma_wait3A = arith.constant 0 : i32
          %dma_wait3A_38 = tpu.memref_slice %arg11[%multiple_of3A, %dma_wait3A] : memref<10000x128xf32, #tpu.memory_space<vmem_shared>> -> memref<624x128xf32, #tpu.memory_space<vmem_shared>>
          %dma_wait3A_39 = arith.constant 0 : i32
          %dma_wait3A_40 = tpu.memref_slice %arg3[%multiple_of3A, %dma_wait3A_39] : memref<10000x128xf32, #tpu.memory_space<hbm>> -> memref<624x128xf32, #tpu.memory_space<hbm>>
          tpu.wait_dma2 semaphore(%run_scoped3A : memref<!tpu.dma_semaphore, #tpu.memory_space<semaphore_mem>>) src(%dma_wait3A_40 : memref<624x128xf32, #tpu.memory_space<hbm>>) dst(%dma_wait3A_38 : memref<624x128xf32, #tpu.memory_space<vmem_shared>>)
          tpu.yield
        }) : () -> ()
      } else {
      }
      %eq3A_12 = arith.constant 15 : i32
      %eq3A_13 = arith.cmpi eq, %arg1, %eq3A_12 : i32
      %convert_element_type3A_14 = arith.extui %eq3A_13 : i1 to i32
      %cond3A_15 = arith.constant 0 : i32
      %cond3A_16 = arith.cmpi ne, %convert_element_type3A_14, %cond3A_15 : i32
      scf.if %cond3A_16 {
        "tpu.region"() ({
          %run_scoped3A = tpu.sem_alloc : memref<!tpu.dma_semaphore, #tpu.memory_space<semaphore_mem>>
          %dma_start3A = arith.constant 0 : i32
          %dma_start3A_35 = tpu.memref_slice %arg11[%multiple_of3A, %dma_start3A] : memref<10000x128xf32, #tpu.memory_space<vmem_shared>> -> memref<640x128xf32, #tpu.memory_space<vmem_shared>>
          %dma_start3A_36 = arith.constant 0 : i32
          %dma_start3A_37 = tpu.memref_slice %arg3[%multiple_of3A, %dma_start3A_36] : memref<10000x128xf32, #tpu.memory_space<hbm>> -> memref<640x128xf32, #tpu.memory_space<hbm>>
          tpu.enqueue_dma source(%dma_start3A_37 : memref<640x128xf32, #tpu.memory_space<hbm>>) target(%dma_start3A_35 : memref<640x128xf32, #tpu.memory_space<vmem_shared>>) target_semaphore(%run_scoped3A : memref<!tpu.dma_semaphore, #tpu.memory_space<semaphore_mem>>)
          %dma_wait3A = arith.constant 0 : i32
          %dma_wait3A_38 = tpu.memref_slice %arg11[%multiple_of3A, %dma_wait3A] : memref<10000x128xf32, #tpu.memory_space<vmem_shared>> -> memref<640x128xf32, #tpu.memory_space<vmem_shared>>
          %dma_wait3A_39 = arith.constant 0 : i32
          %dma_wait3A_40 = tpu.memref_slice %arg3[%multiple_of3A, %dma_wait3A_39] : memref<10000x128xf32, #tpu.memory_space<hbm>> -> memref<640x128xf32, #tpu.memory_space<hbm>>
          tpu.wait_dma2 semaphore(%run_scoped3A : memref<!tpu.dma_semaphore, #tpu.memory_space<semaphore_mem>>) src(%dma_wait3A_40 : memref<640x128xf32, #tpu.memory_space<hbm>>) dst(%dma_wait3A_38 : memref<640x128xf32, #tpu.memory_space<vmem_shared>>)
          tpu.yield
        }) : () -> ()
      } else {
      }
      %barrier3A = arith.constant 0 : index
      tpu.barrier barrier_id(%barrier3A)
      %mul3A_17 = arith.constant 160 : i32
      %mul3A_18 = arith.muli %arg1, %mul3A_17 : i32
      %scan3A = arith.constant 0 : i32
      %scan3A_19 = arith.constant 0 : i32
      %scan3A_20 = arith.constant 10 : i32
      %scan3A_21 = arith.addi %scan3A_19, %scan3A_20 : i32
      %scan3A_22 = arith.constant 1 : i32
      scf.for %scan3A_35 = %scan3A_19 to %scan3A_21 step %scan3A_22  : i32 {
        %mul3A_36 = arith.constant 16 : i32
        %mul3A_37 = arith.muli %scan3A_35, %mul3A_36 : i32
        %add3A = arith.addi %mul3A_18, %mul3A_37 : i32
        %multiple_of3A_38 = tpu.assume_multiple %add3A, 8 : i32
        %lt3A_39 = arith.constant 2500 : i32
        %lt3A_40 = arith.cmpi slt, %multiple_of3A_38, %lt3A_39 : i32
        %convert_element_type3A_41 = arith.extui %lt3A_40 : i1 to i32
        %cond3A_42 = arith.constant 0 : i32
        %cond3A_43 = arith.cmpi ne, %convert_element_type3A_41, %cond3A_42 : i32
        scf.if %cond3A_43 {
          "tpu.region"() ({
            %run_scoped3A = tpu.sem_alloc : memref<!tpu.dma_semaphore, #tpu.memory_space<semaphore_mem>>
            %dma_start3A = arith.constant 0 : i32
            %dma_start3A_156 = tpu.memref_slice %arg4[%multiple_of3A_38, %dma_start3A] : memref<2592x128xi32, #tpu.memory_space<hbm>> -> memref<16x128xi32, #tpu.memory_space<hbm>>
            %dma_start3A_157 = arith.constant 0 : i32
            %dma_start3A_158 = tpu.memref_slice %arg4[%multiple_of3A_38, %dma_start3A_157] : memref<2592x128xi32, #tpu.memory_space<hbm>> -> memref<16x128xi32, #tpu.memory_space<hbm>>
            tpu.enqueue_dma source(%dma_start3A_158 : memref<16x128xi32, #tpu.memory_space<hbm>>) target(%arg9 : memref<16x128xi32, #tpu.memory_space<vmem>>) target_semaphore(%run_scoped3A : memref<!tpu.dma_semaphore, #tpu.memory_space<semaphore_mem>>)
            %dma_wait3A = arith.constant 0 : i32
            %dma_wait3A_159 = tpu.memref_slice %arg4[%multiple_of3A_38, %dma_wait3A] : memref<2592x128xi32, #tpu.memory_space<hbm>> -> memref<16x128xi32, #tpu.memory_space<hbm>>
            %dma_wait3A_160 = arith.constant 0 : i32
            %dma_wait3A_161 = tpu.memref_slice %arg4[%multiple_of3A_38, %dma_wait3A_160] : memref<2592x128xi32, #tpu.memory_space<hbm>> -> memref<16x128xi32, #tpu.memory_space<hbm>>
            tpu.wait_dma2 semaphore(%run_scoped3A : memref<!tpu.dma_semaphore, #tpu.memory_space<semaphore_mem>>) src(%dma_wait3A_161 : memref<16x128xi32, #tpu.memory_space<hbm>>) dst(%arg9 : memref<16x128xi32, #tpu.memory_space<vmem>>)
            tpu.yield
          }) : () -> ()
          "tpu.region"() ({
            %run_scoped3A = tpu.sem_alloc : memref<!tpu.dma_semaphore, #tpu.memory_space<semaphore_mem>>
            %dma_start3A = arith.constant 0 : i32
            %dma_start3A_156 = tpu.memref_slice %arg5[%multiple_of3A_38, %dma_start3A] : memref<2592x128xi32, #tpu.memory_space<hbm>> -> memref<16x128xi32, #tpu.memory_space<hbm>>
            %dma_start3A_157 = arith.constant 0 : i32
            %dma_start3A_158 = tpu.memref_slice %arg5[%multiple_of3A_38, %dma_start3A_157] : memref<2592x128xi32, #tpu.memory_space<hbm>> -> memref<16x128xi32, #tpu.memory_space<hbm>>
            tpu.enqueue_dma source(%dma_start3A_158 : memref<16x128xi32, #tpu.memory_space<hbm>>) target(%arg10 : memref<16x128xi32, #tpu.memory_space<vmem>>) target_semaphore(%run_scoped3A : memref<!tpu.dma_semaphore, #tpu.memory_space<semaphore_mem>>)
            %dma_wait3A = arith.constant 0 : i32
            %dma_wait3A_159 = tpu.memref_slice %arg5[%multiple_of3A_38, %dma_wait3A] : memref<2592x128xi32, #tpu.memory_space<hbm>> -> memref<16x128xi32, #tpu.memory_space<hbm>>
            %dma_wait3A_160 = arith.constant 0 : i32
            %dma_wait3A_161 = tpu.memref_slice %arg5[%multiple_of3A_38, %dma_wait3A_160] : memref<2592x128xi32, #tpu.memory_space<hbm>> -> memref<16x128xi32, #tpu.memory_space<hbm>>
            tpu.wait_dma2 semaphore(%run_scoped3A : memref<!tpu.dma_semaphore, #tpu.memory_space<semaphore_mem>>) src(%dma_wait3A_161 : memref<16x128xi32, #tpu.memory_space<hbm>>) dst(%arg10 : memref<16x128xi32, #tpu.memory_space<vmem>>)
            tpu.yield
          }) : () -> ()
          %add3A_44 = arith.constant 0 : i32
          %add3A_45 = arith.addi %multiple_of3A_38, %add3A_44 : i32
          %lt3A_46 = arith.constant 2500 : i32
          %lt3A_47 = arith.cmpi slt, %add3A_45, %lt3A_46 : i32
          %convert_element_type3A_48 = arith.extui %lt3A_47 : i1 to i32
          %cond3A_49 = arith.constant 0 : i32
          %cond3A_50 = arith.cmpi ne, %convert_element_type3A_48, %cond3A_49 : i32
          scf.if %cond3A_50 {
            %dma_start3A = arith.constant 0 : i32
            %dma_start3A_156 = arith.constant 0 : i32
            %dma_start3A_157 = tpu.memref_slice %arg9[%dma_start3A, %dma_start3A_156] : memref<16x128xi32, #tpu.memory_space<vmem>> -> memref<1x128xi32, #tpu.memory_space<vmem>>
            %dma_start3A_158 = tpu.memref_squeeze %dma_start3A_157 : memref<1x128xi32, #tpu.memory_space<vmem>> -> memref<128xi32, #tpu.memory_space<vmem>>
            %dma_start3A_159 = arith.constant 0 : i32
            %dma_start3A_160 = arith.constant 0 : i32
            %dma_start3A_161 = tpu.memref_slice %arg3[%dma_start3A_159, %dma_start3A_160] : memref<10000x128xf32, #tpu.memory_space<hbm>> -> memref<10000x128xf32, #tpu.memory_space<hbm>>
            tpu.enqueue_indirect_dma source(%dma_start3A_161 : memref<10000x128xf32, #tpu.memory_space<hbm>>) target(%arg8 : memref<128x128xf32, #tpu.memory_space<vmem>>) offsets(%dma_start3A_158 : memref<128xi32, #tpu.memory_space<vmem>>) semaphore(%arg12 : memref<!tpu.dma_semaphore, #tpu.memory_space<semaphore_mem>>)
            %dma_wait3A = arith.constant 0 : i32
            %dma_wait3A_162 = arith.constant 0 : i32
            %dma_wait3A_163 = tpu.memref_slice %arg9[%dma_wait3A, %dma_wait3A_162] : memref<16x128xi32, #tpu.memory_space<vmem>> -> memref<1x128xi32, #tpu.memory_space<vmem>>
            %dma_wait3A_164 = tpu.memref_squeeze %dma_wait3A_163 : memref<1x128xi32, #tpu.memory_space<vmem>> -> memref<128xi32, #tpu.memory_space<vmem>>
            %dma_wait3A_165 = arith.constant 0 : i32
            %dma_wait3A_166 = arith.constant 0 : i32
            %dma_wait3A_167 = tpu.memref_slice %arg3[%dma_wait3A_165, %dma_wait3A_166] : memref<10000x128xf32, #tpu.memory_space<hbm>> -> memref<10000x128xf32, #tpu.memory_space<hbm>>
            tpu.wait_indirect_dma semaphore(%arg12 : memref<!tpu.dma_semaphore, #tpu.memory_space<semaphore_mem>>) src(%dma_wait3A_167 : memref<10000x128xf32, #tpu.memory_space<hbm>>) dst(%arg8 : memref<128x128xf32, #tpu.memory_space<vmem>>)
            %run_scoped3A = arith.constant 0 : i32
            "tpu.region"() ({
              %run_scoped3A_168 = tpu.sem_alloc : memref<!tpu.dma_semaphore, #tpu.memory_space<semaphore_mem>>
              %dma_start3A_169 = arith.constant 0 : i32
              %dma_start3A_170 = tpu.memref_slice %arg10[%run_scoped3A, %dma_start3A_169] : memref<16x128xi32, #tpu.memory_space<vmem>> -> memref<1x128xi32, #tpu.memory_space<vmem>>
              %dma_start3A_171 = tpu.memref_squeeze %dma_start3A_170 : memref<1x128xi32, #tpu.memory_space<vmem>> -> memref<128xi32, #tpu.memory_space<vmem>>
              %dma_start3A_172 = arith.constant 0 : i32
              %dma_start3A_173 = arith.constant 0 : i32
              %dma_start3A_174 = tpu.memref_slice %arg11[%dma_start3A_172, %dma_start3A_173] : memref<10000x128xf32, #tpu.memory_space<vmem_shared>> -> memref<10000x128xf32, #tpu.memory_space<vmem_shared>>
              tpu.enqueue_indirect_dma source(%arg8 : memref<128x128xf32, #tpu.memory_space<vmem>>) target(%dma_start3A_174 : memref<10000x128xf32, #tpu.memory_space<vmem_shared>>) offsets(%dma_start3A_171 : memref<128xi32, #tpu.memory_space<vmem>>) semaphore(%run_scoped3A_168 : memref<!tpu.dma_semaphore, #tpu.memory_space<semaphore_mem>>) {add = true}
              %dma_wait3A_175 = arith.constant 0 : i32
              %dma_wait3A_176 = tpu.memref_slice %arg10[%run_scoped3A, %dma_wait3A_175] : memref<16x128xi32, #tpu.memory_space<vmem>> -> memref<1x128xi32, #tpu.memory_space<vmem>>
              %dma_wait3A_177 = tpu.memref_squeeze %dma_wait3A_176 : memref<1x128xi32, #tpu.memory_space<vmem>> -> memref<128xi32, #tpu.memory_space<vmem>>
              %dma_wait3A_178 = arith.constant 0 : i32
              %dma_wait3A_179 = arith.constant 0 : i32
              %dma_wait3A_180 = tpu.memref_slice %arg11[%dma_wait3A_178, %dma_wait3A_179] : memref<10000x128xf32, #tpu.memory_space<vmem_shared>> -> memref<10000x128xf32, #tpu.memory_space<vmem_shared>>
              tpu.wait_indirect_dma semaphore(%run_scoped3A_168 : memref<!tpu.dma_semaphore, #tpu.memory_space<semaphore_mem>>) src(%arg8 : memref<128x128xf32, #tpu.memory_space<vmem>>) dst(%dma_wait3A_180 : memref<10000x128xf32, #tpu.memory_space<vmem_shared>>)
              tpu.yield
            }) : () -> ()
          } else {
          }
          %add3A_51 = arith.constant 1 : i32
          %add3A_52 = arith.addi %multiple_of3A_38, %add3A_51 : i32
          %lt3A_53 = arith.constant 2500 : i32
          %lt3A_54 = arith.cmpi slt, %add3A_52, %lt3A_53 : i32
          %convert_element_type3A_55 = arith.extui %lt3A_54 : i1 to i32
          %cond3A_56 = arith.constant 0 : i32
          %cond3A_57 = arith.cmpi ne, %convert_element_type3A_55, %cond3A_56 : i32
          scf.if %cond3A_57 {
            %dma_start3A = arith.constant 1 : i32
            %dma_start3A_156 = arith.constant 0 : i32
            %dma_start3A_157 = tpu.memref_slice %arg9[%dma_start3A, %dma_start3A_156] : memref<16x128xi32, #tpu.memory_space<vmem>> -> memref<1x128xi32, #tpu.memory_space<vmem>>
            %dma_start3A_158 = tpu.memref_squeeze %dma_start3A_157 : memref<1x128xi32, #tpu.memory_space<vmem>> -> memref<128xi32, #tpu.memory_space<vmem>>
            %dma_start3A_159 = arith.constant 0 : i32
            %dma_start3A_160 = arith.constant 0 : i32
            %dma_start3A_161 = tpu.memref_slice %arg3[%dma_start3A_159, %dma_start3A_160] : memref<10000x128xf32, #tpu.memory_space<hbm>> -> memref<10000x128xf32, #tpu.memory_space<hbm>>
            tpu.enqueue_indirect_dma source(%dma_start3A_161 : memref<10000x128xf32, #tpu.memory_space<hbm>>) target(%arg8 : memref<128x128xf32, #tpu.memory_space<vmem>>) offsets(%dma_start3A_158 : memref<128xi32, #tpu.memory_space<vmem>>) semaphore(%arg12 : memref<!tpu.dma_semaphore, #tpu.memory_space<semaphore_mem>>)
            %dma_wait3A = arith.constant 1 : i32
            %dma_wait3A_162 = arith.constant 0 : i32
            %dma_wait3A_163 = tpu.memref_slice %arg9[%dma_wait3A, %dma_wait3A_162] : memref<16x128xi32, #tpu.memory_space<vmem>> -> memref<1x128xi32, #tpu.memory_space<vmem>>
            %dma_wait3A_164 = tpu.memref_squeeze %dma_wait3A_163 : memref<1x128xi32, #tpu.memory_space<vmem>> -> memref<128xi32, #tpu.memory_space<vmem>>
            %dma_wait3A_165 = arith.constant 0 : i32
            %dma_wait3A_166 = arith.constant 0 : i32
            %dma_wait3A_167 = tpu.memref_slice %arg3[%dma_wait3A_165, %dma_wait3A_166] : memref<10000x128xf32, #tpu.memory_space<hbm>> -> memref<10000x128xf32, #tpu.memory_space<hbm>>
            tpu.wait_indirect_dma semaphore(%arg12 : memref<!tpu.dma_semaphore, #tpu.memory_space<semaphore_mem>>) src(%dma_wait3A_167 : memref<10000x128xf32, #tpu.memory_space<hbm>>) dst(%arg8 : memref<128x128xf32, #tpu.memory_space<vmem>>)
            %run_scoped3A = arith.constant 1 : i32
            "tpu.region"() ({
              %run_scoped3A_168 = tpu.sem_alloc : memref<!tpu.dma_semaphore, #tpu.memory_space<semaphore_mem>>
              %dma_start3A_169 = arith.constant 0 : i32
              %dma_start3A_170 = tpu.memref_slice %arg10[%run_scoped3A, %dma_start3A_169] : memref<16x128xi32, #tpu.memory_space<vmem>> -> memref<1x128xi32, #tpu.memory_space<vmem>>
              %dma_start3A_171 = tpu.memref_squeeze %dma_start3A_170 : memref<1x128xi32, #tpu.memory_space<vmem>> -> memref<128xi32, #tpu.memory_space<vmem>>
              %dma_start3A_172 = arith.constant 0 : i32
              %dma_start3A_173 = arith.constant 0 : i32
              %dma_start3A_174 = tpu.memref_slice %arg11[%dma_start3A_172, %dma_start3A_173] : memref<10000x128xf32, #tpu.memory_space<vmem_shared>> -> memref<10000x128xf32, #tpu.memory_space<vmem_shared>>
              tpu.enqueue_indirect_dma source(%arg8 : memref<128x128xf32, #tpu.memory_space<vmem>>) target(%dma_start3A_174 : memref<10000x128xf32, #tpu.memory_space<vmem_shared>>) offsets(%dma_start3A_171 : memref<128xi32, #tpu.memory_space<vmem>>) semaphore(%run_scoped3A_168 : memref<!tpu.dma_semaphore, #tpu.memory_space<semaphore_mem>>) {add = true}
              %dma_wait3A_175 = arith.constant 0 : i32
              %dma_wait3A_176 = tpu.memref_slice %arg10[%run_scoped3A, %dma_wait3A_175] : memref<16x128xi32, #tpu.memory_space<vmem>> -> memref<1x128xi32, #tpu.memory_space<vmem>>
              %dma_wait3A_177 = tpu.memref_squeeze %dma_wait3A_176 : memref<1x128xi32, #tpu.memory_space<vmem>> -> memref<128xi32, #tpu.memory_space<vmem>>
              %dma_wait3A_178 = arith.constant 0 : i32
              %dma_wait3A_179 = arith.constant 0 : i32
              %dma_wait3A_180 = tpu.memref_slice %arg11[%dma_wait3A_178, %dma_wait3A_179] : memref<10000x128xf32, #tpu.memory_space<vmem_shared>> -> memref<10000x128xf32, #tpu.memory_space<vmem_shared>>
              tpu.wait_indirect_dma semaphore(%run_scoped3A_168 : memref<!tpu.dma_semaphore, #tpu.memory_space<semaphore_mem>>) src(%arg8 : memref<128x128xf32, #tpu.memory_space<vmem>>) dst(%dma_wait3A_180 : memref<10000x128xf32, #tpu.memory_space<vmem_shared>>)
              tpu.yield
            }) : () -> ()
          } else {
          }
          %add3A_58 = arith.constant 2 : i32
          %add3A_59 = arith.addi %multiple_of3A_38, %add3A_58 : i32
          %lt3A_60 = arith.constant 2500 : i32
          %lt3A_61 = arith.cmpi slt, %add3A_59, %lt3A_60 : i32
          %convert_element_type3A_62 = arith.extui %lt3A_61 : i1 to i32
          %cond3A_63 = arith.constant 0 : i32
          %cond3A_64 = arith.cmpi ne, %convert_element_type3A_62, %cond3A_63 : i32
          scf.if %cond3A_64 {
            %dma_start3A = arith.constant 2 : i32
            %dma_start3A_156 = arith.constant 0 : i32
            %dma_start3A_157 = tpu.memref_slice %arg9[%dma_start3A, %dma_start3A_156] : memref<16x128xi32, #tpu.memory_space<vmem>> -> memref<1x128xi32, #tpu.memory_space<vmem>>
            %dma_start3A_158 = tpu.memref_squeeze %dma_start3A_157 : memref<1x128xi32, #tpu.memory_space<vmem>> -> memref<128xi32, #tpu.memory_space<vmem>>
            %dma_start3A_159 = arith.constant 0 : i32
            %dma_start3A_160 = arith.constant 0 : i32
            %dma_start3A_161 = tpu.memref_slice %arg3[%dma_start3A_159, %dma_start3A_160] : memref<10000x128xf32, #tpu.memory_space<hbm>> -> memref<10000x128xf32, #tpu.memory_space<hbm>>
            tpu.enqueue_indirect_dma source(%dma_start3A_161 : memref<10000x128xf32, #tpu.memory_space<hbm>>) target(%arg8 : memref<128x128xf32, #tpu.memory_space<vmem>>) offsets(%dma_start3A_158 : memref<128xi32, #tpu.memory_space<vmem>>) semaphore(%arg12 : memref<!tpu.dma_semaphore, #tpu.memory_space<semaphore_mem>>)
            %dma_wait3A = arith.constant 2 : i32
            %dma_wait3A_162 = arith.constant 0 : i32
            %dma_wait3A_163 = tpu.memref_slice %arg9[%dma_wait3A, %dma_wait3A_162] : memref<16x128xi32, #tpu.memory_space<vmem>> -> memref<1x128xi32, #tpu.memory_space<vmem>>
            %dma_wait3A_164 = tpu.memref_squeeze %dma_wait3A_163 : memref<1x128xi32, #tpu.memory_space<vmem>> -> memref<128xi32, #tpu.memory_space<vmem>>
            %dma_wait3A_165 = arith.constant 0 : i32
            %dma_wait3A_166 = arith.constant 0 : i32
            %dma_wait3A_167 = tpu.memref_slice %arg3[%dma_wait3A_165, %dma_wait3A_166] : memref<10000x128xf32, #tpu.memory_space<hbm>> -> memref<10000x128xf32, #tpu.memory_space<hbm>>
            tpu.wait_indirect_dma semaphore(%arg12 : memref<!tpu.dma_semaphore, #tpu.memory_space<semaphore_mem>>) src(%dma_wait3A_167 : memref<10000x128xf32, #tpu.memory_space<hbm>>) dst(%arg8 : memref<128x128xf32, #tpu.memory_space<vmem>>)
            %run_scoped3A = arith.constant 2 : i32
            "tpu.region"() ({
              %run_scoped3A_168 = tpu.sem_alloc : memref<!tpu.dma_semaphore, #tpu.memory_space<semaphore_mem>>
              %dma_start3A_169 = arith.constant 0 : i32
              %dma_start3A_170 = tpu.memref_slice %arg10[%run_scoped3A, %dma_start3A_169] : memref<16x128xi32, #tpu.memory_space<vmem>> -> memref<1x128xi32, #tpu.memory_space<vmem>>
              %dma_start3A_171 = tpu.memref_squeeze %dma_start3A_170 : memref<1x128xi32, #tpu.memory_space<vmem>> -> memref<128xi32, #tpu.memory_space<vmem>>
              %dma_start3A_172 = arith.constant 0 : i32
              %dma_start3A_173 = arith.constant 0 : i32
              %dma_start3A_174 = tpu.memref_slice %arg11[%dma_start3A_172, %dma_start3A_173] : memref<10000x128xf32, #tpu.memory_space<vmem_shared>> -> memref<10000x128xf32, #tpu.memory_space<vmem_shared>>
              tpu.enqueue_indirect_dma source(%arg8 : memref<128x128xf32, #tpu.memory_space<vmem>>) target(%dma_start3A_174 : memref<10000x128xf32, #tpu.memory_space<vmem_shared>>) offsets(%dma_start3A_171 : memref<128xi32, #tpu.memory_space<vmem>>) semaphore(%run_scoped3A_168 : memref<!tpu.dma_semaphore, #tpu.memory_space<semaphore_mem>>) {add = true}
              %dma_wait3A_175 = arith.constant 0 : i32
              %dma_wait3A_176 = tpu.memref_slice %arg10[%run_scoped3A, %dma_wait3A_175] : memref<16x128xi32, #tpu.memory_space<vmem>> -> memref<1x128xi32, #tpu.memory_space<vmem>>
              %dma_wait3A_177 = tpu.memref_squeeze %dma_wait3A_176 : memref<1x128xi32, #tpu.memory_space<vmem>> -> memref<128xi32, #tpu.memory_space<vmem>>
              %dma_wait3A_178 = arith.constant 0 : i32
              %dma_wait3A_179 = arith.constant 0 : i32
              %dma_wait3A_180 = tpu.memref_slice %arg11[%dma_wait3A_178, %dma_wait3A_179] : memref<10000x128xf32, #tpu.memory_space<vmem_shared>> -> memref<10000x128xf32, #tpu.memory_space<vmem_shared>>
              tpu.wait_indirect_dma semaphore(%run_scoped3A_168 : memref<!tpu.dma_semaphore, #tpu.memory_space<semaphore_mem>>) src(%arg8 : memref<128x128xf32, #tpu.memory_space<vmem>>) dst(%dma_wait3A_180 : memref<10000x128xf32, #tpu.memory_space<vmem_shared>>)
              tpu.yield
            }) : () -> ()
          } else {
          }
          %add3A_65 = arith.constant 3 : i32
          %add3A_66 = arith.addi %multiple_of3A_38, %add3A_65 : i32
          %lt3A_67 = arith.constant 2500 : i32
          %lt3A_68 = arith.cmpi slt, %add3A_66, %lt3A_67 : i32
          %convert_element_type3A_69 = arith.extui %lt3A_68 : i1 to i32
          %cond3A_70 = arith.constant 0 : i32
          %cond3A_71 = arith.cmpi ne, %convert_element_type3A_69, %cond3A_70 : i32
          scf.if %cond3A_71 {
            %dma_start3A = arith.constant 3 : i32
            %dma_start3A_156 = arith.constant 0 : i32
            %dma_start3A_157 = tpu.memref_slice %arg9[%dma_start3A, %dma_start3A_156] : memref<16x128xi32, #tpu.memory_space<vmem>> -> memref<1x128xi32, #tpu.memory_space<vmem>>
            %dma_start3A_158 = tpu.memref_squeeze %dma_start3A_157 : memref<1x128xi32, #tpu.memory_space<vmem>> -> memref<128xi32, #tpu.memory_space<vmem>>
            %dma_start3A_159 = arith.constant 0 : i32
            %dma_start3A_160 = arith.constant 0 : i32
            %dma_start3A_161 = tpu.memref_slice %arg3[%dma_start3A_159, %dma_start3A_160] : memref<10000x128xf32, #tpu.memory_space<hbm>> -> memref<10000x128xf32, #tpu.memory_space<hbm>>
            tpu.enqueue_indirect_dma source(%dma_start3A_161 : memref<10000x128xf32, #tpu.memory_space<hbm>>) target(%arg8 : memref<128x128xf32, #tpu.memory_space<vmem>>) offsets(%dma_start3A_158 : memref<128xi32, #tpu.memory_space<vmem>>) semaphore(%arg12 : memref<!tpu.dma_semaphore, #tpu.memory_space<semaphore_mem>>)
            %dma_wait3A = arith.constant 3 : i32
            %dma_wait3A_162 = arith.constant 0 : i32
            %dma_wait3A_163 = tpu.memref_slice %arg9[%dma_wait3A, %dma_wait3A_162] : memref<16x128xi32, #tpu.memory_space<vmem>> -> memref<1x128xi32, #tpu.memory_space<vmem>>
            %dma_wait3A_164 = tpu.memref_squeeze %dma_wait3A_163 : memref<1x128xi32, #tpu.memory_space<vmem>> -> memref<128xi32, #tpu.memory_space<vmem>>
            %dma_wait3A_165 = arith.constant 0 : i32
            %dma_wait3A_166 = arith.constant 0 : i32
            %dma_wait3A_167 = tpu.memref_slice %arg3[%dma_wait3A_165, %dma_wait3A_166] : memref<10000x128xf32, #tpu.memory_space<hbm>> -> memref<10000x128xf32, #tpu.memory_space<hbm>>
            tpu.wait_indirect_dma semaphore(%arg12 : memref<!tpu.dma_semaphore, #tpu.memory_space<semaphore_mem>>) src(%dma_wait3A_167 : memref<10000x128xf32, #tpu.memory_space<hbm>>) dst(%arg8 : memref<128x128xf32, #tpu.memory_space<vmem>>)
            %run_scoped3A = arith.constant 3 : i32
            "tpu.region"() ({
              %run_scoped3A_168 = tpu.sem_alloc : memref<!tpu.dma_semaphore, #tpu.memory_space<semaphore_mem>>
              %dma_start3A_169 = arith.constant 0 : i32
              %dma_start3A_170 = tpu.memref_slice %arg10[%run_scoped3A, %dma_start3A_169] : memref<16x128xi32, #tpu.memory_space<vmem>> -> memref<1x128xi32, #tpu.memory_space<vmem>>
              %dma_start3A_171 = tpu.memref_squeeze %dma_start3A_170 : memref<1x128xi32, #tpu.memory_space<vmem>> -> memref<128xi32, #tpu.memory_space<vmem>>
              %dma_start3A_172 = arith.constant 0 : i32
              %dma_start3A_173 = arith.constant 0 : i32
              %dma_start3A_174 = tpu.memref_slice %arg11[%dma_start3A_172, %dma_start3A_173] : memref<10000x128xf32, #tpu.memory_space<vmem_shared>> -> memref<10000x128xf32, #tpu.memory_space<vmem_shared>>
              tpu.enqueue_indirect_dma source(%arg8 : memref<128x128xf32, #tpu.memory_space<vmem>>) target(%dma_start3A_174 : memref<10000x128xf32, #tpu.memory_space<vmem_shared>>) offsets(%dma_start3A_171 : memref<128xi32, #tpu.memory_space<vmem>>) semaphore(%run_scoped3A_168 : memref<!tpu.dma_semaphore, #tpu.memory_space<semaphore_mem>>) {add = true}
              %dma_wait3A_175 = arith.constant 0 : i32
              %dma_wait3A_176 = tpu.memref_slice %arg10[%run_scoped3A, %dma_wait3A_175] : memref<16x128xi32, #tpu.memory_space<vmem>> -> memref<1x128xi32, #tpu.memory_space<vmem>>
              %dma_wait3A_177 = tpu.memref_squeeze %dma_wait3A_176 : memref<1x128xi32, #tpu.memory_space<vmem>> -> memref<128xi32, #tpu.memory_space<vmem>>
              %dma_wait3A_178 = arith.constant 0 : i32
              %dma_wait3A_179 = arith.constant 0 : i32
              %dma_wait3A_180 = tpu.memref_slice %arg11[%dma_wait3A_178, %dma_wait3A_179] : memref<10000x128xf32, #tpu.memory_space<vmem_shared>> -> memref<10000x128xf32, #tpu.memory_space<vmem_shared>>
              tpu.wait_indirect_dma semaphore(%run_scoped3A_168 : memref<!tpu.dma_semaphore, #tpu.memory_space<semaphore_mem>>) src(%arg8 : memref<128x128xf32, #tpu.memory_space<vmem>>) dst(%dma_wait3A_180 : memref<10000x128xf32, #tpu.memory_space<vmem_shared>>)
              tpu.yield
            }) : () -> ()
          } else {
          }
          %add3A_72 = arith.constant 4 : i32
          %add3A_73 = arith.addi %multiple_of3A_38, %add3A_72 : i32
          %lt3A_74 = arith.constant 2500 : i32
          %lt3A_75 = arith.cmpi slt, %add3A_73, %lt3A_74 : i32
          %convert_element_type3A_76 = arith.extui %lt3A_75 : i1 to i32
          %cond3A_77 = arith.constant 0 : i32
          %cond3A_78 = arith.cmpi ne, %convert_element_type3A_76, %cond3A_77 : i32
          scf.if %cond3A_78 {
            %dma_start3A = arith.constant 4 : i32
            %dma_start3A_156 = arith.constant 0 : i32
            %dma_start3A_157 = tpu.memref_slice %arg9[%dma_start3A, %dma_start3A_156] : memref<16x128xi32, #tpu.memory_space<vmem>> -> memref<1x128xi32, #tpu.memory_space<vmem>>
            %dma_start3A_158 = tpu.memref_squeeze %dma_start3A_157 : memref<1x128xi32, #tpu.memory_space<vmem>> -> memref<128xi32, #tpu.memory_space<vmem>>
            %dma_start3A_159 = arith.constant 0 : i32
            %dma_start3A_160 = arith.constant 0 : i32
            %dma_start3A_161 = tpu.memref_slice %arg3[%dma_start3A_159, %dma_start3A_160] : memref<10000x128xf32, #tpu.memory_space<hbm>> -> memref<10000x128xf32, #tpu.memory_space<hbm>>
            tpu.enqueue_indirect_dma source(%dma_start3A_161 : memref<10000x128xf32, #tpu.memory_space<hbm>>) target(%arg8 : memref<128x128xf32, #tpu.memory_space<vmem>>) offsets(%dma_start3A_158 : memref<128xi32, #tpu.memory_space<vmem>>) semaphore(%arg12 : memref<!tpu.dma_semaphore, #tpu.memory_space<semaphore_mem>>)
            %dma_wait3A = arith.constant 4 : i32
            %dma_wait3A_162 = arith.constant 0 : i32
            %dma_wait3A_163 = tpu.memref_slice %arg9[%dma_wait3A, %dma_wait3A_162] : memref<16x128xi32, #tpu.memory_space<vmem>> -> memref<1x128xi32, #tpu.memory_space<vmem>>
            %dma_wait3A_164 = tpu.memref_squeeze %dma_wait3A_163 : memref<1x128xi32, #tpu.memory_space<vmem>> -> memref<128xi32, #tpu.memory_space<vmem>>
            %dma_wait3A_165 = arith.constant 0 : i32
            %dma_wait3A_166 = arith.constant 0 : i32
            %dma_wait3A_167 = tpu.memref_slice %arg3[%dma_wait3A_165, %dma_wait3A_166] : memref<10000x128xf32, #tpu.memory_space<hbm>> -> memref<10000x128xf32, #tpu.memory_space<hbm>>
            tpu.wait_indirect_dma semaphore(%arg12 : memref<!tpu.dma_semaphore, #tpu.memory_space<semaphore_mem>>) src(%dma_wait3A_167 : memref<10000x128xf32, #tpu.memory_space<hbm>>) dst(%arg8 : memref<128x128xf32, #tpu.memory_space<vmem>>)
            %run_scoped3A = arith.constant 4 : i32
            "tpu.region"() ({
              %run_scoped3A_168 = tpu.sem_alloc : memref<!tpu.dma_semaphore, #tpu.memory_space<semaphore_mem>>
              %dma_start3A_169 = arith.constant 0 : i32
              %dma_start3A_170 = tpu.memref_slice %arg10[%run_scoped3A, %dma_start3A_169] : memref<16x128xi32, #tpu.memory_space<vmem>> -> memref<1x128xi32, #tpu.memory_space<vmem>>
              %dma_start3A_171 = tpu.memref_squeeze %dma_start3A_170 : memref<1x128xi32, #tpu.memory_space<vmem>> -> memref<128xi32, #tpu.memory_space<vmem>>
              %dma_start3A_172 = arith.constant 0 : i32
              %dma_start3A_173 = arith.constant 0 : i32
              %dma_start3A_174 = tpu.memref_slice %arg11[%dma_start3A_172, %dma_start3A_173] : memref<10000x128xf32, #tpu.memory_space<vmem_shared>> -> memref<10000x128xf32, #tpu.memory_space<vmem_shared>>
              tpu.enqueue_indirect_dma source(%arg8 : memref<128x128xf32, #tpu.memory_space<vmem>>) target(%dma_start3A_174 : memref<10000x128xf32, #tpu.memory_space<vmem_shared>>) offsets(%dma_start3A_171 : memref<128xi32, #tpu.memory_space<vmem>>) semaphore(%run_scoped3A_168 : memref<!tpu.dma_semaphore, #tpu.memory_space<semaphore_mem>>) {add = true}
              %dma_wait3A_175 = arith.constant 0 : i32
              %dma_wait3A_176 = tpu.memref_slice %arg10[%run_scoped3A, %dma_wait3A_175] : memref<16x128xi32, #tpu.memory_space<vmem>> -> memref<1x128xi32, #tpu.memory_space<vmem>>
              %dma_wait3A_177 = tpu.memref_squeeze %dma_wait3A_176 : memref<1x128xi32, #tpu.memory_space<vmem>> -> memref<128xi32, #tpu.memory_space<vmem>>
              %dma_wait3A_178 = arith.constant 0 : i32
              %dma_wait3A_179 = arith.constant 0 : i32
              %dma_wait3A_180 = tpu.memref_slice %arg11[%dma_wait3A_178, %dma_wait3A_179] : memref<10000x128xf32, #tpu.memory_space<vmem_shared>> -> memref<10000x128xf32, #tpu.memory_space<vmem_shared>>
              tpu.wait_indirect_dma semaphore(%run_scoped3A_168 : memref<!tpu.dma_semaphore, #tpu.memory_space<semaphore_mem>>) src(%arg8 : memref<128x128xf32, #tpu.memory_space<vmem>>) dst(%dma_wait3A_180 : memref<10000x128xf32, #tpu.memory_space<vmem_shared>>)
              tpu.yield
            }) : () -> ()
          } else {
          }
          %add3A_79 = arith.constant 5 : i32
          %add3A_80 = arith.addi %multiple_of3A_38, %add3A_79 : i32
          %lt3A_81 = arith.constant 2500 : i32
          %lt3A_82 = arith.cmpi slt, %add3A_80, %lt3A_81 : i32
          %convert_element_type3A_83 = arith.extui %lt3A_82 : i1 to i32
          %cond3A_84 = arith.constant 0 : i32
          %cond3A_85 = arith.cmpi ne, %convert_element_type3A_83, %cond3A_84 : i32
          scf.if %cond3A_85 {
            %dma_start3A = arith.constant 5 : i32
            %dma_start3A_156 = arith.constant 0 : i32
            %dma_start3A_157 = tpu.memref_slice %arg9[%dma_start3A, %dma_start3A_156] : memref<16x128xi32, #tpu.memory_space<vmem>> -> memref<1x128xi32, #tpu.memory_space<vmem>>
            %dma_start3A_158 = tpu.memref_squeeze %dma_start3A_157 : memref<1x128xi32, #tpu.memory_space<vmem>> -> memref<128xi32, #tpu.memory_space<vmem>>
            %dma_start3A_159 = arith.constant 0 : i32
            %dma_start3A_160 = arith.constant 0 : i32
            %dma_start3A_161 = tpu.memref_slice %arg3[%dma_start3A_159, %dma_start3A_160] : memref<10000x128xf32, #tpu.memory_space<hbm>> -> memref<10000x128xf32, #tpu.memory_space<hbm>>
            tpu.enqueue_indirect_dma source(%dma_start3A_161 : memref<10000x128xf32, #tpu.memory_space<hbm>>) target(%arg8 : memref<128x128xf32, #tpu.memory_space<vmem>>) offsets(%dma_start3A_158 : memref<128xi32, #tpu.memory_space<vmem>>) semaphore(%arg12 : memref<!tpu.dma_semaphore, #tpu.memory_space<semaphore_mem>>)
            %dma_wait3A = arith.constant 5 : i32
            %dma_wait3A_162 = arith.constant 0 : i32
            %dma_wait3A_163 = tpu.memref_slice %arg9[%dma_wait3A, %dma_wait3A_162] : memref<16x128xi32, #tpu.memory_space<vmem>> -> memref<1x128xi32, #tpu.memory_space<vmem>>
            %dma_wait3A_164 = tpu.memref_squeeze %dma_wait3A_163 : memref<1x128xi32, #tpu.memory_space<vmem>> -> memref<128xi32, #tpu.memory_space<vmem>>
            %dma_wait3A_165 = arith.constant 0 : i32
            %dma_wait3A_166 = arith.constant 0 : i32
            %dma_wait3A_167 = tpu.memref_slice %arg3[%dma_wait3A_165, %dma_wait3A_166] : memref<10000x128xf32, #tpu.memory_space<hbm>> -> memref<10000x128xf32, #tpu.memory_space<hbm>>
            tpu.wait_indirect_dma semaphore(%arg12 : memref<!tpu.dma_semaphore, #tpu.memory_space<semaphore_mem>>) src(%dma_wait3A_167 : memref<10000x128xf32, #tpu.memory_space<hbm>>) dst(%arg8 : memref<128x128xf32, #tpu.memory_space<vmem>>)
            %run_scoped3A = arith.constant 5 : i32
            "tpu.region"() ({
              %run_scoped3A_168 = tpu.sem_alloc : memref<!tpu.dma_semaphore, #tpu.memory_space<semaphore_mem>>
              %dma_start3A_169 = arith.constant 0 : i32
              %dma_start3A_170 = tpu.memref_slice %arg10[%run_scoped3A, %dma_start3A_169] : memref<16x128xi32, #tpu.memory_space<vmem>> -> memref<1x128xi32, #tpu.memory_space<vmem>>
              %dma_start3A_171 = tpu.memref_squeeze %dma_start3A_170 : memref<1x128xi32, #tpu.memory_space<vmem>> -> memref<128xi32, #tpu.memory_space<vmem>>
              %dma_start3A_172 = arith.constant 0 : i32
              %dma_start3A_173 = arith.constant 0 : i32
              %dma_start3A_174 = tpu.memref_slice %arg11[%dma_start3A_172, %dma_start3A_173] : memref<10000x128xf32, #tpu.memory_space<vmem_shared>> -> memref<10000x128xf32, #tpu.memory_space<vmem_shared>>
              tpu.enqueue_indirect_dma source(%arg8 : memref<128x128xf32, #tpu.memory_space<vmem>>) target(%dma_start3A_174 : memref<10000x128xf32, #tpu.memory_space<vmem_shared>>) offsets(%dma_start3A_171 : memref<128xi32, #tpu.memory_space<vmem>>) semaphore(%run_scoped3A_168 : memref<!tpu.dma_semaphore, #tpu.memory_space<semaphore_mem>>) {add = true}
              %dma_wait3A_175 = arith.constant 0 : i32
              %dma_wait3A_176 = tpu.memref_slice %arg10[%run_scoped3A, %dma_wait3A_175] : memref<16x128xi32, #tpu.memory_space<vmem>> -> memref<1x128xi32, #tpu.memory_space<vmem>>
              %dma_wait3A_177 = tpu.memref_squeeze %dma_wait3A_176 : memref<1x128xi32, #tpu.memory_space<vmem>> -> memref<128xi32, #tpu.memory_space<vmem>>
              %dma_wait3A_178 = arith.constant 0 : i32
              %dma_wait3A_179 = arith.constant 0 : i32
              %dma_wait3A_180 = tpu.memref_slice %arg11[%dma_wait3A_178, %dma_wait3A_179] : memref<10000x128xf32, #tpu.memory_space<vmem_shared>> -> memref<10000x128xf32, #tpu.memory_space<vmem_shared>>
              tpu.wait_indirect_dma semaphore(%run_scoped3A_168 : memref<!tpu.dma_semaphore, #tpu.memory_space<semaphore_mem>>) src(%arg8 : memref<128x128xf32, #tpu.memory_space<vmem>>) dst(%dma_wait3A_180 : memref<10000x128xf32, #tpu.memory_space<vmem_shared>>)
              tpu.yield
            }) : () -> ()
          } else {
          }
          %add3A_86 = arith.constant 6 : i32
          %add3A_87 = arith.addi %multiple_of3A_38, %add3A_86 : i32
          %lt3A_88 = arith.constant 2500 : i32
          %lt3A_89 = arith.cmpi slt, %add3A_87, %lt3A_88 : i32
          %convert_element_type3A_90 = arith.extui %lt3A_89 : i1 to i32
          %cond3A_91 = arith.constant 0 : i32
          %cond3A_92 = arith.cmpi ne, %convert_element_type3A_90, %cond3A_91 : i32
          scf.if %cond3A_92 {
            %dma_start3A = arith.constant 6 : i32
            %dma_start3A_156 = arith.constant 0 : i32
            %dma_start3A_157 = tpu.memref_slice %arg9[%dma_start3A, %dma_start3A_156] : memref<16x128xi32, #tpu.memory_space<vmem>> -> memref<1x128xi32, #tpu.memory_space<vmem>>
            %dma_start3A_158 = tpu.memref_squeeze %dma_start3A_157 : memref<1x128xi32, #tpu.memory_space<vmem>> -> memref<128xi32, #tpu.memory_space<vmem>>
            %dma_start3A_159 = arith.constant 0 : i32
            %dma_start3A_160 = arith.constant 0 : i32
            %dma_start3A_161 = tpu.memref_slice %arg3[%dma_start3A_159, %dma_start3A_160] : memref<10000x128xf32, #tpu.memory_space<hbm>> -> memref<10000x128xf32, #tpu.memory_space<hbm>>
            tpu.enqueue_indirect_dma source(%dma_start3A_161 : memref<10000x128xf32, #tpu.memory_space<hbm>>) target(%arg8 : memref<128x128xf32, #tpu.memory_space<vmem>>) offsets(%dma_start3A_158 : memref<128xi32, #tpu.memory_space<vmem>>) semaphore(%arg12 : memref<!tpu.dma_semaphore, #tpu.memory_space<semaphore_mem>>)
            %dma_wait3A = arith.constant 6 : i32
            %dma_wait3A_162 = arith.constant 0 : i32
            %dma_wait3A_163 = tpu.memref_slice %arg9[%dma_wait3A, %dma_wait3A_162] : memref<16x128xi32, #tpu.memory_space<vmem>> -> memref<1x128xi32, #tpu.memory_space<vmem>>
            %dma_wait3A_164 = tpu.memref_squeeze %dma_wait3A_163 : memref<1x128xi32, #tpu.memory_space<vmem>> -> memref<128xi32, #tpu.memory_space<vmem>>
            %dma_wait3A_165 = arith.constant 0 : i32
            %dma_wait3A_166 = arith.constant 0 : i32
            %dma_wait3A_167 = tpu.memref_slice %arg3[%dma_wait3A_165, %dma_wait3A_166] : memref<10000x128xf32, #tpu.memory_space<hbm>> -> memref<10000x128xf32, #tpu.memory_space<hbm>>
            tpu.wait_indirect_dma semaphore(%arg12 : memref<!tpu.dma_semaphore, #tpu.memory_space<semaphore_mem>>) src(%dma_wait3A_167 : memref<10000x128xf32, #tpu.memory_space<hbm>>) dst(%arg8 : memref<128x128xf32, #tpu.memory_space<vmem>>)
            %run_scoped3A = arith.constant 6 : i32
            "tpu.region"() ({
              %run_scoped3A_168 = tpu.sem_alloc : memref<!tpu.dma_semaphore, #tpu.memory_space<semaphore_mem>>
              %dma_start3A_169 = arith.constant 0 : i32
              %dma_start3A_170 = tpu.memref_slice %arg10[%run_scoped3A, %dma_start3A_169] : memref<16x128xi32, #tpu.memory_space<vmem>> -> memref<1x128xi32, #tpu.memory_space<vmem>>
              %dma_start3A_171 = tpu.memref_squeeze %dma_start3A_170 : memref<1x128xi32, #tpu.memory_space<vmem>> -> memref<128xi32, #tpu.memory_space<vmem>>
              %dma_start3A_172 = arith.constant 0 : i32
              %dma_start3A_173 = arith.constant 0 : i32
              %dma_start3A_174 = tpu.memref_slice %arg11[%dma_start3A_172, %dma_start3A_173] : memref<10000x128xf32, #tpu.memory_space<vmem_shared>> -> memref<10000x128xf32, #tpu.memory_space<vmem_shared>>
              tpu.enqueue_indirect_dma source(%arg8 : memref<128x128xf32, #tpu.memory_space<vmem>>) target(%dma_start3A_174 : memref<10000x128xf32, #tpu.memory_space<vmem_shared>>) offsets(%dma_start3A_171 : memref<128xi32, #tpu.memory_space<vmem>>) semaphore(%run_scoped3A_168 : memref<!tpu.dma_semaphore, #tpu.memory_space<semaphore_mem>>) {add = true}
              %dma_wait3A_175 = arith.constant 0 : i32
              %dma_wait3A_176 = tpu.memref_slice %arg10[%run_scoped3A, %dma_wait3A_175] : memref<16x128xi32, #tpu.memory_space<vmem>> -> memref<1x128xi32, #tpu.memory_space<vmem>>
              %dma_wait3A_177 = tpu.memref_squeeze %dma_wait3A_176 : memref<1x128xi32, #tpu.memory_space<vmem>> -> memref<128xi32, #tpu.memory_space<vmem>>
              %dma_wait3A_178 = arith.constant 0 : i32
              %dma_wait3A_179 = arith.constant 0 : i32
              %dma_wait3A_180 = tpu.memref_slice %arg11[%dma_wait3A_178, %dma_wait3A_179] : memref<10000x128xf32, #tpu.memory_space<vmem_shared>> -> memref<10000x128xf32, #tpu.memory_space<vmem_shared>>
              tpu.wait_indirect_dma semaphore(%run_scoped3A_168 : memref<!tpu.dma_semaphore, #tpu.memory_space<semaphore_mem>>) src(%arg8 : memref<128x128xf32, #tpu.memory_space<vmem>>) dst(%dma_wait3A_180 : memref<10000x128xf32, #tpu.memory_space<vmem_shared>>)
              tpu.yield
            }) : () -> ()
          } else {
          }
          %add3A_93 = arith.constant 7 : i32
          %add3A_94 = arith.addi %multiple_of3A_38, %add3A_93 : i32
          %lt3A_95 = arith.constant 2500 : i32
          %lt3A_96 = arith.cmpi slt, %add3A_94, %lt3A_95 : i32
          %convert_element_type3A_97 = arith.extui %lt3A_96 : i1 to i32
          %cond3A_98 = arith.constant 0 : i32
          %cond3A_99 = arith.cmpi ne, %convert_element_type3A_97, %cond3A_98 : i32
          scf.if %cond3A_99 {
            %dma_start3A = arith.constant 7 : i32
            %dma_start3A_156 = arith.constant 0 : i32
            %dma_start3A_157 = tpu.memref_slice %arg9[%dma_start3A, %dma_start3A_156] : memref<16x128xi32, #tpu.memory_space<vmem>> -> memref<1x128xi32, #tpu.memory_space<vmem>>
            %dma_start3A_158 = tpu.memref_squeeze %dma_start3A_157 : memref<1x128xi32, #tpu.memory_space<vmem>> -> memref<128xi32, #tpu.memory_space<vmem>>
            %dma_start3A_159 = arith.constant 0 : i32
            %dma_start3A_160 = arith.constant 0 : i32
            %dma_start3A_161 = tpu.memref_slice %arg3[%dma_start3A_159, %dma_start3A_160] : memref<10000x128xf32, #tpu.memory_space<hbm>> -> memref<10000x128xf32, #tpu.memory_space<hbm>>
            tpu.enqueue_indirect_dma source(%dma_start3A_161 : memref<10000x128xf32, #tpu.memory_space<hbm>>) target(%arg8 : memref<128x128xf32, #tpu.memory_space<vmem>>) offsets(%dma_start3A_158 : memref<128xi32, #tpu.memory_space<vmem>>) semaphore(%arg12 : memref<!tpu.dma_semaphore, #tpu.memory_space<semaphore_mem>>)
            %dma_wait3A = arith.constant 7 : i32
            %dma_wait3A_162 = arith.constant 0 : i32
            %dma_wait3A_163 = tpu.memref_slice %arg9[%dma_wait3A, %dma_wait3A_162] : memref<16x128xi32, #tpu.memory_space<vmem>> -> memref<1x128xi32, #tpu.memory_space<vmem>>
            %dma_wait3A_164 = tpu.memref_squeeze %dma_wait3A_163 : memref<1x128xi32, #tpu.memory_space<vmem>> -> memref<128xi32, #tpu.memory_space<vmem>>
            %dma_wait3A_165 = arith.constant 0 : i32
            %dma_wait3A_166 = arith.constant 0 : i32
            %dma_wait3A_167 = tpu.memref_slice %arg3[%dma_wait3A_165, %dma_wait3A_166] : memref<10000x128xf32, #tpu.memory_space<hbm>> -> memref<10000x128xf32, #tpu.memory_space<hbm>>
            tpu.wait_indirect_dma semaphore(%arg12 : memref<!tpu.dma_semaphore, #tpu.memory_space<semaphore_mem>>) src(%dma_wait3A_167 : memref<10000x128xf32, #tpu.memory_space<hbm>>) dst(%arg8 : memref<128x128xf32, #tpu.memory_space<vmem>>)
            %run_scoped3A = arith.constant 7 : i32
            "tpu.region"() ({
              %run_scoped3A_168 = tpu.sem_alloc : memref<!tpu.dma_semaphore, #tpu.memory_space<semaphore_mem>>
              %dma_start3A_169 = arith.constant 0 : i32
              %dma_start3A_170 = tpu.memref_slice %arg10[%run_scoped3A, %dma_start3A_169] : memref<16x128xi32, #tpu.memory_space<vmem>> -> memref<1x128xi32, #tpu.memory_space<vmem>>
              %dma_start3A_171 = tpu.memref_squeeze %dma_start3A_170 : memref<1x128xi32, #tpu.memory_space<vmem>> -> memref<128xi32, #tpu.memory_space<vmem>>
              %dma_start3A_172 = arith.constant 0 : i32
              %dma_start3A_173 = arith.constant 0 : i32
              %dma_start3A_174 = tpu.memref_slice %arg11[%dma_start3A_172, %dma_start3A_173] : memref<10000x128xf32, #tpu.memory_space<vmem_shared>> -> memref<10000x128xf32, #tpu.memory_space<vmem_shared>>
              tpu.enqueue_indirect_dma source(%arg8 : memref<128x128xf32, #tpu.memory_space<vmem>>) target(%dma_start3A_174 : memref<10000x128xf32, #tpu.memory_space<vmem_shared>>) offsets(%dma_start3A_171 : memref<128xi32, #tpu.memory_space<vmem>>) semaphore(%run_scoped3A_168 : memref<!tpu.dma_semaphore, #tpu.memory_space<semaphore_mem>>) {add = true}
              %dma_wait3A_175 = arith.constant 0 : i32
              %dma_wait3A_176 = tpu.memref_slice %arg10[%run_scoped3A, %dma_wait3A_175] : memref<16x128xi32, #tpu.memory_space<vmem>> -> memref<1x128xi32, #tpu.memory_space<vmem>>
              %dma_wait3A_177 = tpu.memref_squeeze %dma_wait3A_176 : memref<1x128xi32, #tpu.memory_space<vmem>> -> memref<128xi32, #tpu.memory_space<vmem>>
              %dma_wait3A_178 = arith.constant 0 : i32
              %dma_wait3A_179 = arith.constant 0 : i32
              %dma_wait3A_180 = tpu.memref_slice %arg11[%dma_wait3A_178, %dma_wait3A_179] : memref<10000x128xf32, #tpu.memory_space<vmem_shared>> -> memref<10000x128xf32, #tpu.memory_space<vmem_shared>>
              tpu.wait_indirect_dma semaphore(%run_scoped3A_168 : memref<!tpu.dma_semaphore, #tpu.memory_space<semaphore_mem>>) src(%arg8 : memref<128x128xf32, #tpu.memory_space<vmem>>) dst(%dma_wait3A_180 : memref<10000x128xf32, #tpu.memory_space<vmem_shared>>)
              tpu.yield
            }) : () -> ()
          } else {
          }
          %add3A_100 = arith.constant 8 : i32
          %add3A_101 = arith.addi %multiple_of3A_38, %add3A_100 : i32
          %lt3A_102 = arith.constant 2500 : i32
          %lt3A_103 = arith.cmpi slt, %add3A_101, %lt3A_102 : i32
          %convert_element_type3A_104 = arith.extui %lt3A_103 : i1 to i32
          %cond3A_105 = arith.constant 0 : i32
          %cond3A_106 = arith.cmpi ne, %convert_element_type3A_104, %cond3A_105 : i32
          scf.if %cond3A_106 {
            %dma_start3A = arith.constant 8 : i32
            %dma_start3A_156 = arith.constant 0 : i32
            %dma_start3A_157 = tpu.memref_slice %arg9[%dma_start3A, %dma_start3A_156] : memref<16x128xi32, #tpu.memory_space<vmem>> -> memref<1x128xi32, #tpu.memory_space<vmem>>
            %dma_start3A_158 = tpu.memref_squeeze %dma_start3A_157 : memref<1x128xi32, #tpu.memory_space<vmem>> -> memref<128xi32, #tpu.memory_space<vmem>>
            %dma_start3A_159 = arith.constant 0 : i32
            %dma_start3A_160 = arith.constant 0 : i32
            %dma_start3A_161 = tpu.memref_slice %arg3[%dma_start3A_159, %dma_start3A_160] : memref<10000x128xf32, #tpu.memory_space<hbm>> -> memref<10000x128xf32, #tpu.memory_space<hbm>>
            tpu.enqueue_indirect_dma source(%dma_start3A_161 : memref<10000x128xf32, #tpu.memory_space<hbm>>) target(%arg8 : memref<128x128xf32, #tpu.memory_space<vmem>>) offsets(%dma_start3A_158 : memref<128xi32, #tpu.memory_space<vmem>>) semaphore(%arg12 : memref<!tpu.dma_semaphore, #tpu.memory_space<semaphore_mem>>)
            %dma_wait3A = arith.constant 8 : i32
            %dma_wait3A_162 = arith.constant 0 : i32
            %dma_wait3A_163 = tpu.memref_slice %arg9[%dma_wait3A, %dma_wait3A_162] : memref<16x128xi32, #tpu.memory_space<vmem>> -> memref<1x128xi32, #tpu.memory_space<vmem>>
            %dma_wait3A_164 = tpu.memref_squeeze %dma_wait3A_163 : memref<1x128xi32, #tpu.memory_space<vmem>> -> memref<128xi32, #tpu.memory_space<vmem>>
            %dma_wait3A_165 = arith.constant 0 : i32
            %dma_wait3A_166 = arith.constant 0 : i32
            %dma_wait3A_167 = tpu.memref_slice %arg3[%dma_wait3A_165, %dma_wait3A_166] : memref<10000x128xf32, #tpu.memory_space<hbm>> -> memref<10000x128xf32, #tpu.memory_space<hbm>>
            tpu.wait_indirect_dma semaphore(%arg12 : memref<!tpu.dma_semaphore, #tpu.memory_space<semaphore_mem>>) src(%dma_wait3A_167 : memref<10000x128xf32, #tpu.memory_space<hbm>>) dst(%arg8 : memref<128x128xf32, #tpu.memory_space<vmem>>)
            %run_scoped3A = arith.constant 8 : i32
            "tpu.region"() ({
              %run_scoped3A_168 = tpu.sem_alloc : memref<!tpu.dma_semaphore, #tpu.memory_space<semaphore_mem>>
              %dma_start3A_169 = arith.constant 0 : i32
              %dma_start3A_170 = tpu.memref_slice %arg10[%run_scoped3A, %dma_start3A_169] : memref<16x128xi32, #tpu.memory_space<vmem>> -> memref<1x128xi32, #tpu.memory_space<vmem>>
              %dma_start3A_171 = tpu.memref_squeeze %dma_start3A_170 : memref<1x128xi32, #tpu.memory_space<vmem>> -> memref<128xi32, #tpu.memory_space<vmem>>
              %dma_start3A_172 = arith.constant 0 : i32
              %dma_start3A_173 = arith.constant 0 : i32
              %dma_start3A_174 = tpu.memref_slice %arg11[%dma_start3A_172, %dma_start3A_173] : memref<10000x128xf32, #tpu.memory_space<vmem_shared>> -> memref<10000x128xf32, #tpu.memory_space<vmem_shared>>
              tpu.enqueue_indirect_dma source(%arg8 : memref<128x128xf32, #tpu.memory_space<vmem>>) target(%dma_start3A_174 : memref<10000x128xf32, #tpu.memory_space<vmem_shared>>) offsets(%dma_start3A_171 : memref<128xi32, #tpu.memory_space<vmem>>) semaphore(%run_scoped3A_168 : memref<!tpu.dma_semaphore, #tpu.memory_space<semaphore_mem>>) {add = true}
              %dma_wait3A_175 = arith.constant 0 : i32
              %dma_wait3A_176 = tpu.memref_slice %arg10[%run_scoped3A, %dma_wait3A_175] : memref<16x128xi32, #tpu.memory_space<vmem>> -> memref<1x128xi32, #tpu.memory_space<vmem>>
              %dma_wait3A_177 = tpu.memref_squeeze %dma_wait3A_176 : memref<1x128xi32, #tpu.memory_space<vmem>> -> memref<128xi32, #tpu.memory_space<vmem>>
              %dma_wait3A_178 = arith.constant 0 : i32
              %dma_wait3A_179 = arith.constant 0 : i32
              %dma_wait3A_180 = tpu.memref_slice %arg11[%dma_wait3A_178, %dma_wait3A_179] : memref<10000x128xf32, #tpu.memory_space<vmem_shared>> -> memref<10000x128xf32, #tpu.memory_space<vmem_shared>>
              tpu.wait_indirect_dma semaphore(%run_scoped3A_168 : memref<!tpu.dma_semaphore, #tpu.memory_space<semaphore_mem>>) src(%arg8 : memref<128x128xf32, #tpu.memory_space<vmem>>) dst(%dma_wait3A_180 : memref<10000x128xf32, #tpu.memory_space<vmem_shared>>)
              tpu.yield
            }) : () -> ()
          } else {
          }
          %add3A_107 = arith.constant 9 : i32
          %add3A_108 = arith.addi %multiple_of3A_38, %add3A_107 : i32
          %lt3A_109 = arith.constant 2500 : i32
          %lt3A_110 = arith.cmpi slt, %add3A_108, %lt3A_109 : i32
          %convert_element_type3A_111 = arith.extui %lt3A_110 : i1 to i32
          %cond3A_112 = arith.constant 0 : i32
          %cond3A_113 = arith.cmpi ne, %convert_element_type3A_111, %cond3A_112 : i32
          scf.if %cond3A_113 {
            %dma_start3A = arith.constant 9 : i32
            %dma_start3A_156 = arith.constant 0 : i32
            %dma_start3A_157 = tpu.memref_slice %arg9[%dma_start3A, %dma_start3A_156] : memref<16x128xi32, #tpu.memory_space<vmem>> -> memref<1x128xi32, #tpu.memory_space<vmem>>
            %dma_start3A_158 = tpu.memref_squeeze %dma_start3A_157 : memref<1x128xi32, #tpu.memory_space<vmem>> -> memref<128xi32, #tpu.memory_space<vmem>>
            %dma_start3A_159 = arith.constant 0 : i32
            %dma_start3A_160 = arith.constant 0 : i32
            %dma_start3A_161 = tpu.memref_slice %arg3[%dma_start3A_159, %dma_start3A_160] : memref<10000x128xf32, #tpu.memory_space<hbm>> -> memref<10000x128xf32, #tpu.memory_space<hbm>>
            tpu.enqueue_indirect_dma source(%dma_start3A_161 : memref<10000x128xf32, #tpu.memory_space<hbm>>) target(%arg8 : memref<128x128xf32, #tpu.memory_space<vmem>>) offsets(%dma_start3A_158 : memref<128xi32, #tpu.memory_space<vmem>>) semaphore(%arg12 : memref<!tpu.dma_semaphore, #tpu.memory_space<semaphore_mem>>)
            %dma_wait3A = arith.constant 9 : i32
            %dma_wait3A_162 = arith.constant 0 : i32
            %dma_wait3A_163 = tpu.memref_slice %arg9[%dma_wait3A, %dma_wait3A_162] : memref<16x128xi32, #tpu.memory_space<vmem>> -> memref<1x128xi32, #tpu.memory_space<vmem>>
            %dma_wait3A_164 = tpu.memref_squeeze %dma_wait3A_163 : memref<1x128xi32, #tpu.memory_space<vmem>> -> memref<128xi32, #tpu.memory_space<vmem>>
            %dma_wait3A_165 = arith.constant 0 : i32
            %dma_wait3A_166 = arith.constant 0 : i32
            %dma_wait3A_167 = tpu.memref_slice %arg3[%dma_wait3A_165, %dma_wait3A_166] : memref<10000x128xf32, #tpu.memory_space<hbm>> -> memref<10000x128xf32, #tpu.memory_space<hbm>>
            tpu.wait_indirect_dma semaphore(%arg12 : memref<!tpu.dma_semaphore, #tpu.memory_space<semaphore_mem>>) src(%dma_wait3A_167 : memref<10000x128xf32, #tpu.memory_space<hbm>>) dst(%arg8 : memref<128x128xf32, #tpu.memory_space<vmem>>)
            %run_scoped3A = arith.constant 9 : i32
            "tpu.region"() ({
              %run_scoped3A_168 = tpu.sem_alloc : memref<!tpu.dma_semaphore, #tpu.memory_space<semaphore_mem>>
              %dma_start3A_169 = arith.constant 0 : i32
              %dma_start3A_170 = tpu.memref_slice %arg10[%run_scoped3A, %dma_start3A_169] : memref<16x128xi32, #tpu.memory_space<vmem>> -> memref<1x128xi32, #tpu.memory_space<vmem>>
              %dma_start3A_171 = tpu.memref_squeeze %dma_start3A_170 : memref<1x128xi32, #tpu.memory_space<vmem>> -> memref<128xi32, #tpu.memory_space<vmem>>
              %dma_start3A_172 = arith.constant 0 : i32
              %dma_start3A_173 = arith.constant 0 : i32
              %dma_start3A_174 = tpu.memref_slice %arg11[%dma_start3A_172, %dma_start3A_173] : memref<10000x128xf32, #tpu.memory_space<vmem_shared>> -> memref<10000x128xf32, #tpu.memory_space<vmem_shared>>
              tpu.enqueue_indirect_dma source(%arg8 : memref<128x128xf32, #tpu.memory_space<vmem>>) target(%dma_start3A_174 : memref<10000x128xf32, #tpu.memory_space<vmem_shared>>) offsets(%dma_start3A_171 : memref<128xi32, #tpu.memory_space<vmem>>) semaphore(%run_scoped3A_168 : memref<!tpu.dma_semaphore, #tpu.memory_space<semaphore_mem>>) {add = true}
              %dma_wait3A_175 = arith.constant 0 : i32
              %dma_wait3A_176 = tpu.memref_slice %arg10[%run_scoped3A, %dma_wait3A_175] : memref<16x128xi32, #tpu.memory_space<vmem>> -> memref<1x128xi32, #tpu.memory_space<vmem>>
              %dma_wait3A_177 = tpu.memref_squeeze %dma_wait3A_176 : memref<1x128xi32, #tpu.memory_space<vmem>> -> memref<128xi32, #tpu.memory_space<vmem>>
              %dma_wait3A_178 = arith.constant 0 : i32
              %dma_wait3A_179 = arith.constant 0 : i32
              %dma_wait3A_180 = tpu.memref_slice %arg11[%dma_wait3A_178, %dma_wait3A_179] : memref<10000x128xf32, #tpu.memory_space<vmem_shared>> -> memref<10000x128xf32, #tpu.memory_space<vmem_shared>>
              tpu.wait_indirect_dma semaphore(%run_scoped3A_168 : memref<!tpu.dma_semaphore, #tpu.memory_space<semaphore_mem>>) src(%arg8 : memref<128x128xf32, #tpu.memory_space<vmem>>) dst(%dma_wait3A_180 : memref<10000x128xf32, #tpu.memory_space<vmem_shared>>)
              tpu.yield
            }) : () -> ()
          } else {
          }
          %add3A_114 = arith.constant 10 : i32
          %add3A_115 = arith.addi %multiple_of3A_38, %add3A_114 : i32
          %lt3A_116 = arith.constant 2500 : i32
          %lt3A_117 = arith.cmpi slt, %add3A_115, %lt3A_116 : i32
          %convert_element_type3A_118 = arith.extui %lt3A_117 : i1 to i32
          %cond3A_119 = arith.constant 0 : i32
          %cond3A_120 = arith.cmpi ne, %convert_element_type3A_118, %cond3A_119 : i32
          scf.if %cond3A_120 {
            %dma_start3A = arith.constant 10 : i32
            %dma_start3A_156 = arith.constant 0 : i32
            %dma_start3A_157 = tpu.memref_slice %arg9[%dma_start3A, %dma_start3A_156] : memref<16x128xi32, #tpu.memory_space<vmem>> -> memref<1x128xi32, #tpu.memory_space<vmem>>
            %dma_start3A_158 = tpu.memref_squeeze %dma_start3A_157 : memref<1x128xi32, #tpu.memory_space<vmem>> -> memref<128xi32, #tpu.memory_space<vmem>>
            %dma_start3A_159 = arith.constant 0 : i32
            %dma_start3A_160 = arith.constant 0 : i32
            %dma_start3A_161 = tpu.memref_slice %arg3[%dma_start3A_159, %dma_start3A_160] : memref<10000x128xf32, #tpu.memory_space<hbm>> -> memref<10000x128xf32, #tpu.memory_space<hbm>>
            tpu.enqueue_indirect_dma source(%dma_start3A_161 : memref<10000x128xf32, #tpu.memory_space<hbm>>) target(%arg8 : memref<128x128xf32, #tpu.memory_space<vmem>>) offsets(%dma_start3A_158 : memref<128xi32, #tpu.memory_space<vmem>>) semaphore(%arg12 : memref<!tpu.dma_semaphore, #tpu.memory_space<semaphore_mem>>)
            %dma_wait3A = arith.constant 10 : i32
            %dma_wait3A_162 = arith.constant 0 : i32
            %dma_wait3A_163 = tpu.memref_slice %arg9[%dma_wait3A, %dma_wait3A_162] : memref<16x128xi32, #tpu.memory_space<vmem>> -> memref<1x128xi32, #tpu.memory_space<vmem>>
            %dma_wait3A_164 = tpu.memref_squeeze %dma_wait3A_163 : memref<1x128xi32, #tpu.memory_space<vmem>> -> memref<128xi32, #tpu.memory_space<vmem>>
            %dma_wait3A_165 = arith.constant 0 : i32
            %dma_wait3A_166 = arith.constant 0 : i32
            %dma_wait3A_167 = tpu.memref_slice %arg3[%dma_wait3A_165, %dma_wait3A_166] : memref<10000x128xf32, #tpu.memory_space<hbm>> -> memref<10000x128xf32, #tpu.memory_space<hbm>>
            tpu.wait_indirect_dma semaphore(%arg12 : memref<!tpu.dma_semaphore, #tpu.memory_space<semaphore_mem>>) src(%dma_wait3A_167 : memref<10000x128xf32, #tpu.memory_space<hbm>>) dst(%arg8 : memref<128x128xf32, #tpu.memory_space<vmem>>)
            %run_scoped3A = arith.constant 10 : i32
            "tpu.region"() ({
              %run_scoped3A_168 = tpu.sem_alloc : memref<!tpu.dma_semaphore, #tpu.memory_space<semaphore_mem>>
              %dma_start3A_169 = arith.constant 0 : i32
              %dma_start3A_170 = tpu.memref_slice %arg10[%run_scoped3A, %dma_start3A_169] : memref<16x128xi32, #tpu.memory_space<vmem>> -> memref<1x128xi32, #tpu.memory_space<vmem>>
              %dma_start3A_171 = tpu.memref_squeeze %dma_start3A_170 : memref<1x128xi32, #tpu.memory_space<vmem>> -> memref<128xi32, #tpu.memory_space<vmem>>
              %dma_start3A_172 = arith.constant 0 : i32
              %dma_start3A_173 = arith.constant 0 : i32
              %dma_start3A_174 = tpu.memref_slice %arg11[%dma_start3A_172, %dma_start3A_173] : memref<10000x128xf32, #tpu.memory_space<vmem_shared>> -> memref<10000x128xf32, #tpu.memory_space<vmem_shared>>
              tpu.enqueue_indirect_dma source(%arg8 : memref<128x128xf32, #tpu.memory_space<vmem>>) target(%dma_start3A_174 : memref<10000x128xf32, #tpu.memory_space<vmem_shared>>) offsets(%dma_start3A_171 : memref<128xi32, #tpu.memory_space<vmem>>) semaphore(%run_scoped3A_168 : memref<!tpu.dma_semaphore, #tpu.memory_space<semaphore_mem>>) {add = true}
              %dma_wait3A_175 = arith.constant 0 : i32
              %dma_wait3A_176 = tpu.memref_slice %arg10[%run_scoped3A, %dma_wait3A_175] : memref<16x128xi32, #tpu.memory_space<vmem>> -> memref<1x128xi32, #tpu.memory_space<vmem>>
              %dma_wait3A_177 = tpu.memref_squeeze %dma_wait3A_176 : memref<1x128xi32, #tpu.memory_space<vmem>> -> memref<128xi32, #tpu.memory_space<vmem>>
              %dma_wait3A_178 = arith.constant 0 : i32
              %dma_wait3A_179 = arith.constant 0 : i32
              %dma_wait3A_180 = tpu.memref_slice %arg11[%dma_wait3A_178, %dma_wait3A_179] : memref<10000x128xf32, #tpu.memory_space<vmem_shared>> -> memref<10000x128xf32, #tpu.memory_space<vmem_shared>>
              tpu.wait_indirect_dma semaphore(%run_scoped3A_168 : memref<!tpu.dma_semaphore, #tpu.memory_space<semaphore_mem>>) src(%arg8 : memref<128x128xf32, #tpu.memory_space<vmem>>) dst(%dma_wait3A_180 : memref<10000x128xf32, #tpu.memory_space<vmem_shared>>)
              tpu.yield
            }) : () -> ()
          } else {
          }
          %add3A_121 = arith.constant 11 : i32
          %add3A_122 = arith.addi %multiple_of3A_38, %add3A_121 : i32
          %lt3A_123 = arith.constant 2500 : i32
          %lt3A_124 = arith.cmpi slt, %add3A_122, %lt3A_123 : i32
          %convert_element_type3A_125 = arith.extui %lt3A_124 : i1 to i32
          %cond3A_126 = arith.constant 0 : i32
          %cond3A_127 = arith.cmpi ne, %convert_element_type3A_125, %cond3A_126 : i32
          scf.if %cond3A_127 {
            %dma_start3A = arith.constant 11 : i32
            %dma_start3A_156 = arith.constant 0 : i32
            %dma_start3A_157 = tpu.memref_slice %arg9[%dma_start3A, %dma_start3A_156] : memref<16x128xi32, #tpu.memory_space<vmem>> -> memref<1x128xi32, #tpu.memory_space<vmem>>
            %dma_start3A_158 = tpu.memref_squeeze %dma_start3A_157 : memref<1x128xi32, #tpu.memory_space<vmem>> -> memref<128xi32, #tpu.memory_space<vmem>>
            %dma_start3A_159 = arith.constant 0 : i32
            %dma_start3A_160 = arith.constant 0 : i32
            %dma_start3A_161 = tpu.memref_slice %arg3[%dma_start3A_159, %dma_start3A_160] : memref<10000x128xf32, #tpu.memory_space<hbm>> -> memref<10000x128xf32, #tpu.memory_space<hbm>>
            tpu.enqueue_indirect_dma source(%dma_start3A_161 : memref<10000x128xf32, #tpu.memory_space<hbm>>) target(%arg8 : memref<128x128xf32, #tpu.memory_space<vmem>>) offsets(%dma_start3A_158 : memref<128xi32, #tpu.memory_space<vmem>>) semaphore(%arg12 : memref<!tpu.dma_semaphore, #tpu.memory_space<semaphore_mem>>)
            %dma_wait3A = arith.constant 11 : i32
            %dma_wait3A_162 = arith.constant 0 : i32
            %dma_wait3A_163 = tpu.memref_slice %arg9[%dma_wait3A, %dma_wait3A_162] : memref<16x128xi32, #tpu.memory_space<vmem>> -> memref<1x128xi32, #tpu.memory_space<vmem>>
            %dma_wait3A_164 = tpu.memref_squeeze %dma_wait3A_163 : memref<1x128xi32, #tpu.memory_space<vmem>> -> memref<128xi32, #tpu.memory_space<vmem>>
            %dma_wait3A_165 = arith.constant 0 : i32
            %dma_wait3A_166 = arith.constant 0 : i32
            %dma_wait3A_167 = tpu.memref_slice %arg3[%dma_wait3A_165, %dma_wait3A_166] : memref<10000x128xf32, #tpu.memory_space<hbm>> -> memref<10000x128xf32, #tpu.memory_space<hbm>>
            tpu.wait_indirect_dma semaphore(%arg12 : memref<!tpu.dma_semaphore, #tpu.memory_space<semaphore_mem>>) src(%dma_wait3A_167 : memref<10000x128xf32, #tpu.memory_space<hbm>>) dst(%arg8 : memref<128x128xf32, #tpu.memory_space<vmem>>)
            %run_scoped3A = arith.constant 11 : i32
            "tpu.region"() ({
              %run_scoped3A_168 = tpu.sem_alloc : memref<!tpu.dma_semaphore, #tpu.memory_space<semaphore_mem>>
              %dma_start3A_169 = arith.constant 0 : i32
              %dma_start3A_170 = tpu.memref_slice %arg10[%run_scoped3A, %dma_start3A_169] : memref<16x128xi32, #tpu.memory_space<vmem>> -> memref<1x128xi32, #tpu.memory_space<vmem>>
              %dma_start3A_171 = tpu.memref_squeeze %dma_start3A_170 : memref<1x128xi32, #tpu.memory_space<vmem>> -> memref<128xi32, #tpu.memory_space<vmem>>
              %dma_start3A_172 = arith.constant 0 : i32
              %dma_start3A_173 = arith.constant 0 : i32
              %dma_start3A_174 = tpu.memref_slice %arg11[%dma_start3A_172, %dma_start3A_173] : memref<10000x128xf32, #tpu.memory_space<vmem_shared>> -> memref<10000x128xf32, #tpu.memory_space<vmem_shared>>
              tpu.enqueue_indirect_dma source(%arg8 : memref<128x128xf32, #tpu.memory_space<vmem>>) target(%dma_start3A_174 : memref<10000x128xf32, #tpu.memory_space<vmem_shared>>) offsets(%dma_start3A_171 : memref<128xi32, #tpu.memory_space<vmem>>) semaphore(%run_scoped3A_168 : memref<!tpu.dma_semaphore, #tpu.memory_space<semaphore_mem>>) {add = true}
              %dma_wait3A_175 = arith.constant 0 : i32
              %dma_wait3A_176 = tpu.memref_slice %arg10[%run_scoped3A, %dma_wait3A_175] : memref<16x128xi32, #tpu.memory_space<vmem>> -> memref<1x128xi32, #tpu.memory_space<vmem>>
              %dma_wait3A_177 = tpu.memref_squeeze %dma_wait3A_176 : memref<1x128xi32, #tpu.memory_space<vmem>> -> memref<128xi32, #tpu.memory_space<vmem>>
              %dma_wait3A_178 = arith.constant 0 : i32
              %dma_wait3A_179 = arith.constant 0 : i32
              %dma_wait3A_180 = tpu.memref_slice %arg11[%dma_wait3A_178, %dma_wait3A_179] : memref<10000x128xf32, #tpu.memory_space<vmem_shared>> -> memref<10000x128xf32, #tpu.memory_space<vmem_shared>>
              tpu.wait_indirect_dma semaphore(%run_scoped3A_168 : memref<!tpu.dma_semaphore, #tpu.memory_space<semaphore_mem>>) src(%arg8 : memref<128x128xf32, #tpu.memory_space<vmem>>) dst(%dma_wait3A_180 : memref<10000x128xf32, #tpu.memory_space<vmem_shared>>)
              tpu.yield
            }) : () -> ()
          } else {
          }
          %add3A_128 = arith.constant 12 : i32
          %add3A_129 = arith.addi %multiple_of3A_38, %add3A_128 : i32
          %lt3A_130 = arith.constant 2500 : i32
          %lt3A_131 = arith.cmpi slt, %add3A_129, %lt3A_130 : i32
          %convert_element_type3A_132 = arith.extui %lt3A_131 : i1 to i32
          %cond3A_133 = arith.constant 0 : i32
          %cond3A_134 = arith.cmpi ne, %convert_element_type3A_132, %cond3A_133 : i32
          scf.if %cond3A_134 {
            %dma_start3A = arith.constant 12 : i32
            %dma_start3A_156 = arith.constant 0 : i32
            %dma_start3A_157 = tpu.memref_slice %arg9[%dma_start3A, %dma_start3A_156] : memref<16x128xi32, #tpu.memory_space<vmem>> -> memref<1x128xi32, #tpu.memory_space<vmem>>
            %dma_start3A_158 = tpu.memref_squeeze %dma_start3A_157 : memref<1x128xi32, #tpu.memory_space<vmem>> -> memref<128xi32, #tpu.memory_space<vmem>>
            %dma_start3A_159 = arith.constant 0 : i32
            %dma_start3A_160 = arith.constant 0 : i32
            %dma_start3A_161 = tpu.memref_slice %arg3[%dma_start3A_159, %dma_start3A_160] : memref<10000x128xf32, #tpu.memory_space<hbm>> -> memref<10000x128xf32, #tpu.memory_space<hbm>>
            tpu.enqueue_indirect_dma source(%dma_start3A_161 : memref<10000x128xf32, #tpu.memory_space<hbm>>) target(%arg8 : memref<128x128xf32, #tpu.memory_space<vmem>>) offsets(%dma_start3A_158 : memref<128xi32, #tpu.memory_space<vmem>>) semaphore(%arg12 : memref<!tpu.dma_semaphore, #tpu.memory_space<semaphore_mem>>)
            %dma_wait3A = arith.constant 12 : i32
            %dma_wait3A_162 = arith.constant 0 : i32
            %dma_wait3A_163 = tpu.memref_slice %arg9[%dma_wait3A, %dma_wait3A_162] : memref<16x128xi32, #tpu.memory_space<vmem>> -> memref<1x128xi32, #tpu.memory_space<vmem>>
            %dma_wait3A_164 = tpu.memref_squeeze %dma_wait3A_163 : memref<1x128xi32, #tpu.memory_space<vmem>> -> memref<128xi32, #tpu.memory_space<vmem>>
            %dma_wait3A_165 = arith.constant 0 : i32
            %dma_wait3A_166 = arith.constant 0 : i32
            %dma_wait3A_167 = tpu.memref_slice %arg3[%dma_wait3A_165, %dma_wait3A_166] : memref<10000x128xf32, #tpu.memory_space<hbm>> -> memref<10000x128xf32, #tpu.memory_space<hbm>>
            tpu.wait_indirect_dma semaphore(%arg12 : memref<!tpu.dma_semaphore, #tpu.memory_space<semaphore_mem>>) src(%dma_wait3A_167 : memref<10000x128xf32, #tpu.memory_space<hbm>>) dst(%arg8 : memref<128x128xf32, #tpu.memory_space<vmem>>)
            %run_scoped3A = arith.constant 12 : i32
            "tpu.region"() ({
              %run_scoped3A_168 = tpu.sem_alloc : memref<!tpu.dma_semaphore, #tpu.memory_space<semaphore_mem>>
              %dma_start3A_169 = arith.constant 0 : i32
              %dma_start3A_170 = tpu.memref_slice %arg10[%run_scoped3A, %dma_start3A_169] : memref<16x128xi32, #tpu.memory_space<vmem>> -> memref<1x128xi32, #tpu.memory_space<vmem>>
              %dma_start3A_171 = tpu.memref_squeeze %dma_start3A_170 : memref<1x128xi32, #tpu.memory_space<vmem>> -> memref<128xi32, #tpu.memory_space<vmem>>
              %dma_start3A_172 = arith.constant 0 : i32
              %dma_start3A_173 = arith.constant 0 : i32
              %dma_start3A_174 = tpu.memref_slice %arg11[%dma_start3A_172, %dma_start3A_173] : memref<10000x128xf32, #tpu.memory_space<vmem_shared>> -> memref<10000x128xf32, #tpu.memory_space<vmem_shared>>
              tpu.enqueue_indirect_dma source(%arg8 : memref<128x128xf32, #tpu.memory_space<vmem>>) target(%dma_start3A_174 : memref<10000x128xf32, #tpu.memory_space<vmem_shared>>) offsets(%dma_start3A_171 : memref<128xi32, #tpu.memory_space<vmem>>) semaphore(%run_scoped3A_168 : memref<!tpu.dma_semaphore, #tpu.memory_space<semaphore_mem>>) {add = true}
              %dma_wait3A_175 = arith.constant 0 : i32
              %dma_wait3A_176 = tpu.memref_slice %arg10[%run_scoped3A, %dma_wait3A_175] : memref<16x128xi32, #tpu.memory_space<vmem>> -> memref<1x128xi32, #tpu.memory_space<vmem>>
              %dma_wait3A_177 = tpu.memref_squeeze %dma_wait3A_176 : memref<1x128xi32, #tpu.memory_space<vmem>> -> memref<128xi32, #tpu.memory_space<vmem>>
              %dma_wait3A_178 = arith.constant 0 : i32
              %dma_wait3A_179 = arith.constant 0 : i32
              %dma_wait3A_180 = tpu.memref_slice %arg11[%dma_wait3A_178, %dma_wait3A_179] : memref<10000x128xf32, #tpu.memory_space<vmem_shared>> -> memref<10000x128xf32, #tpu.memory_space<vmem_shared>>
              tpu.wait_indirect_dma semaphore(%run_scoped3A_168 : memref<!tpu.dma_semaphore, #tpu.memory_space<semaphore_mem>>) src(%arg8 : memref<128x128xf32, #tpu.memory_space<vmem>>) dst(%dma_wait3A_180 : memref<10000x128xf32, #tpu.memory_space<vmem_shared>>)
              tpu.yield
            }) : () -> ()
          } else {
          }
          %add3A_135 = arith.constant 13 : i32
          %add3A_136 = arith.addi %multiple_of3A_38, %add3A_135 : i32
          %lt3A_137 = arith.constant 2500 : i32
          %lt3A_138 = arith.cmpi slt, %add3A_136, %lt3A_137 : i32
          %convert_element_type3A_139 = arith.extui %lt3A_138 : i1 to i32
          %cond3A_140 = arith.constant 0 : i32
          %cond3A_141 = arith.cmpi ne, %convert_element_type3A_139, %cond3A_140 : i32
          scf.if %cond3A_141 {
            %dma_start3A = arith.constant 13 : i32
            %dma_start3A_156 = arith.constant 0 : i32
            %dma_start3A_157 = tpu.memref_slice %arg9[%dma_start3A, %dma_start3A_156] : memref<16x128xi32, #tpu.memory_space<vmem>> -> memref<1x128xi32, #tpu.memory_space<vmem>>
            %dma_start3A_158 = tpu.memref_squeeze %dma_start3A_157 : memref<1x128xi32, #tpu.memory_space<vmem>> -> memref<128xi32, #tpu.memory_space<vmem>>
            %dma_start3A_159 = arith.constant 0 : i32
            %dma_start3A_160 = arith.constant 0 : i32
            %dma_start3A_161 = tpu.memref_slice %arg3[%dma_start3A_159, %dma_start3A_160] : memref<10000x128xf32, #tpu.memory_space<hbm>> -> memref<10000x128xf32, #tpu.memory_space<hbm>>
            tpu.enqueue_indirect_dma source(%dma_start3A_161 : memref<10000x128xf32, #tpu.memory_space<hbm>>) target(%arg8 : memref<128x128xf32, #tpu.memory_space<vmem>>) offsets(%dma_start3A_158 : memref<128xi32, #tpu.memory_space<vmem>>) semaphore(%arg12 : memref<!tpu.dma_semaphore, #tpu.memory_space<semaphore_mem>>)
            %dma_wait3A = arith.constant 13 : i32
            %dma_wait3A_162 = arith.constant 0 : i32
            %dma_wait3A_163 = tpu.memref_slice %arg9[%dma_wait3A, %dma_wait3A_162] : memref<16x128xi32, #tpu.memory_space<vmem>> -> memref<1x128xi32, #tpu.memory_space<vmem>>
            %dma_wait3A_164 = tpu.memref_squeeze %dma_wait3A_163 : memref<1x128xi32, #tpu.memory_space<vmem>> -> memref<128xi32, #tpu.memory_space<vmem>>
            %dma_wait3A_165 = arith.constant 0 : i32
            %dma_wait3A_166 = arith.constant 0 : i32
            %dma_wait3A_167 = tpu.memref_slice %arg3[%dma_wait3A_165, %dma_wait3A_166] : memref<10000x128xf32, #tpu.memory_space<hbm>> -> memref<10000x128xf32, #tpu.memory_space<hbm>>
            tpu.wait_indirect_dma semaphore(%arg12 : memref<!tpu.dma_semaphore, #tpu.memory_space<semaphore_mem>>) src(%dma_wait3A_167 : memref<10000x128xf32, #tpu.memory_space<hbm>>) dst(%arg8 : memref<128x128xf32, #tpu.memory_space<vmem>>)
            %run_scoped3A = arith.constant 13 : i32
            "tpu.region"() ({
              %run_scoped3A_168 = tpu.sem_alloc : memref<!tpu.dma_semaphore, #tpu.memory_space<semaphore_mem>>
              %dma_start3A_169 = arith.constant 0 : i32
              %dma_start3A_170 = tpu.memref_slice %arg10[%run_scoped3A, %dma_start3A_169] : memref<16x128xi32, #tpu.memory_space<vmem>> -> memref<1x128xi32, #tpu.memory_space<vmem>>
              %dma_start3A_171 = tpu.memref_squeeze %dma_start3A_170 : memref<1x128xi32, #tpu.memory_space<vmem>> -> memref<128xi32, #tpu.memory_space<vmem>>
              %dma_start3A_172 = arith.constant 0 : i32
              %dma_start3A_173 = arith.constant 0 : i32
              %dma_start3A_174 = tpu.memref_slice %arg11[%dma_start3A_172, %dma_start3A_173] : memref<10000x128xf32, #tpu.memory_space<vmem_shared>> -> memref<10000x128xf32, #tpu.memory_space<vmem_shared>>
              tpu.enqueue_indirect_dma source(%arg8 : memref<128x128xf32, #tpu.memory_space<vmem>>) target(%dma_start3A_174 : memref<10000x128xf32, #tpu.memory_space<vmem_shared>>) offsets(%dma_start3A_171 : memref<128xi32, #tpu.memory_space<vmem>>) semaphore(%run_scoped3A_168 : memref<!tpu.dma_semaphore, #tpu.memory_space<semaphore_mem>>) {add = true}
              %dma_wait3A_175 = arith.constant 0 : i32
              %dma_wait3A_176 = tpu.memref_slice %arg10[%run_scoped3A, %dma_wait3A_175] : memref<16x128xi32, #tpu.memory_space<vmem>> -> memref<1x128xi32, #tpu.memory_space<vmem>>
              %dma_wait3A_177 = tpu.memref_squeeze %dma_wait3A_176 : memref<1x128xi32, #tpu.memory_space<vmem>> -> memref<128xi32, #tpu.memory_space<vmem>>
              %dma_wait3A_178 = arith.constant 0 : i32
              %dma_wait3A_179 = arith.constant 0 : i32
              %dma_wait3A_180 = tpu.memref_slice %arg11[%dma_wait3A_178, %dma_wait3A_179] : memref<10000x128xf32, #tpu.memory_space<vmem_shared>> -> memref<10000x128xf32, #tpu.memory_space<vmem_shared>>
              tpu.wait_indirect_dma semaphore(%run_scoped3A_168 : memref<!tpu.dma_semaphore, #tpu.memory_space<semaphore_mem>>) src(%arg8 : memref<128x128xf32, #tpu.memory_space<vmem>>) dst(%dma_wait3A_180 : memref<10000x128xf32, #tpu.memory_space<vmem_shared>>)
              tpu.yield
            }) : () -> ()
          } else {
          }
          %add3A_142 = arith.constant 14 : i32
          %add3A_143 = arith.addi %multiple_of3A_38, %add3A_142 : i32
          %lt3A_144 = arith.constant 2500 : i32
          %lt3A_145 = arith.cmpi slt, %add3A_143, %lt3A_144 : i32
          %convert_element_type3A_146 = arith.extui %lt3A_145 : i1 to i32
          %cond3A_147 = arith.constant 0 : i32
          %cond3A_148 = arith.cmpi ne, %convert_element_type3A_146, %cond3A_147 : i32
          scf.if %cond3A_148 {
            %dma_start3A = arith.constant 14 : i32
            %dma_start3A_156 = arith.constant 0 : i32
            %dma_start3A_157 = tpu.memref_slice %arg9[%dma_start3A, %dma_start3A_156] : memref<16x128xi32, #tpu.memory_space<vmem>> -> memref<1x128xi32, #tpu.memory_space<vmem>>
            %dma_start3A_158 = tpu.memref_squeeze %dma_start3A_157 : memref<1x128xi32, #tpu.memory_space<vmem>> -> memref<128xi32, #tpu.memory_space<vmem>>
            %dma_start3A_159 = arith.constant 0 : i32
            %dma_start3A_160 = arith.constant 0 : i32
            %dma_start3A_161 = tpu.memref_slice %arg3[%dma_start3A_159, %dma_start3A_160] : memref<10000x128xf32, #tpu.memory_space<hbm>> -> memref<10000x128xf32, #tpu.memory_space<hbm>>
            tpu.enqueue_indirect_dma source(%dma_start3A_161 : memref<10000x128xf32, #tpu.memory_space<hbm>>) target(%arg8 : memref<128x128xf32, #tpu.memory_space<vmem>>) offsets(%dma_start3A_158 : memref<128xi32, #tpu.memory_space<vmem>>) semaphore(%arg12 : memref<!tpu.dma_semaphore, #tpu.memory_space<semaphore_mem>>)
            %dma_wait3A = arith.constant 14 : i32
            %dma_wait3A_162 = arith.constant 0 : i32
            %dma_wait3A_163 = tpu.memref_slice %arg9[%dma_wait3A, %dma_wait3A_162] : memref<16x128xi32, #tpu.memory_space<vmem>> -> memref<1x128xi32, #tpu.memory_space<vmem>>
            %dma_wait3A_164 = tpu.memref_squeeze %dma_wait3A_163 : memref<1x128xi32, #tpu.memory_space<vmem>> -> memref<128xi32, #tpu.memory_space<vmem>>
            %dma_wait3A_165 = arith.constant 0 : i32
            %dma_wait3A_166 = arith.constant 0 : i32
            %dma_wait3A_167 = tpu.memref_slice %arg3[%dma_wait3A_165, %dma_wait3A_166] : memref<10000x128xf32, #tpu.memory_space<hbm>> -> memref<10000x128xf32, #tpu.memory_space<hbm>>
            tpu.wait_indirect_dma semaphore(%arg12 : memref<!tpu.dma_semaphore, #tpu.memory_space<semaphore_mem>>) src(%dma_wait3A_167 : memref<10000x128xf32, #tpu.memory_space<hbm>>) dst(%arg8 : memref<128x128xf32, #tpu.memory_space<vmem>>)
            %run_scoped3A = arith.constant 14 : i32
            "tpu.region"() ({
              %run_scoped3A_168 = tpu.sem_alloc : memref<!tpu.dma_semaphore, #tpu.memory_space<semaphore_mem>>
              %dma_start3A_169 = arith.constant 0 : i32
              %dma_start3A_170 = tpu.memref_slice %arg10[%run_scoped3A, %dma_start3A_169] : memref<16x128xi32, #tpu.memory_space<vmem>> -> memref<1x128xi32, #tpu.memory_space<vmem>>
              %dma_start3A_171 = tpu.memref_squeeze %dma_start3A_170 : memref<1x128xi32, #tpu.memory_space<vmem>> -> memref<128xi32, #tpu.memory_space<vmem>>
              %dma_start3A_172 = arith.constant 0 : i32
              %dma_start3A_173 = arith.constant 0 : i32
              %dma_start3A_174 = tpu.memref_slice %arg11[%dma_start3A_172, %dma_start3A_173] : memref<10000x128xf32, #tpu.memory_space<vmem_shared>> -> memref<10000x128xf32, #tpu.memory_space<vmem_shared>>
              tpu.enqueue_indirect_dma source(%arg8 : memref<128x128xf32, #tpu.memory_space<vmem>>) target(%dma_start3A_174 : memref<10000x128xf32, #tpu.memory_space<vmem_shared>>) offsets(%dma_start3A_171 : memref<128xi32, #tpu.memory_space<vmem>>) semaphore(%run_scoped3A_168 : memref<!tpu.dma_semaphore, #tpu.memory_space<semaphore_mem>>) {add = true}
              %dma_wait3A_175 = arith.constant 0 : i32
              %dma_wait3A_176 = tpu.memref_slice %arg10[%run_scoped3A, %dma_wait3A_175] : memref<16x128xi32, #tpu.memory_space<vmem>> -> memref<1x128xi32, #tpu.memory_space<vmem>>
              %dma_wait3A_177 = tpu.memref_squeeze %dma_wait3A_176 : memref<1x128xi32, #tpu.memory_space<vmem>> -> memref<128xi32, #tpu.memory_space<vmem>>
              %dma_wait3A_178 = arith.constant 0 : i32
              %dma_wait3A_179 = arith.constant 0 : i32
              %dma_wait3A_180 = tpu.memref_slice %arg11[%dma_wait3A_178, %dma_wait3A_179] : memref<10000x128xf32, #tpu.memory_space<vmem_shared>> -> memref<10000x128xf32, #tpu.memory_space<vmem_shared>>
              tpu.wait_indirect_dma semaphore(%run_scoped3A_168 : memref<!tpu.dma_semaphore, #tpu.memory_space<semaphore_mem>>) src(%arg8 : memref<128x128xf32, #tpu.memory_space<vmem>>) dst(%dma_wait3A_180 : memref<10000x128xf32, #tpu.memory_space<vmem_shared>>)
              tpu.yield
            }) : () -> ()
          } else {
          }
          %add3A_149 = arith.constant 15 : i32
          %add3A_150 = arith.addi %multiple_of3A_38, %add3A_149 : i32
          %lt3A_151 = arith.constant 2500 : i32
          %lt3A_152 = arith.cmpi slt, %add3A_150, %lt3A_151 : i32
          %convert_element_type3A_153 = arith.extui %lt3A_152 : i1 to i32
          %cond3A_154 = arith.constant 0 : i32
          %cond3A_155 = arith.cmpi ne, %convert_element_type3A_153, %cond3A_154 : i32
          scf.if %cond3A_155 {
            %dma_start3A = arith.constant 15 : i32
            %dma_start3A_156 = arith.constant 0 : i32
            %dma_start3A_157 = tpu.memref_slice %arg9[%dma_start3A, %dma_start3A_156] : memref<16x128xi32, #tpu.memory_space<vmem>> -> memref<1x128xi32, #tpu.memory_space<vmem>>
            %dma_start3A_158 = tpu.memref_squeeze %dma_start3A_157 : memref<1x128xi32, #tpu.memory_space<vmem>> -> memref<128xi32, #tpu.memory_space<vmem>>
            %dma_start3A_159 = arith.constant 0 : i32
            %dma_start3A_160 = arith.constant 0 : i32
            %dma_start3A_161 = tpu.memref_slice %arg3[%dma_start3A_159, %dma_start3A_160] : memref<10000x128xf32, #tpu.memory_space<hbm>> -> memref<10000x128xf32, #tpu.memory_space<hbm>>
            tpu.enqueue_indirect_dma source(%dma_start3A_161 : memref<10000x128xf32, #tpu.memory_space<hbm>>) target(%arg8 : memref<128x128xf32, #tpu.memory_space<vmem>>) offsets(%dma_start3A_158 : memref<128xi32, #tpu.memory_space<vmem>>) semaphore(%arg12 : memref<!tpu.dma_semaphore, #tpu.memory_space<semaphore_mem>>)
            %dma_wait3A = arith.constant 15 : i32
            %dma_wait3A_162 = arith.constant 0 : i32
            %dma_wait3A_163 = tpu.memref_slice %arg9[%dma_wait3A, %dma_wait3A_162] : memref<16x128xi32, #tpu.memory_space<vmem>> -> memref<1x128xi32, #tpu.memory_space<vmem>>
            %dma_wait3A_164 = tpu.memref_squeeze %dma_wait3A_163 : memref<1x128xi32, #tpu.memory_space<vmem>> -> memref<128xi32, #tpu.memory_space<vmem>>
            %dma_wait3A_165 = arith.constant 0 : i32
            %dma_wait3A_166 = arith.constant 0 : i32
            %dma_wait3A_167 = tpu.memref_slice %arg3[%dma_wait3A_165, %dma_wait3A_166] : memref<10000x128xf32, #tpu.memory_space<hbm>> -> memref<10000x128xf32, #tpu.memory_space<hbm>>
            tpu.wait_indirect_dma semaphore(%arg12 : memref<!tpu.dma_semaphore, #tpu.memory_space<semaphore_mem>>) src(%dma_wait3A_167 : memref<10000x128xf32, #tpu.memory_space<hbm>>) dst(%arg8 : memref<128x128xf32, #tpu.memory_space<vmem>>)
            %run_scoped3A = arith.constant 15 : i32
            "tpu.region"() ({
              %run_scoped3A_168 = tpu.sem_alloc : memref<!tpu.dma_semaphore, #tpu.memory_space<semaphore_mem>>
              %dma_start3A_169 = arith.constant 0 : i32
              %dma_start3A_170 = tpu.memref_slice %arg10[%run_scoped3A, %dma_start3A_169] : memref<16x128xi32, #tpu.memory_space<vmem>> -> memref<1x128xi32, #tpu.memory_space<vmem>>
              %dma_start3A_171 = tpu.memref_squeeze %dma_start3A_170 : memref<1x128xi32, #tpu.memory_space<vmem>> -> memref<128xi32, #tpu.memory_space<vmem>>
              %dma_start3A_172 = arith.constant 0 : i32
              %dma_start3A_173 = arith.constant 0 : i32
              %dma_start3A_174 = tpu.memref_slice %arg11[%dma_start3A_172, %dma_start3A_173] : memref<10000x128xf32, #tpu.memory_space<vmem_shared>> -> memref<10000x128xf32, #tpu.memory_space<vmem_shared>>
              tpu.enqueue_indirect_dma source(%arg8 : memref<128x128xf32, #tpu.memory_space<vmem>>) target(%dma_start3A_174 : memref<10000x128xf32, #tpu.memory_space<vmem_shared>>) offsets(%dma_start3A_171 : memref<128xi32, #tpu.memory_space<vmem>>) semaphore(%run_scoped3A_168 : memref<!tpu.dma_semaphore, #tpu.memory_space<semaphore_mem>>) {add = true}
              %dma_wait3A_175 = arith.constant 0 : i32
              %dma_wait3A_176 = tpu.memref_slice %arg10[%run_scoped3A, %dma_wait3A_175] : memref<16x128xi32, #tpu.memory_space<vmem>> -> memref<1x128xi32, #tpu.memory_space<vmem>>
              %dma_wait3A_177 = tpu.memref_squeeze %dma_wait3A_176 : memref<1x128xi32, #tpu.memory_space<vmem>> -> memref<128xi32, #tpu.memory_space<vmem>>
              %dma_wait3A_178 = arith.constant 0 : i32
              %dma_wait3A_179 = arith.constant 0 : i32
              %dma_wait3A_180 = tpu.memref_slice %arg11[%dma_wait3A_178, %dma_wait3A_179] : memref<10000x128xf32, #tpu.memory_space<vmem_shared>> -> memref<10000x128xf32, #tpu.memory_space<vmem_shared>>
              tpu.wait_indirect_dma semaphore(%run_scoped3A_168 : memref<!tpu.dma_semaphore, #tpu.memory_space<semaphore_mem>>) src(%arg8 : memref<128x128xf32, #tpu.memory_space<vmem>>) dst(%dma_wait3A_180 : memref<10000x128xf32, #tpu.memory_space<vmem_shared>>)
              tpu.yield
            }) : () -> ()
          } else {
          }
        } else {
        }
      }
      %scan3A_23 = arith.constant 10 : i32
      %barrier3A_24 = arith.constant 0 : index
      tpu.barrier barrier_id(%barrier3A_24)
      %lt3A_25 = arith.constant 15 : i32
      %lt3A_26 = arith.cmpi slt, %arg1, %lt3A_25 : i32
      %convert_element_type3A_27 = arith.extui %lt3A_26 : i1 to i32
      %cond3A_28 = arith.constant 0 : i32
      %cond3A_29 = arith.cmpi ne, %convert_element_type3A_27, %cond3A_28 : i32
      scf.if %cond3A_29 {
        "tpu.region"() ({
          %run_scoped3A = tpu.sem_alloc : memref<!tpu.dma_semaphore, #tpu.memory_space<semaphore_mem>>
          %dma_start3A = arith.constant 0 : i32
          %dma_start3A_35 = tpu.memref_slice %arg7[%multiple_of3A, %dma_start3A] : memref<10000x128xf32, #tpu.memory_space<hbm>> -> memref<624x128xf32, #tpu.memory_space<hbm>>
          %dma_start3A_36 = arith.constant 0 : i32
          %dma_start3A_37 = tpu.memref_slice %arg11[%multiple_of3A, %dma_start3A_36] : memref<10000x128xf32, #tpu.memory_space<vmem_shared>> -> memref<624x128xf32, #tpu.memory_space<vmem_shared>>
          tpu.enqueue_dma source(%dma_start3A_37 : memref<624x128xf32, #tpu.memory_space<vmem_shared>>) target(%dma_start3A_35 : memref<624x128xf32, #tpu.memory_space<hbm>>) target_semaphore(%run_scoped3A : memref<!tpu.dma_semaphore, #tpu.memory_space<semaphore_mem>>)
          %dma_wait3A = arith.constant 0 : i32
          %dma_wait3A_38 = tpu.memref_slice %arg7[%multiple_of3A, %dma_wait3A] : memref<10000x128xf32, #tpu.memory_space<hbm>> -> memref<624x128xf32, #tpu.memory_space<hbm>>
          %dma_wait3A_39 = arith.constant 0 : i32
          %dma_wait3A_40 = tpu.memref_slice %arg11[%multiple_of3A, %dma_wait3A_39] : memref<10000x128xf32, #tpu.memory_space<vmem_shared>> -> memref<624x128xf32, #tpu.memory_space<vmem_shared>>
          tpu.wait_dma2 semaphore(%run_scoped3A : memref<!tpu.dma_semaphore, #tpu.memory_space<semaphore_mem>>) src(%dma_wait3A_40 : memref<624x128xf32, #tpu.memory_space<vmem_shared>>) dst(%dma_wait3A_38 : memref<624x128xf32, #tpu.memory_space<hbm>>)
          tpu.yield
        }) : () -> ()
      } else {
      }
      %eq3A_30 = arith.constant 15 : i32
      %eq3A_31 = arith.cmpi eq, %arg1, %eq3A_30 : i32
      %convert_element_type3A_32 = arith.extui %eq3A_31 : i1 to i32
      %cond3A_33 = arith.constant 0 : i32
      %cond3A_34 = arith.cmpi ne, %convert_element_type3A_32, %cond3A_33 : i32
      scf.if %cond3A_34 {
        "tpu.region"() ({
          %run_scoped3A = tpu.sem_alloc : memref<!tpu.dma_semaphore, #tpu.memory_space<semaphore_mem>>
          %dma_start3A = arith.constant 0 : i32
          %dma_start3A_35 = tpu.memref_slice %arg7[%multiple_of3A, %dma_start3A] : memref<10000x128xf32, #tpu.memory_space<hbm>> -> memref<640x128xf32, #tpu.memory_space<hbm>>
          %dma_start3A_36 = arith.constant 0 : i32
          %dma_start3A_37 = tpu.memref_slice %arg11[%multiple_of3A, %dma_start3A_36] : memref<10000x128xf32, #tpu.memory_space<vmem_shared>> -> memref<640x128xf32, #tpu.memory_space<vmem_shared>>
          tpu.enqueue_dma source(%dma_start3A_37 : memref<640x128xf32, #tpu.memory_space<vmem_shared>>) target(%dma_start3A_35 : memref<640x128xf32, #tpu.memory_space<hbm>>) target_semaphore(%run_scoped3A : memref<!tpu.dma_semaphore, #tpu.memory_space<semaphore_mem>>)
          %dma_wait3A = arith.constant 0 : i32
          %dma_wait3A_38 = tpu.memref_slice %arg7[%multiple_of3A, %dma_wait3A] : memref<10000x128xf32, #tpu.memory_space<hbm>> -> memref<640x128xf32, #tpu.memory_space<hbm>>
          %dma_wait3A_39 = arith.constant 0 : i32
          %dma_wait3A_40 = tpu.memref_slice %arg11[%multiple_of3A, %dma_wait3A_39] : memref<10000x128xf32, #tpu.memory_space<vmem_shared>> -> memref<640x128xf32, #tpu.memory_space<vmem_shared>>
          tpu.wait_dma2 semaphore(%run_scoped3A : memref<!tpu.dma_semaphore, #tpu.memory_space<semaphore_mem>>) src(%dma_wait3A_40 : memref<640x128xf32, #tpu.memory_space<vmem_shared>>) dst(%dma_wait3A_38 : memref<640x128xf32, #tpu.memory_space<hbm>>)
          tpu.yield
        }) : () -> ()
      } else {
      }
    } else {
    }
    return
  }
}

#map = affine_map<(d0, d1) -> (0, 0)>
module attributes {stable_mosaic.version = 14 : i64} {
  func.func @agg_kernel(%arg0: i32, %arg1: i32, %arg2: memref<10000x128xf32, #tpu.memory_space<hbm>>, %arg3: memref<10000x128xf32, #tpu.memory_space<hbm>>, %arg4: memref<2592x128xi32, #tpu.memory_space<hbm>>, %arg5: memref<2592x128xi32, #tpu.memory_space<hbm>>, %arg6: memref<10000x128xf32, #tpu.memory_space<hbm>>, %arg7: memref<10000x128xf32, #tpu.memory_space<hbm>>, %arg8: memref<128x128xf32, #tpu.memory_space<vmem>>, %arg9: memref<16x128xi32, #tpu.memory_space<vmem>>, %arg10: memref<16x128xi32, #tpu.memory_space<vmem>>, %arg11: memref<10000x128xf32, #tpu.memory_space<vmem_shared>>, %arg12: memref<!tpu.dma_semaphore, #tpu.memory_space<semaphore_mem>>) attributes {dimension_semantics = [#tpu.dimension_semantics<core_parallel>, #tpu.dimension_semantics<subcore_parallel>], iteration_bounds = array<i64: 2, 16>, scalar_prefetch = 0 : i64, scratch_operands = 5 : i64, tpu.core_type = #tpu.core_type<sc_vector_subcore>, window_params = [{transform_indices = #map}, {transform_indices = #map}, {transform_indices = #map}, {transform_indices = #map}, {transform_indices = #map}, {transform_indices = #map}]} {
    %mul3A = arith.constant 624 : i32
    %mul3A_0 = arith.muli %arg1, %mul3A : i32
    %multiple_of3A = tpu.assume_multiple %mul3A_0, 8 : i32
    %eq3A = arith.constant 0 : i32
    %eq3A_1 = arith.cmpi eq, %arg0, %eq3A : i32
    %convert_element_type3A = arith.extui %eq3A_1 : i1 to i32
    %cond3A = arith.constant 0 : i32
    %cond3A_2 = arith.cmpi ne, %convert_element_type3A, %cond3A : i32
    scf.if %cond3A_2 {
      %lt3A = arith.constant 15 : i32
      %lt3A_8 = arith.cmpi slt, %arg1, %lt3A : i32
      %convert_element_type3A_9 = arith.extui %lt3A_8 : i1 to i32
      %cond3A_10 = arith.constant 0 : i32
      %cond3A_11 = arith.cmpi ne, %convert_element_type3A_9, %cond3A_10 : i32
      scf.if %cond3A_11 {
        "tpu.region"() ({
          %run_scoped3A = tpu.sem_alloc : memref<!tpu.dma_semaphore, #tpu.memory_space<semaphore_mem>>
          %dma_start3A = arith.constant 0 : i32
          %dma_start3A_35 = tpu.memref_slice %arg11[%multiple_of3A, %dma_start3A] : memref<10000x128xf32, #tpu.memory_space<vmem_shared>> -> memref<624x128xf32, #tpu.memory_space<vmem_shared>>
          %dma_start3A_36 = arith.constant 0 : i32
          %dma_start3A_37 = tpu.memref_slice %arg2[%multiple_of3A, %dma_start3A_36] : memref<10000x128xf32, #tpu.memory_space<hbm>> -> memref<624x128xf32, #tpu.memory_space<hbm>>
          tpu.enqueue_dma source(%dma_start3A_37 : memref<624x128xf32, #tpu.memory_space<hbm>>) target(%dma_start3A_35 : memref<624x128xf32, #tpu.memory_space<vmem_shared>>) target_semaphore(%run_scoped3A : memref<!tpu.dma_semaphore, #tpu.memory_space<semaphore_mem>>)
          %dma_wait3A = arith.constant 0 : i32
          %dma_wait3A_38 = tpu.memref_slice %arg11[%multiple_of3A, %dma_wait3A] : memref<10000x128xf32, #tpu.memory_space<vmem_shared>> -> memref<624x128xf32, #tpu.memory_space<vmem_shared>>
          %dma_wait3A_39 = arith.constant 0 : i32
          %dma_wait3A_40 = tpu.memref_slice %arg2[%multiple_of3A, %dma_wait3A_39] : memref<10000x128xf32, #tpu.memory_space<hbm>> -> memref<624x128xf32, #tpu.memory_space<hbm>>
          tpu.wait_dma2 semaphore(%run_scoped3A : memref<!tpu.dma_semaphore, #tpu.memory_space<semaphore_mem>>) src(%dma_wait3A_40 : memref<624x128xf32, #tpu.memory_space<hbm>>) dst(%dma_wait3A_38 : memref<624x128xf32, #tpu.memory_space<vmem_shared>>)
          tpu.yield
        }) : () -> ()
      } else {
      }
      %eq3A_12 = arith.constant 15 : i32
      %eq3A_13 = arith.cmpi eq, %arg1, %eq3A_12 : i32
      %convert_element_type3A_14 = arith.extui %eq3A_13 : i1 to i32
      %cond3A_15 = arith.constant 0 : i32
      %cond3A_16 = arith.cmpi ne, %convert_element_type3A_14, %cond3A_15 : i32
      scf.if %cond3A_16 {
        "tpu.region"() ({
          %run_scoped3A = tpu.sem_alloc : memref<!tpu.dma_semaphore, #tpu.memory_space<semaphore_mem>>
          %dma_start3A = arith.constant 0 : i32
          %dma_start3A_35 = tpu.memref_slice %arg11[%multiple_of3A, %dma_start3A] : memref<10000x128xf32, #tpu.memory_space<vmem_shared>> -> memref<640x128xf32, #tpu.memory_space<vmem_shared>>
          %dma_start3A_36 = arith.constant 0 : i32
          %dma_start3A_37 = tpu.memref_slice %arg2[%multiple_of3A, %dma_start3A_36] : memref<10000x128xf32, #tpu.memory_space<hbm>> -> memref<640x128xf32, #tpu.memory_space<hbm>>
          tpu.enqueue_dma source(%dma_start3A_37 : memref<640x128xf32, #tpu.memory_space<hbm>>) target(%dma_start3A_35 : memref<640x128xf32, #tpu.memory_space<vmem_shared>>) target_semaphore(%run_scoped3A : memref<!tpu.dma_semaphore, #tpu.memory_space<semaphore_mem>>)
          %dma_wait3A = arith.constant 0 : i32
          %dma_wait3A_38 = tpu.memref_slice %arg11[%multiple_of3A, %dma_wait3A] : memref<10000x128xf32, #tpu.memory_space<vmem_shared>> -> memref<640x128xf32, #tpu.memory_space<vmem_shared>>
          %dma_wait3A_39 = arith.constant 0 : i32
          %dma_wait3A_40 = tpu.memref_slice %arg2[%multiple_of3A, %dma_wait3A_39] : memref<10000x128xf32, #tpu.memory_space<hbm>> -> memref<640x128xf32, #tpu.memory_space<hbm>>
          tpu.wait_dma2 semaphore(%run_scoped3A : memref<!tpu.dma_semaphore, #tpu.memory_space<semaphore_mem>>) src(%dma_wait3A_40 : memref<640x128xf32, #tpu.memory_space<hbm>>) dst(%dma_wait3A_38 : memref<640x128xf32, #tpu.memory_space<vmem_shared>>)
          tpu.yield
        }) : () -> ()
      } else {
      }
      %barrier3A = arith.constant 0 : index
      tpu.barrier barrier_id(%barrier3A)
      %mul3A_17 = arith.constant 160 : i32
      %mul3A_18 = arith.muli %arg1, %mul3A_17 : i32
      %scan3A = arith.constant 0 : i32
      %scan3A_19 = arith.constant 0 : i32
      %scan3A_20 = arith.constant 10 : i32
      %scan3A_21 = arith.addi %scan3A_19, %scan3A_20 : i32
      %scan3A_22 = arith.constant 1 : i32
      scf.for %scan3A_35 = %scan3A_19 to %scan3A_21 step %scan3A_22  : i32 {
        %mul3A_36 = arith.constant 16 : i32
        %mul3A_37 = arith.muli %scan3A_35, %mul3A_36 : i32
        %add3A = arith.addi %mul3A_18, %mul3A_37 : i32
        %multiple_of3A_38 = tpu.assume_multiple %add3A, 8 : i32
        %lt3A_39 = arith.constant 2500 : i32
        %lt3A_40 = arith.cmpi slt, %multiple_of3A_38, %lt3A_39 : i32
        %convert_element_type3A_41 = arith.extui %lt3A_40 : i1 to i32
        %cond3A_42 = arith.constant 0 : i32
        %cond3A_43 = arith.cmpi ne, %convert_element_type3A_41, %cond3A_42 : i32
        scf.if %cond3A_43 {
          "tpu.region"() ({
            %run_scoped3A = tpu.sem_alloc : memref<!tpu.dma_semaphore, #tpu.memory_space<semaphore_mem>>
            %dma_start3A = arith.constant 0 : i32
            %dma_start3A_156 = tpu.memref_slice %arg4[%multiple_of3A_38, %dma_start3A] : memref<2592x128xi32, #tpu.memory_space<hbm>> -> memref<16x128xi32, #tpu.memory_space<hbm>>
            %dma_start3A_157 = arith.constant 0 : i32
            %dma_start3A_158 = tpu.memref_slice %arg4[%multiple_of3A_38, %dma_start3A_157] : memref<2592x128xi32, #tpu.memory_space<hbm>> -> memref<16x128xi32, #tpu.memory_space<hbm>>
            tpu.enqueue_dma source(%dma_start3A_158 : memref<16x128xi32, #tpu.memory_space<hbm>>) target(%arg9 : memref<16x128xi32, #tpu.memory_space<vmem>>) target_semaphore(%run_scoped3A : memref<!tpu.dma_semaphore, #tpu.memory_space<semaphore_mem>>)
            %dma_wait3A = arith.constant 0 : i32
            %dma_wait3A_159 = tpu.memref_slice %arg4[%multiple_of3A_38, %dma_wait3A] : memref<2592x128xi32, #tpu.memory_space<hbm>> -> memref<16x128xi32, #tpu.memory_space<hbm>>
            %dma_wait3A_160 = arith.constant 0 : i32
            %dma_wait3A_161 = tpu.memref_slice %arg4[%multiple_of3A_38, %dma_wait3A_160] : memref<2592x128xi32, #tpu.memory_space<hbm>> -> memref<16x128xi32, #tpu.memory_space<hbm>>
            tpu.wait_dma2 semaphore(%run_scoped3A : memref<!tpu.dma_semaphore, #tpu.memory_space<semaphore_mem>>) src(%dma_wait3A_161 : memref<16x128xi32, #tpu.memory_space<hbm>>) dst(%arg9 : memref<16x128xi32, #tpu.memory_space<vmem>>)
            tpu.yield
          }) : () -> ()
          "tpu.region"() ({
            %run_scoped3A = tpu.sem_alloc : memref<!tpu.dma_semaphore, #tpu.memory_space<semaphore_mem>>
            %dma_start3A = arith.constant 0 : i32
            %dma_start3A_156 = tpu.memref_slice %arg5[%multiple_of3A_38, %dma_start3A] : memref<2592x128xi32, #tpu.memory_space<hbm>> -> memref<16x128xi32, #tpu.memory_space<hbm>>
            %dma_start3A_157 = arith.constant 0 : i32
            %dma_start3A_158 = tpu.memref_slice %arg5[%multiple_of3A_38, %dma_start3A_157] : memref<2592x128xi32, #tpu.memory_space<hbm>> -> memref<16x128xi32, #tpu.memory_space<hbm>>
            tpu.enqueue_dma source(%dma_start3A_158 : memref<16x128xi32, #tpu.memory_space<hbm>>) target(%arg10 : memref<16x128xi32, #tpu.memory_space<vmem>>) target_semaphore(%run_scoped3A : memref<!tpu.dma_semaphore, #tpu.memory_space<semaphore_mem>>)
            %dma_wait3A = arith.constant 0 : i32
            %dma_wait3A_159 = tpu.memref_slice %arg5[%multiple_of3A_38, %dma_wait3A] : memref<2592x128xi32, #tpu.memory_space<hbm>> -> memref<16x128xi32, #tpu.memory_space<hbm>>
            %dma_wait3A_160 = arith.constant 0 : i32
            %dma_wait3A_161 = tpu.memref_slice %arg5[%multiple_of3A_38, %dma_wait3A_160] : memref<2592x128xi32, #tpu.memory_space<hbm>> -> memref<16x128xi32, #tpu.memory_space<hbm>>
            tpu.wait_dma2 semaphore(%run_scoped3A : memref<!tpu.dma_semaphore, #tpu.memory_space<semaphore_mem>>) src(%dma_wait3A_161 : memref<16x128xi32, #tpu.memory_space<hbm>>) dst(%arg10 : memref<16x128xi32, #tpu.memory_space<vmem>>)
            tpu.yield
          }) : () -> ()
          %add3A_44 = arith.constant 0 : i32
          %add3A_45 = arith.addi %multiple_of3A_38, %add3A_44 : i32
          %lt3A_46 = arith.constant 2500 : i32
          %lt3A_47 = arith.cmpi slt, %add3A_45, %lt3A_46 : i32
          %convert_element_type3A_48 = arith.extui %lt3A_47 : i1 to i32
          %cond3A_49 = arith.constant 0 : i32
          %cond3A_50 = arith.cmpi ne, %convert_element_type3A_48, %cond3A_49 : i32
          scf.if %cond3A_50 {
            %dma_start3A = arith.constant 0 : i32
            %dma_start3A_156 = arith.constant 0 : i32
            %dma_start3A_157 = tpu.memref_slice %arg9[%dma_start3A, %dma_start3A_156] : memref<16x128xi32, #tpu.memory_space<vmem>> -> memref<1x128xi32, #tpu.memory_space<vmem>>
            %dma_start3A_158 = tpu.memref_squeeze %dma_start3A_157 : memref<1x128xi32, #tpu.memory_space<vmem>> -> memref<128xi32, #tpu.memory_space<vmem>>
            %dma_start3A_159 = arith.constant 0 : i32
            %dma_start3A_160 = arith.constant 0 : i32
            %dma_start3A_161 = tpu.memref_slice %arg2[%dma_start3A_159, %dma_start3A_160] : memref<10000x128xf32, #tpu.memory_space<hbm>> -> memref<10000x128xf32, #tpu.memory_space<hbm>>
            tpu.enqueue_indirect_dma source(%dma_start3A_161 : memref<10000x128xf32, #tpu.memory_space<hbm>>) target(%arg8 : memref<128x128xf32, #tpu.memory_space<vmem>>) offsets(%dma_start3A_158 : memref<128xi32, #tpu.memory_space<vmem>>) semaphore(%arg12 : memref<!tpu.dma_semaphore, #tpu.memory_space<semaphore_mem>>)
            %dma_wait3A = arith.constant 0 : i32
            %dma_wait3A_162 = arith.constant 0 : i32
            %dma_wait3A_163 = tpu.memref_slice %arg9[%dma_wait3A, %dma_wait3A_162] : memref<16x128xi32, #tpu.memory_space<vmem>> -> memref<1x128xi32, #tpu.memory_space<vmem>>
            %dma_wait3A_164 = tpu.memref_squeeze %dma_wait3A_163 : memref<1x128xi32, #tpu.memory_space<vmem>> -> memref<128xi32, #tpu.memory_space<vmem>>
            %dma_wait3A_165 = arith.constant 0 : i32
            %dma_wait3A_166 = arith.constant 0 : i32
            %dma_wait3A_167 = tpu.memref_slice %arg2[%dma_wait3A_165, %dma_wait3A_166] : memref<10000x128xf32, #tpu.memory_space<hbm>> -> memref<10000x128xf32, #tpu.memory_space<hbm>>
            tpu.wait_indirect_dma semaphore(%arg12 : memref<!tpu.dma_semaphore, #tpu.memory_space<semaphore_mem>>) src(%dma_wait3A_167 : memref<10000x128xf32, #tpu.memory_space<hbm>>) dst(%arg8 : memref<128x128xf32, #tpu.memory_space<vmem>>)
            %run_scoped3A = arith.constant 0 : i32
            "tpu.region"() ({
              %run_scoped3A_168 = tpu.sem_alloc : memref<!tpu.dma_semaphore, #tpu.memory_space<semaphore_mem>>
              %dma_start3A_169 = arith.constant 0 : i32
              %dma_start3A_170 = tpu.memref_slice %arg10[%run_scoped3A, %dma_start3A_169] : memref<16x128xi32, #tpu.memory_space<vmem>> -> memref<1x128xi32, #tpu.memory_space<vmem>>
              %dma_start3A_171 = tpu.memref_squeeze %dma_start3A_170 : memref<1x128xi32, #tpu.memory_space<vmem>> -> memref<128xi32, #tpu.memory_space<vmem>>
              %dma_start3A_172 = arith.constant 0 : i32
              %dma_start3A_173 = arith.constant 0 : i32
              %dma_start3A_174 = tpu.memref_slice %arg11[%dma_start3A_172, %dma_start3A_173] : memref<10000x128xf32, #tpu.memory_space<vmem_shared>> -> memref<10000x128xf32, #tpu.memory_space<vmem_shared>>
              tpu.enqueue_indirect_dma source(%arg8 : memref<128x128xf32, #tpu.memory_space<vmem>>) target(%dma_start3A_174 : memref<10000x128xf32, #tpu.memory_space<vmem_shared>>) offsets(%dma_start3A_171 : memref<128xi32, #tpu.memory_space<vmem>>) semaphore(%run_scoped3A_168 : memref<!tpu.dma_semaphore, #tpu.memory_space<semaphore_mem>>) {add = true}
              %dma_wait3A_175 = arith.constant 0 : i32
              %dma_wait3A_176 = tpu.memref_slice %arg10[%run_scoped3A, %dma_wait3A_175] : memref<16x128xi32, #tpu.memory_space<vmem>> -> memref<1x128xi32, #tpu.memory_space<vmem>>
              %dma_wait3A_177 = tpu.memref_squeeze %dma_wait3A_176 : memref<1x128xi32, #tpu.memory_space<vmem>> -> memref<128xi32, #tpu.memory_space<vmem>>
              %dma_wait3A_178 = arith.constant 0 : i32
              %dma_wait3A_179 = arith.constant 0 : i32
              %dma_wait3A_180 = tpu.memref_slice %arg11[%dma_wait3A_178, %dma_wait3A_179] : memref<10000x128xf32, #tpu.memory_space<vmem_shared>> -> memref<10000x128xf32, #tpu.memory_space<vmem_shared>>
              tpu.wait_indirect_dma semaphore(%run_scoped3A_168 : memref<!tpu.dma_semaphore, #tpu.memory_space<semaphore_mem>>) src(%arg8 : memref<128x128xf32, #tpu.memory_space<vmem>>) dst(%dma_wait3A_180 : memref<10000x128xf32, #tpu.memory_space<vmem_shared>>)
              tpu.yield
            }) : () -> ()
          } else {
          }
          %add3A_51 = arith.constant 1 : i32
          %add3A_52 = arith.addi %multiple_of3A_38, %add3A_51 : i32
          %lt3A_53 = arith.constant 2500 : i32
          %lt3A_54 = arith.cmpi slt, %add3A_52, %lt3A_53 : i32
          %convert_element_type3A_55 = arith.extui %lt3A_54 : i1 to i32
          %cond3A_56 = arith.constant 0 : i32
          %cond3A_57 = arith.cmpi ne, %convert_element_type3A_55, %cond3A_56 : i32
          scf.if %cond3A_57 {
            %dma_start3A = arith.constant 1 : i32
            %dma_start3A_156 = arith.constant 0 : i32
            %dma_start3A_157 = tpu.memref_slice %arg9[%dma_start3A, %dma_start3A_156] : memref<16x128xi32, #tpu.memory_space<vmem>> -> memref<1x128xi32, #tpu.memory_space<vmem>>
            %dma_start3A_158 = tpu.memref_squeeze %dma_start3A_157 : memref<1x128xi32, #tpu.memory_space<vmem>> -> memref<128xi32, #tpu.memory_space<vmem>>
            %dma_start3A_159 = arith.constant 0 : i32
            %dma_start3A_160 = arith.constant 0 : i32
            %dma_start3A_161 = tpu.memref_slice %arg2[%dma_start3A_159, %dma_start3A_160] : memref<10000x128xf32, #tpu.memory_space<hbm>> -> memref<10000x128xf32, #tpu.memory_space<hbm>>
            tpu.enqueue_indirect_dma source(%dma_start3A_161 : memref<10000x128xf32, #tpu.memory_space<hbm>>) target(%arg8 : memref<128x128xf32, #tpu.memory_space<vmem>>) offsets(%dma_start3A_158 : memref<128xi32, #tpu.memory_space<vmem>>) semaphore(%arg12 : memref<!tpu.dma_semaphore, #tpu.memory_space<semaphore_mem>>)
            %dma_wait3A = arith.constant 1 : i32
            %dma_wait3A_162 = arith.constant 0 : i32
            %dma_wait3A_163 = tpu.memref_slice %arg9[%dma_wait3A, %dma_wait3A_162] : memref<16x128xi32, #tpu.memory_space<vmem>> -> memref<1x128xi32, #tpu.memory_space<vmem>>
            %dma_wait3A_164 = tpu.memref_squeeze %dma_wait3A_163 : memref<1x128xi32, #tpu.memory_space<vmem>> -> memref<128xi32, #tpu.memory_space<vmem>>
            %dma_wait3A_165 = arith.constant 0 : i32
            %dma_wait3A_166 = arith.constant 0 : i32
            %dma_wait3A_167 = tpu.memref_slice %arg2[%dma_wait3A_165, %dma_wait3A_166] : memref<10000x128xf32, #tpu.memory_space<hbm>> -> memref<10000x128xf32, #tpu.memory_space<hbm>>
            tpu.wait_indirect_dma semaphore(%arg12 : memref<!tpu.dma_semaphore, #tpu.memory_space<semaphore_mem>>) src(%dma_wait3A_167 : memref<10000x128xf32, #tpu.memory_space<hbm>>) dst(%arg8 : memref<128x128xf32, #tpu.memory_space<vmem>>)
            %run_scoped3A = arith.constant 1 : i32
            "tpu.region"() ({
              %run_scoped3A_168 = tpu.sem_alloc : memref<!tpu.dma_semaphore, #tpu.memory_space<semaphore_mem>>
              %dma_start3A_169 = arith.constant 0 : i32
              %dma_start3A_170 = tpu.memref_slice %arg10[%run_scoped3A, %dma_start3A_169] : memref<16x128xi32, #tpu.memory_space<vmem>> -> memref<1x128xi32, #tpu.memory_space<vmem>>
              %dma_start3A_171 = tpu.memref_squeeze %dma_start3A_170 : memref<1x128xi32, #tpu.memory_space<vmem>> -> memref<128xi32, #tpu.memory_space<vmem>>
              %dma_start3A_172 = arith.constant 0 : i32
              %dma_start3A_173 = arith.constant 0 : i32
              %dma_start3A_174 = tpu.memref_slice %arg11[%dma_start3A_172, %dma_start3A_173] : memref<10000x128xf32, #tpu.memory_space<vmem_shared>> -> memref<10000x128xf32, #tpu.memory_space<vmem_shared>>
              tpu.enqueue_indirect_dma source(%arg8 : memref<128x128xf32, #tpu.memory_space<vmem>>) target(%dma_start3A_174 : memref<10000x128xf32, #tpu.memory_space<vmem_shared>>) offsets(%dma_start3A_171 : memref<128xi32, #tpu.memory_space<vmem>>) semaphore(%run_scoped3A_168 : memref<!tpu.dma_semaphore, #tpu.memory_space<semaphore_mem>>) {add = true}
              %dma_wait3A_175 = arith.constant 0 : i32
              %dma_wait3A_176 = tpu.memref_slice %arg10[%run_scoped3A, %dma_wait3A_175] : memref<16x128xi32, #tpu.memory_space<vmem>> -> memref<1x128xi32, #tpu.memory_space<vmem>>
              %dma_wait3A_177 = tpu.memref_squeeze %dma_wait3A_176 : memref<1x128xi32, #tpu.memory_space<vmem>> -> memref<128xi32, #tpu.memory_space<vmem>>
              %dma_wait3A_178 = arith.constant 0 : i32
              %dma_wait3A_179 = arith.constant 0 : i32
              %dma_wait3A_180 = tpu.memref_slice %arg11[%dma_wait3A_178, %dma_wait3A_179] : memref<10000x128xf32, #tpu.memory_space<vmem_shared>> -> memref<10000x128xf32, #tpu.memory_space<vmem_shared>>
              tpu.wait_indirect_dma semaphore(%run_scoped3A_168 : memref<!tpu.dma_semaphore, #tpu.memory_space<semaphore_mem>>) src(%arg8 : memref<128x128xf32, #tpu.memory_space<vmem>>) dst(%dma_wait3A_180 : memref<10000x128xf32, #tpu.memory_space<vmem_shared>>)
              tpu.yield
            }) : () -> ()
          } else {
          }
          %add3A_58 = arith.constant 2 : i32
          %add3A_59 = arith.addi %multiple_of3A_38, %add3A_58 : i32
          %lt3A_60 = arith.constant 2500 : i32
          %lt3A_61 = arith.cmpi slt, %add3A_59, %lt3A_60 : i32
          %convert_element_type3A_62 = arith.extui %lt3A_61 : i1 to i32
          %cond3A_63 = arith.constant 0 : i32
          %cond3A_64 = arith.cmpi ne, %convert_element_type3A_62, %cond3A_63 : i32
          scf.if %cond3A_64 {
            %dma_start3A = arith.constant 2 : i32
            %dma_start3A_156 = arith.constant 0 : i32
            %dma_start3A_157 = tpu.memref_slice %arg9[%dma_start3A, %dma_start3A_156] : memref<16x128xi32, #tpu.memory_space<vmem>> -> memref<1x128xi32, #tpu.memory_space<vmem>>
            %dma_start3A_158 = tpu.memref_squeeze %dma_start3A_157 : memref<1x128xi32, #tpu.memory_space<vmem>> -> memref<128xi32, #tpu.memory_space<vmem>>
            %dma_start3A_159 = arith.constant 0 : i32
            %dma_start3A_160 = arith.constant 0 : i32
            %dma_start3A_161 = tpu.memref_slice %arg2[%dma_start3A_159, %dma_start3A_160] : memref<10000x128xf32, #tpu.memory_space<hbm>> -> memref<10000x128xf32, #tpu.memory_space<hbm>>
            tpu.enqueue_indirect_dma source(%dma_start3A_161 : memref<10000x128xf32, #tpu.memory_space<hbm>>) target(%arg8 : memref<128x128xf32, #tpu.memory_space<vmem>>) offsets(%dma_start3A_158 : memref<128xi32, #tpu.memory_space<vmem>>) semaphore(%arg12 : memref<!tpu.dma_semaphore, #tpu.memory_space<semaphore_mem>>)
            %dma_wait3A = arith.constant 2 : i32
            %dma_wait3A_162 = arith.constant 0 : i32
            %dma_wait3A_163 = tpu.memref_slice %arg9[%dma_wait3A, %dma_wait3A_162] : memref<16x128xi32, #tpu.memory_space<vmem>> -> memref<1x128xi32, #tpu.memory_space<vmem>>
            %dma_wait3A_164 = tpu.memref_squeeze %dma_wait3A_163 : memref<1x128xi32, #tpu.memory_space<vmem>> -> memref<128xi32, #tpu.memory_space<vmem>>
            %dma_wait3A_165 = arith.constant 0 : i32
            %dma_wait3A_166 = arith.constant 0 : i32
            %dma_wait3A_167 = tpu.memref_slice %arg2[%dma_wait3A_165, %dma_wait3A_166] : memref<10000x128xf32, #tpu.memory_space<hbm>> -> memref<10000x128xf32, #tpu.memory_space<hbm>>
            tpu.wait_indirect_dma semaphore(%arg12 : memref<!tpu.dma_semaphore, #tpu.memory_space<semaphore_mem>>) src(%dma_wait3A_167 : memref<10000x128xf32, #tpu.memory_space<hbm>>) dst(%arg8 : memref<128x128xf32, #tpu.memory_space<vmem>>)
            %run_scoped3A = arith.constant 2 : i32
            "tpu.region"() ({
              %run_scoped3A_168 = tpu.sem_alloc : memref<!tpu.dma_semaphore, #tpu.memory_space<semaphore_mem>>
              %dma_start3A_169 = arith.constant 0 : i32
              %dma_start3A_170 = tpu.memref_slice %arg10[%run_scoped3A, %dma_start3A_169] : memref<16x128xi32, #tpu.memory_space<vmem>> -> memref<1x128xi32, #tpu.memory_space<vmem>>
              %dma_start3A_171 = tpu.memref_squeeze %dma_start3A_170 : memref<1x128xi32, #tpu.memory_space<vmem>> -> memref<128xi32, #tpu.memory_space<vmem>>
              %dma_start3A_172 = arith.constant 0 : i32
              %dma_start3A_173 = arith.constant 0 : i32
              %dma_start3A_174 = tpu.memref_slice %arg11[%dma_start3A_172, %dma_start3A_173] : memref<10000x128xf32, #tpu.memory_space<vmem_shared>> -> memref<10000x128xf32, #tpu.memory_space<vmem_shared>>
              tpu.enqueue_indirect_dma source(%arg8 : memref<128x128xf32, #tpu.memory_space<vmem>>) target(%dma_start3A_174 : memref<10000x128xf32, #tpu.memory_space<vmem_shared>>) offsets(%dma_start3A_171 : memref<128xi32, #tpu.memory_space<vmem>>) semaphore(%run_scoped3A_168 : memref<!tpu.dma_semaphore, #tpu.memory_space<semaphore_mem>>) {add = true}
              %dma_wait3A_175 = arith.constant 0 : i32
              %dma_wait3A_176 = tpu.memref_slice %arg10[%run_scoped3A, %dma_wait3A_175] : memref<16x128xi32, #tpu.memory_space<vmem>> -> memref<1x128xi32, #tpu.memory_space<vmem>>
              %dma_wait3A_177 = tpu.memref_squeeze %dma_wait3A_176 : memref<1x128xi32, #tpu.memory_space<vmem>> -> memref<128xi32, #tpu.memory_space<vmem>>
              %dma_wait3A_178 = arith.constant 0 : i32
              %dma_wait3A_179 = arith.constant 0 : i32
              %dma_wait3A_180 = tpu.memref_slice %arg11[%dma_wait3A_178, %dma_wait3A_179] : memref<10000x128xf32, #tpu.memory_space<vmem_shared>> -> memref<10000x128xf32, #tpu.memory_space<vmem_shared>>
              tpu.wait_indirect_dma semaphore(%run_scoped3A_168 : memref<!tpu.dma_semaphore, #tpu.memory_space<semaphore_mem>>) src(%arg8 : memref<128x128xf32, #tpu.memory_space<vmem>>) dst(%dma_wait3A_180 : memref<10000x128xf32, #tpu.memory_space<vmem_shared>>)
              tpu.yield
            }) : () -> ()
          } else {
          }
          %add3A_65 = arith.constant 3 : i32
          %add3A_66 = arith.addi %multiple_of3A_38, %add3A_65 : i32
          %lt3A_67 = arith.constant 2500 : i32
          %lt3A_68 = arith.cmpi slt, %add3A_66, %lt3A_67 : i32
          %convert_element_type3A_69 = arith.extui %lt3A_68 : i1 to i32
          %cond3A_70 = arith.constant 0 : i32
          %cond3A_71 = arith.cmpi ne, %convert_element_type3A_69, %cond3A_70 : i32
          scf.if %cond3A_71 {
            %dma_start3A = arith.constant 3 : i32
            %dma_start3A_156 = arith.constant 0 : i32
            %dma_start3A_157 = tpu.memref_slice %arg9[%dma_start3A, %dma_start3A_156] : memref<16x128xi32, #tpu.memory_space<vmem>> -> memref<1x128xi32, #tpu.memory_space<vmem>>
            %dma_start3A_158 = tpu.memref_squeeze %dma_start3A_157 : memref<1x128xi32, #tpu.memory_space<vmem>> -> memref<128xi32, #tpu.memory_space<vmem>>
            %dma_start3A_159 = arith.constant 0 : i32
            %dma_start3A_160 = arith.constant 0 : i32
            %dma_start3A_161 = tpu.memref_slice %arg2[%dma_start3A_159, %dma_start3A_160] : memref<10000x128xf32, #tpu.memory_space<hbm>> -> memref<10000x128xf32, #tpu.memory_space<hbm>>
            tpu.enqueue_indirect_dma source(%dma_start3A_161 : memref<10000x128xf32, #tpu.memory_space<hbm>>) target(%arg8 : memref<128x128xf32, #tpu.memory_space<vmem>>) offsets(%dma_start3A_158 : memref<128xi32, #tpu.memory_space<vmem>>) semaphore(%arg12 : memref<!tpu.dma_semaphore, #tpu.memory_space<semaphore_mem>>)
            %dma_wait3A = arith.constant 3 : i32
            %dma_wait3A_162 = arith.constant 0 : i32
            %dma_wait3A_163 = tpu.memref_slice %arg9[%dma_wait3A, %dma_wait3A_162] : memref<16x128xi32, #tpu.memory_space<vmem>> -> memref<1x128xi32, #tpu.memory_space<vmem>>
            %dma_wait3A_164 = tpu.memref_squeeze %dma_wait3A_163 : memref<1x128xi32, #tpu.memory_space<vmem>> -> memref<128xi32, #tpu.memory_space<vmem>>
            %dma_wait3A_165 = arith.constant 0 : i32
            %dma_wait3A_166 = arith.constant 0 : i32
            %dma_wait3A_167 = tpu.memref_slice %arg2[%dma_wait3A_165, %dma_wait3A_166] : memref<10000x128xf32, #tpu.memory_space<hbm>> -> memref<10000x128xf32, #tpu.memory_space<hbm>>
            tpu.wait_indirect_dma semaphore(%arg12 : memref<!tpu.dma_semaphore, #tpu.memory_space<semaphore_mem>>) src(%dma_wait3A_167 : memref<10000x128xf32, #tpu.memory_space<hbm>>) dst(%arg8 : memref<128x128xf32, #tpu.memory_space<vmem>>)
            %run_scoped3A = arith.constant 3 : i32
            "tpu.region"() ({
              %run_scoped3A_168 = tpu.sem_alloc : memref<!tpu.dma_semaphore, #tpu.memory_space<semaphore_mem>>
              %dma_start3A_169 = arith.constant 0 : i32
              %dma_start3A_170 = tpu.memref_slice %arg10[%run_scoped3A, %dma_start3A_169] : memref<16x128xi32, #tpu.memory_space<vmem>> -> memref<1x128xi32, #tpu.memory_space<vmem>>
              %dma_start3A_171 = tpu.memref_squeeze %dma_start3A_170 : memref<1x128xi32, #tpu.memory_space<vmem>> -> memref<128xi32, #tpu.memory_space<vmem>>
              %dma_start3A_172 = arith.constant 0 : i32
              %dma_start3A_173 = arith.constant 0 : i32
              %dma_start3A_174 = tpu.memref_slice %arg11[%dma_start3A_172, %dma_start3A_173] : memref<10000x128xf32, #tpu.memory_space<vmem_shared>> -> memref<10000x128xf32, #tpu.memory_space<vmem_shared>>
              tpu.enqueue_indirect_dma source(%arg8 : memref<128x128xf32, #tpu.memory_space<vmem>>) target(%dma_start3A_174 : memref<10000x128xf32, #tpu.memory_space<vmem_shared>>) offsets(%dma_start3A_171 : memref<128xi32, #tpu.memory_space<vmem>>) semaphore(%run_scoped3A_168 : memref<!tpu.dma_semaphore, #tpu.memory_space<semaphore_mem>>) {add = true}
              %dma_wait3A_175 = arith.constant 0 : i32
              %dma_wait3A_176 = tpu.memref_slice %arg10[%run_scoped3A, %dma_wait3A_175] : memref<16x128xi32, #tpu.memory_space<vmem>> -> memref<1x128xi32, #tpu.memory_space<vmem>>
              %dma_wait3A_177 = tpu.memref_squeeze %dma_wait3A_176 : memref<1x128xi32, #tpu.memory_space<vmem>> -> memref<128xi32, #tpu.memory_space<vmem>>
              %dma_wait3A_178 = arith.constant 0 : i32
              %dma_wait3A_179 = arith.constant 0 : i32
              %dma_wait3A_180 = tpu.memref_slice %arg11[%dma_wait3A_178, %dma_wait3A_179] : memref<10000x128xf32, #tpu.memory_space<vmem_shared>> -> memref<10000x128xf32, #tpu.memory_space<vmem_shared>>
              tpu.wait_indirect_dma semaphore(%run_scoped3A_168 : memref<!tpu.dma_semaphore, #tpu.memory_space<semaphore_mem>>) src(%arg8 : memref<128x128xf32, #tpu.memory_space<vmem>>) dst(%dma_wait3A_180 : memref<10000x128xf32, #tpu.memory_space<vmem_shared>>)
              tpu.yield
            }) : () -> ()
          } else {
          }
          %add3A_72 = arith.constant 4 : i32
          %add3A_73 = arith.addi %multiple_of3A_38, %add3A_72 : i32
          %lt3A_74 = arith.constant 2500 : i32
          %lt3A_75 = arith.cmpi slt, %add3A_73, %lt3A_74 : i32
          %convert_element_type3A_76 = arith.extui %lt3A_75 : i1 to i32
          %cond3A_77 = arith.constant 0 : i32
          %cond3A_78 = arith.cmpi ne, %convert_element_type3A_76, %cond3A_77 : i32
          scf.if %cond3A_78 {
            %dma_start3A = arith.constant 4 : i32
            %dma_start3A_156 = arith.constant 0 : i32
            %dma_start3A_157 = tpu.memref_slice %arg9[%dma_start3A, %dma_start3A_156] : memref<16x128xi32, #tpu.memory_space<vmem>> -> memref<1x128xi32, #tpu.memory_space<vmem>>
            %dma_start3A_158 = tpu.memref_squeeze %dma_start3A_157 : memref<1x128xi32, #tpu.memory_space<vmem>> -> memref<128xi32, #tpu.memory_space<vmem>>
            %dma_start3A_159 = arith.constant 0 : i32
            %dma_start3A_160 = arith.constant 0 : i32
            %dma_start3A_161 = tpu.memref_slice %arg2[%dma_start3A_159, %dma_start3A_160] : memref<10000x128xf32, #tpu.memory_space<hbm>> -> memref<10000x128xf32, #tpu.memory_space<hbm>>
            tpu.enqueue_indirect_dma source(%dma_start3A_161 : memref<10000x128xf32, #tpu.memory_space<hbm>>) target(%arg8 : memref<128x128xf32, #tpu.memory_space<vmem>>) offsets(%dma_start3A_158 : memref<128xi32, #tpu.memory_space<vmem>>) semaphore(%arg12 : memref<!tpu.dma_semaphore, #tpu.memory_space<semaphore_mem>>)
            %dma_wait3A = arith.constant 4 : i32
            %dma_wait3A_162 = arith.constant 0 : i32
            %dma_wait3A_163 = tpu.memref_slice %arg9[%dma_wait3A, %dma_wait3A_162] : memref<16x128xi32, #tpu.memory_space<vmem>> -> memref<1x128xi32, #tpu.memory_space<vmem>>
            %dma_wait3A_164 = tpu.memref_squeeze %dma_wait3A_163 : memref<1x128xi32, #tpu.memory_space<vmem>> -> memref<128xi32, #tpu.memory_space<vmem>>
            %dma_wait3A_165 = arith.constant 0 : i32
            %dma_wait3A_166 = arith.constant 0 : i32
            %dma_wait3A_167 = tpu.memref_slice %arg2[%dma_wait3A_165, %dma_wait3A_166] : memref<10000x128xf32, #tpu.memory_space<hbm>> -> memref<10000x128xf32, #tpu.memory_space<hbm>>
            tpu.wait_indirect_dma semaphore(%arg12 : memref<!tpu.dma_semaphore, #tpu.memory_space<semaphore_mem>>) src(%dma_wait3A_167 : memref<10000x128xf32, #tpu.memory_space<hbm>>) dst(%arg8 : memref<128x128xf32, #tpu.memory_space<vmem>>)
            %run_scoped3A = arith.constant 4 : i32
            "tpu.region"() ({
              %run_scoped3A_168 = tpu.sem_alloc : memref<!tpu.dma_semaphore, #tpu.memory_space<semaphore_mem>>
              %dma_start3A_169 = arith.constant 0 : i32
              %dma_start3A_170 = tpu.memref_slice %arg10[%run_scoped3A, %dma_start3A_169] : memref<16x128xi32, #tpu.memory_space<vmem>> -> memref<1x128xi32, #tpu.memory_space<vmem>>
              %dma_start3A_171 = tpu.memref_squeeze %dma_start3A_170 : memref<1x128xi32, #tpu.memory_space<vmem>> -> memref<128xi32, #tpu.memory_space<vmem>>
              %dma_start3A_172 = arith.constant 0 : i32
              %dma_start3A_173 = arith.constant 0 : i32
              %dma_start3A_174 = tpu.memref_slice %arg11[%dma_start3A_172, %dma_start3A_173] : memref<10000x128xf32, #tpu.memory_space<vmem_shared>> -> memref<10000x128xf32, #tpu.memory_space<vmem_shared>>
              tpu.enqueue_indirect_dma source(%arg8 : memref<128x128xf32, #tpu.memory_space<vmem>>) target(%dma_start3A_174 : memref<10000x128xf32, #tpu.memory_space<vmem_shared>>) offsets(%dma_start3A_171 : memref<128xi32, #tpu.memory_space<vmem>>) semaphore(%run_scoped3A_168 : memref<!tpu.dma_semaphore, #tpu.memory_space<semaphore_mem>>) {add = true}
              %dma_wait3A_175 = arith.constant 0 : i32
              %dma_wait3A_176 = tpu.memref_slice %arg10[%run_scoped3A, %dma_wait3A_175] : memref<16x128xi32, #tpu.memory_space<vmem>> -> memref<1x128xi32, #tpu.memory_space<vmem>>
              %dma_wait3A_177 = tpu.memref_squeeze %dma_wait3A_176 : memref<1x128xi32, #tpu.memory_space<vmem>> -> memref<128xi32, #tpu.memory_space<vmem>>
              %dma_wait3A_178 = arith.constant 0 : i32
              %dma_wait3A_179 = arith.constant 0 : i32
              %dma_wait3A_180 = tpu.memref_slice %arg11[%dma_wait3A_178, %dma_wait3A_179] : memref<10000x128xf32, #tpu.memory_space<vmem_shared>> -> memref<10000x128xf32, #tpu.memory_space<vmem_shared>>
              tpu.wait_indirect_dma semaphore(%run_scoped3A_168 : memref<!tpu.dma_semaphore, #tpu.memory_space<semaphore_mem>>) src(%arg8 : memref<128x128xf32, #tpu.memory_space<vmem>>) dst(%dma_wait3A_180 : memref<10000x128xf32, #tpu.memory_space<vmem_shared>>)
              tpu.yield
            }) : () -> ()
          } else {
          }
          %add3A_79 = arith.constant 5 : i32
          %add3A_80 = arith.addi %multiple_of3A_38, %add3A_79 : i32
          %lt3A_81 = arith.constant 2500 : i32
          %lt3A_82 = arith.cmpi slt, %add3A_80, %lt3A_81 : i32
          %convert_element_type3A_83 = arith.extui %lt3A_82 : i1 to i32
          %cond3A_84 = arith.constant 0 : i32
          %cond3A_85 = arith.cmpi ne, %convert_element_type3A_83, %cond3A_84 : i32
          scf.if %cond3A_85 {
            %dma_start3A = arith.constant 5 : i32
            %dma_start3A_156 = arith.constant 0 : i32
            %dma_start3A_157 = tpu.memref_slice %arg9[%dma_start3A, %dma_start3A_156] : memref<16x128xi32, #tpu.memory_space<vmem>> -> memref<1x128xi32, #tpu.memory_space<vmem>>
            %dma_start3A_158 = tpu.memref_squeeze %dma_start3A_157 : memref<1x128xi32, #tpu.memory_space<vmem>> -> memref<128xi32, #tpu.memory_space<vmem>>
            %dma_start3A_159 = arith.constant 0 : i32
            %dma_start3A_160 = arith.constant 0 : i32
            %dma_start3A_161 = tpu.memref_slice %arg2[%dma_start3A_159, %dma_start3A_160] : memref<10000x128xf32, #tpu.memory_space<hbm>> -> memref<10000x128xf32, #tpu.memory_space<hbm>>
            tpu.enqueue_indirect_dma source(%dma_start3A_161 : memref<10000x128xf32, #tpu.memory_space<hbm>>) target(%arg8 : memref<128x128xf32, #tpu.memory_space<vmem>>) offsets(%dma_start3A_158 : memref<128xi32, #tpu.memory_space<vmem>>) semaphore(%arg12 : memref<!tpu.dma_semaphore, #tpu.memory_space<semaphore_mem>>)
            %dma_wait3A = arith.constant 5 : i32
            %dma_wait3A_162 = arith.constant 0 : i32
            %dma_wait3A_163 = tpu.memref_slice %arg9[%dma_wait3A, %dma_wait3A_162] : memref<16x128xi32, #tpu.memory_space<vmem>> -> memref<1x128xi32, #tpu.memory_space<vmem>>
            %dma_wait3A_164 = tpu.memref_squeeze %dma_wait3A_163 : memref<1x128xi32, #tpu.memory_space<vmem>> -> memref<128xi32, #tpu.memory_space<vmem>>
            %dma_wait3A_165 = arith.constant 0 : i32
            %dma_wait3A_166 = arith.constant 0 : i32
            %dma_wait3A_167 = tpu.memref_slice %arg2[%dma_wait3A_165, %dma_wait3A_166] : memref<10000x128xf32, #tpu.memory_space<hbm>> -> memref<10000x128xf32, #tpu.memory_space<hbm>>
            tpu.wait_indirect_dma semaphore(%arg12 : memref<!tpu.dma_semaphore, #tpu.memory_space<semaphore_mem>>) src(%dma_wait3A_167 : memref<10000x128xf32, #tpu.memory_space<hbm>>) dst(%arg8 : memref<128x128xf32, #tpu.memory_space<vmem>>)
            %run_scoped3A = arith.constant 5 : i32
            "tpu.region"() ({
              %run_scoped3A_168 = tpu.sem_alloc : memref<!tpu.dma_semaphore, #tpu.memory_space<semaphore_mem>>
              %dma_start3A_169 = arith.constant 0 : i32
              %dma_start3A_170 = tpu.memref_slice %arg10[%run_scoped3A, %dma_start3A_169] : memref<16x128xi32, #tpu.memory_space<vmem>> -> memref<1x128xi32, #tpu.memory_space<vmem>>
              %dma_start3A_171 = tpu.memref_squeeze %dma_start3A_170 : memref<1x128xi32, #tpu.memory_space<vmem>> -> memref<128xi32, #tpu.memory_space<vmem>>
              %dma_start3A_172 = arith.constant 0 : i32
              %dma_start3A_173 = arith.constant 0 : i32
              %dma_start3A_174 = tpu.memref_slice %arg11[%dma_start3A_172, %dma_start3A_173] : memref<10000x128xf32, #tpu.memory_space<vmem_shared>> -> memref<10000x128xf32, #tpu.memory_space<vmem_shared>>
              tpu.enqueue_indirect_dma source(%arg8 : memref<128x128xf32, #tpu.memory_space<vmem>>) target(%dma_start3A_174 : memref<10000x128xf32, #tpu.memory_space<vmem_shared>>) offsets(%dma_start3A_171 : memref<128xi32, #tpu.memory_space<vmem>>) semaphore(%run_scoped3A_168 : memref<!tpu.dma_semaphore, #tpu.memory_space<semaphore_mem>>) {add = true}
              %dma_wait3A_175 = arith.constant 0 : i32
              %dma_wait3A_176 = tpu.memref_slice %arg10[%run_scoped3A, %dma_wait3A_175] : memref<16x128xi32, #tpu.memory_space<vmem>> -> memref<1x128xi32, #tpu.memory_space<vmem>>
              %dma_wait3A_177 = tpu.memref_squeeze %dma_wait3A_176 : memref<1x128xi32, #tpu.memory_space<vmem>> -> memref<128xi32, #tpu.memory_space<vmem>>
              %dma_wait3A_178 = arith.constant 0 : i32
              %dma_wait3A_179 = arith.constant 0 : i32
              %dma_wait3A_180 = tpu.memref_slice %arg11[%dma_wait3A_178, %dma_wait3A_179] : memref<10000x128xf32, #tpu.memory_space<vmem_shared>> -> memref<10000x128xf32, #tpu.memory_space<vmem_shared>>
              tpu.wait_indirect_dma semaphore(%run_scoped3A_168 : memref<!tpu.dma_semaphore, #tpu.memory_space<semaphore_mem>>) src(%arg8 : memref<128x128xf32, #tpu.memory_space<vmem>>) dst(%dma_wait3A_180 : memref<10000x128xf32, #tpu.memory_space<vmem_shared>>)
              tpu.yield
            }) : () -> ()
          } else {
          }
          %add3A_86 = arith.constant 6 : i32
          %add3A_87 = arith.addi %multiple_of3A_38, %add3A_86 : i32
          %lt3A_88 = arith.constant 2500 : i32
          %lt3A_89 = arith.cmpi slt, %add3A_87, %lt3A_88 : i32
          %convert_element_type3A_90 = arith.extui %lt3A_89 : i1 to i32
          %cond3A_91 = arith.constant 0 : i32
          %cond3A_92 = arith.cmpi ne, %convert_element_type3A_90, %cond3A_91 : i32
          scf.if %cond3A_92 {
            %dma_start3A = arith.constant 6 : i32
            %dma_start3A_156 = arith.constant 0 : i32
            %dma_start3A_157 = tpu.memref_slice %arg9[%dma_start3A, %dma_start3A_156] : memref<16x128xi32, #tpu.memory_space<vmem>> -> memref<1x128xi32, #tpu.memory_space<vmem>>
            %dma_start3A_158 = tpu.memref_squeeze %dma_start3A_157 : memref<1x128xi32, #tpu.memory_space<vmem>> -> memref<128xi32, #tpu.memory_space<vmem>>
            %dma_start3A_159 = arith.constant 0 : i32
            %dma_start3A_160 = arith.constant 0 : i32
            %dma_start3A_161 = tpu.memref_slice %arg2[%dma_start3A_159, %dma_start3A_160] : memref<10000x128xf32, #tpu.memory_space<hbm>> -> memref<10000x128xf32, #tpu.memory_space<hbm>>
            tpu.enqueue_indirect_dma source(%dma_start3A_161 : memref<10000x128xf32, #tpu.memory_space<hbm>>) target(%arg8 : memref<128x128xf32, #tpu.memory_space<vmem>>) offsets(%dma_start3A_158 : memref<128xi32, #tpu.memory_space<vmem>>) semaphore(%arg12 : memref<!tpu.dma_semaphore, #tpu.memory_space<semaphore_mem>>)
            %dma_wait3A = arith.constant 6 : i32
            %dma_wait3A_162 = arith.constant 0 : i32
            %dma_wait3A_163 = tpu.memref_slice %arg9[%dma_wait3A, %dma_wait3A_162] : memref<16x128xi32, #tpu.memory_space<vmem>> -> memref<1x128xi32, #tpu.memory_space<vmem>>
            %dma_wait3A_164 = tpu.memref_squeeze %dma_wait3A_163 : memref<1x128xi32, #tpu.memory_space<vmem>> -> memref<128xi32, #tpu.memory_space<vmem>>
            %dma_wait3A_165 = arith.constant 0 : i32
            %dma_wait3A_166 = arith.constant 0 : i32
            %dma_wait3A_167 = tpu.memref_slice %arg2[%dma_wait3A_165, %dma_wait3A_166] : memref<10000x128xf32, #tpu.memory_space<hbm>> -> memref<10000x128xf32, #tpu.memory_space<hbm>>
            tpu.wait_indirect_dma semaphore(%arg12 : memref<!tpu.dma_semaphore, #tpu.memory_space<semaphore_mem>>) src(%dma_wait3A_167 : memref<10000x128xf32, #tpu.memory_space<hbm>>) dst(%arg8 : memref<128x128xf32, #tpu.memory_space<vmem>>)
            %run_scoped3A = arith.constant 6 : i32
            "tpu.region"() ({
              %run_scoped3A_168 = tpu.sem_alloc : memref<!tpu.dma_semaphore, #tpu.memory_space<semaphore_mem>>
              %dma_start3A_169 = arith.constant 0 : i32
              %dma_start3A_170 = tpu.memref_slice %arg10[%run_scoped3A, %dma_start3A_169] : memref<16x128xi32, #tpu.memory_space<vmem>> -> memref<1x128xi32, #tpu.memory_space<vmem>>
              %dma_start3A_171 = tpu.memref_squeeze %dma_start3A_170 : memref<1x128xi32, #tpu.memory_space<vmem>> -> memref<128xi32, #tpu.memory_space<vmem>>
              %dma_start3A_172 = arith.constant 0 : i32
              %dma_start3A_173 = arith.constant 0 : i32
              %dma_start3A_174 = tpu.memref_slice %arg11[%dma_start3A_172, %dma_start3A_173] : memref<10000x128xf32, #tpu.memory_space<vmem_shared>> -> memref<10000x128xf32, #tpu.memory_space<vmem_shared>>
              tpu.enqueue_indirect_dma source(%arg8 : memref<128x128xf32, #tpu.memory_space<vmem>>) target(%dma_start3A_174 : memref<10000x128xf32, #tpu.memory_space<vmem_shared>>) offsets(%dma_start3A_171 : memref<128xi32, #tpu.memory_space<vmem>>) semaphore(%run_scoped3A_168 : memref<!tpu.dma_semaphore, #tpu.memory_space<semaphore_mem>>) {add = true}
              %dma_wait3A_175 = arith.constant 0 : i32
              %dma_wait3A_176 = tpu.memref_slice %arg10[%run_scoped3A, %dma_wait3A_175] : memref<16x128xi32, #tpu.memory_space<vmem>> -> memref<1x128xi32, #tpu.memory_space<vmem>>
              %dma_wait3A_177 = tpu.memref_squeeze %dma_wait3A_176 : memref<1x128xi32, #tpu.memory_space<vmem>> -> memref<128xi32, #tpu.memory_space<vmem>>
              %dma_wait3A_178 = arith.constant 0 : i32
              %dma_wait3A_179 = arith.constant 0 : i32
              %dma_wait3A_180 = tpu.memref_slice %arg11[%dma_wait3A_178, %dma_wait3A_179] : memref<10000x128xf32, #tpu.memory_space<vmem_shared>> -> memref<10000x128xf32, #tpu.memory_space<vmem_shared>>
              tpu.wait_indirect_dma semaphore(%run_scoped3A_168 : memref<!tpu.dma_semaphore, #tpu.memory_space<semaphore_mem>>) src(%arg8 : memref<128x128xf32, #tpu.memory_space<vmem>>) dst(%dma_wait3A_180 : memref<10000x128xf32, #tpu.memory_space<vmem_shared>>)
              tpu.yield
            }) : () -> ()
          } else {
          }
          %add3A_93 = arith.constant 7 : i32
          %add3A_94 = arith.addi %multiple_of3A_38, %add3A_93 : i32
          %lt3A_95 = arith.constant 2500 : i32
          %lt3A_96 = arith.cmpi slt, %add3A_94, %lt3A_95 : i32
          %convert_element_type3A_97 = arith.extui %lt3A_96 : i1 to i32
          %cond3A_98 = arith.constant 0 : i32
          %cond3A_99 = arith.cmpi ne, %convert_element_type3A_97, %cond3A_98 : i32
          scf.if %cond3A_99 {
            %dma_start3A = arith.constant 7 : i32
            %dma_start3A_156 = arith.constant 0 : i32
            %dma_start3A_157 = tpu.memref_slice %arg9[%dma_start3A, %dma_start3A_156] : memref<16x128xi32, #tpu.memory_space<vmem>> -> memref<1x128xi32, #tpu.memory_space<vmem>>
            %dma_start3A_158 = tpu.memref_squeeze %dma_start3A_157 : memref<1x128xi32, #tpu.memory_space<vmem>> -> memref<128xi32, #tpu.memory_space<vmem>>
            %dma_start3A_159 = arith.constant 0 : i32
            %dma_start3A_160 = arith.constant 0 : i32
            %dma_start3A_161 = tpu.memref_slice %arg2[%dma_start3A_159, %dma_start3A_160] : memref<10000x128xf32, #tpu.memory_space<hbm>> -> memref<10000x128xf32, #tpu.memory_space<hbm>>
            tpu.enqueue_indirect_dma source(%dma_start3A_161 : memref<10000x128xf32, #tpu.memory_space<hbm>>) target(%arg8 : memref<128x128xf32, #tpu.memory_space<vmem>>) offsets(%dma_start3A_158 : memref<128xi32, #tpu.memory_space<vmem>>) semaphore(%arg12 : memref<!tpu.dma_semaphore, #tpu.memory_space<semaphore_mem>>)
            %dma_wait3A = arith.constant 7 : i32
            %dma_wait3A_162 = arith.constant 0 : i32
            %dma_wait3A_163 = tpu.memref_slice %arg9[%dma_wait3A, %dma_wait3A_162] : memref<16x128xi32, #tpu.memory_space<vmem>> -> memref<1x128xi32, #tpu.memory_space<vmem>>
            %dma_wait3A_164 = tpu.memref_squeeze %dma_wait3A_163 : memref<1x128xi32, #tpu.memory_space<vmem>> -> memref<128xi32, #tpu.memory_space<vmem>>
            %dma_wait3A_165 = arith.constant 0 : i32
            %dma_wait3A_166 = arith.constant 0 : i32
            %dma_wait3A_167 = tpu.memref_slice %arg2[%dma_wait3A_165, %dma_wait3A_166] : memref<10000x128xf32, #tpu.memory_space<hbm>> -> memref<10000x128xf32, #tpu.memory_space<hbm>>
            tpu.wait_indirect_dma semaphore(%arg12 : memref<!tpu.dma_semaphore, #tpu.memory_space<semaphore_mem>>) src(%dma_wait3A_167 : memref<10000x128xf32, #tpu.memory_space<hbm>>) dst(%arg8 : memref<128x128xf32, #tpu.memory_space<vmem>>)
            %run_scoped3A = arith.constant 7 : i32
            "tpu.region"() ({
              %run_scoped3A_168 = tpu.sem_alloc : memref<!tpu.dma_semaphore, #tpu.memory_space<semaphore_mem>>
              %dma_start3A_169 = arith.constant 0 : i32
              %dma_start3A_170 = tpu.memref_slice %arg10[%run_scoped3A, %dma_start3A_169] : memref<16x128xi32, #tpu.memory_space<vmem>> -> memref<1x128xi32, #tpu.memory_space<vmem>>
              %dma_start3A_171 = tpu.memref_squeeze %dma_start3A_170 : memref<1x128xi32, #tpu.memory_space<vmem>> -> memref<128xi32, #tpu.memory_space<vmem>>
              %dma_start3A_172 = arith.constant 0 : i32
              %dma_start3A_173 = arith.constant 0 : i32
              %dma_start3A_174 = tpu.memref_slice %arg11[%dma_start3A_172, %dma_start3A_173] : memref<10000x128xf32, #tpu.memory_space<vmem_shared>> -> memref<10000x128xf32, #tpu.memory_space<vmem_shared>>
              tpu.enqueue_indirect_dma source(%arg8 : memref<128x128xf32, #tpu.memory_space<vmem>>) target(%dma_start3A_174 : memref<10000x128xf32, #tpu.memory_space<vmem_shared>>) offsets(%dma_start3A_171 : memref<128xi32, #tpu.memory_space<vmem>>) semaphore(%run_scoped3A_168 : memref<!tpu.dma_semaphore, #tpu.memory_space<semaphore_mem>>) {add = true}
              %dma_wait3A_175 = arith.constant 0 : i32
              %dma_wait3A_176 = tpu.memref_slice %arg10[%run_scoped3A, %dma_wait3A_175] : memref<16x128xi32, #tpu.memory_space<vmem>> -> memref<1x128xi32, #tpu.memory_space<vmem>>
              %dma_wait3A_177 = tpu.memref_squeeze %dma_wait3A_176 : memref<1x128xi32, #tpu.memory_space<vmem>> -> memref<128xi32, #tpu.memory_space<vmem>>
              %dma_wait3A_178 = arith.constant 0 : i32
              %dma_wait3A_179 = arith.constant 0 : i32
              %dma_wait3A_180 = tpu.memref_slice %arg11[%dma_wait3A_178, %dma_wait3A_179] : memref<10000x128xf32, #tpu.memory_space<vmem_shared>> -> memref<10000x128xf32, #tpu.memory_space<vmem_shared>>
              tpu.wait_indirect_dma semaphore(%run_scoped3A_168 : memref<!tpu.dma_semaphore, #tpu.memory_space<semaphore_mem>>) src(%arg8 : memref<128x128xf32, #tpu.memory_space<vmem>>) dst(%dma_wait3A_180 : memref<10000x128xf32, #tpu.memory_space<vmem_shared>>)
              tpu.yield
            }) : () -> ()
          } else {
          }
          %add3A_100 = arith.constant 8 : i32
          %add3A_101 = arith.addi %multiple_of3A_38, %add3A_100 : i32
          %lt3A_102 = arith.constant 2500 : i32
          %lt3A_103 = arith.cmpi slt, %add3A_101, %lt3A_102 : i32
          %convert_element_type3A_104 = arith.extui %lt3A_103 : i1 to i32
          %cond3A_105 = arith.constant 0 : i32
          %cond3A_106 = arith.cmpi ne, %convert_element_type3A_104, %cond3A_105 : i32
          scf.if %cond3A_106 {
            %dma_start3A = arith.constant 8 : i32
            %dma_start3A_156 = arith.constant 0 : i32
            %dma_start3A_157 = tpu.memref_slice %arg9[%dma_start3A, %dma_start3A_156] : memref<16x128xi32, #tpu.memory_space<vmem>> -> memref<1x128xi32, #tpu.memory_space<vmem>>
            %dma_start3A_158 = tpu.memref_squeeze %dma_start3A_157 : memref<1x128xi32, #tpu.memory_space<vmem>> -> memref<128xi32, #tpu.memory_space<vmem>>
            %dma_start3A_159 = arith.constant 0 : i32
            %dma_start3A_160 = arith.constant 0 : i32
            %dma_start3A_161 = tpu.memref_slice %arg2[%dma_start3A_159, %dma_start3A_160] : memref<10000x128xf32, #tpu.memory_space<hbm>> -> memref<10000x128xf32, #tpu.memory_space<hbm>>
            tpu.enqueue_indirect_dma source(%dma_start3A_161 : memref<10000x128xf32, #tpu.memory_space<hbm>>) target(%arg8 : memref<128x128xf32, #tpu.memory_space<vmem>>) offsets(%dma_start3A_158 : memref<128xi32, #tpu.memory_space<vmem>>) semaphore(%arg12 : memref<!tpu.dma_semaphore, #tpu.memory_space<semaphore_mem>>)
            %dma_wait3A = arith.constant 8 : i32
            %dma_wait3A_162 = arith.constant 0 : i32
            %dma_wait3A_163 = tpu.memref_slice %arg9[%dma_wait3A, %dma_wait3A_162] : memref<16x128xi32, #tpu.memory_space<vmem>> -> memref<1x128xi32, #tpu.memory_space<vmem>>
            %dma_wait3A_164 = tpu.memref_squeeze %dma_wait3A_163 : memref<1x128xi32, #tpu.memory_space<vmem>> -> memref<128xi32, #tpu.memory_space<vmem>>
            %dma_wait3A_165 = arith.constant 0 : i32
            %dma_wait3A_166 = arith.constant 0 : i32
            %dma_wait3A_167 = tpu.memref_slice %arg2[%dma_wait3A_165, %dma_wait3A_166] : memref<10000x128xf32, #tpu.memory_space<hbm>> -> memref<10000x128xf32, #tpu.memory_space<hbm>>
            tpu.wait_indirect_dma semaphore(%arg12 : memref<!tpu.dma_semaphore, #tpu.memory_space<semaphore_mem>>) src(%dma_wait3A_167 : memref<10000x128xf32, #tpu.memory_space<hbm>>) dst(%arg8 : memref<128x128xf32, #tpu.memory_space<vmem>>)
            %run_scoped3A = arith.constant 8 : i32
            "tpu.region"() ({
              %run_scoped3A_168 = tpu.sem_alloc : memref<!tpu.dma_semaphore, #tpu.memory_space<semaphore_mem>>
              %dma_start3A_169 = arith.constant 0 : i32
              %dma_start3A_170 = tpu.memref_slice %arg10[%run_scoped3A, %dma_start3A_169] : memref<16x128xi32, #tpu.memory_space<vmem>> -> memref<1x128xi32, #tpu.memory_space<vmem>>
              %dma_start3A_171 = tpu.memref_squeeze %dma_start3A_170 : memref<1x128xi32, #tpu.memory_space<vmem>> -> memref<128xi32, #tpu.memory_space<vmem>>
              %dma_start3A_172 = arith.constant 0 : i32
              %dma_start3A_173 = arith.constant 0 : i32
              %dma_start3A_174 = tpu.memref_slice %arg11[%dma_start3A_172, %dma_start3A_173] : memref<10000x128xf32, #tpu.memory_space<vmem_shared>> -> memref<10000x128xf32, #tpu.memory_space<vmem_shared>>
              tpu.enqueue_indirect_dma source(%arg8 : memref<128x128xf32, #tpu.memory_space<vmem>>) target(%dma_start3A_174 : memref<10000x128xf32, #tpu.memory_space<vmem_shared>>) offsets(%dma_start3A_171 : memref<128xi32, #tpu.memory_space<vmem>>) semaphore(%run_scoped3A_168 : memref<!tpu.dma_semaphore, #tpu.memory_space<semaphore_mem>>) {add = true}
              %dma_wait3A_175 = arith.constant 0 : i32
              %dma_wait3A_176 = tpu.memref_slice %arg10[%run_scoped3A, %dma_wait3A_175] : memref<16x128xi32, #tpu.memory_space<vmem>> -> memref<1x128xi32, #tpu.memory_space<vmem>>
              %dma_wait3A_177 = tpu.memref_squeeze %dma_wait3A_176 : memref<1x128xi32, #tpu.memory_space<vmem>> -> memref<128xi32, #tpu.memory_space<vmem>>
              %dma_wait3A_178 = arith.constant 0 : i32
              %dma_wait3A_179 = arith.constant 0 : i32
              %dma_wait3A_180 = tpu.memref_slice %arg11[%dma_wait3A_178, %dma_wait3A_179] : memref<10000x128xf32, #tpu.memory_space<vmem_shared>> -> memref<10000x128xf32, #tpu.memory_space<vmem_shared>>
              tpu.wait_indirect_dma semaphore(%run_scoped3A_168 : memref<!tpu.dma_semaphore, #tpu.memory_space<semaphore_mem>>) src(%arg8 : memref<128x128xf32, #tpu.memory_space<vmem>>) dst(%dma_wait3A_180 : memref<10000x128xf32, #tpu.memory_space<vmem_shared>>)
              tpu.yield
            }) : () -> ()
          } else {
          }
          %add3A_107 = arith.constant 9 : i32
          %add3A_108 = arith.addi %multiple_of3A_38, %add3A_107 : i32
          %lt3A_109 = arith.constant 2500 : i32
          %lt3A_110 = arith.cmpi slt, %add3A_108, %lt3A_109 : i32
          %convert_element_type3A_111 = arith.extui %lt3A_110 : i1 to i32
          %cond3A_112 = arith.constant 0 : i32
          %cond3A_113 = arith.cmpi ne, %convert_element_type3A_111, %cond3A_112 : i32
          scf.if %cond3A_113 {
            %dma_start3A = arith.constant 9 : i32
            %dma_start3A_156 = arith.constant 0 : i32
            %dma_start3A_157 = tpu.memref_slice %arg9[%dma_start3A, %dma_start3A_156] : memref<16x128xi32, #tpu.memory_space<vmem>> -> memref<1x128xi32, #tpu.memory_space<vmem>>
            %dma_start3A_158 = tpu.memref_squeeze %dma_start3A_157 : memref<1x128xi32, #tpu.memory_space<vmem>> -> memref<128xi32, #tpu.memory_space<vmem>>
            %dma_start3A_159 = arith.constant 0 : i32
            %dma_start3A_160 = arith.constant 0 : i32
            %dma_start3A_161 = tpu.memref_slice %arg2[%dma_start3A_159, %dma_start3A_160] : memref<10000x128xf32, #tpu.memory_space<hbm>> -> memref<10000x128xf32, #tpu.memory_space<hbm>>
            tpu.enqueue_indirect_dma source(%dma_start3A_161 : memref<10000x128xf32, #tpu.memory_space<hbm>>) target(%arg8 : memref<128x128xf32, #tpu.memory_space<vmem>>) offsets(%dma_start3A_158 : memref<128xi32, #tpu.memory_space<vmem>>) semaphore(%arg12 : memref<!tpu.dma_semaphore, #tpu.memory_space<semaphore_mem>>)
            %dma_wait3A = arith.constant 9 : i32
            %dma_wait3A_162 = arith.constant 0 : i32
            %dma_wait3A_163 = tpu.memref_slice %arg9[%dma_wait3A, %dma_wait3A_162] : memref<16x128xi32, #tpu.memory_space<vmem>> -> memref<1x128xi32, #tpu.memory_space<vmem>>
            %dma_wait3A_164 = tpu.memref_squeeze %dma_wait3A_163 : memref<1x128xi32, #tpu.memory_space<vmem>> -> memref<128xi32, #tpu.memory_space<vmem>>
            %dma_wait3A_165 = arith.constant 0 : i32
            %dma_wait3A_166 = arith.constant 0 : i32
            %dma_wait3A_167 = tpu.memref_slice %arg2[%dma_wait3A_165, %dma_wait3A_166] : memref<10000x128xf32, #tpu.memory_space<hbm>> -> memref<10000x128xf32, #tpu.memory_space<hbm>>
            tpu.wait_indirect_dma semaphore(%arg12 : memref<!tpu.dma_semaphore, #tpu.memory_space<semaphore_mem>>) src(%dma_wait3A_167 : memref<10000x128xf32, #tpu.memory_space<hbm>>) dst(%arg8 : memref<128x128xf32, #tpu.memory_space<vmem>>)
            %run_scoped3A = arith.constant 9 : i32
            "tpu.region"() ({
              %run_scoped3A_168 = tpu.sem_alloc : memref<!tpu.dma_semaphore, #tpu.memory_space<semaphore_mem>>
              %dma_start3A_169 = arith.constant 0 : i32
              %dma_start3A_170 = tpu.memref_slice %arg10[%run_scoped3A, %dma_start3A_169] : memref<16x128xi32, #tpu.memory_space<vmem>> -> memref<1x128xi32, #tpu.memory_space<vmem>>
              %dma_start3A_171 = tpu.memref_squeeze %dma_start3A_170 : memref<1x128xi32, #tpu.memory_space<vmem>> -> memref<128xi32, #tpu.memory_space<vmem>>
              %dma_start3A_172 = arith.constant 0 : i32
              %dma_start3A_173 = arith.constant 0 : i32
              %dma_start3A_174 = tpu.memref_slice %arg11[%dma_start3A_172, %dma_start3A_173] : memref<10000x128xf32, #tpu.memory_space<vmem_shared>> -> memref<10000x128xf32, #tpu.memory_space<vmem_shared>>
              tpu.enqueue_indirect_dma source(%arg8 : memref<128x128xf32, #tpu.memory_space<vmem>>) target(%dma_start3A_174 : memref<10000x128xf32, #tpu.memory_space<vmem_shared>>) offsets(%dma_start3A_171 : memref<128xi32, #tpu.memory_space<vmem>>) semaphore(%run_scoped3A_168 : memref<!tpu.dma_semaphore, #tpu.memory_space<semaphore_mem>>) {add = true}
              %dma_wait3A_175 = arith.constant 0 : i32
              %dma_wait3A_176 = tpu.memref_slice %arg10[%run_scoped3A, %dma_wait3A_175] : memref<16x128xi32, #tpu.memory_space<vmem>> -> memref<1x128xi32, #tpu.memory_space<vmem>>
              %dma_wait3A_177 = tpu.memref_squeeze %dma_wait3A_176 : memref<1x128xi32, #tpu.memory_space<vmem>> -> memref<128xi32, #tpu.memory_space<vmem>>
              %dma_wait3A_178 = arith.constant 0 : i32
              %dma_wait3A_179 = arith.constant 0 : i32
              %dma_wait3A_180 = tpu.memref_slice %arg11[%dma_wait3A_178, %dma_wait3A_179] : memref<10000x128xf32, #tpu.memory_space<vmem_shared>> -> memref<10000x128xf32, #tpu.memory_space<vmem_shared>>
              tpu.wait_indirect_dma semaphore(%run_scoped3A_168 : memref<!tpu.dma_semaphore, #tpu.memory_space<semaphore_mem>>) src(%arg8 : memref<128x128xf32, #tpu.memory_space<vmem>>) dst(%dma_wait3A_180 : memref<10000x128xf32, #tpu.memory_space<vmem_shared>>)
              tpu.yield
            }) : () -> ()
          } else {
          }
          %add3A_114 = arith.constant 10 : i32
          %add3A_115 = arith.addi %multiple_of3A_38, %add3A_114 : i32
          %lt3A_116 = arith.constant 2500 : i32
          %lt3A_117 = arith.cmpi slt, %add3A_115, %lt3A_116 : i32
          %convert_element_type3A_118 = arith.extui %lt3A_117 : i1 to i32
          %cond3A_119 = arith.constant 0 : i32
          %cond3A_120 = arith.cmpi ne, %convert_element_type3A_118, %cond3A_119 : i32
          scf.if %cond3A_120 {
            %dma_start3A = arith.constant 10 : i32
            %dma_start3A_156 = arith.constant 0 : i32
            %dma_start3A_157 = tpu.memref_slice %arg9[%dma_start3A, %dma_start3A_156] : memref<16x128xi32, #tpu.memory_space<vmem>> -> memref<1x128xi32, #tpu.memory_space<vmem>>
            %dma_start3A_158 = tpu.memref_squeeze %dma_start3A_157 : memref<1x128xi32, #tpu.memory_space<vmem>> -> memref<128xi32, #tpu.memory_space<vmem>>
            %dma_start3A_159 = arith.constant 0 : i32
            %dma_start3A_160 = arith.constant 0 : i32
            %dma_start3A_161 = tpu.memref_slice %arg2[%dma_start3A_159, %dma_start3A_160] : memref<10000x128xf32, #tpu.memory_space<hbm>> -> memref<10000x128xf32, #tpu.memory_space<hbm>>
            tpu.enqueue_indirect_dma source(%dma_start3A_161 : memref<10000x128xf32, #tpu.memory_space<hbm>>) target(%arg8 : memref<128x128xf32, #tpu.memory_space<vmem>>) offsets(%dma_start3A_158 : memref<128xi32, #tpu.memory_space<vmem>>) semaphore(%arg12 : memref<!tpu.dma_semaphore, #tpu.memory_space<semaphore_mem>>)
            %dma_wait3A = arith.constant 10 : i32
            %dma_wait3A_162 = arith.constant 0 : i32
            %dma_wait3A_163 = tpu.memref_slice %arg9[%dma_wait3A, %dma_wait3A_162] : memref<16x128xi32, #tpu.memory_space<vmem>> -> memref<1x128xi32, #tpu.memory_space<vmem>>
            %dma_wait3A_164 = tpu.memref_squeeze %dma_wait3A_163 : memref<1x128xi32, #tpu.memory_space<vmem>> -> memref<128xi32, #tpu.memory_space<vmem>>
            %dma_wait3A_165 = arith.constant 0 : i32
            %dma_wait3A_166 = arith.constant 0 : i32
            %dma_wait3A_167 = tpu.memref_slice %arg2[%dma_wait3A_165, %dma_wait3A_166] : memref<10000x128xf32, #tpu.memory_space<hbm>> -> memref<10000x128xf32, #tpu.memory_space<hbm>>
            tpu.wait_indirect_dma semaphore(%arg12 : memref<!tpu.dma_semaphore, #tpu.memory_space<semaphore_mem>>) src(%dma_wait3A_167 : memref<10000x128xf32, #tpu.memory_space<hbm>>) dst(%arg8 : memref<128x128xf32, #tpu.memory_space<vmem>>)
            %run_scoped3A = arith.constant 10 : i32
            "tpu.region"() ({
              %run_scoped3A_168 = tpu.sem_alloc : memref<!tpu.dma_semaphore, #tpu.memory_space<semaphore_mem>>
              %dma_start3A_169 = arith.constant 0 : i32
              %dma_start3A_170 = tpu.memref_slice %arg10[%run_scoped3A, %dma_start3A_169] : memref<16x128xi32, #tpu.memory_space<vmem>> -> memref<1x128xi32, #tpu.memory_space<vmem>>
              %dma_start3A_171 = tpu.memref_squeeze %dma_start3A_170 : memref<1x128xi32, #tpu.memory_space<vmem>> -> memref<128xi32, #tpu.memory_space<vmem>>
              %dma_start3A_172 = arith.constant 0 : i32
              %dma_start3A_173 = arith.constant 0 : i32
              %dma_start3A_174 = tpu.memref_slice %arg11[%dma_start3A_172, %dma_start3A_173] : memref<10000x128xf32, #tpu.memory_space<vmem_shared>> -> memref<10000x128xf32, #tpu.memory_space<vmem_shared>>
              tpu.enqueue_indirect_dma source(%arg8 : memref<128x128xf32, #tpu.memory_space<vmem>>) target(%dma_start3A_174 : memref<10000x128xf32, #tpu.memory_space<vmem_shared>>) offsets(%dma_start3A_171 : memref<128xi32, #tpu.memory_space<vmem>>) semaphore(%run_scoped3A_168 : memref<!tpu.dma_semaphore, #tpu.memory_space<semaphore_mem>>) {add = true}
              %dma_wait3A_175 = arith.constant 0 : i32
              %dma_wait3A_176 = tpu.memref_slice %arg10[%run_scoped3A, %dma_wait3A_175] : memref<16x128xi32, #tpu.memory_space<vmem>> -> memref<1x128xi32, #tpu.memory_space<vmem>>
              %dma_wait3A_177 = tpu.memref_squeeze %dma_wait3A_176 : memref<1x128xi32, #tpu.memory_space<vmem>> -> memref<128xi32, #tpu.memory_space<vmem>>
              %dma_wait3A_178 = arith.constant 0 : i32
              %dma_wait3A_179 = arith.constant 0 : i32
              %dma_wait3A_180 = tpu.memref_slice %arg11[%dma_wait3A_178, %dma_wait3A_179] : memref<10000x128xf32, #tpu.memory_space<vmem_shared>> -> memref<10000x128xf32, #tpu.memory_space<vmem_shared>>
              tpu.wait_indirect_dma semaphore(%run_scoped3A_168 : memref<!tpu.dma_semaphore, #tpu.memory_space<semaphore_mem>>) src(%arg8 : memref<128x128xf32, #tpu.memory_space<vmem>>) dst(%dma_wait3A_180 : memref<10000x128xf32, #tpu.memory_space<vmem_shared>>)
              tpu.yield
            }) : () -> ()
          } else {
          }
          %add3A_121 = arith.constant 11 : i32
          %add3A_122 = arith.addi %multiple_of3A_38, %add3A_121 : i32
          %lt3A_123 = arith.constant 2500 : i32
          %lt3A_124 = arith.cmpi slt, %add3A_122, %lt3A_123 : i32
          %convert_element_type3A_125 = arith.extui %lt3A_124 : i1 to i32
          %cond3A_126 = arith.constant 0 : i32
          %cond3A_127 = arith.cmpi ne, %convert_element_type3A_125, %cond3A_126 : i32
          scf.if %cond3A_127 {
            %dma_start3A = arith.constant 11 : i32
            %dma_start3A_156 = arith.constant 0 : i32
            %dma_start3A_157 = tpu.memref_slice %arg9[%dma_start3A, %dma_start3A_156] : memref<16x128xi32, #tpu.memory_space<vmem>> -> memref<1x128xi32, #tpu.memory_space<vmem>>
            %dma_start3A_158 = tpu.memref_squeeze %dma_start3A_157 : memref<1x128xi32, #tpu.memory_space<vmem>> -> memref<128xi32, #tpu.memory_space<vmem>>
            %dma_start3A_159 = arith.constant 0 : i32
            %dma_start3A_160 = arith.constant 0 : i32
            %dma_start3A_161 = tpu.memref_slice %arg2[%dma_start3A_159, %dma_start3A_160] : memref<10000x128xf32, #tpu.memory_space<hbm>> -> memref<10000x128xf32, #tpu.memory_space<hbm>>
            tpu.enqueue_indirect_dma source(%dma_start3A_161 : memref<10000x128xf32, #tpu.memory_space<hbm>>) target(%arg8 : memref<128x128xf32, #tpu.memory_space<vmem>>) offsets(%dma_start3A_158 : memref<128xi32, #tpu.memory_space<vmem>>) semaphore(%arg12 : memref<!tpu.dma_semaphore, #tpu.memory_space<semaphore_mem>>)
            %dma_wait3A = arith.constant 11 : i32
            %dma_wait3A_162 = arith.constant 0 : i32
            %dma_wait3A_163 = tpu.memref_slice %arg9[%dma_wait3A, %dma_wait3A_162] : memref<16x128xi32, #tpu.memory_space<vmem>> -> memref<1x128xi32, #tpu.memory_space<vmem>>
            %dma_wait3A_164 = tpu.memref_squeeze %dma_wait3A_163 : memref<1x128xi32, #tpu.memory_space<vmem>> -> memref<128xi32, #tpu.memory_space<vmem>>
            %dma_wait3A_165 = arith.constant 0 : i32
            %dma_wait3A_166 = arith.constant 0 : i32
            %dma_wait3A_167 = tpu.memref_slice %arg2[%dma_wait3A_165, %dma_wait3A_166] : memref<10000x128xf32, #tpu.memory_space<hbm>> -> memref<10000x128xf32, #tpu.memory_space<hbm>>
            tpu.wait_indirect_dma semaphore(%arg12 : memref<!tpu.dma_semaphore, #tpu.memory_space<semaphore_mem>>) src(%dma_wait3A_167 : memref<10000x128xf32, #tpu.memory_space<hbm>>) dst(%arg8 : memref<128x128xf32, #tpu.memory_space<vmem>>)
            %run_scoped3A = arith.constant 11 : i32
            "tpu.region"() ({
              %run_scoped3A_168 = tpu.sem_alloc : memref<!tpu.dma_semaphore, #tpu.memory_space<semaphore_mem>>
              %dma_start3A_169 = arith.constant 0 : i32
              %dma_start3A_170 = tpu.memref_slice %arg10[%run_scoped3A, %dma_start3A_169] : memref<16x128xi32, #tpu.memory_space<vmem>> -> memref<1x128xi32, #tpu.memory_space<vmem>>
              %dma_start3A_171 = tpu.memref_squeeze %dma_start3A_170 : memref<1x128xi32, #tpu.memory_space<vmem>> -> memref<128xi32, #tpu.memory_space<vmem>>
              %dma_start3A_172 = arith.constant 0 : i32
              %dma_start3A_173 = arith.constant 0 : i32
              %dma_start3A_174 = tpu.memref_slice %arg11[%dma_start3A_172, %dma_start3A_173] : memref<10000x128xf32, #tpu.memory_space<vmem_shared>> -> memref<10000x128xf32, #tpu.memory_space<vmem_shared>>
              tpu.enqueue_indirect_dma source(%arg8 : memref<128x128xf32, #tpu.memory_space<vmem>>) target(%dma_start3A_174 : memref<10000x128xf32, #tpu.memory_space<vmem_shared>>) offsets(%dma_start3A_171 : memref<128xi32, #tpu.memory_space<vmem>>) semaphore(%run_scoped3A_168 : memref<!tpu.dma_semaphore, #tpu.memory_space<semaphore_mem>>) {add = true}
              %dma_wait3A_175 = arith.constant 0 : i32
              %dma_wait3A_176 = tpu.memref_slice %arg10[%run_scoped3A, %dma_wait3A_175] : memref<16x128xi32, #tpu.memory_space<vmem>> -> memref<1x128xi32, #tpu.memory_space<vmem>>
              %dma_wait3A_177 = tpu.memref_squeeze %dma_wait3A_176 : memref<1x128xi32, #tpu.memory_space<vmem>> -> memref<128xi32, #tpu.memory_space<vmem>>
              %dma_wait3A_178 = arith.constant 0 : i32
              %dma_wait3A_179 = arith.constant 0 : i32
              %dma_wait3A_180 = tpu.memref_slice %arg11[%dma_wait3A_178, %dma_wait3A_179] : memref<10000x128xf32, #tpu.memory_space<vmem_shared>> -> memref<10000x128xf32, #tpu.memory_space<vmem_shared>>
              tpu.wait_indirect_dma semaphore(%run_scoped3A_168 : memref<!tpu.dma_semaphore, #tpu.memory_space<semaphore_mem>>) src(%arg8 : memref<128x128xf32, #tpu.memory_space<vmem>>) dst(%dma_wait3A_180 : memref<10000x128xf32, #tpu.memory_space<vmem_shared>>)
              tpu.yield
            }) : () -> ()
          } else {
          }
          %add3A_128 = arith.constant 12 : i32
          %add3A_129 = arith.addi %multiple_of3A_38, %add3A_128 : i32
          %lt3A_130 = arith.constant 2500 : i32
          %lt3A_131 = arith.cmpi slt, %add3A_129, %lt3A_130 : i32
          %convert_element_type3A_132 = arith.extui %lt3A_131 : i1 to i32
          %cond3A_133 = arith.constant 0 : i32
          %cond3A_134 = arith.cmpi ne, %convert_element_type3A_132, %cond3A_133 : i32
          scf.if %cond3A_134 {
            %dma_start3A = arith.constant 12 : i32
            %dma_start3A_156 = arith.constant 0 : i32
            %dma_start3A_157 = tpu.memref_slice %arg9[%dma_start3A, %dma_start3A_156] : memref<16x128xi32, #tpu.memory_space<vmem>> -> memref<1x128xi32, #tpu.memory_space<vmem>>
            %dma_start3A_158 = tpu.memref_squeeze %dma_start3A_157 : memref<1x128xi32, #tpu.memory_space<vmem>> -> memref<128xi32, #tpu.memory_space<vmem>>
            %dma_start3A_159 = arith.constant 0 : i32
            %dma_start3A_160 = arith.constant 0 : i32
            %dma_start3A_161 = tpu.memref_slice %arg2[%dma_start3A_159, %dma_start3A_160] : memref<10000x128xf32, #tpu.memory_space<hbm>> -> memref<10000x128xf32, #tpu.memory_space<hbm>>
            tpu.enqueue_indirect_dma source(%dma_start3A_161 : memref<10000x128xf32, #tpu.memory_space<hbm>>) target(%arg8 : memref<128x128xf32, #tpu.memory_space<vmem>>) offsets(%dma_start3A_158 : memref<128xi32, #tpu.memory_space<vmem>>) semaphore(%arg12 : memref<!tpu.dma_semaphore, #tpu.memory_space<semaphore_mem>>)
            %dma_wait3A = arith.constant 12 : i32
            %dma_wait3A_162 = arith.constant 0 : i32
            %dma_wait3A_163 = tpu.memref_slice %arg9[%dma_wait3A, %dma_wait3A_162] : memref<16x128xi32, #tpu.memory_space<vmem>> -> memref<1x128xi32, #tpu.memory_space<vmem>>
            %dma_wait3A_164 = tpu.memref_squeeze %dma_wait3A_163 : memref<1x128xi32, #tpu.memory_space<vmem>> -> memref<128xi32, #tpu.memory_space<vmem>>
            %dma_wait3A_165 = arith.constant 0 : i32
            %dma_wait3A_166 = arith.constant 0 : i32
            %dma_wait3A_167 = tpu.memref_slice %arg2[%dma_wait3A_165, %dma_wait3A_166] : memref<10000x128xf32, #tpu.memory_space<hbm>> -> memref<10000x128xf32, #tpu.memory_space<hbm>>
            tpu.wait_indirect_dma semaphore(%arg12 : memref<!tpu.dma_semaphore, #tpu.memory_space<semaphore_mem>>) src(%dma_wait3A_167 : memref<10000x128xf32, #tpu.memory_space<hbm>>) dst(%arg8 : memref<128x128xf32, #tpu.memory_space<vmem>>)
            %run_scoped3A = arith.constant 12 : i32
            "tpu.region"() ({
              %run_scoped3A_168 = tpu.sem_alloc : memref<!tpu.dma_semaphore, #tpu.memory_space<semaphore_mem>>
              %dma_start3A_169 = arith.constant 0 : i32
              %dma_start3A_170 = tpu.memref_slice %arg10[%run_scoped3A, %dma_start3A_169] : memref<16x128xi32, #tpu.memory_space<vmem>> -> memref<1x128xi32, #tpu.memory_space<vmem>>
              %dma_start3A_171 = tpu.memref_squeeze %dma_start3A_170 : memref<1x128xi32, #tpu.memory_space<vmem>> -> memref<128xi32, #tpu.memory_space<vmem>>
              %dma_start3A_172 = arith.constant 0 : i32
              %dma_start3A_173 = arith.constant 0 : i32
              %dma_start3A_174 = tpu.memref_slice %arg11[%dma_start3A_172, %dma_start3A_173] : memref<10000x128xf32, #tpu.memory_space<vmem_shared>> -> memref<10000x128xf32, #tpu.memory_space<vmem_shared>>
              tpu.enqueue_indirect_dma source(%arg8 : memref<128x128xf32, #tpu.memory_space<vmem>>) target(%dma_start3A_174 : memref<10000x128xf32, #tpu.memory_space<vmem_shared>>) offsets(%dma_start3A_171 : memref<128xi32, #tpu.memory_space<vmem>>) semaphore(%run_scoped3A_168 : memref<!tpu.dma_semaphore, #tpu.memory_space<semaphore_mem>>) {add = true}
              %dma_wait3A_175 = arith.constant 0 : i32
              %dma_wait3A_176 = tpu.memref_slice %arg10[%run_scoped3A, %dma_wait3A_175] : memref<16x128xi32, #tpu.memory_space<vmem>> -> memref<1x128xi32, #tpu.memory_space<vmem>>
              %dma_wait3A_177 = tpu.memref_squeeze %dma_wait3A_176 : memref<1x128xi32, #tpu.memory_space<vmem>> -> memref<128xi32, #tpu.memory_space<vmem>>
              %dma_wait3A_178 = arith.constant 0 : i32
              %dma_wait3A_179 = arith.constant 0 : i32
              %dma_wait3A_180 = tpu.memref_slice %arg11[%dma_wait3A_178, %dma_wait3A_179] : memref<10000x128xf32, #tpu.memory_space<vmem_shared>> -> memref<10000x128xf32, #tpu.memory_space<vmem_shared>>
              tpu.wait_indirect_dma semaphore(%run_scoped3A_168 : memref<!tpu.dma_semaphore, #tpu.memory_space<semaphore_mem>>) src(%arg8 : memref<128x128xf32, #tpu.memory_space<vmem>>) dst(%dma_wait3A_180 : memref<10000x128xf32, #tpu.memory_space<vmem_shared>>)
              tpu.yield
            }) : () -> ()
          } else {
          }
          %add3A_135 = arith.constant 13 : i32
          %add3A_136 = arith.addi %multiple_of3A_38, %add3A_135 : i32
          %lt3A_137 = arith.constant 2500 : i32
          %lt3A_138 = arith.cmpi slt, %add3A_136, %lt3A_137 : i32
          %convert_element_type3A_139 = arith.extui %lt3A_138 : i1 to i32
          %cond3A_140 = arith.constant 0 : i32
          %cond3A_141 = arith.cmpi ne, %convert_element_type3A_139, %cond3A_140 : i32
          scf.if %cond3A_141 {
            %dma_start3A = arith.constant 13 : i32
            %dma_start3A_156 = arith.constant 0 : i32
            %dma_start3A_157 = tpu.memref_slice %arg9[%dma_start3A, %dma_start3A_156] : memref<16x128xi32, #tpu.memory_space<vmem>> -> memref<1x128xi32, #tpu.memory_space<vmem>>
            %dma_start3A_158 = tpu.memref_squeeze %dma_start3A_157 : memref<1x128xi32, #tpu.memory_space<vmem>> -> memref<128xi32, #tpu.memory_space<vmem>>
            %dma_start3A_159 = arith.constant 0 : i32
            %dma_start3A_160 = arith.constant 0 : i32
            %dma_start3A_161 = tpu.memref_slice %arg2[%dma_start3A_159, %dma_start3A_160] : memref<10000x128xf32, #tpu.memory_space<hbm>> -> memref<10000x128xf32, #tpu.memory_space<hbm>>
            tpu.enqueue_indirect_dma source(%dma_start3A_161 : memref<10000x128xf32, #tpu.memory_space<hbm>>) target(%arg8 : memref<128x128xf32, #tpu.memory_space<vmem>>) offsets(%dma_start3A_158 : memref<128xi32, #tpu.memory_space<vmem>>) semaphore(%arg12 : memref<!tpu.dma_semaphore, #tpu.memory_space<semaphore_mem>>)
            %dma_wait3A = arith.constant 13 : i32
            %dma_wait3A_162 = arith.constant 0 : i32
            %dma_wait3A_163 = tpu.memref_slice %arg9[%dma_wait3A, %dma_wait3A_162] : memref<16x128xi32, #tpu.memory_space<vmem>> -> memref<1x128xi32, #tpu.memory_space<vmem>>
            %dma_wait3A_164 = tpu.memref_squeeze %dma_wait3A_163 : memref<1x128xi32, #tpu.memory_space<vmem>> -> memref<128xi32, #tpu.memory_space<vmem>>
            %dma_wait3A_165 = arith.constant 0 : i32
            %dma_wait3A_166 = arith.constant 0 : i32
            %dma_wait3A_167 = tpu.memref_slice %arg2[%dma_wait3A_165, %dma_wait3A_166] : memref<10000x128xf32, #tpu.memory_space<hbm>> -> memref<10000x128xf32, #tpu.memory_space<hbm>>
            tpu.wait_indirect_dma semaphore(%arg12 : memref<!tpu.dma_semaphore, #tpu.memory_space<semaphore_mem>>) src(%dma_wait3A_167 : memref<10000x128xf32, #tpu.memory_space<hbm>>) dst(%arg8 : memref<128x128xf32, #tpu.memory_space<vmem>>)
            %run_scoped3A = arith.constant 13 : i32
            "tpu.region"() ({
              %run_scoped3A_168 = tpu.sem_alloc : memref<!tpu.dma_semaphore, #tpu.memory_space<semaphore_mem>>
              %dma_start3A_169 = arith.constant 0 : i32
              %dma_start3A_170 = tpu.memref_slice %arg10[%run_scoped3A, %dma_start3A_169] : memref<16x128xi32, #tpu.memory_space<vmem>> -> memref<1x128xi32, #tpu.memory_space<vmem>>
              %dma_start3A_171 = tpu.memref_squeeze %dma_start3A_170 : memref<1x128xi32, #tpu.memory_space<vmem>> -> memref<128xi32, #tpu.memory_space<vmem>>
              %dma_start3A_172 = arith.constant 0 : i32
              %dma_start3A_173 = arith.constant 0 : i32
              %dma_start3A_174 = tpu.memref_slice %arg11[%dma_start3A_172, %dma_start3A_173] : memref<10000x128xf32, #tpu.memory_space<vmem_shared>> -> memref<10000x128xf32, #tpu.memory_space<vmem_shared>>
              tpu.enqueue_indirect_dma source(%arg8 : memref<128x128xf32, #tpu.memory_space<vmem>>) target(%dma_start3A_174 : memref<10000x128xf32, #tpu.memory_space<vmem_shared>>) offsets(%dma_start3A_171 : memref<128xi32, #tpu.memory_space<vmem>>) semaphore(%run_scoped3A_168 : memref<!tpu.dma_semaphore, #tpu.memory_space<semaphore_mem>>) {add = true}
              %dma_wait3A_175 = arith.constant 0 : i32
              %dma_wait3A_176 = tpu.memref_slice %arg10[%run_scoped3A, %dma_wait3A_175] : memref<16x128xi32, #tpu.memory_space<vmem>> -> memref<1x128xi32, #tpu.memory_space<vmem>>
              %dma_wait3A_177 = tpu.memref_squeeze %dma_wait3A_176 : memref<1x128xi32, #tpu.memory_space<vmem>> -> memref<128xi32, #tpu.memory_space<vmem>>
              %dma_wait3A_178 = arith.constant 0 : i32
              %dma_wait3A_179 = arith.constant 0 : i32
              %dma_wait3A_180 = tpu.memref_slice %arg11[%dma_wait3A_178, %dma_wait3A_179] : memref<10000x128xf32, #tpu.memory_space<vmem_shared>> -> memref<10000x128xf32, #tpu.memory_space<vmem_shared>>
              tpu.wait_indirect_dma semaphore(%run_scoped3A_168 : memref<!tpu.dma_semaphore, #tpu.memory_space<semaphore_mem>>) src(%arg8 : memref<128x128xf32, #tpu.memory_space<vmem>>) dst(%dma_wait3A_180 : memref<10000x128xf32, #tpu.memory_space<vmem_shared>>)
              tpu.yield
            }) : () -> ()
          } else {
          }
          %add3A_142 = arith.constant 14 : i32
          %add3A_143 = arith.addi %multiple_of3A_38, %add3A_142 : i32
          %lt3A_144 = arith.constant 2500 : i32
          %lt3A_145 = arith.cmpi slt, %add3A_143, %lt3A_144 : i32
          %convert_element_type3A_146 = arith.extui %lt3A_145 : i1 to i32
          %cond3A_147 = arith.constant 0 : i32
          %cond3A_148 = arith.cmpi ne, %convert_element_type3A_146, %cond3A_147 : i32
          scf.if %cond3A_148 {
            %dma_start3A = arith.constant 14 : i32
            %dma_start3A_156 = arith.constant 0 : i32
            %dma_start3A_157 = tpu.memref_slice %arg9[%dma_start3A, %dma_start3A_156] : memref<16x128xi32, #tpu.memory_space<vmem>> -> memref<1x128xi32, #tpu.memory_space<vmem>>
            %dma_start3A_158 = tpu.memref_squeeze %dma_start3A_157 : memref<1x128xi32, #tpu.memory_space<vmem>> -> memref<128xi32, #tpu.memory_space<vmem>>
            %dma_start3A_159 = arith.constant 0 : i32
            %dma_start3A_160 = arith.constant 0 : i32
            %dma_start3A_161 = tpu.memref_slice %arg2[%dma_start3A_159, %dma_start3A_160] : memref<10000x128xf32, #tpu.memory_space<hbm>> -> memref<10000x128xf32, #tpu.memory_space<hbm>>
            tpu.enqueue_indirect_dma source(%dma_start3A_161 : memref<10000x128xf32, #tpu.memory_space<hbm>>) target(%arg8 : memref<128x128xf32, #tpu.memory_space<vmem>>) offsets(%dma_start3A_158 : memref<128xi32, #tpu.memory_space<vmem>>) semaphore(%arg12 : memref<!tpu.dma_semaphore, #tpu.memory_space<semaphore_mem>>)
            %dma_wait3A = arith.constant 14 : i32
            %dma_wait3A_162 = arith.constant 0 : i32
            %dma_wait3A_163 = tpu.memref_slice %arg9[%dma_wait3A, %dma_wait3A_162] : memref<16x128xi32, #tpu.memory_space<vmem>> -> memref<1x128xi32, #tpu.memory_space<vmem>>
            %dma_wait3A_164 = tpu.memref_squeeze %dma_wait3A_163 : memref<1x128xi32, #tpu.memory_space<vmem>> -> memref<128xi32, #tpu.memory_space<vmem>>
            %dma_wait3A_165 = arith.constant 0 : i32
            %dma_wait3A_166 = arith.constant 0 : i32
            %dma_wait3A_167 = tpu.memref_slice %arg2[%dma_wait3A_165, %dma_wait3A_166] : memref<10000x128xf32, #tpu.memory_space<hbm>> -> memref<10000x128xf32, #tpu.memory_space<hbm>>
            tpu.wait_indirect_dma semaphore(%arg12 : memref<!tpu.dma_semaphore, #tpu.memory_space<semaphore_mem>>) src(%dma_wait3A_167 : memref<10000x128xf32, #tpu.memory_space<hbm>>) dst(%arg8 : memref<128x128xf32, #tpu.memory_space<vmem>>)
            %run_scoped3A = arith.constant 14 : i32
            "tpu.region"() ({
              %run_scoped3A_168 = tpu.sem_alloc : memref<!tpu.dma_semaphore, #tpu.memory_space<semaphore_mem>>
              %dma_start3A_169 = arith.constant 0 : i32
              %dma_start3A_170 = tpu.memref_slice %arg10[%run_scoped3A, %dma_start3A_169] : memref<16x128xi32, #tpu.memory_space<vmem>> -> memref<1x128xi32, #tpu.memory_space<vmem>>
              %dma_start3A_171 = tpu.memref_squeeze %dma_start3A_170 : memref<1x128xi32, #tpu.memory_space<vmem>> -> memref<128xi32, #tpu.memory_space<vmem>>
              %dma_start3A_172 = arith.constant 0 : i32
              %dma_start3A_173 = arith.constant 0 : i32
              %dma_start3A_174 = tpu.memref_slice %arg11[%dma_start3A_172, %dma_start3A_173] : memref<10000x128xf32, #tpu.memory_space<vmem_shared>> -> memref<10000x128xf32, #tpu.memory_space<vmem_shared>>
              tpu.enqueue_indirect_dma source(%arg8 : memref<128x128xf32, #tpu.memory_space<vmem>>) target(%dma_start3A_174 : memref<10000x128xf32, #tpu.memory_space<vmem_shared>>) offsets(%dma_start3A_171 : memref<128xi32, #tpu.memory_space<vmem>>) semaphore(%run_scoped3A_168 : memref<!tpu.dma_semaphore, #tpu.memory_space<semaphore_mem>>) {add = true}
              %dma_wait3A_175 = arith.constant 0 : i32
              %dma_wait3A_176 = tpu.memref_slice %arg10[%run_scoped3A, %dma_wait3A_175] : memref<16x128xi32, #tpu.memory_space<vmem>> -> memref<1x128xi32, #tpu.memory_space<vmem>>
              %dma_wait3A_177 = tpu.memref_squeeze %dma_wait3A_176 : memref<1x128xi32, #tpu.memory_space<vmem>> -> memref<128xi32, #tpu.memory_space<vmem>>
              %dma_wait3A_178 = arith.constant 0 : i32
              %dma_wait3A_179 = arith.constant 0 : i32
              %dma_wait3A_180 = tpu.memref_slice %arg11[%dma_wait3A_178, %dma_wait3A_179] : memref<10000x128xf32, #tpu.memory_space<vmem_shared>> -> memref<10000x128xf32, #tpu.memory_space<vmem_shared>>
              tpu.wait_indirect_dma semaphore(%run_scoped3A_168 : memref<!tpu.dma_semaphore, #tpu.memory_space<semaphore_mem>>) src(%arg8 : memref<128x128xf32, #tpu.memory_space<vmem>>) dst(%dma_wait3A_180 : memref<10000x128xf32, #tpu.memory_space<vmem_shared>>)
              tpu.yield
            }) : () -> ()
          } else {
          }
          %add3A_149 = arith.constant 15 : i32
          %add3A_150 = arith.addi %multiple_of3A_38, %add3A_149 : i32
          %lt3A_151 = arith.constant 2500 : i32
          %lt3A_152 = arith.cmpi slt, %add3A_150, %lt3A_151 : i32
          %convert_element_type3A_153 = arith.extui %lt3A_152 : i1 to i32
          %cond3A_154 = arith.constant 0 : i32
          %cond3A_155 = arith.cmpi ne, %convert_element_type3A_153, %cond3A_154 : i32
          scf.if %cond3A_155 {
            %dma_start3A = arith.constant 15 : i32
            %dma_start3A_156 = arith.constant 0 : i32
            %dma_start3A_157 = tpu.memref_slice %arg9[%dma_start3A, %dma_start3A_156] : memref<16x128xi32, #tpu.memory_space<vmem>> -> memref<1x128xi32, #tpu.memory_space<vmem>>
            %dma_start3A_158 = tpu.memref_squeeze %dma_start3A_157 : memref<1x128xi32, #tpu.memory_space<vmem>> -> memref<128xi32, #tpu.memory_space<vmem>>
            %dma_start3A_159 = arith.constant 0 : i32
            %dma_start3A_160 = arith.constant 0 : i32
            %dma_start3A_161 = tpu.memref_slice %arg2[%dma_start3A_159, %dma_start3A_160] : memref<10000x128xf32, #tpu.memory_space<hbm>> -> memref<10000x128xf32, #tpu.memory_space<hbm>>
            tpu.enqueue_indirect_dma source(%dma_start3A_161 : memref<10000x128xf32, #tpu.memory_space<hbm>>) target(%arg8 : memref<128x128xf32, #tpu.memory_space<vmem>>) offsets(%dma_start3A_158 : memref<128xi32, #tpu.memory_space<vmem>>) semaphore(%arg12 : memref<!tpu.dma_semaphore, #tpu.memory_space<semaphore_mem>>)
            %dma_wait3A = arith.constant 15 : i32
            %dma_wait3A_162 = arith.constant 0 : i32
            %dma_wait3A_163 = tpu.memref_slice %arg9[%dma_wait3A, %dma_wait3A_162] : memref<16x128xi32, #tpu.memory_space<vmem>> -> memref<1x128xi32, #tpu.memory_space<vmem>>
            %dma_wait3A_164 = tpu.memref_squeeze %dma_wait3A_163 : memref<1x128xi32, #tpu.memory_space<vmem>> -> memref<128xi32, #tpu.memory_space<vmem>>
            %dma_wait3A_165 = arith.constant 0 : i32
            %dma_wait3A_166 = arith.constant 0 : i32
            %dma_wait3A_167 = tpu.memref_slice %arg2[%dma_wait3A_165, %dma_wait3A_166] : memref<10000x128xf32, #tpu.memory_space<hbm>> -> memref<10000x128xf32, #tpu.memory_space<hbm>>
            tpu.wait_indirect_dma semaphore(%arg12 : memref<!tpu.dma_semaphore, #tpu.memory_space<semaphore_mem>>) src(%dma_wait3A_167 : memref<10000x128xf32, #tpu.memory_space<hbm>>) dst(%arg8 : memref<128x128xf32, #tpu.memory_space<vmem>>)
            %run_scoped3A = arith.constant 15 : i32
            "tpu.region"() ({
              %run_scoped3A_168 = tpu.sem_alloc : memref<!tpu.dma_semaphore, #tpu.memory_space<semaphore_mem>>
              %dma_start3A_169 = arith.constant 0 : i32
              %dma_start3A_170 = tpu.memref_slice %arg10[%run_scoped3A, %dma_start3A_169] : memref<16x128xi32, #tpu.memory_space<vmem>> -> memref<1x128xi32, #tpu.memory_space<vmem>>
              %dma_start3A_171 = tpu.memref_squeeze %dma_start3A_170 : memref<1x128xi32, #tpu.memory_space<vmem>> -> memref<128xi32, #tpu.memory_space<vmem>>
              %dma_start3A_172 = arith.constant 0 : i32
              %dma_start3A_173 = arith.constant 0 : i32
              %dma_start3A_174 = tpu.memref_slice %arg11[%dma_start3A_172, %dma_start3A_173] : memref<10000x128xf32, #tpu.memory_space<vmem_shared>> -> memref<10000x128xf32, #tpu.memory_space<vmem_shared>>
              tpu.enqueue_indirect_dma source(%arg8 : memref<128x128xf32, #tpu.memory_space<vmem>>) target(%dma_start3A_174 : memref<10000x128xf32, #tpu.memory_space<vmem_shared>>) offsets(%dma_start3A_171 : memref<128xi32, #tpu.memory_space<vmem>>) semaphore(%run_scoped3A_168 : memref<!tpu.dma_semaphore, #tpu.memory_space<semaphore_mem>>) {add = true}
              %dma_wait3A_175 = arith.constant 0 : i32
              %dma_wait3A_176 = tpu.memref_slice %arg10[%run_scoped3A, %dma_wait3A_175] : memref<16x128xi32, #tpu.memory_space<vmem>> -> memref<1x128xi32, #tpu.memory_space<vmem>>
              %dma_wait3A_177 = tpu.memref_squeeze %dma_wait3A_176 : memref<1x128xi32, #tpu.memory_space<vmem>> -> memref<128xi32, #tpu.memory_space<vmem>>
              %dma_wait3A_178 = arith.constant 0 : i32
              %dma_wait3A_179 = arith.constant 0 : i32
              %dma_wait3A_180 = tpu.memref_slice %arg11[%dma_wait3A_178, %dma_wait3A_179] : memref<10000x128xf32, #tpu.memory_space<vmem_shared>> -> memref<10000x128xf32, #tpu.memory_space<vmem_shared>>
              tpu.wait_indirect_dma semaphore(%run_scoped3A_168 : memref<!tpu.dma_semaphore, #tpu.memory_space<semaphore_mem>>) src(%arg8 : memref<128x128xf32, #tpu.memory_space<vmem>>) dst(%dma_wait3A_180 : memref<10000x128xf32, #tpu.memory_space<vmem_shared>>)
              tpu.yield
            }) : () -> ()
          } else {
          }
        } else {
        }
      }
      %scan3A_23 = arith.constant 10 : i32
      %barrier3A_24 = arith.constant 0 : index
      tpu.barrier barrier_id(%barrier3A_24)
      %lt3A_25 = arith.constant 15 : i32
      %lt3A_26 = arith.cmpi slt, %arg1, %lt3A_25 : i32
      %convert_element_type3A_27 = arith.extui %lt3A_26 : i1 to i32
      %cond3A_28 = arith.constant 0 : i32
      %cond3A_29 = arith.cmpi ne, %convert_element_type3A_27, %cond3A_28 : i32
      scf.if %cond3A_29 {
        "tpu.region"() ({
          %run_scoped3A = tpu.sem_alloc : memref<!tpu.dma_semaphore, #tpu.memory_space<semaphore_mem>>
          %dma_start3A = arith.constant 0 : i32
          %dma_start3A_35 = tpu.memref_slice %arg6[%multiple_of3A, %dma_start3A] : memref<10000x128xf32, #tpu.memory_space<hbm>> -> memref<624x128xf32, #tpu.memory_space<hbm>>
          %dma_start3A_36 = arith.constant 0 : i32
          %dma_start3A_37 = tpu.memref_slice %arg11[%multiple_of3A, %dma_start3A_36] : memref<10000x128xf32, #tpu.memory_space<vmem_shared>> -> memref<624x128xf32, #tpu.memory_space<vmem_shared>>
          tpu.enqueue_dma source(%dma_start3A_37 : memref<624x128xf32, #tpu.memory_space<vmem_shared>>) target(%dma_start3A_35 : memref<624x128xf32, #tpu.memory_space<hbm>>) target_semaphore(%run_scoped3A : memref<!tpu.dma_semaphore, #tpu.memory_space<semaphore_mem>>)
          %dma_wait3A = arith.constant 0 : i32
          %dma_wait3A_38 = tpu.memref_slice %arg6[%multiple_of3A, %dma_wait3A] : memref<10000x128xf32, #tpu.memory_space<hbm>> -> memref<624x128xf32, #tpu.memory_space<hbm>>
          %dma_wait3A_39 = arith.constant 0 : i32
          %dma_wait3A_40 = tpu.memref_slice %arg11[%multiple_of3A, %dma_wait3A_39] : memref<10000x128xf32, #tpu.memory_space<vmem_shared>> -> memref<624x128xf32, #tpu.memory_space<vmem_shared>>
          tpu.wait_dma2 semaphore(%run_scoped3A : memref<!tpu.dma_semaphore, #tpu.memory_space<semaphore_mem>>) src(%dma_wait3A_40 : memref<624x128xf32, #tpu.memory_space<vmem_shared>>) dst(%dma_wait3A_38 : memref<624x128xf32, #tpu.memory_space<hbm>>)
          tpu.yield
        }) : () -> ()
      } else {
      }
      %eq3A_30 = arith.constant 15 : i32
      %eq3A_31 = arith.cmpi eq, %arg1, %eq3A_30 : i32
      %convert_element_type3A_32 = arith.extui %eq3A_31 : i1 to i32
      %cond3A_33 = arith.constant 0 : i32
      %cond3A_34 = arith.cmpi ne, %convert_element_type3A_32, %cond3A_33 : i32
      scf.if %cond3A_34 {
        "tpu.region"() ({
          %run_scoped3A = tpu.sem_alloc : memref<!tpu.dma_semaphore, #tpu.memory_space<semaphore_mem>>
          %dma_start3A = arith.constant 0 : i32
          %dma_start3A_35 = tpu.memref_slice %arg6[%multiple_of3A, %dma_start3A] : memref<10000x128xf32, #tpu.memory_space<hbm>> -> memref<640x128xf32, #tpu.memory_space<hbm>>
          %dma_start3A_36 = arith.constant 0 : i32
          %dma_start3A_37 = tpu.memref_slice %arg11[%multiple_of3A, %dma_start3A_36] : memref<10000x128xf32, #tpu.memory_space<vmem_shared>> -> memref<640x128xf32, #tpu.memory_space<vmem_shared>>
          tpu.enqueue_dma source(%dma_start3A_37 : memref<640x128xf32, #tpu.memory_space<vmem_shared>>) target(%dma_start3A_35 : memref<640x128xf32, #tpu.memory_space<hbm>>) target_semaphore(%run_scoped3A : memref<!tpu.dma_semaphore, #tpu.memory_space<semaphore_mem>>)
          %dma_wait3A = arith.constant 0 : i32
          %dma_wait3A_38 = tpu.memref_slice %arg6[%multiple_of3A, %dma_wait3A] : memref<10000x128xf32, #tpu.memory_space<hbm>> -> memref<640x128xf32, #tpu.memory_space<hbm>>
          %dma_wait3A_39 = arith.constant 0 : i32
          %dma_wait3A_40 = tpu.memref_slice %arg11[%multiple_of3A, %dma_wait3A_39] : memref<10000x128xf32, #tpu.memory_space<vmem_shared>> -> memref<640x128xf32, #tpu.memory_space<vmem_shared>>
          tpu.wait_dma2 semaphore(%run_scoped3A : memref<!tpu.dma_semaphore, #tpu.memory_space<semaphore_mem>>) src(%dma_wait3A_40 : memref<640x128xf32, #tpu.memory_space<vmem_shared>>) dst(%dma_wait3A_38 : memref<640x128xf32, #tpu.memory_space<hbm>>)
          tpu.yield
        }) : () -> ()
      } else {
      }
    } else {
    }
    %eq3A_3 = arith.constant 1 : i32
    %eq3A_4 = arith.cmpi eq, %arg0, %eq3A_3 : i32
    %convert_element_type3A_5 = arith.extui %eq3A_4 : i1 to i32
    %cond3A_6 = arith.constant 0 : i32
    %cond3A_7 = arith.cmpi ne, %convert_element_type3A_5, %cond3A_6 : i32
    scf.if %cond3A_7 {
      %lt3A = arith.constant 15 : i32
      %lt3A_8 = arith.cmpi slt, %arg1, %lt3A : i32
      %convert_element_type3A_9 = arith.extui %lt3A_8 : i1 to i32
      %cond3A_10 = arith.constant 0 : i32
      %cond3A_11 = arith.cmpi ne, %convert_element_type3A_9, %cond3A_10 : i32
      scf.if %cond3A_11 {
        "tpu.region"() ({
          %run_scoped3A = tpu.sem_alloc : memref<!tpu.dma_semaphore, #tpu.memory_space<semaphore_mem>>
          %dma_start3A = arith.constant 0 : i32
          %dma_start3A_35 = tpu.memref_slice %arg11[%multiple_of3A, %dma_start3A] : memref<10000x128xf32, #tpu.memory_space<vmem_shared>> -> memref<624x128xf32, #tpu.memory_space<vmem_shared>>
          %dma_start3A_36 = arith.constant 0 : i32
          %dma_start3A_37 = tpu.memref_slice %arg3[%multiple_of3A, %dma_start3A_36] : memref<10000x128xf32, #tpu.memory_space<hbm>> -> memref<624x128xf32, #tpu.memory_space<hbm>>
          tpu.enqueue_dma source(%dma_start3A_37 : memref<624x128xf32, #tpu.memory_space<hbm>>) target(%dma_start3A_35 : memref<624x128xf32, #tpu.memory_space<vmem_shared>>) target_semaphore(%run_scoped3A : memref<!tpu.dma_semaphore, #tpu.memory_space<semaphore_mem>>)
          %dma_wait3A = arith.constant 0 : i32
          %dma_wait3A_38 = tpu.memref_slice %arg11[%multiple_of3A, %dma_wait3A] : memref<10000x128xf32, #tpu.memory_space<vmem_shared>> -> memref<624x128xf32, #tpu.memory_space<vmem_shared>>
          %dma_wait3A_39 = arith.constant 0 : i32
          %dma_wait3A_40 = tpu.memref_slice %arg3[%multiple_of3A, %dma_wait3A_39] : memref<10000x128xf32, #tpu.memory_space<hbm>> -> memref<624x128xf32, #tpu.memory_space<hbm>>
          tpu.wait_dma2 semaphore(%run_scoped3A : memref<!tpu.dma_semaphore, #tpu.memory_space<semaphore_mem>>) src(%dma_wait3A_40 : memref<624x128xf32, #tpu.memory_space<hbm>>) dst(%dma_wait3A_38 : memref<624x128xf32, #tpu.memory_space<vmem_shared>>)
          tpu.yield
        }) : () -> ()
      } else {
      }
      %eq3A_12 = arith.constant 15 : i32
      %eq3A_13 = arith.cmpi eq, %arg1, %eq3A_12 : i32
      %convert_element_type3A_14 = arith.extui %eq3A_13 : i1 to i32
      %cond3A_15 = arith.constant 0 : i32
      %cond3A_16 = arith.cmpi ne, %convert_element_type3A_14, %cond3A_15 : i32
      scf.if %cond3A_16 {
        "tpu.region"() ({
          %run_scoped3A = tpu.sem_alloc : memref<!tpu.dma_semaphore, #tpu.memory_space<semaphore_mem>>
          %dma_start3A = arith.constant 0 : i32
          %dma_start3A_35 = tpu.memref_slice %arg11[%multiple_of3A, %dma_start3A] : memref<10000x128xf32, #tpu.memory_space<vmem_shared>> -> memref<640x128xf32, #tpu.memory_space<vmem_shared>>
          %dma_start3A_36 = arith.constant 0 : i32
          %dma_start3A_37 = tpu.memref_slice %arg3[%multiple_of3A, %dma_start3A_36] : memref<10000x128xf32, #tpu.memory_space<hbm>> -> memref<640x128xf32, #tpu.memory_space<hbm>>
          tpu.enqueue_dma source(%dma_start3A_37 : memref<640x128xf32, #tpu.memory_space<hbm>>) target(%dma_start3A_35 : memref<640x128xf32, #tpu.memory_space<vmem_shared>>) target_semaphore(%run_scoped3A : memref<!tpu.dma_semaphore, #tpu.memory_space<semaphore_mem>>)
          %dma_wait3A = arith.constant 0 : i32
          %dma_wait3A_38 = tpu.memref_slice %arg11[%multiple_of3A, %dma_wait3A] : memref<10000x128xf32, #tpu.memory_space<vmem_shared>> -> memref<640x128xf32, #tpu.memory_space<vmem_shared>>
          %dma_wait3A_39 = arith.constant 0 : i32
          %dma_wait3A_40 = tpu.memref_slice %arg3[%multiple_of3A, %dma_wait3A_39] : memref<10000x128xf32, #tpu.memory_space<hbm>> -> memref<640x128xf32, #tpu.memory_space<hbm>>
          tpu.wait_dma2 semaphore(%run_scoped3A : memref<!tpu.dma_semaphore, #tpu.memory_space<semaphore_mem>>) src(%dma_wait3A_40 : memref<640x128xf32, #tpu.memory_space<hbm>>) dst(%dma_wait3A_38 : memref<640x128xf32, #tpu.memory_space<vmem_shared>>)
          tpu.yield
        }) : () -> ()
      } else {
      }
      %barrier3A = arith.constant 0 : index
      tpu.barrier barrier_id(%barrier3A)
      %mul3A_17 = arith.constant 160 : i32
      %mul3A_18 = arith.muli %arg1, %mul3A_17 : i32
      %scan3A = arith.constant 0 : i32
      %scan3A_19 = arith.constant 0 : i32
      %scan3A_20 = arith.constant 10 : i32
      %scan3A_21 = arith.addi %scan3A_19, %scan3A_20 : i32
      %scan3A_22 = arith.constant 1 : i32
      scf.for %scan3A_35 = %scan3A_19 to %scan3A_21 step %scan3A_22  : i32 {
        %mul3A_36 = arith.constant 16 : i32
        %mul3A_37 = arith.muli %scan3A_35, %mul3A_36 : i32
        %add3A = arith.addi %mul3A_18, %mul3A_37 : i32
        %multiple_of3A_38 = tpu.assume_multiple %add3A, 8 : i32
        %lt3A_39 = arith.constant 2500 : i32
        %lt3A_40 = arith.cmpi slt, %multiple_of3A_38, %lt3A_39 : i32
        %convert_element_type3A_41 = arith.extui %lt3A_40 : i1 to i32
        %cond3A_42 = arith.constant 0 : i32
        %cond3A_43 = arith.cmpi ne, %convert_element_type3A_41, %cond3A_42 : i32
        scf.if %cond3A_43 {
          "tpu.region"() ({
            %run_scoped3A = tpu.sem_alloc : memref<!tpu.dma_semaphore, #tpu.memory_space<semaphore_mem>>
            %dma_start3A = arith.constant 0 : i32
            %dma_start3A_156 = tpu.memref_slice %arg4[%multiple_of3A_38, %dma_start3A] : memref<2592x128xi32, #tpu.memory_space<hbm>> -> memref<16x128xi32, #tpu.memory_space<hbm>>
            %dma_start3A_157 = arith.constant 0 : i32
            %dma_start3A_158 = tpu.memref_slice %arg4[%multiple_of3A_38, %dma_start3A_157] : memref<2592x128xi32, #tpu.memory_space<hbm>> -> memref<16x128xi32, #tpu.memory_space<hbm>>
            tpu.enqueue_dma source(%dma_start3A_158 : memref<16x128xi32, #tpu.memory_space<hbm>>) target(%arg9 : memref<16x128xi32, #tpu.memory_space<vmem>>) target_semaphore(%run_scoped3A : memref<!tpu.dma_semaphore, #tpu.memory_space<semaphore_mem>>)
            %dma_wait3A = arith.constant 0 : i32
            %dma_wait3A_159 = tpu.memref_slice %arg4[%multiple_of3A_38, %dma_wait3A] : memref<2592x128xi32, #tpu.memory_space<hbm>> -> memref<16x128xi32, #tpu.memory_space<hbm>>
            %dma_wait3A_160 = arith.constant 0 : i32
            %dma_wait3A_161 = tpu.memref_slice %arg4[%multiple_of3A_38, %dma_wait3A_160] : memref<2592x128xi32, #tpu.memory_space<hbm>> -> memref<16x128xi32, #tpu.memory_space<hbm>>
            tpu.wait_dma2 semaphore(%run_scoped3A : memref<!tpu.dma_semaphore, #tpu.memory_space<semaphore_mem>>) src(%dma_wait3A_161 : memref<16x128xi32, #tpu.memory_space<hbm>>) dst(%arg9 : memref<16x128xi32, #tpu.memory_space<vmem>>)
            tpu.yield
          }) : () -> ()
          "tpu.region"() ({
            %run_scoped3A = tpu.sem_alloc : memref<!tpu.dma_semaphore, #tpu.memory_space<semaphore_mem>>
            %dma_start3A = arith.constant 0 : i32
            %dma_start3A_156 = tpu.memref_slice %arg5[%multiple_of3A_38, %dma_start3A] : memref<2592x128xi32, #tpu.memory_space<hbm>> -> memref<16x128xi32, #tpu.memory_space<hbm>>
            %dma_start3A_157 = arith.constant 0 : i32
            %dma_start3A_158 = tpu.memref_slice %arg5[%multiple_of3A_38, %dma_start3A_157] : memref<2592x128xi32, #tpu.memory_space<hbm>> -> memref<16x128xi32, #tpu.memory_space<hbm>>
            tpu.enqueue_dma source(%dma_start3A_158 : memref<16x128xi32, #tpu.memory_space<hbm>>) target(%arg10 : memref<16x128xi32, #tpu.memory_space<vmem>>) target_semaphore(%run_scoped3A : memref<!tpu.dma_semaphore, #tpu.memory_space<semaphore_mem>>)
            %dma_wait3A = arith.constant 0 : i32
            %dma_wait3A_159 = tpu.memref_slice %arg5[%multiple_of3A_38, %dma_wait3A] : memref<2592x128xi32, #tpu.memory_space<hbm>> -> memref<16x128xi32, #tpu.memory_space<hbm>>
            %dma_wait3A_160 = arith.constant 0 : i32
            %dma_wait3A_161 = tpu.memref_slice %arg5[%multiple_of3A_38, %dma_wait3A_160] : memref<2592x128xi32, #tpu.memory_space<hbm>> -> memref<16x128xi32, #tpu.memory_space<hbm>>
            tpu.wait_dma2 semaphore(%run_scoped3A : memref<!tpu.dma_semaphore, #tpu.memory_space<semaphore_mem>>) src(%dma_wait3A_161 : memref<16x128xi32, #tpu.memory_space<hbm>>) dst(%arg10 : memref<16x128xi32, #tpu.memory_space<vmem>>)
            tpu.yield
          }) : () -> ()
          %add3A_44 = arith.constant 0 : i32
          %add3A_45 = arith.addi %multiple_of3A_38, %add3A_44 : i32
          %lt3A_46 = arith.constant 2500 : i32
          %lt3A_47 = arith.cmpi slt, %add3A_45, %lt3A_46 : i32
          %convert_element_type3A_48 = arith.extui %lt3A_47 : i1 to i32
          %cond3A_49 = arith.constant 0 : i32
          %cond3A_50 = arith.cmpi ne, %convert_element_type3A_48, %cond3A_49 : i32
          scf.if %cond3A_50 {
            %dma_start3A = arith.constant 0 : i32
            %dma_start3A_156 = arith.constant 0 : i32
            %dma_start3A_157 = tpu.memref_slice %arg9[%dma_start3A, %dma_start3A_156] : memref<16x128xi32, #tpu.memory_space<vmem>> -> memref<1x128xi32, #tpu.memory_space<vmem>>
            %dma_start3A_158 = tpu.memref_squeeze %dma_start3A_157 : memref<1x128xi32, #tpu.memory_space<vmem>> -> memref<128xi32, #tpu.memory_space<vmem>>
            %dma_start3A_159 = arith.constant 0 : i32
            %dma_start3A_160 = arith.constant 0 : i32
            %dma_start3A_161 = tpu.memref_slice %arg3[%dma_start3A_159, %dma_start3A_160] : memref<10000x128xf32, #tpu.memory_space<hbm>> -> memref<10000x128xf32, #tpu.memory_space<hbm>>
            tpu.enqueue_indirect_dma source(%dma_start3A_161 : memref<10000x128xf32, #tpu.memory_space<hbm>>) target(%arg8 : memref<128x128xf32, #tpu.memory_space<vmem>>) offsets(%dma_start3A_158 : memref<128xi32, #tpu.memory_space<vmem>>) semaphore(%arg12 : memref<!tpu.dma_semaphore, #tpu.memory_space<semaphore_mem>>)
            %dma_wait3A = arith.constant 0 : i32
            %dma_wait3A_162 = arith.constant 0 : i32
            %dma_wait3A_163 = tpu.memref_slice %arg9[%dma_wait3A, %dma_wait3A_162] : memref<16x128xi32, #tpu.memory_space<vmem>> -> memref<1x128xi32, #tpu.memory_space<vmem>>
            %dma_wait3A_164 = tpu.memref_squeeze %dma_wait3A_163 : memref<1x128xi32, #tpu.memory_space<vmem>> -> memref<128xi32, #tpu.memory_space<vmem>>
            %dma_wait3A_165 = arith.constant 0 : i32
            %dma_wait3A_166 = arith.constant 0 : i32
            %dma_wait3A_167 = tpu.memref_slice %arg3[%dma_wait3A_165, %dma_wait3A_166] : memref<10000x128xf32, #tpu.memory_space<hbm>> -> memref<10000x128xf32, #tpu.memory_space<hbm>>
            tpu.wait_indirect_dma semaphore(%arg12 : memref<!tpu.dma_semaphore, #tpu.memory_space<semaphore_mem>>) src(%dma_wait3A_167 : memref<10000x128xf32, #tpu.memory_space<hbm>>) dst(%arg8 : memref<128x128xf32, #tpu.memory_space<vmem>>)
            %run_scoped3A = arith.constant 0 : i32
            "tpu.region"() ({
              %run_scoped3A_168 = tpu.sem_alloc : memref<!tpu.dma_semaphore, #tpu.memory_space<semaphore_mem>>
              %dma_start3A_169 = arith.constant 0 : i32
              %dma_start3A_170 = tpu.memref_slice %arg10[%run_scoped3A, %dma_start3A_169] : memref<16x128xi32, #tpu.memory_space<vmem>> -> memref<1x128xi32, #tpu.memory_space<vmem>>
              %dma_start3A_171 = tpu.memref_squeeze %dma_start3A_170 : memref<1x128xi32, #tpu.memory_space<vmem>> -> memref<128xi32, #tpu.memory_space<vmem>>
              %dma_start3A_172 = arith.constant 0 : i32
              %dma_start3A_173 = arith.constant 0 : i32
              %dma_start3A_174 = tpu.memref_slice %arg11[%dma_start3A_172, %dma_start3A_173] : memref<10000x128xf32, #tpu.memory_space<vmem_shared>> -> memref<10000x128xf32, #tpu.memory_space<vmem_shared>>
              tpu.enqueue_indirect_dma source(%arg8 : memref<128x128xf32, #tpu.memory_space<vmem>>) target(%dma_start3A_174 : memref<10000x128xf32, #tpu.memory_space<vmem_shared>>) offsets(%dma_start3A_171 : memref<128xi32, #tpu.memory_space<vmem>>) semaphore(%run_scoped3A_168 : memref<!tpu.dma_semaphore, #tpu.memory_space<semaphore_mem>>) {add = true}
              %dma_wait3A_175 = arith.constant 0 : i32
              %dma_wait3A_176 = tpu.memref_slice %arg10[%run_scoped3A, %dma_wait3A_175] : memref<16x128xi32, #tpu.memory_space<vmem>> -> memref<1x128xi32, #tpu.memory_space<vmem>>
              %dma_wait3A_177 = tpu.memref_squeeze %dma_wait3A_176 : memref<1x128xi32, #tpu.memory_space<vmem>> -> memref<128xi32, #tpu.memory_space<vmem>>
              %dma_wait3A_178 = arith.constant 0 : i32
              %dma_wait3A_179 = arith.constant 0 : i32
              %dma_wait3A_180 = tpu.memref_slice %arg11[%dma_wait3A_178, %dma_wait3A_179] : memref<10000x128xf32, #tpu.memory_space<vmem_shared>> -> memref<10000x128xf32, #tpu.memory_space<vmem_shared>>
              tpu.wait_indirect_dma semaphore(%run_scoped3A_168 : memref<!tpu.dma_semaphore, #tpu.memory_space<semaphore_mem>>) src(%arg8 : memref<128x128xf32, #tpu.memory_space<vmem>>) dst(%dma_wait3A_180 : memref<10000x128xf32, #tpu.memory_space<vmem_shared>>)
              tpu.yield
            }) : () -> ()
          } else {
          }
          %add3A_51 = arith.constant 1 : i32
          %add3A_52 = arith.addi %multiple_of3A_38, %add3A_51 : i32
          %lt3A_53 = arith.constant 2500 : i32
          %lt3A_54 = arith.cmpi slt, %add3A_52, %lt3A_53 : i32
          %convert_element_type3A_55 = arith.extui %lt3A_54 : i1 to i32
          %cond3A_56 = arith.constant 0 : i32
          %cond3A_57 = arith.cmpi ne, %convert_element_type3A_55, %cond3A_56 : i32
          scf.if %cond3A_57 {
            %dma_start3A = arith.constant 1 : i32
            %dma_start3A_156 = arith.constant 0 : i32
            %dma_start3A_157 = tpu.memref_slice %arg9[%dma_start3A, %dma_start3A_156] : memref<16x128xi32, #tpu.memory_space<vmem>> -> memref<1x128xi32, #tpu.memory_space<vmem>>
            %dma_start3A_158 = tpu.memref_squeeze %dma_start3A_157 : memref<1x128xi32, #tpu.memory_space<vmem>> -> memref<128xi32, #tpu.memory_space<vmem>>
            %dma_start3A_159 = arith.constant 0 : i32
            %dma_start3A_160 = arith.constant 0 : i32
            %dma_start3A_161 = tpu.memref_slice %arg3[%dma_start3A_159, %dma_start3A_160] : memref<10000x128xf32, #tpu.memory_space<hbm>> -> memref<10000x128xf32, #tpu.memory_space<hbm>>
            tpu.enqueue_indirect_dma source(%dma_start3A_161 : memref<10000x128xf32, #tpu.memory_space<hbm>>) target(%arg8 : memref<128x128xf32, #tpu.memory_space<vmem>>) offsets(%dma_start3A_158 : memref<128xi32, #tpu.memory_space<vmem>>) semaphore(%arg12 : memref<!tpu.dma_semaphore, #tpu.memory_space<semaphore_mem>>)
            %dma_wait3A = arith.constant 1 : i32
            %dma_wait3A_162 = arith.constant 0 : i32
            %dma_wait3A_163 = tpu.memref_slice %arg9[%dma_wait3A, %dma_wait3A_162] : memref<16x128xi32, #tpu.memory_space<vmem>> -> memref<1x128xi32, #tpu.memory_space<vmem>>
            %dma_wait3A_164 = tpu.memref_squeeze %dma_wait3A_163 : memref<1x128xi32, #tpu.memory_space<vmem>> -> memref<128xi32, #tpu.memory_space<vmem>>
            %dma_wait3A_165 = arith.constant 0 : i32
            %dma_wait3A_166 = arith.constant 0 : i32
            %dma_wait3A_167 = tpu.memref_slice %arg3[%dma_wait3A_165, %dma_wait3A_166] : memref<10000x128xf32, #tpu.memory_space<hbm>> -> memref<10000x128xf32, #tpu.memory_space<hbm>>
            tpu.wait_indirect_dma semaphore(%arg12 : memref<!tpu.dma_semaphore, #tpu.memory_space<semaphore_mem>>) src(%dma_wait3A_167 : memref<10000x128xf32, #tpu.memory_space<hbm>>) dst(%arg8 : memref<128x128xf32, #tpu.memory_space<vmem>>)
            %run_scoped3A = arith.constant 1 : i32
            "tpu.region"() ({
              %run_scoped3A_168 = tpu.sem_alloc : memref<!tpu.dma_semaphore, #tpu.memory_space<semaphore_mem>>
              %dma_start3A_169 = arith.constant 0 : i32
              %dma_start3A_170 = tpu.memref_slice %arg10[%run_scoped3A, %dma_start3A_169] : memref<16x128xi32, #tpu.memory_space<vmem>> -> memref<1x128xi32, #tpu.memory_space<vmem>>
              %dma_start3A_171 = tpu.memref_squeeze %dma_start3A_170 : memref<1x128xi32, #tpu.memory_space<vmem>> -> memref<128xi32, #tpu.memory_space<vmem>>
              %dma_start3A_172 = arith.constant 0 : i32
              %dma_start3A_173 = arith.constant 0 : i32
              %dma_start3A_174 = tpu.memref_slice %arg11[%dma_start3A_172, %dma_start3A_173] : memref<10000x128xf32, #tpu.memory_space<vmem_shared>> -> memref<10000x128xf32, #tpu.memory_space<vmem_shared>>
              tpu.enqueue_indirect_dma source(%arg8 : memref<128x128xf32, #tpu.memory_space<vmem>>) target(%dma_start3A_174 : memref<10000x128xf32, #tpu.memory_space<vmem_shared>>) offsets(%dma_start3A_171 : memref<128xi32, #tpu.memory_space<vmem>>) semaphore(%run_scoped3A_168 : memref<!tpu.dma_semaphore, #tpu.memory_space<semaphore_mem>>) {add = true}
              %dma_wait3A_175 = arith.constant 0 : i32
              %dma_wait3A_176 = tpu.memref_slice %arg10[%run_scoped3A, %dma_wait3A_175] : memref<16x128xi32, #tpu.memory_space<vmem>> -> memref<1x128xi32, #tpu.memory_space<vmem>>
              %dma_wait3A_177 = tpu.memref_squeeze %dma_wait3A_176 : memref<1x128xi32, #tpu.memory_space<vmem>> -> memref<128xi32, #tpu.memory_space<vmem>>
              %dma_wait3A_178 = arith.constant 0 : i32
              %dma_wait3A_179 = arith.constant 0 : i32
              %dma_wait3A_180 = tpu.memref_slice %arg11[%dma_wait3A_178, %dma_wait3A_179] : memref<10000x128xf32, #tpu.memory_space<vmem_shared>> -> memref<10000x128xf32, #tpu.memory_space<vmem_shared>>
              tpu.wait_indirect_dma semaphore(%run_scoped3A_168 : memref<!tpu.dma_semaphore, #tpu.memory_space<semaphore_mem>>) src(%arg8 : memref<128x128xf32, #tpu.memory_space<vmem>>) dst(%dma_wait3A_180 : memref<10000x128xf32, #tpu.memory_space<vmem_shared>>)
              tpu.yield
            }) : () -> ()
          } else {
          }
          %add3A_58 = arith.constant 2 : i32
          %add3A_59 = arith.addi %multiple_of3A_38, %add3A_58 : i32
          %lt3A_60 = arith.constant 2500 : i32
          %lt3A_61 = arith.cmpi slt, %add3A_59, %lt3A_60 : i32
          %convert_element_type3A_62 = arith.extui %lt3A_61 : i1 to i32
          %cond3A_63 = arith.constant 0 : i32
          %cond3A_64 = arith.cmpi ne, %convert_element_type3A_62, %cond3A_63 : i32
          scf.if %cond3A_64 {
            %dma_start3A = arith.constant 2 : i32
            %dma_start3A_156 = arith.constant 0 : i32
            %dma_start3A_157 = tpu.memref_slice %arg9[%dma_start3A, %dma_start3A_156] : memref<16x128xi32, #tpu.memory_space<vmem>> -> memref<1x128xi32, #tpu.memory_space<vmem>>
            %dma_start3A_158 = tpu.memref_squeeze %dma_start3A_157 : memref<1x128xi32, #tpu.memory_space<vmem>> -> memref<128xi32, #tpu.memory_space<vmem>>
            %dma_start3A_159 = arith.constant 0 : i32
            %dma_start3A_160 = arith.constant 0 : i32
            %dma_start3A_161 = tpu.memref_slice %arg3[%dma_start3A_159, %dma_start3A_160] : memref<10000x128xf32, #tpu.memory_space<hbm>> -> memref<10000x128xf32, #tpu.memory_space<hbm>>
            tpu.enqueue_indirect_dma source(%dma_start3A_161 : memref<10000x128xf32, #tpu.memory_space<hbm>>) target(%arg8 : memref<128x128xf32, #tpu.memory_space<vmem>>) offsets(%dma_start3A_158 : memref<128xi32, #tpu.memory_space<vmem>>) semaphore(%arg12 : memref<!tpu.dma_semaphore, #tpu.memory_space<semaphore_mem>>)
            %dma_wait3A = arith.constant 2 : i32
            %dma_wait3A_162 = arith.constant 0 : i32
            %dma_wait3A_163 = tpu.memref_slice %arg9[%dma_wait3A, %dma_wait3A_162] : memref<16x128xi32, #tpu.memory_space<vmem>> -> memref<1x128xi32, #tpu.memory_space<vmem>>
            %dma_wait3A_164 = tpu.memref_squeeze %dma_wait3A_163 : memref<1x128xi32, #tpu.memory_space<vmem>> -> memref<128xi32, #tpu.memory_space<vmem>>
            %dma_wait3A_165 = arith.constant 0 : i32
            %dma_wait3A_166 = arith.constant 0 : i32
            %dma_wait3A_167 = tpu.memref_slice %arg3[%dma_wait3A_165, %dma_wait3A_166] : memref<10000x128xf32, #tpu.memory_space<hbm>> -> memref<10000x128xf32, #tpu.memory_space<hbm>>
            tpu.wait_indirect_dma semaphore(%arg12 : memref<!tpu.dma_semaphore, #tpu.memory_space<semaphore_mem>>) src(%dma_wait3A_167 : memref<10000x128xf32, #tpu.memory_space<hbm>>) dst(%arg8 : memref<128x128xf32, #tpu.memory_space<vmem>>)
            %run_scoped3A = arith.constant 2 : i32
            "tpu.region"() ({
              %run_scoped3A_168 = tpu.sem_alloc : memref<!tpu.dma_semaphore, #tpu.memory_space<semaphore_mem>>
              %dma_start3A_169 = arith.constant 0 : i32
              %dma_start3A_170 = tpu.memref_slice %arg10[%run_scoped3A, %dma_start3A_169] : memref<16x128xi32, #tpu.memory_space<vmem>> -> memref<1x128xi32, #tpu.memory_space<vmem>>
              %dma_start3A_171 = tpu.memref_squeeze %dma_start3A_170 : memref<1x128xi32, #tpu.memory_space<vmem>> -> memref<128xi32, #tpu.memory_space<vmem>>
              %dma_start3A_172 = arith.constant 0 : i32
              %dma_start3A_173 = arith.constant 0 : i32
              %dma_start3A_174 = tpu.memref_slice %arg11[%dma_start3A_172, %dma_start3A_173] : memref<10000x128xf32, #tpu.memory_space<vmem_shared>> -> memref<10000x128xf32, #tpu.memory_space<vmem_shared>>
              tpu.enqueue_indirect_dma source(%arg8 : memref<128x128xf32, #tpu.memory_space<vmem>>) target(%dma_start3A_174 : memref<10000x128xf32, #tpu.memory_space<vmem_shared>>) offsets(%dma_start3A_171 : memref<128xi32, #tpu.memory_space<vmem>>) semaphore(%run_scoped3A_168 : memref<!tpu.dma_semaphore, #tpu.memory_space<semaphore_mem>>) {add = true}
              %dma_wait3A_175 = arith.constant 0 : i32
              %dma_wait3A_176 = tpu.memref_slice %arg10[%run_scoped3A, %dma_wait3A_175] : memref<16x128xi32, #tpu.memory_space<vmem>> -> memref<1x128xi32, #tpu.memory_space<vmem>>
              %dma_wait3A_177 = tpu.memref_squeeze %dma_wait3A_176 : memref<1x128xi32, #tpu.memory_space<vmem>> -> memref<128xi32, #tpu.memory_space<vmem>>
              %dma_wait3A_178 = arith.constant 0 : i32
              %dma_wait3A_179 = arith.constant 0 : i32
              %dma_wait3A_180 = tpu.memref_slice %arg11[%dma_wait3A_178, %dma_wait3A_179] : memref<10000x128xf32, #tpu.memory_space<vmem_shared>> -> memref<10000x128xf32, #tpu.memory_space<vmem_shared>>
              tpu.wait_indirect_dma semaphore(%run_scoped3A_168 : memref<!tpu.dma_semaphore, #tpu.memory_space<semaphore_mem>>) src(%arg8 : memref<128x128xf32, #tpu.memory_space<vmem>>) dst(%dma_wait3A_180 : memref<10000x128xf32, #tpu.memory_space<vmem_shared>>)
              tpu.yield
            }) : () -> ()
          } else {
          }
          %add3A_65 = arith.constant 3 : i32
          %add3A_66 = arith.addi %multiple_of3A_38, %add3A_65 : i32
          %lt3A_67 = arith.constant 2500 : i32
          %lt3A_68 = arith.cmpi slt, %add3A_66, %lt3A_67 : i32
          %convert_element_type3A_69 = arith.extui %lt3A_68 : i1 to i32
          %cond3A_70 = arith.constant 0 : i32
          %cond3A_71 = arith.cmpi ne, %convert_element_type3A_69, %cond3A_70 : i32
          scf.if %cond3A_71 {
            %dma_start3A = arith.constant 3 : i32
            %dma_start3A_156 = arith.constant 0 : i32
            %dma_start3A_157 = tpu.memref_slice %arg9[%dma_start3A, %dma_start3A_156] : memref<16x128xi32, #tpu.memory_space<vmem>> -> memref<1x128xi32, #tpu.memory_space<vmem>>
            %dma_start3A_158 = tpu.memref_squeeze %dma_start3A_157 : memref<1x128xi32, #tpu.memory_space<vmem>> -> memref<128xi32, #tpu.memory_space<vmem>>
            %dma_start3A_159 = arith.constant 0 : i32
            %dma_start3A_160 = arith.constant 0 : i32
            %dma_start3A_161 = tpu.memref_slice %arg3[%dma_start3A_159, %dma_start3A_160] : memref<10000x128xf32, #tpu.memory_space<hbm>> -> memref<10000x128xf32, #tpu.memory_space<hbm>>
            tpu.enqueue_indirect_dma source(%dma_start3A_161 : memref<10000x128xf32, #tpu.memory_space<hbm>>) target(%arg8 : memref<128x128xf32, #tpu.memory_space<vmem>>) offsets(%dma_start3A_158 : memref<128xi32, #tpu.memory_space<vmem>>) semaphore(%arg12 : memref<!tpu.dma_semaphore, #tpu.memory_space<semaphore_mem>>)
            %dma_wait3A = arith.constant 3 : i32
            %dma_wait3A_162 = arith.constant 0 : i32
            %dma_wait3A_163 = tpu.memref_slice %arg9[%dma_wait3A, %dma_wait3A_162] : memref<16x128xi32, #tpu.memory_space<vmem>> -> memref<1x128xi32, #tpu.memory_space<vmem>>
            %dma_wait3A_164 = tpu.memref_squeeze %dma_wait3A_163 : memref<1x128xi32, #tpu.memory_space<vmem>> -> memref<128xi32, #tpu.memory_space<vmem>>
            %dma_wait3A_165 = arith.constant 0 : i32
            %dma_wait3A_166 = arith.constant 0 : i32
            %dma_wait3A_167 = tpu.memref_slice %arg3[%dma_wait3A_165, %dma_wait3A_166] : memref<10000x128xf32, #tpu.memory_space<hbm>> -> memref<10000x128xf32, #tpu.memory_space<hbm>>
            tpu.wait_indirect_dma semaphore(%arg12 : memref<!tpu.dma_semaphore, #tpu.memory_space<semaphore_mem>>) src(%dma_wait3A_167 : memref<10000x128xf32, #tpu.memory_space<hbm>>) dst(%arg8 : memref<128x128xf32, #tpu.memory_space<vmem>>)
            %run_scoped3A = arith.constant 3 : i32
            "tpu.region"() ({
              %run_scoped3A_168 = tpu.sem_alloc : memref<!tpu.dma_semaphore, #tpu.memory_space<semaphore_mem>>
              %dma_start3A_169 = arith.constant 0 : i32
              %dma_start3A_170 = tpu.memref_slice %arg10[%run_scoped3A, %dma_start3A_169] : memref<16x128xi32, #tpu.memory_space<vmem>> -> memref<1x128xi32, #tpu.memory_space<vmem>>
              %dma_start3A_171 = tpu.memref_squeeze %dma_start3A_170 : memref<1x128xi32, #tpu.memory_space<vmem>> -> memref<128xi32, #tpu.memory_space<vmem>>
              %dma_start3A_172 = arith.constant 0 : i32
              %dma_start3A_173 = arith.constant 0 : i32
              %dma_start3A_174 = tpu.memref_slice %arg11[%dma_start3A_172, %dma_start3A_173] : memref<10000x128xf32, #tpu.memory_space<vmem_shared>> -> memref<10000x128xf32, #tpu.memory_space<vmem_shared>>
              tpu.enqueue_indirect_dma source(%arg8 : memref<128x128xf32, #tpu.memory_space<vmem>>) target(%dma_start3A_174 : memref<10000x128xf32, #tpu.memory_space<vmem_shared>>) offsets(%dma_start3A_171 : memref<128xi32, #tpu.memory_space<vmem>>) semaphore(%run_scoped3A_168 : memref<!tpu.dma_semaphore, #tpu.memory_space<semaphore_mem>>) {add = true}
              %dma_wait3A_175 = arith.constant 0 : i32
              %dma_wait3A_176 = tpu.memref_slice %arg10[%run_scoped3A, %dma_wait3A_175] : memref<16x128xi32, #tpu.memory_space<vmem>> -> memref<1x128xi32, #tpu.memory_space<vmem>>
              %dma_wait3A_177 = tpu.memref_squeeze %dma_wait3A_176 : memref<1x128xi32, #tpu.memory_space<vmem>> -> memref<128xi32, #tpu.memory_space<vmem>>
              %dma_wait3A_178 = arith.constant 0 : i32
              %dma_wait3A_179 = arith.constant 0 : i32
              %dma_wait3A_180 = tpu.memref_slice %arg11[%dma_wait3A_178, %dma_wait3A_179] : memref<10000x128xf32, #tpu.memory_space<vmem_shared>> -> memref<10000x128xf32, #tpu.memory_space<vmem_shared>>
              tpu.wait_indirect_dma semaphore(%run_scoped3A_168 : memref<!tpu.dma_semaphore, #tpu.memory_space<semaphore_mem>>) src(%arg8 : memref<128x128xf32, #tpu.memory_space<vmem>>) dst(%dma_wait3A_180 : memref<10000x128xf32, #tpu.memory_space<vmem_shared>>)
              tpu.yield
            }) : () -> ()
          } else {
          }
          %add3A_72 = arith.constant 4 : i32
          %add3A_73 = arith.addi %multiple_of3A_38, %add3A_72 : i32
          %lt3A_74 = arith.constant 2500 : i32
          %lt3A_75 = arith.cmpi slt, %add3A_73, %lt3A_74 : i32
          %convert_element_type3A_76 = arith.extui %lt3A_75 : i1 to i32
          %cond3A_77 = arith.constant 0 : i32
          %cond3A_78 = arith.cmpi ne, %convert_element_type3A_76, %cond3A_77 : i32
          scf.if %cond3A_78 {
            %dma_start3A = arith.constant 4 : i32
            %dma_start3A_156 = arith.constant 0 : i32
            %dma_start3A_157 = tpu.memref_slice %arg9[%dma_start3A, %dma_start3A_156] : memref<16x128xi32, #tpu.memory_space<vmem>> -> memref<1x128xi32, #tpu.memory_space<vmem>>
            %dma_start3A_158 = tpu.memref_squeeze %dma_start3A_157 : memref<1x128xi32, #tpu.memory_space<vmem>> -> memref<128xi32, #tpu.memory_space<vmem>>
            %dma_start3A_159 = arith.constant 0 : i32
            %dma_start3A_160 = arith.constant 0 : i32
            %dma_start3A_161 = tpu.memref_slice %arg3[%dma_start3A_159, %dma_start3A_160] : memref<10000x128xf32, #tpu.memory_space<hbm>> -> memref<10000x128xf32, #tpu.memory_space<hbm>>
            tpu.enqueue_indirect_dma source(%dma_start3A_161 : memref<10000x128xf32, #tpu.memory_space<hbm>>) target(%arg8 : memref<128x128xf32, #tpu.memory_space<vmem>>) offsets(%dma_start3A_158 : memref<128xi32, #tpu.memory_space<vmem>>) semaphore(%arg12 : memref<!tpu.dma_semaphore, #tpu.memory_space<semaphore_mem>>)
            %dma_wait3A = arith.constant 4 : i32
            %dma_wait3A_162 = arith.constant 0 : i32
            %dma_wait3A_163 = tpu.memref_slice %arg9[%dma_wait3A, %dma_wait3A_162] : memref<16x128xi32, #tpu.memory_space<vmem>> -> memref<1x128xi32, #tpu.memory_space<vmem>>
            %dma_wait3A_164 = tpu.memref_squeeze %dma_wait3A_163 : memref<1x128xi32, #tpu.memory_space<vmem>> -> memref<128xi32, #tpu.memory_space<vmem>>
            %dma_wait3A_165 = arith.constant 0 : i32
            %dma_wait3A_166 = arith.constant 0 : i32
            %dma_wait3A_167 = tpu.memref_slice %arg3[%dma_wait3A_165, %dma_wait3A_166] : memref<10000x128xf32, #tpu.memory_space<hbm>> -> memref<10000x128xf32, #tpu.memory_space<hbm>>
            tpu.wait_indirect_dma semaphore(%arg12 : memref<!tpu.dma_semaphore, #tpu.memory_space<semaphore_mem>>) src(%dma_wait3A_167 : memref<10000x128xf32, #tpu.memory_space<hbm>>) dst(%arg8 : memref<128x128xf32, #tpu.memory_space<vmem>>)
            %run_scoped3A = arith.constant 4 : i32
            "tpu.region"() ({
              %run_scoped3A_168 = tpu.sem_alloc : memref<!tpu.dma_semaphore, #tpu.memory_space<semaphore_mem>>
              %dma_start3A_169 = arith.constant 0 : i32
              %dma_start3A_170 = tpu.memref_slice %arg10[%run_scoped3A, %dma_start3A_169] : memref<16x128xi32, #tpu.memory_space<vmem>> -> memref<1x128xi32, #tpu.memory_space<vmem>>
              %dma_start3A_171 = tpu.memref_squeeze %dma_start3A_170 : memref<1x128xi32, #tpu.memory_space<vmem>> -> memref<128xi32, #tpu.memory_space<vmem>>
              %dma_start3A_172 = arith.constant 0 : i32
              %dma_start3A_173 = arith.constant 0 : i32
              %dma_start3A_174 = tpu.memref_slice %arg11[%dma_start3A_172, %dma_start3A_173] : memref<10000x128xf32, #tpu.memory_space<vmem_shared>> -> memref<10000x128xf32, #tpu.memory_space<vmem_shared>>
              tpu.enqueue_indirect_dma source(%arg8 : memref<128x128xf32, #tpu.memory_space<vmem>>) target(%dma_start3A_174 : memref<10000x128xf32, #tpu.memory_space<vmem_shared>>) offsets(%dma_start3A_171 : memref<128xi32, #tpu.memory_space<vmem>>) semaphore(%run_scoped3A_168 : memref<!tpu.dma_semaphore, #tpu.memory_space<semaphore_mem>>) {add = true}
              %dma_wait3A_175 = arith.constant 0 : i32
              %dma_wait3A_176 = tpu.memref_slice %arg10[%run_scoped3A, %dma_wait3A_175] : memref<16x128xi32, #tpu.memory_space<vmem>> -> memref<1x128xi32, #tpu.memory_space<vmem>>
              %dma_wait3A_177 = tpu.memref_squeeze %dma_wait3A_176 : memref<1x128xi32, #tpu.memory_space<vmem>> -> memref<128xi32, #tpu.memory_space<vmem>>
              %dma_wait3A_178 = arith.constant 0 : i32
              %dma_wait3A_179 = arith.constant 0 : i32
              %dma_wait3A_180 = tpu.memref_slice %arg11[%dma_wait3A_178, %dma_wait3A_179] : memref<10000x128xf32, #tpu.memory_space<vmem_shared>> -> memref<10000x128xf32, #tpu.memory_space<vmem_shared>>
              tpu.wait_indirect_dma semaphore(%run_scoped3A_168 : memref<!tpu.dma_semaphore, #tpu.memory_space<semaphore_mem>>) src(%arg8 : memref<128x128xf32, #tpu.memory_space<vmem>>) dst(%dma_wait3A_180 : memref<10000x128xf32, #tpu.memory_space<vmem_shared>>)
              tpu.yield
            }) : () -> ()
          } else {
          }
          %add3A_79 = arith.constant 5 : i32
          %add3A_80 = arith.addi %multiple_of3A_38, %add3A_79 : i32
          %lt3A_81 = arith.constant 2500 : i32
          %lt3A_82 = arith.cmpi slt, %add3A_80, %lt3A_81 : i32
          %convert_element_type3A_83 = arith.extui %lt3A_82 : i1 to i32
          %cond3A_84 = arith.constant 0 : i32
          %cond3A_85 = arith.cmpi ne, %convert_element_type3A_83, %cond3A_84 : i32
          scf.if %cond3A_85 {
            %dma_start3A = arith.constant 5 : i32
            %dma_start3A_156 = arith.constant 0 : i32
            %dma_start3A_157 = tpu.memref_slice %arg9[%dma_start3A, %dma_start3A_156] : memref<16x128xi32, #tpu.memory_space<vmem>> -> memref<1x128xi32, #tpu.memory_space<vmem>>
            %dma_start3A_158 = tpu.memref_squeeze %dma_start3A_157 : memref<1x128xi32, #tpu.memory_space<vmem>> -> memref<128xi32, #tpu.memory_space<vmem>>
            %dma_start3A_159 = arith.constant 0 : i32
            %dma_start3A_160 = arith.constant 0 : i32
            %dma_start3A_161 = tpu.memref_slice %arg3[%dma_start3A_159, %dma_start3A_160] : memref<10000x128xf32, #tpu.memory_space<hbm>> -> memref<10000x128xf32, #tpu.memory_space<hbm>>
            tpu.enqueue_indirect_dma source(%dma_start3A_161 : memref<10000x128xf32, #tpu.memory_space<hbm>>) target(%arg8 : memref<128x128xf32, #tpu.memory_space<vmem>>) offsets(%dma_start3A_158 : memref<128xi32, #tpu.memory_space<vmem>>) semaphore(%arg12 : memref<!tpu.dma_semaphore, #tpu.memory_space<semaphore_mem>>)
            %dma_wait3A = arith.constant 5 : i32
            %dma_wait3A_162 = arith.constant 0 : i32
            %dma_wait3A_163 = tpu.memref_slice %arg9[%dma_wait3A, %dma_wait3A_162] : memref<16x128xi32, #tpu.memory_space<vmem>> -> memref<1x128xi32, #tpu.memory_space<vmem>>
            %dma_wait3A_164 = tpu.memref_squeeze %dma_wait3A_163 : memref<1x128xi32, #tpu.memory_space<vmem>> -> memref<128xi32, #tpu.memory_space<vmem>>
            %dma_wait3A_165 = arith.constant 0 : i32
            %dma_wait3A_166 = arith.constant 0 : i32
            %dma_wait3A_167 = tpu.memref_slice %arg3[%dma_wait3A_165, %dma_wait3A_166] : memref<10000x128xf32, #tpu.memory_space<hbm>> -> memref<10000x128xf32, #tpu.memory_space<hbm>>
            tpu.wait_indirect_dma semaphore(%arg12 : memref<!tpu.dma_semaphore, #tpu.memory_space<semaphore_mem>>) src(%dma_wait3A_167 : memref<10000x128xf32, #tpu.memory_space<hbm>>) dst(%arg8 : memref<128x128xf32, #tpu.memory_space<vmem>>)
            %run_scoped3A = arith.constant 5 : i32
            "tpu.region"() ({
              %run_scoped3A_168 = tpu.sem_alloc : memref<!tpu.dma_semaphore, #tpu.memory_space<semaphore_mem>>
              %dma_start3A_169 = arith.constant 0 : i32
              %dma_start3A_170 = tpu.memref_slice %arg10[%run_scoped3A, %dma_start3A_169] : memref<16x128xi32, #tpu.memory_space<vmem>> -> memref<1x128xi32, #tpu.memory_space<vmem>>
              %dma_start3A_171 = tpu.memref_squeeze %dma_start3A_170 : memref<1x128xi32, #tpu.memory_space<vmem>> -> memref<128xi32, #tpu.memory_space<vmem>>
              %dma_start3A_172 = arith.constant 0 : i32
              %dma_start3A_173 = arith.constant 0 : i32
              %dma_start3A_174 = tpu.memref_slice %arg11[%dma_start3A_172, %dma_start3A_173] : memref<10000x128xf32, #tpu.memory_space<vmem_shared>> -> memref<10000x128xf32, #tpu.memory_space<vmem_shared>>
              tpu.enqueue_indirect_dma source(%arg8 : memref<128x128xf32, #tpu.memory_space<vmem>>) target(%dma_start3A_174 : memref<10000x128xf32, #tpu.memory_space<vmem_shared>>) offsets(%dma_start3A_171 : memref<128xi32, #tpu.memory_space<vmem>>) semaphore(%run_scoped3A_168 : memref<!tpu.dma_semaphore, #tpu.memory_space<semaphore_mem>>) {add = true}
              %dma_wait3A_175 = arith.constant 0 : i32
              %dma_wait3A_176 = tpu.memref_slice %arg10[%run_scoped3A, %dma_wait3A_175] : memref<16x128xi32, #tpu.memory_space<vmem>> -> memref<1x128xi32, #tpu.memory_space<vmem>>
              %dma_wait3A_177 = tpu.memref_squeeze %dma_wait3A_176 : memref<1x128xi32, #tpu.memory_space<vmem>> -> memref<128xi32, #tpu.memory_space<vmem>>
              %dma_wait3A_178 = arith.constant 0 : i32
              %dma_wait3A_179 = arith.constant 0 : i32
              %dma_wait3A_180 = tpu.memref_slice %arg11[%dma_wait3A_178, %dma_wait3A_179] : memref<10000x128xf32, #tpu.memory_space<vmem_shared>> -> memref<10000x128xf32, #tpu.memory_space<vmem_shared>>
              tpu.wait_indirect_dma semaphore(%run_scoped3A_168 : memref<!tpu.dma_semaphore, #tpu.memory_space<semaphore_mem>>) src(%arg8 : memref<128x128xf32, #tpu.memory_space<vmem>>) dst(%dma_wait3A_180 : memref<10000x128xf32, #tpu.memory_space<vmem_shared>>)
              tpu.yield
            }) : () -> ()
          } else {
          }
          %add3A_86 = arith.constant 6 : i32
          %add3A_87 = arith.addi %multiple_of3A_38, %add3A_86 : i32
          %lt3A_88 = arith.constant 2500 : i32
          %lt3A_89 = arith.cmpi slt, %add3A_87, %lt3A_88 : i32
          %convert_element_type3A_90 = arith.extui %lt3A_89 : i1 to i32
          %cond3A_91 = arith.constant 0 : i32
          %cond3A_92 = arith.cmpi ne, %convert_element_type3A_90, %cond3A_91 : i32
          scf.if %cond3A_92 {
            %dma_start3A = arith.constant 6 : i32
            %dma_start3A_156 = arith.constant 0 : i32
            %dma_start3A_157 = tpu.memref_slice %arg9[%dma_start3A, %dma_start3A_156] : memref<16x128xi32, #tpu.memory_space<vmem>> -> memref<1x128xi32, #tpu.memory_space<vmem>>
            %dma_start3A_158 = tpu.memref_squeeze %dma_start3A_157 : memref<1x128xi32, #tpu.memory_space<vmem>> -> memref<128xi32, #tpu.memory_space<vmem>>
            %dma_start3A_159 = arith.constant 0 : i32
            %dma_start3A_160 = arith.constant 0 : i32
            %dma_start3A_161 = tpu.memref_slice %arg3[%dma_start3A_159, %dma_start3A_160] : memref<10000x128xf32, #tpu.memory_space<hbm>> -> memref<10000x128xf32, #tpu.memory_space<hbm>>
            tpu.enqueue_indirect_dma source(%dma_start3A_161 : memref<10000x128xf32, #tpu.memory_space<hbm>>) target(%arg8 : memref<128x128xf32, #tpu.memory_space<vmem>>) offsets(%dma_start3A_158 : memref<128xi32, #tpu.memory_space<vmem>>) semaphore(%arg12 : memref<!tpu.dma_semaphore, #tpu.memory_space<semaphore_mem>>)
            %dma_wait3A = arith.constant 6 : i32
            %dma_wait3A_162 = arith.constant 0 : i32
            %dma_wait3A_163 = tpu.memref_slice %arg9[%dma_wait3A, %dma_wait3A_162] : memref<16x128xi32, #tpu.memory_space<vmem>> -> memref<1x128xi32, #tpu.memory_space<vmem>>
            %dma_wait3A_164 = tpu.memref_squeeze %dma_wait3A_163 : memref<1x128xi32, #tpu.memory_space<vmem>> -> memref<128xi32, #tpu.memory_space<vmem>>
            %dma_wait3A_165 = arith.constant 0 : i32
            %dma_wait3A_166 = arith.constant 0 : i32
            %dma_wait3A_167 = tpu.memref_slice %arg3[%dma_wait3A_165, %dma_wait3A_166] : memref<10000x128xf32, #tpu.memory_space<hbm>> -> memref<10000x128xf32, #tpu.memory_space<hbm>>
            tpu.wait_indirect_dma semaphore(%arg12 : memref<!tpu.dma_semaphore, #tpu.memory_space<semaphore_mem>>) src(%dma_wait3A_167 : memref<10000x128xf32, #tpu.memory_space<hbm>>) dst(%arg8 : memref<128x128xf32, #tpu.memory_space<vmem>>)
            %run_scoped3A = arith.constant 6 : i32
            "tpu.region"() ({
              %run_scoped3A_168 = tpu.sem_alloc : memref<!tpu.dma_semaphore, #tpu.memory_space<semaphore_mem>>
              %dma_start3A_169 = arith.constant 0 : i32
              %dma_start3A_170 = tpu.memref_slice %arg10[%run_scoped3A, %dma_start3A_169] : memref<16x128xi32, #tpu.memory_space<vmem>> -> memref<1x128xi32, #tpu.memory_space<vmem>>
              %dma_start3A_171 = tpu.memref_squeeze %dma_start3A_170 : memref<1x128xi32, #tpu.memory_space<vmem>> -> memref<128xi32, #tpu.memory_space<vmem>>
              %dma_start3A_172 = arith.constant 0 : i32
              %dma_start3A_173 = arith.constant 0 : i32
              %dma_start3A_174 = tpu.memref_slice %arg11[%dma_start3A_172, %dma_start3A_173] : memref<10000x128xf32, #tpu.memory_space<vmem_shared>> -> memref<10000x128xf32, #tpu.memory_space<vmem_shared>>
              tpu.enqueue_indirect_dma source(%arg8 : memref<128x128xf32, #tpu.memory_space<vmem>>) target(%dma_start3A_174 : memref<10000x128xf32, #tpu.memory_space<vmem_shared>>) offsets(%dma_start3A_171 : memref<128xi32, #tpu.memory_space<vmem>>) semaphore(%run_scoped3A_168 : memref<!tpu.dma_semaphore, #tpu.memory_space<semaphore_mem>>) {add = true}
              %dma_wait3A_175 = arith.constant 0 : i32
              %dma_wait3A_176 = tpu.memref_slice %arg10[%run_scoped3A, %dma_wait3A_175] : memref<16x128xi32, #tpu.memory_space<vmem>> -> memref<1x128xi32, #tpu.memory_space<vmem>>
              %dma_wait3A_177 = tpu.memref_squeeze %dma_wait3A_176 : memref<1x128xi32, #tpu.memory_space<vmem>> -> memref<128xi32, #tpu.memory_space<vmem>>
              %dma_wait3A_178 = arith.constant 0 : i32
              %dma_wait3A_179 = arith.constant 0 : i32
              %dma_wait3A_180 = tpu.memref_slice %arg11[%dma_wait3A_178, %dma_wait3A_179] : memref<10000x128xf32, #tpu.memory_space<vmem_shared>> -> memref<10000x128xf32, #tpu.memory_space<vmem_shared>>
              tpu.wait_indirect_dma semaphore(%run_scoped3A_168 : memref<!tpu.dma_semaphore, #tpu.memory_space<semaphore_mem>>) src(%arg8 : memref<128x128xf32, #tpu.memory_space<vmem>>) dst(%dma_wait3A_180 : memref<10000x128xf32, #tpu.memory_space<vmem_shared>>)
              tpu.yield
            }) : () -> ()
          } else {
          }
          %add3A_93 = arith.constant 7 : i32
          %add3A_94 = arith.addi %multiple_of3A_38, %add3A_93 : i32
          %lt3A_95 = arith.constant 2500 : i32
          %lt3A_96 = arith.cmpi slt, %add3A_94, %lt3A_95 : i32
          %convert_element_type3A_97 = arith.extui %lt3A_96 : i1 to i32
          %cond3A_98 = arith.constant 0 : i32
          %cond3A_99 = arith.cmpi ne, %convert_element_type3A_97, %cond3A_98 : i32
          scf.if %cond3A_99 {
            %dma_start3A = arith.constant 7 : i32
            %dma_start3A_156 = arith.constant 0 : i32
            %dma_start3A_157 = tpu.memref_slice %arg9[%dma_start3A, %dma_start3A_156] : memref<16x128xi32, #tpu.memory_space<vmem>> -> memref<1x128xi32, #tpu.memory_space<vmem>>
            %dma_start3A_158 = tpu.memref_squeeze %dma_start3A_157 : memref<1x128xi32, #tpu.memory_space<vmem>> -> memref<128xi32, #tpu.memory_space<vmem>>
            %dma_start3A_159 = arith.constant 0 : i32
            %dma_start3A_160 = arith.constant 0 : i32
            %dma_start3A_161 = tpu.memref_slice %arg3[%dma_start3A_159, %dma_start3A_160] : memref<10000x128xf32, #tpu.memory_space<hbm>> -> memref<10000x128xf32, #tpu.memory_space<hbm>>
            tpu.enqueue_indirect_dma source(%dma_start3A_161 : memref<10000x128xf32, #tpu.memory_space<hbm>>) target(%arg8 : memref<128x128xf32, #tpu.memory_space<vmem>>) offsets(%dma_start3A_158 : memref<128xi32, #tpu.memory_space<vmem>>) semaphore(%arg12 : memref<!tpu.dma_semaphore, #tpu.memory_space<semaphore_mem>>)
            %dma_wait3A = arith.constant 7 : i32
            %dma_wait3A_162 = arith.constant 0 : i32
            %dma_wait3A_163 = tpu.memref_slice %arg9[%dma_wait3A, %dma_wait3A_162] : memref<16x128xi32, #tpu.memory_space<vmem>> -> memref<1x128xi32, #tpu.memory_space<vmem>>
            %dma_wait3A_164 = tpu.memref_squeeze %dma_wait3A_163 : memref<1x128xi32, #tpu.memory_space<vmem>> -> memref<128xi32, #tpu.memory_space<vmem>>
            %dma_wait3A_165 = arith.constant 0 : i32
            %dma_wait3A_166 = arith.constant 0 : i32
            %dma_wait3A_167 = tpu.memref_slice %arg3[%dma_wait3A_165, %dma_wait3A_166] : memref<10000x128xf32, #tpu.memory_space<hbm>> -> memref<10000x128xf32, #tpu.memory_space<hbm>>
            tpu.wait_indirect_dma semaphore(%arg12 : memref<!tpu.dma_semaphore, #tpu.memory_space<semaphore_mem>>) src(%dma_wait3A_167 : memref<10000x128xf32, #tpu.memory_space<hbm>>) dst(%arg8 : memref<128x128xf32, #tpu.memory_space<vmem>>)
            %run_scoped3A = arith.constant 7 : i32
            "tpu.region"() ({
              %run_scoped3A_168 = tpu.sem_alloc : memref<!tpu.dma_semaphore, #tpu.memory_space<semaphore_mem>>
              %dma_start3A_169 = arith.constant 0 : i32
              %dma_start3A_170 = tpu.memref_slice %arg10[%run_scoped3A, %dma_start3A_169] : memref<16x128xi32, #tpu.memory_space<vmem>> -> memref<1x128xi32, #tpu.memory_space<vmem>>
              %dma_start3A_171 = tpu.memref_squeeze %dma_start3A_170 : memref<1x128xi32, #tpu.memory_space<vmem>> -> memref<128xi32, #tpu.memory_space<vmem>>
              %dma_start3A_172 = arith.constant 0 : i32
              %dma_start3A_173 = arith.constant 0 : i32
              %dma_start3A_174 = tpu.memref_slice %arg11[%dma_start3A_172, %dma_start3A_173] : memref<10000x128xf32, #tpu.memory_space<vmem_shared>> -> memref<10000x128xf32, #tpu.memory_space<vmem_shared>>
              tpu.enqueue_indirect_dma source(%arg8 : memref<128x128xf32, #tpu.memory_space<vmem>>) target(%dma_start3A_174 : memref<10000x128xf32, #tpu.memory_space<vmem_shared>>) offsets(%dma_start3A_171 : memref<128xi32, #tpu.memory_space<vmem>>) semaphore(%run_scoped3A_168 : memref<!tpu.dma_semaphore, #tpu.memory_space<semaphore_mem>>) {add = true}
              %dma_wait3A_175 = arith.constant 0 : i32
              %dma_wait3A_176 = tpu.memref_slice %arg10[%run_scoped3A, %dma_wait3A_175] : memref<16x128xi32, #tpu.memory_space<vmem>> -> memref<1x128xi32, #tpu.memory_space<vmem>>
              %dma_wait3A_177 = tpu.memref_squeeze %dma_wait3A_176 : memref<1x128xi32, #tpu.memory_space<vmem>> -> memref<128xi32, #tpu.memory_space<vmem>>
              %dma_wait3A_178 = arith.constant 0 : i32
              %dma_wait3A_179 = arith.constant 0 : i32
              %dma_wait3A_180 = tpu.memref_slice %arg11[%dma_wait3A_178, %dma_wait3A_179] : memref<10000x128xf32, #tpu.memory_space<vmem_shared>> -> memref<10000x128xf32, #tpu.memory_space<vmem_shared>>
              tpu.wait_indirect_dma semaphore(%run_scoped3A_168 : memref<!tpu.dma_semaphore, #tpu.memory_space<semaphore_mem>>) src(%arg8 : memref<128x128xf32, #tpu.memory_space<vmem>>) dst(%dma_wait3A_180 : memref<10000x128xf32, #tpu.memory_space<vmem_shared>>)
              tpu.yield
            }) : () -> ()
          } else {
          }
          %add3A_100 = arith.constant 8 : i32
          %add3A_101 = arith.addi %multiple_of3A_38, %add3A_100 : i32
          %lt3A_102 = arith.constant 2500 : i32
          %lt3A_103 = arith.cmpi slt, %add3A_101, %lt3A_102 : i32
          %convert_element_type3A_104 = arith.extui %lt3A_103 : i1 to i32
          %cond3A_105 = arith.constant 0 : i32
          %cond3A_106 = arith.cmpi ne, %convert_element_type3A_104, %cond3A_105 : i32
          scf.if %cond3A_106 {
            %dma_start3A = arith.constant 8 : i32
            %dma_start3A_156 = arith.constant 0 : i32
            %dma_start3A_157 = tpu.memref_slice %arg9[%dma_start3A, %dma_start3A_156] : memref<16x128xi32, #tpu.memory_space<vmem>> -> memref<1x128xi32, #tpu.memory_space<vmem>>
            %dma_start3A_158 = tpu.memref_squeeze %dma_start3A_157 : memref<1x128xi32, #tpu.memory_space<vmem>> -> memref<128xi32, #tpu.memory_space<vmem>>
            %dma_start3A_159 = arith.constant 0 : i32
            %dma_start3A_160 = arith.constant 0 : i32
            %dma_start3A_161 = tpu.memref_slice %arg3[%dma_start3A_159, %dma_start3A_160] : memref<10000x128xf32, #tpu.memory_space<hbm>> -> memref<10000x128xf32, #tpu.memory_space<hbm>>
            tpu.enqueue_indirect_dma source(%dma_start3A_161 : memref<10000x128xf32, #tpu.memory_space<hbm>>) target(%arg8 : memref<128x128xf32, #tpu.memory_space<vmem>>) offsets(%dma_start3A_158 : memref<128xi32, #tpu.memory_space<vmem>>) semaphore(%arg12 : memref<!tpu.dma_semaphore, #tpu.memory_space<semaphore_mem>>)
            %dma_wait3A = arith.constant 8 : i32
            %dma_wait3A_162 = arith.constant 0 : i32
            %dma_wait3A_163 = tpu.memref_slice %arg9[%dma_wait3A, %dma_wait3A_162] : memref<16x128xi32, #tpu.memory_space<vmem>> -> memref<1x128xi32, #tpu.memory_space<vmem>>
            %dma_wait3A_164 = tpu.memref_squeeze %dma_wait3A_163 : memref<1x128xi32, #tpu.memory_space<vmem>> -> memref<128xi32, #tpu.memory_space<vmem>>
            %dma_wait3A_165 = arith.constant 0 : i32
            %dma_wait3A_166 = arith.constant 0 : i32
            %dma_wait3A_167 = tpu.memref_slice %arg3[%dma_wait3A_165, %dma_wait3A_166] : memref<10000x128xf32, #tpu.memory_space<hbm>> -> memref<10000x128xf32, #tpu.memory_space<hbm>>
            tpu.wait_indirect_dma semaphore(%arg12 : memref<!tpu.dma_semaphore, #tpu.memory_space<semaphore_mem>>) src(%dma_wait3A_167 : memref<10000x128xf32, #tpu.memory_space<hbm>>) dst(%arg8 : memref<128x128xf32, #tpu.memory_space<vmem>>)
            %run_scoped3A = arith.constant 8 : i32
            "tpu.region"() ({
              %run_scoped3A_168 = tpu.sem_alloc : memref<!tpu.dma_semaphore, #tpu.memory_space<semaphore_mem>>
              %dma_start3A_169 = arith.constant 0 : i32
              %dma_start3A_170 = tpu.memref_slice %arg10[%run_scoped3A, %dma_start3A_169] : memref<16x128xi32, #tpu.memory_space<vmem>> -> memref<1x128xi32, #tpu.memory_space<vmem>>
              %dma_start3A_171 = tpu.memref_squeeze %dma_start3A_170 : memref<1x128xi32, #tpu.memory_space<vmem>> -> memref<128xi32, #tpu.memory_space<vmem>>
              %dma_start3A_172 = arith.constant 0 : i32
              %dma_start3A_173 = arith.constant 0 : i32
              %dma_start3A_174 = tpu.memref_slice %arg11[%dma_start3A_172, %dma_start3A_173] : memref<10000x128xf32, #tpu.memory_space<vmem_shared>> -> memref<10000x128xf32, #tpu.memory_space<vmem_shared>>
              tpu.enqueue_indirect_dma source(%arg8 : memref<128x128xf32, #tpu.memory_space<vmem>>) target(%dma_start3A_174 : memref<10000x128xf32, #tpu.memory_space<vmem_shared>>) offsets(%dma_start3A_171 : memref<128xi32, #tpu.memory_space<vmem>>) semaphore(%run_scoped3A_168 : memref<!tpu.dma_semaphore, #tpu.memory_space<semaphore_mem>>) {add = true}
              %dma_wait3A_175 = arith.constant 0 : i32
              %dma_wait3A_176 = tpu.memref_slice %arg10[%run_scoped3A, %dma_wait3A_175] : memref<16x128xi32, #tpu.memory_space<vmem>> -> memref<1x128xi32, #tpu.memory_space<vmem>>
              %dma_wait3A_177 = tpu.memref_squeeze %dma_wait3A_176 : memref<1x128xi32, #tpu.memory_space<vmem>> -> memref<128xi32, #tpu.memory_space<vmem>>
              %dma_wait3A_178 = arith.constant 0 : i32
              %dma_wait3A_179 = arith.constant 0 : i32
              %dma_wait3A_180 = tpu.memref_slice %arg11[%dma_wait3A_178, %dma_wait3A_179] : memref<10000x128xf32, #tpu.memory_space<vmem_shared>> -> memref<10000x128xf32, #tpu.memory_space<vmem_shared>>
              tpu.wait_indirect_dma semaphore(%run_scoped3A_168 : memref<!tpu.dma_semaphore, #tpu.memory_space<semaphore_mem>>) src(%arg8 : memref<128x128xf32, #tpu.memory_space<vmem>>) dst(%dma_wait3A_180 : memref<10000x128xf32, #tpu.memory_space<vmem_shared>>)
              tpu.yield
            }) : () -> ()
          } else {
          }
          %add3A_107 = arith.constant 9 : i32
          %add3A_108 = arith.addi %multiple_of3A_38, %add3A_107 : i32
          %lt3A_109 = arith.constant 2500 : i32
          %lt3A_110 = arith.cmpi slt, %add3A_108, %lt3A_109 : i32
          %convert_element_type3A_111 = arith.extui %lt3A_110 : i1 to i32
          %cond3A_112 = arith.constant 0 : i32
          %cond3A_113 = arith.cmpi ne, %convert_element_type3A_111, %cond3A_112 : i32
          scf.if %cond3A_113 {
            %dma_start3A = arith.constant 9 : i32
            %dma_start3A_156 = arith.constant 0 : i32
            %dma_start3A_157 = tpu.memref_slice %arg9[%dma_start3A, %dma_start3A_156] : memref<16x128xi32, #tpu.memory_space<vmem>> -> memref<1x128xi32, #tpu.memory_space<vmem>>
            %dma_start3A_158 = tpu.memref_squeeze %dma_start3A_157 : memref<1x128xi32, #tpu.memory_space<vmem>> -> memref<128xi32, #tpu.memory_space<vmem>>
            %dma_start3A_159 = arith.constant 0 : i32
            %dma_start3A_160 = arith.constant 0 : i32
            %dma_start3A_161 = tpu.memref_slice %arg3[%dma_start3A_159, %dma_start3A_160] : memref<10000x128xf32, #tpu.memory_space<hbm>> -> memref<10000x128xf32, #tpu.memory_space<hbm>>
            tpu.enqueue_indirect_dma source(%dma_start3A_161 : memref<10000x128xf32, #tpu.memory_space<hbm>>) target(%arg8 : memref<128x128xf32, #tpu.memory_space<vmem>>) offsets(%dma_start3A_158 : memref<128xi32, #tpu.memory_space<vmem>>) semaphore(%arg12 : memref<!tpu.dma_semaphore, #tpu.memory_space<semaphore_mem>>)
            %dma_wait3A = arith.constant 9 : i32
            %dma_wait3A_162 = arith.constant 0 : i32
            %dma_wait3A_163 = tpu.memref_slice %arg9[%dma_wait3A, %dma_wait3A_162] : memref<16x128xi32, #tpu.memory_space<vmem>> -> memref<1x128xi32, #tpu.memory_space<vmem>>
            %dma_wait3A_164 = tpu.memref_squeeze %dma_wait3A_163 : memref<1x128xi32, #tpu.memory_space<vmem>> -> memref<128xi32, #tpu.memory_space<vmem>>
            %dma_wait3A_165 = arith.constant 0 : i32
            %dma_wait3A_166 = arith.constant 0 : i32
            %dma_wait3A_167 = tpu.memref_slice %arg3[%dma_wait3A_165, %dma_wait3A_166] : memref<10000x128xf32, #tpu.memory_space<hbm>> -> memref<10000x128xf32, #tpu.memory_space<hbm>>
            tpu.wait_indirect_dma semaphore(%arg12 : memref<!tpu.dma_semaphore, #tpu.memory_space<semaphore_mem>>) src(%dma_wait3A_167 : memref<10000x128xf32, #tpu.memory_space<hbm>>) dst(%arg8 : memref<128x128xf32, #tpu.memory_space<vmem>>)
            %run_scoped3A = arith.constant 9 : i32
            "tpu.region"() ({
              %run_scoped3A_168 = tpu.sem_alloc : memref<!tpu.dma_semaphore, #tpu.memory_space<semaphore_mem>>
              %dma_start3A_169 = arith.constant 0 : i32
              %dma_start3A_170 = tpu.memref_slice %arg10[%run_scoped3A, %dma_start3A_169] : memref<16x128xi32, #tpu.memory_space<vmem>> -> memref<1x128xi32, #tpu.memory_space<vmem>>
              %dma_start3A_171 = tpu.memref_squeeze %dma_start3A_170 : memref<1x128xi32, #tpu.memory_space<vmem>> -> memref<128xi32, #tpu.memory_space<vmem>>
              %dma_start3A_172 = arith.constant 0 : i32
              %dma_start3A_173 = arith.constant 0 : i32
              %dma_start3A_174 = tpu.memref_slice %arg11[%dma_start3A_172, %dma_start3A_173] : memref<10000x128xf32, #tpu.memory_space<vmem_shared>> -> memref<10000x128xf32, #tpu.memory_space<vmem_shared>>
              tpu.enqueue_indirect_dma source(%arg8 : memref<128x128xf32, #tpu.memory_space<vmem>>) target(%dma_start3A_174 : memref<10000x128xf32, #tpu.memory_space<vmem_shared>>) offsets(%dma_start3A_171 : memref<128xi32, #tpu.memory_space<vmem>>) semaphore(%run_scoped3A_168 : memref<!tpu.dma_semaphore, #tpu.memory_space<semaphore_mem>>) {add = true}
              %dma_wait3A_175 = arith.constant 0 : i32
              %dma_wait3A_176 = tpu.memref_slice %arg10[%run_scoped3A, %dma_wait3A_175] : memref<16x128xi32, #tpu.memory_space<vmem>> -> memref<1x128xi32, #tpu.memory_space<vmem>>
              %dma_wait3A_177 = tpu.memref_squeeze %dma_wait3A_176 : memref<1x128xi32, #tpu.memory_space<vmem>> -> memref<128xi32, #tpu.memory_space<vmem>>
              %dma_wait3A_178 = arith.constant 0 : i32
              %dma_wait3A_179 = arith.constant 0 : i32
              %dma_wait3A_180 = tpu.memref_slice %arg11[%dma_wait3A_178, %dma_wait3A_179] : memref<10000x128xf32, #tpu.memory_space<vmem_shared>> -> memref<10000x128xf32, #tpu.memory_space<vmem_shared>>
              tpu.wait_indirect_dma semaphore(%run_scoped3A_168 : memref<!tpu.dma_semaphore, #tpu.memory_space<semaphore_mem>>) src(%arg8 : memref<128x128xf32, #tpu.memory_space<vmem>>) dst(%dma_wait3A_180 : memref<10000x128xf32, #tpu.memory_space<vmem_shared>>)
              tpu.yield
            }) : () -> ()
          } else {
          }
          %add3A_114 = arith.constant 10 : i32
          %add3A_115 = arith.addi %multiple_of3A_38, %add3A_114 : i32
          %lt3A_116 = arith.constant 2500 : i32
          %lt3A_117 = arith.cmpi slt, %add3A_115, %lt3A_116 : i32
          %convert_element_type3A_118 = arith.extui %lt3A_117 : i1 to i32
          %cond3A_119 = arith.constant 0 : i32
          %cond3A_120 = arith.cmpi ne, %convert_element_type3A_118, %cond3A_119 : i32
          scf.if %cond3A_120 {
            %dma_start3A = arith.constant 10 : i32
            %dma_start3A_156 = arith.constant 0 : i32
            %dma_start3A_157 = tpu.memref_slice %arg9[%dma_start3A, %dma_start3A_156] : memref<16x128xi32, #tpu.memory_space<vmem>> -> memref<1x128xi32, #tpu.memory_space<vmem>>
            %dma_start3A_158 = tpu.memref_squeeze %dma_start3A_157 : memref<1x128xi32, #tpu.memory_space<vmem>> -> memref<128xi32, #tpu.memory_space<vmem>>
            %dma_start3A_159 = arith.constant 0 : i32
            %dma_start3A_160 = arith.constant 0 : i32
            %dma_start3A_161 = tpu.memref_slice %arg3[%dma_start3A_159, %dma_start3A_160] : memref<10000x128xf32, #tpu.memory_space<hbm>> -> memref<10000x128xf32, #tpu.memory_space<hbm>>
            tpu.enqueue_indirect_dma source(%dma_start3A_161 : memref<10000x128xf32, #tpu.memory_space<hbm>>) target(%arg8 : memref<128x128xf32, #tpu.memory_space<vmem>>) offsets(%dma_start3A_158 : memref<128xi32, #tpu.memory_space<vmem>>) semaphore(%arg12 : memref<!tpu.dma_semaphore, #tpu.memory_space<semaphore_mem>>)
            %dma_wait3A = arith.constant 10 : i32
            %dma_wait3A_162 = arith.constant 0 : i32
            %dma_wait3A_163 = tpu.memref_slice %arg9[%dma_wait3A, %dma_wait3A_162] : memref<16x128xi32, #tpu.memory_space<vmem>> -> memref<1x128xi32, #tpu.memory_space<vmem>>
            %dma_wait3A_164 = tpu.memref_squeeze %dma_wait3A_163 : memref<1x128xi32, #tpu.memory_space<vmem>> -> memref<128xi32, #tpu.memory_space<vmem>>
            %dma_wait3A_165 = arith.constant 0 : i32
            %dma_wait3A_166 = arith.constant 0 : i32
            %dma_wait3A_167 = tpu.memref_slice %arg3[%dma_wait3A_165, %dma_wait3A_166] : memref<10000x128xf32, #tpu.memory_space<hbm>> -> memref<10000x128xf32, #tpu.memory_space<hbm>>
            tpu.wait_indirect_dma semaphore(%arg12 : memref<!tpu.dma_semaphore, #tpu.memory_space<semaphore_mem>>) src(%dma_wait3A_167 : memref<10000x128xf32, #tpu.memory_space<hbm>>) dst(%arg8 : memref<128x128xf32, #tpu.memory_space<vmem>>)
            %run_scoped3A = arith.constant 10 : i32
            "tpu.region"() ({
              %run_scoped3A_168 = tpu.sem_alloc : memref<!tpu.dma_semaphore, #tpu.memory_space<semaphore_mem>>
              %dma_start3A_169 = arith.constant 0 : i32
              %dma_start3A_170 = tpu.memref_slice %arg10[%run_scoped3A, %dma_start3A_169] : memref<16x128xi32, #tpu.memory_space<vmem>> -> memref<1x128xi32, #tpu.memory_space<vmem>>
              %dma_start3A_171 = tpu.memref_squeeze %dma_start3A_170 : memref<1x128xi32, #tpu.memory_space<vmem>> -> memref<128xi32, #tpu.memory_space<vmem>>
              %dma_start3A_172 = arith.constant 0 : i32
              %dma_start3A_173 = arith.constant 0 : i32
              %dma_start3A_174 = tpu.memref_slice %arg11[%dma_start3A_172, %dma_start3A_173] : memref<10000x128xf32, #tpu.memory_space<vmem_shared>> -> memref<10000x128xf32, #tpu.memory_space<vmem_shared>>
              tpu.enqueue_indirect_dma source(%arg8 : memref<128x128xf32, #tpu.memory_space<vmem>>) target(%dma_start3A_174 : memref<10000x128xf32, #tpu.memory_space<vmem_shared>>) offsets(%dma_start3A_171 : memref<128xi32, #tpu.memory_space<vmem>>) semaphore(%run_scoped3A_168 : memref<!tpu.dma_semaphore, #tpu.memory_space<semaphore_mem>>) {add = true}
              %dma_wait3A_175 = arith.constant 0 : i32
              %dma_wait3A_176 = tpu.memref_slice %arg10[%run_scoped3A, %dma_wait3A_175] : memref<16x128xi32, #tpu.memory_space<vmem>> -> memref<1x128xi32, #tpu.memory_space<vmem>>
              %dma_wait3A_177 = tpu.memref_squeeze %dma_wait3A_176 : memref<1x128xi32, #tpu.memory_space<vmem>> -> memref<128xi32, #tpu.memory_space<vmem>>
              %dma_wait3A_178 = arith.constant 0 : i32
              %dma_wait3A_179 = arith.constant 0 : i32
              %dma_wait3A_180 = tpu.memref_slice %arg11[%dma_wait3A_178, %dma_wait3A_179] : memref<10000x128xf32, #tpu.memory_space<vmem_shared>> -> memref<10000x128xf32, #tpu.memory_space<vmem_shared>>
              tpu.wait_indirect_dma semaphore(%run_scoped3A_168 : memref<!tpu.dma_semaphore, #tpu.memory_space<semaphore_mem>>) src(%arg8 : memref<128x128xf32, #tpu.memory_space<vmem>>) dst(%dma_wait3A_180 : memref<10000x128xf32, #tpu.memory_space<vmem_shared>>)
              tpu.yield
            }) : () -> ()
          } else {
          }
          %add3A_121 = arith.constant 11 : i32
          %add3A_122 = arith.addi %multiple_of3A_38, %add3A_121 : i32
          %lt3A_123 = arith.constant 2500 : i32
          %lt3A_124 = arith.cmpi slt, %add3A_122, %lt3A_123 : i32
          %convert_element_type3A_125 = arith.extui %lt3A_124 : i1 to i32
          %cond3A_126 = arith.constant 0 : i32
          %cond3A_127 = arith.cmpi ne, %convert_element_type3A_125, %cond3A_126 : i32
          scf.if %cond3A_127 {
            %dma_start3A = arith.constant 11 : i32
            %dma_start3A_156 = arith.constant 0 : i32
            %dma_start3A_157 = tpu.memref_slice %arg9[%dma_start3A, %dma_start3A_156] : memref<16x128xi32, #tpu.memory_space<vmem>> -> memref<1x128xi32, #tpu.memory_space<vmem>>
            %dma_start3A_158 = tpu.memref_squeeze %dma_start3A_157 : memref<1x128xi32, #tpu.memory_space<vmem>> -> memref<128xi32, #tpu.memory_space<vmem>>
            %dma_start3A_159 = arith.constant 0 : i32
            %dma_start3A_160 = arith.constant 0 : i32
            %dma_start3A_161 = tpu.memref_slice %arg3[%dma_start3A_159, %dma_start3A_160] : memref<10000x128xf32, #tpu.memory_space<hbm>> -> memref<10000x128xf32, #tpu.memory_space<hbm>>
            tpu.enqueue_indirect_dma source(%dma_start3A_161 : memref<10000x128xf32, #tpu.memory_space<hbm>>) target(%arg8 : memref<128x128xf32, #tpu.memory_space<vmem>>) offsets(%dma_start3A_158 : memref<128xi32, #tpu.memory_space<vmem>>) semaphore(%arg12 : memref<!tpu.dma_semaphore, #tpu.memory_space<semaphore_mem>>)
            %dma_wait3A = arith.constant 11 : i32
            %dma_wait3A_162 = arith.constant 0 : i32
            %dma_wait3A_163 = tpu.memref_slice %arg9[%dma_wait3A, %dma_wait3A_162] : memref<16x128xi32, #tpu.memory_space<vmem>> -> memref<1x128xi32, #tpu.memory_space<vmem>>
            %dma_wait3A_164 = tpu.memref_squeeze %dma_wait3A_163 : memref<1x128xi32, #tpu.memory_space<vmem>> -> memref<128xi32, #tpu.memory_space<vmem>>
            %dma_wait3A_165 = arith.constant 0 : i32
            %dma_wait3A_166 = arith.constant 0 : i32
            %dma_wait3A_167 = tpu.memref_slice %arg3[%dma_wait3A_165, %dma_wait3A_166] : memref<10000x128xf32, #tpu.memory_space<hbm>> -> memref<10000x128xf32, #tpu.memory_space<hbm>>
            tpu.wait_indirect_dma semaphore(%arg12 : memref<!tpu.dma_semaphore, #tpu.memory_space<semaphore_mem>>) src(%dma_wait3A_167 : memref<10000x128xf32, #tpu.memory_space<hbm>>) dst(%arg8 : memref<128x128xf32, #tpu.memory_space<vmem>>)
            %run_scoped3A = arith.constant 11 : i32
            "tpu.region"() ({
              %run_scoped3A_168 = tpu.sem_alloc : memref<!tpu.dma_semaphore, #tpu.memory_space<semaphore_mem>>
              %dma_start3A_169 = arith.constant 0 : i32
              %dma_start3A_170 = tpu.memref_slice %arg10[%run_scoped3A, %dma_start3A_169] : memref<16x128xi32, #tpu.memory_space<vmem>> -> memref<1x128xi32, #tpu.memory_space<vmem>>
              %dma_start3A_171 = tpu.memref_squeeze %dma_start3A_170 : memref<1x128xi32, #tpu.memory_space<vmem>> -> memref<128xi32, #tpu.memory_space<vmem>>
              %dma_start3A_172 = arith.constant 0 : i32
              %dma_start3A_173 = arith.constant 0 : i32
              %dma_start3A_174 = tpu.memref_slice %arg11[%dma_start3A_172, %dma_start3A_173] : memref<10000x128xf32, #tpu.memory_space<vmem_shared>> -> memref<10000x128xf32, #tpu.memory_space<vmem_shared>>
              tpu.enqueue_indirect_dma source(%arg8 : memref<128x128xf32, #tpu.memory_space<vmem>>) target(%dma_start3A_174 : memref<10000x128xf32, #tpu.memory_space<vmem_shared>>) offsets(%dma_start3A_171 : memref<128xi32, #tpu.memory_space<vmem>>) semaphore(%run_scoped3A_168 : memref<!tpu.dma_semaphore, #tpu.memory_space<semaphore_mem>>) {add = true}
              %dma_wait3A_175 = arith.constant 0 : i32
              %dma_wait3A_176 = tpu.memref_slice %arg10[%run_scoped3A, %dma_wait3A_175] : memref<16x128xi32, #tpu.memory_space<vmem>> -> memref<1x128xi32, #tpu.memory_space<vmem>>
              %dma_wait3A_177 = tpu.memref_squeeze %dma_wait3A_176 : memref<1x128xi32, #tpu.memory_space<vmem>> -> memref<128xi32, #tpu.memory_space<vmem>>
              %dma_wait3A_178 = arith.constant 0 : i32
              %dma_wait3A_179 = arith.constant 0 : i32
              %dma_wait3A_180 = tpu.memref_slice %arg11[%dma_wait3A_178, %dma_wait3A_179] : memref<10000x128xf32, #tpu.memory_space<vmem_shared>> -> memref<10000x128xf32, #tpu.memory_space<vmem_shared>>
              tpu.wait_indirect_dma semaphore(%run_scoped3A_168 : memref<!tpu.dma_semaphore, #tpu.memory_space<semaphore_mem>>) src(%arg8 : memref<128x128xf32, #tpu.memory_space<vmem>>) dst(%dma_wait3A_180 : memref<10000x128xf32, #tpu.memory_space<vmem_shared>>)
              tpu.yield
            }) : () -> ()
          } else {
          }
          %add3A_128 = arith.constant 12 : i32
          %add3A_129 = arith.addi %multiple_of3A_38, %add3A_128 : i32
          %lt3A_130 = arith.constant 2500 : i32
          %lt3A_131 = arith.cmpi slt, %add3A_129, %lt3A_130 : i32
          %convert_element_type3A_132 = arith.extui %lt3A_131 : i1 to i32
          %cond3A_133 = arith.constant 0 : i32
          %cond3A_134 = arith.cmpi ne, %convert_element_type3A_132, %cond3A_133 : i32
          scf.if %cond3A_134 {
            %dma_start3A = arith.constant 12 : i32
            %dma_start3A_156 = arith.constant 0 : i32
            %dma_start3A_157 = tpu.memref_slice %arg9[%dma_start3A, %dma_start3A_156] : memref<16x128xi32, #tpu.memory_space<vmem>> -> memref<1x128xi32, #tpu.memory_space<vmem>>
            %dma_start3A_158 = tpu.memref_squeeze %dma_start3A_157 : memref<1x128xi32, #tpu.memory_space<vmem>> -> memref<128xi32, #tpu.memory_space<vmem>>
            %dma_start3A_159 = arith.constant 0 : i32
            %dma_start3A_160 = arith.constant 0 : i32
            %dma_start3A_161 = tpu.memref_slice %arg3[%dma_start3A_159, %dma_start3A_160] : memref<10000x128xf32, #tpu.memory_space<hbm>> -> memref<10000x128xf32, #tpu.memory_space<hbm>>
            tpu.enqueue_indirect_dma source(%dma_start3A_161 : memref<10000x128xf32, #tpu.memory_space<hbm>>) target(%arg8 : memref<128x128xf32, #tpu.memory_space<vmem>>) offsets(%dma_start3A_158 : memref<128xi32, #tpu.memory_space<vmem>>) semaphore(%arg12 : memref<!tpu.dma_semaphore, #tpu.memory_space<semaphore_mem>>)
            %dma_wait3A = arith.constant 12 : i32
            %dma_wait3A_162 = arith.constant 0 : i32
            %dma_wait3A_163 = tpu.memref_slice %arg9[%dma_wait3A, %dma_wait3A_162] : memref<16x128xi32, #tpu.memory_space<vmem>> -> memref<1x128xi32, #tpu.memory_space<vmem>>
            %dma_wait3A_164 = tpu.memref_squeeze %dma_wait3A_163 : memref<1x128xi32, #tpu.memory_space<vmem>> -> memref<128xi32, #tpu.memory_space<vmem>>
            %dma_wait3A_165 = arith.constant 0 : i32
            %dma_wait3A_166 = arith.constant 0 : i32
            %dma_wait3A_167 = tpu.memref_slice %arg3[%dma_wait3A_165, %dma_wait3A_166] : memref<10000x128xf32, #tpu.memory_space<hbm>> -> memref<10000x128xf32, #tpu.memory_space<hbm>>
            tpu.wait_indirect_dma semaphore(%arg12 : memref<!tpu.dma_semaphore, #tpu.memory_space<semaphore_mem>>) src(%dma_wait3A_167 : memref<10000x128xf32, #tpu.memory_space<hbm>>) dst(%arg8 : memref<128x128xf32, #tpu.memory_space<vmem>>)
            %run_scoped3A = arith.constant 12 : i32
            "tpu.region"() ({
              %run_scoped3A_168 = tpu.sem_alloc : memref<!tpu.dma_semaphore, #tpu.memory_space<semaphore_mem>>
              %dma_start3A_169 = arith.constant 0 : i32
              %dma_start3A_170 = tpu.memref_slice %arg10[%run_scoped3A, %dma_start3A_169] : memref<16x128xi32, #tpu.memory_space<vmem>> -> memref<1x128xi32, #tpu.memory_space<vmem>>
              %dma_start3A_171 = tpu.memref_squeeze %dma_start3A_170 : memref<1x128xi32, #tpu.memory_space<vmem>> -> memref<128xi32, #tpu.memory_space<vmem>>
              %dma_start3A_172 = arith.constant 0 : i32
              %dma_start3A_173 = arith.constant 0 : i32
              %dma_start3A_174 = tpu.memref_slice %arg11[%dma_start3A_172, %dma_start3A_173] : memref<10000x128xf32, #tpu.memory_space<vmem_shared>> -> memref<10000x128xf32, #tpu.memory_space<vmem_shared>>
              tpu.enqueue_indirect_dma source(%arg8 : memref<128x128xf32, #tpu.memory_space<vmem>>) target(%dma_start3A_174 : memref<10000x128xf32, #tpu.memory_space<vmem_shared>>) offsets(%dma_start3A_171 : memref<128xi32, #tpu.memory_space<vmem>>) semaphore(%run_scoped3A_168 : memref<!tpu.dma_semaphore, #tpu.memory_space<semaphore_mem>>) {add = true}
              %dma_wait3A_175 = arith.constant 0 : i32
              %dma_wait3A_176 = tpu.memref_slice %arg10[%run_scoped3A, %dma_wait3A_175] : memref<16x128xi32, #tpu.memory_space<vmem>> -> memref<1x128xi32, #tpu.memory_space<vmem>>
              %dma_wait3A_177 = tpu.memref_squeeze %dma_wait3A_176 : memref<1x128xi32, #tpu.memory_space<vmem>> -> memref<128xi32, #tpu.memory_space<vmem>>
              %dma_wait3A_178 = arith.constant 0 : i32
              %dma_wait3A_179 = arith.constant 0 : i32
              %dma_wait3A_180 = tpu.memref_slice %arg11[%dma_wait3A_178, %dma_wait3A_179] : memref<10000x128xf32, #tpu.memory_space<vmem_shared>> -> memref<10000x128xf32, #tpu.memory_space<vmem_shared>>
              tpu.wait_indirect_dma semaphore(%run_scoped3A_168 : memref<!tpu.dma_semaphore, #tpu.memory_space<semaphore_mem>>) src(%arg8 : memref<128x128xf32, #tpu.memory_space<vmem>>) dst(%dma_wait3A_180 : memref<10000x128xf32, #tpu.memory_space<vmem_shared>>)
              tpu.yield
            }) : () -> ()
          } else {
          }
          %add3A_135 = arith.constant 13 : i32
          %add3A_136 = arith.addi %multiple_of3A_38, %add3A_135 : i32
          %lt3A_137 = arith.constant 2500 : i32
          %lt3A_138 = arith.cmpi slt, %add3A_136, %lt3A_137 : i32
          %convert_element_type3A_139 = arith.extui %lt3A_138 : i1 to i32
          %cond3A_140 = arith.constant 0 : i32
          %cond3A_141 = arith.cmpi ne, %convert_element_type3A_139, %cond3A_140 : i32
          scf.if %cond3A_141 {
            %dma_start3A = arith.constant 13 : i32
            %dma_start3A_156 = arith.constant 0 : i32
            %dma_start3A_157 = tpu.memref_slice %arg9[%dma_start3A, %dma_start3A_156] : memref<16x128xi32, #tpu.memory_space<vmem>> -> memref<1x128xi32, #tpu.memory_space<vmem>>
            %dma_start3A_158 = tpu.memref_squeeze %dma_start3A_157 : memref<1x128xi32, #tpu.memory_space<vmem>> -> memref<128xi32, #tpu.memory_space<vmem>>
            %dma_start3A_159 = arith.constant 0 : i32
            %dma_start3A_160 = arith.constant 0 : i32
            %dma_start3A_161 = tpu.memref_slice %arg3[%dma_start3A_159, %dma_start3A_160] : memref<10000x128xf32, #tpu.memory_space<hbm>> -> memref<10000x128xf32, #tpu.memory_space<hbm>>
            tpu.enqueue_indirect_dma source(%dma_start3A_161 : memref<10000x128xf32, #tpu.memory_space<hbm>>) target(%arg8 : memref<128x128xf32, #tpu.memory_space<vmem>>) offsets(%dma_start3A_158 : memref<128xi32, #tpu.memory_space<vmem>>) semaphore(%arg12 : memref<!tpu.dma_semaphore, #tpu.memory_space<semaphore_mem>>)
            %dma_wait3A = arith.constant 13 : i32
            %dma_wait3A_162 = arith.constant 0 : i32
            %dma_wait3A_163 = tpu.memref_slice %arg9[%dma_wait3A, %dma_wait3A_162] : memref<16x128xi32, #tpu.memory_space<vmem>> -> memref<1x128xi32, #tpu.memory_space<vmem>>
            %dma_wait3A_164 = tpu.memref_squeeze %dma_wait3A_163 : memref<1x128xi32, #tpu.memory_space<vmem>> -> memref<128xi32, #tpu.memory_space<vmem>>
            %dma_wait3A_165 = arith.constant 0 : i32
            %dma_wait3A_166 = arith.constant 0 : i32
            %dma_wait3A_167 = tpu.memref_slice %arg3[%dma_wait3A_165, %dma_wait3A_166] : memref<10000x128xf32, #tpu.memory_space<hbm>> -> memref<10000x128xf32, #tpu.memory_space<hbm>>
            tpu.wait_indirect_dma semaphore(%arg12 : memref<!tpu.dma_semaphore, #tpu.memory_space<semaphore_mem>>) src(%dma_wait3A_167 : memref<10000x128xf32, #tpu.memory_space<hbm>>) dst(%arg8 : memref<128x128xf32, #tpu.memory_space<vmem>>)
            %run_scoped3A = arith.constant 13 : i32
            "tpu.region"() ({
              %run_scoped3A_168 = tpu.sem_alloc : memref<!tpu.dma_semaphore, #tpu.memory_space<semaphore_mem>>
              %dma_start3A_169 = arith.constant 0 : i32
              %dma_start3A_170 = tpu.memref_slice %arg10[%run_scoped3A, %dma_start3A_169] : memref<16x128xi32, #tpu.memory_space<vmem>> -> memref<1x128xi32, #tpu.memory_space<vmem>>
              %dma_start3A_171 = tpu.memref_squeeze %dma_start3A_170 : memref<1x128xi32, #tpu.memory_space<vmem>> -> memref<128xi32, #tpu.memory_space<vmem>>
              %dma_start3A_172 = arith.constant 0 : i32
              %dma_start3A_173 = arith.constant 0 : i32
              %dma_start3A_174 = tpu.memref_slice %arg11[%dma_start3A_172, %dma_start3A_173] : memref<10000x128xf32, #tpu.memory_space<vmem_shared>> -> memref<10000x128xf32, #tpu.memory_space<vmem_shared>>
              tpu.enqueue_indirect_dma source(%arg8 : memref<128x128xf32, #tpu.memory_space<vmem>>) target(%dma_start3A_174 : memref<10000x128xf32, #tpu.memory_space<vmem_shared>>) offsets(%dma_start3A_171 : memref<128xi32, #tpu.memory_space<vmem>>) semaphore(%run_scoped3A_168 : memref<!tpu.dma_semaphore, #tpu.memory_space<semaphore_mem>>) {add = true}
              %dma_wait3A_175 = arith.constant 0 : i32
              %dma_wait3A_176 = tpu.memref_slice %arg10[%run_scoped3A, %dma_wait3A_175] : memref<16x128xi32, #tpu.memory_space<vmem>> -> memref<1x128xi32, #tpu.memory_space<vmem>>
              %dma_wait3A_177 = tpu.memref_squeeze %dma_wait3A_176 : memref<1x128xi32, #tpu.memory_space<vmem>> -> memref<128xi32, #tpu.memory_space<vmem>>
              %dma_wait3A_178 = arith.constant 0 : i32
              %dma_wait3A_179 = arith.constant 0 : i32
              %dma_wait3A_180 = tpu.memref_slice %arg11[%dma_wait3A_178, %dma_wait3A_179] : memref<10000x128xf32, #tpu.memory_space<vmem_shared>> -> memref<10000x128xf32, #tpu.memory_space<vmem_shared>>
              tpu.wait_indirect_dma semaphore(%run_scoped3A_168 : memref<!tpu.dma_semaphore, #tpu.memory_space<semaphore_mem>>) src(%arg8 : memref<128x128xf32, #tpu.memory_space<vmem>>) dst(%dma_wait3A_180 : memref<10000x128xf32, #tpu.memory_space<vmem_shared>>)
              tpu.yield
            }) : () -> ()
          } else {
          }
          %add3A_142 = arith.constant 14 : i32
          %add3A_143 = arith.addi %multiple_of3A_38, %add3A_142 : i32
          %lt3A_144 = arith.constant 2500 : i32
          %lt3A_145 = arith.cmpi slt, %add3A_143, %lt3A_144 : i32
          %convert_element_type3A_146 = arith.extui %lt3A_145 : i1 to i32
          %cond3A_147 = arith.constant 0 : i32
          %cond3A_148 = arith.cmpi ne, %convert_element_type3A_146, %cond3A_147 : i32
          scf.if %cond3A_148 {
            %dma_start3A = arith.constant 14 : i32
            %dma_start3A_156 = arith.constant 0 : i32
            %dma_start3A_157 = tpu.memref_slice %arg9[%dma_start3A, %dma_start3A_156] : memref<16x128xi32, #tpu.memory_space<vmem>> -> memref<1x128xi32, #tpu.memory_space<vmem>>
            %dma_start3A_158 = tpu.memref_squeeze %dma_start3A_157 : memref<1x128xi32, #tpu.memory_space<vmem>> -> memref<128xi32, #tpu.memory_space<vmem>>
            %dma_start3A_159 = arith.constant 0 : i32
            %dma_start3A_160 = arith.constant 0 : i32
            %dma_start3A_161 = tpu.memref_slice %arg3[%dma_start3A_159, %dma_start3A_160] : memref<10000x128xf32, #tpu.memory_space<hbm>> -> memref<10000x128xf32, #tpu.memory_space<hbm>>
            tpu.enqueue_indirect_dma source(%dma_start3A_161 : memref<10000x128xf32, #tpu.memory_space<hbm>>) target(%arg8 : memref<128x128xf32, #tpu.memory_space<vmem>>) offsets(%dma_start3A_158 : memref<128xi32, #tpu.memory_space<vmem>>) semaphore(%arg12 : memref<!tpu.dma_semaphore, #tpu.memory_space<semaphore_mem>>)
            %dma_wait3A = arith.constant 14 : i32
            %dma_wait3A_162 = arith.constant 0 : i32
            %dma_wait3A_163 = tpu.memref_slice %arg9[%dma_wait3A, %dma_wait3A_162] : memref<16x128xi32, #tpu.memory_space<vmem>> -> memref<1x128xi32, #tpu.memory_space<vmem>>
            %dma_wait3A_164 = tpu.memref_squeeze %dma_wait3A_163 : memref<1x128xi32, #tpu.memory_space<vmem>> -> memref<128xi32, #tpu.memory_space<vmem>>
            %dma_wait3A_165 = arith.constant 0 : i32
            %dma_wait3A_166 = arith.constant 0 : i32
            %dma_wait3A_167 = tpu.memref_slice %arg3[%dma_wait3A_165, %dma_wait3A_166] : memref<10000x128xf32, #tpu.memory_space<hbm>> -> memref<10000x128xf32, #tpu.memory_space<hbm>>
            tpu.wait_indirect_dma semaphore(%arg12 : memref<!tpu.dma_semaphore, #tpu.memory_space<semaphore_mem>>) src(%dma_wait3A_167 : memref<10000x128xf32, #tpu.memory_space<hbm>>) dst(%arg8 : memref<128x128xf32, #tpu.memory_space<vmem>>)
            %run_scoped3A = arith.constant 14 : i32
            "tpu.region"() ({
              %run_scoped3A_168 = tpu.sem_alloc : memref<!tpu.dma_semaphore, #tpu.memory_space<semaphore_mem>>
              %dma_start3A_169 = arith.constant 0 : i32
              %dma_start3A_170 = tpu.memref_slice %arg10[%run_scoped3A, %dma_start3A_169] : memref<16x128xi32, #tpu.memory_space<vmem>> -> memref<1x128xi32, #tpu.memory_space<vmem>>
              %dma_start3A_171 = tpu.memref_squeeze %dma_start3A_170 : memref<1x128xi32, #tpu.memory_space<vmem>> -> memref<128xi32, #tpu.memory_space<vmem>>
              %dma_start3A_172 = arith.constant 0 : i32
              %dma_start3A_173 = arith.constant 0 : i32
              %dma_start3A_174 = tpu.memref_slice %arg11[%dma_start3A_172, %dma_start3A_173] : memref<10000x128xf32, #tpu.memory_space<vmem_shared>> -> memref<10000x128xf32, #tpu.memory_space<vmem_shared>>
              tpu.enqueue_indirect_dma source(%arg8 : memref<128x128xf32, #tpu.memory_space<vmem>>) target(%dma_start3A_174 : memref<10000x128xf32, #tpu.memory_space<vmem_shared>>) offsets(%dma_start3A_171 : memref<128xi32, #tpu.memory_space<vmem>>) semaphore(%run_scoped3A_168 : memref<!tpu.dma_semaphore, #tpu.memory_space<semaphore_mem>>) {add = true}
              %dma_wait3A_175 = arith.constant 0 : i32
              %dma_wait3A_176 = tpu.memref_slice %arg10[%run_scoped3A, %dma_wait3A_175] : memref<16x128xi32, #tpu.memory_space<vmem>> -> memref<1x128xi32, #tpu.memory_space<vmem>>
              %dma_wait3A_177 = tpu.memref_squeeze %dma_wait3A_176 : memref<1x128xi32, #tpu.memory_space<vmem>> -> memref<128xi32, #tpu.memory_space<vmem>>
              %dma_wait3A_178 = arith.constant 0 : i32
              %dma_wait3A_179 = arith.constant 0 : i32
              %dma_wait3A_180 = tpu.memref_slice %arg11[%dma_wait3A_178, %dma_wait3A_179] : memref<10000x128xf32, #tpu.memory_space<vmem_shared>> -> memref<10000x128xf32, #tpu.memory_space<vmem_shared>>
              tpu.wait_indirect_dma semaphore(%run_scoped3A_168 : memref<!tpu.dma_semaphore, #tpu.memory_space<semaphore_mem>>) src(%arg8 : memref<128x128xf32, #tpu.memory_space<vmem>>) dst(%dma_wait3A_180 : memref<10000x128xf32, #tpu.memory_space<vmem_shared>>)
              tpu.yield
            }) : () -> ()
          } else {
          }
          %add3A_149 = arith.constant 15 : i32
          %add3A_150 = arith.addi %multiple_of3A_38, %add3A_149 : i32
          %lt3A_151 = arith.constant 2500 : i32
          %lt3A_152 = arith.cmpi slt, %add3A_150, %lt3A_151 : i32
          %convert_element_type3A_153 = arith.extui %lt3A_152 : i1 to i32
          %cond3A_154 = arith.constant 0 : i32
          %cond3A_155 = arith.cmpi ne, %convert_element_type3A_153, %cond3A_154 : i32
          scf.if %cond3A_155 {
            %dma_start3A = arith.constant 15 : i32
            %dma_start3A_156 = arith.constant 0 : i32
            %dma_start3A_157 = tpu.memref_slice %arg9[%dma_start3A, %dma_start3A_156] : memref<16x128xi32, #tpu.memory_space<vmem>> -> memref<1x128xi32, #tpu.memory_space<vmem>>
            %dma_start3A_158 = tpu.memref_squeeze %dma_start3A_157 : memref<1x128xi32, #tpu.memory_space<vmem>> -> memref<128xi32, #tpu.memory_space<vmem>>
            %dma_start3A_159 = arith.constant 0 : i32
            %dma_start3A_160 = arith.constant 0 : i32
            %dma_start3A_161 = tpu.memref_slice %arg3[%dma_start3A_159, %dma_start3A_160] : memref<10000x128xf32, #tpu.memory_space<hbm>> -> memref<10000x128xf32, #tpu.memory_space<hbm>>
            tpu.enqueue_indirect_dma source(%dma_start3A_161 : memref<10000x128xf32, #tpu.memory_space<hbm>>) target(%arg8 : memref<128x128xf32, #tpu.memory_space<vmem>>) offsets(%dma_start3A_158 : memref<128xi32, #tpu.memory_space<vmem>>) semaphore(%arg12 : memref<!tpu.dma_semaphore, #tpu.memory_space<semaphore_mem>>)
            %dma_wait3A = arith.constant 15 : i32
            %dma_wait3A_162 = arith.constant 0 : i32
            %dma_wait3A_163 = tpu.memref_slice %arg9[%dma_wait3A, %dma_wait3A_162] : memref<16x128xi32, #tpu.memory_space<vmem>> -> memref<1x128xi32, #tpu.memory_space<vmem>>
            %dma_wait3A_164 = tpu.memref_squeeze %dma_wait3A_163 : memref<1x128xi32, #tpu.memory_space<vmem>> -> memref<128xi32, #tpu.memory_space<vmem>>
            %dma_wait3A_165 = arith.constant 0 : i32
            %dma_wait3A_166 = arith.constant 0 : i32
            %dma_wait3A_167 = tpu.memref_slice %arg3[%dma_wait3A_165, %dma_wait3A_166] : memref<10000x128xf32, #tpu.memory_space<hbm>> -> memref<10000x128xf32, #tpu.memory_space<hbm>>
            tpu.wait_indirect_dma semaphore(%arg12 : memref<!tpu.dma_semaphore, #tpu.memory_space<semaphore_mem>>) src(%dma_wait3A_167 : memref<10000x128xf32, #tpu.memory_space<hbm>>) dst(%arg8 : memref<128x128xf32, #tpu.memory_space<vmem>>)
            %run_scoped3A = arith.constant 15 : i32
            "tpu.region"() ({
              %run_scoped3A_168 = tpu.sem_alloc : memref<!tpu.dma_semaphore, #tpu.memory_space<semaphore_mem>>
              %dma_start3A_169 = arith.constant 0 : i32
              %dma_start3A_170 = tpu.memref_slice %arg10[%run_scoped3A, %dma_start3A_169] : memref<16x128xi32, #tpu.memory_space<vmem>> -> memref<1x128xi32, #tpu.memory_space<vmem>>
              %dma_start3A_171 = tpu.memref_squeeze %dma_start3A_170 : memref<1x128xi32, #tpu.memory_space<vmem>> -> memref<128xi32, #tpu.memory_space<vmem>>
              %dma_start3A_172 = arith.constant 0 : i32
              %dma_start3A_173 = arith.constant 0 : i32
              %dma_start3A_174 = tpu.memref_slice %arg11[%dma_start3A_172, %dma_start3A_173] : memref<10000x128xf32, #tpu.memory_space<vmem_shared>> -> memref<10000x128xf32, #tpu.memory_space<vmem_shared>>
              tpu.enqueue_indirect_dma source(%arg8 : memref<128x128xf32, #tpu.memory_space<vmem>>) target(%dma_start3A_174 : memref<10000x128xf32, #tpu.memory_space<vmem_shared>>) offsets(%dma_start3A_171 : memref<128xi32, #tpu.memory_space<vmem>>) semaphore(%run_scoped3A_168 : memref<!tpu.dma_semaphore, #tpu.memory_space<semaphore_mem>>) {add = true}
              %dma_wait3A_175 = arith.constant 0 : i32
              %dma_wait3A_176 = tpu.memref_slice %arg10[%run_scoped3A, %dma_wait3A_175] : memref<16x128xi32, #tpu.memory_space<vmem>> -> memref<1x128xi32, #tpu.memory_space<vmem>>
              %dma_wait3A_177 = tpu.memref_squeeze %dma_wait3A_176 : memref<1x128xi32, #tpu.memory_space<vmem>> -> memref<128xi32, #tpu.memory_space<vmem>>
              %dma_wait3A_178 = arith.constant 0 : i32
              %dma_wait3A_179 = arith.constant 0 : i32
              %dma_wait3A_180 = tpu.memref_slice %arg11[%dma_wait3A_178, %dma_wait3A_179] : memref<10000x128xf32, #tpu.memory_space<vmem_shared>> -> memref<10000x128xf32, #tpu.memory_space<vmem_shared>>
              tpu.wait_indirect_dma semaphore(%run_scoped3A_168 : memref<!tpu.dma_semaphore, #tpu.memory_space<semaphore_mem>>) src(%arg8 : memref<128x128xf32, #tpu.memory_space<vmem>>) dst(%dma_wait3A_180 : memref<10000x128xf32, #tpu.memory_space<vmem_shared>>)
              tpu.yield
            }) : () -> ()
          } else {
          }
        } else {
        }
      }
      %scan3A_23 = arith.constant 10 : i32
      %barrier3A_24 = arith.constant 0 : index
      tpu.barrier barrier_id(%barrier3A_24)
      %lt3A_25 = arith.constant 15 : i32
      %lt3A_26 = arith.cmpi slt, %arg1, %lt3A_25 : i32
      %convert_element_type3A_27 = arith.extui %lt3A_26 : i1 to i32
      %cond3A_28 = arith.constant 0 : i32
      %cond3A_29 = arith.cmpi ne, %convert_element_type3A_27, %cond3A_28 : i32
      scf.if %cond3A_29 {
        "tpu.region"() ({
          %run_scoped3A = tpu.sem_alloc : memref<!tpu.dma_semaphore, #tpu.memory_space<semaphore_mem>>
          %dma_start3A = arith.constant 0 : i32
          %dma_start3A_35 = tpu.memref_slice %arg7[%multiple_of3A, %dma_start3A] : memref<10000x128xf32, #tpu.memory_space<hbm>> -> memref<624x128xf32, #tpu.memory_space<hbm>>
          %dma_start3A_36 = arith.constant 0 : i32
          %dma_start3A_37 = tpu.memref_slice %arg11[%multiple_of3A, %dma_start3A_36] : memref<10000x128xf32, #tpu.memory_space<vmem_shared>> -> memref<624x128xf32, #tpu.memory_space<vmem_shared>>
          tpu.enqueue_dma source(%dma_start3A_37 : memref<624x128xf32, #tpu.memory_space<vmem_shared>>) target(%dma_start3A_35 : memref<624x128xf32, #tpu.memory_space<hbm>>) target_semaphore(%run_scoped3A : memref<!tpu.dma_semaphore, #tpu.memory_space<semaphore_mem>>)
          %dma_wait3A = arith.constant 0 : i32
          %dma_wait3A_38 = tpu.memref_slice %arg7[%multiple_of3A, %dma_wait3A] : memref<10000x128xf32, #tpu.memory_space<hbm>> -> memref<624x128xf32, #tpu.memory_space<hbm>>
          %dma_wait3A_39 = arith.constant 0 : i32
          %dma_wait3A_40 = tpu.memref_slice %arg11[%multiple_of3A, %dma_wait3A_39] : memref<10000x128xf32, #tpu.memory_space<vmem_shared>> -> memref<624x128xf32, #tpu.memory_space<vmem_shared>>
          tpu.wait_dma2 semaphore(%run_scoped3A : memref<!tpu.dma_semaphore, #tpu.memory_space<semaphore_mem>>) src(%dma_wait3A_40 : memref<624x128xf32, #tpu.memory_space<vmem_shared>>) dst(%dma_wait3A_38 : memref<624x128xf32, #tpu.memory_space<hbm>>)
          tpu.yield
        }) : () -> ()
      } else {
      }
      %eq3A_30 = arith.constant 15 : i32
      %eq3A_31 = arith.cmpi eq, %arg1, %eq3A_30 : i32
      %convert_element_type3A_32 = arith.extui %eq3A_31 : i1 to i32
      %cond3A_33 = arith.constant 0 : i32
      %cond3A_34 = arith.cmpi ne, %convert_element_type3A_32, %cond3A_33 : i32
      scf.if %cond3A_34 {
        "tpu.region"() ({
          %run_scoped3A = tpu.sem_alloc : memref<!tpu.dma_semaphore, #tpu.memory_space<semaphore_mem>>
          %dma_start3A = arith.constant 0 : i32
          %dma_start3A_35 = tpu.memref_slice %arg7[%multiple_of3A, %dma_start3A] : memref<10000x128xf32, #tpu.memory_space<hbm>> -> memref<640x128xf32, #tpu.memory_space<hbm>>
          %dma_start3A_36 = arith.constant 0 : i32
          %dma_start3A_37 = tpu.memref_slice %arg11[%multiple_of3A, %dma_start3A_36] : memref<10000x128xf32, #tpu.memory_space<vmem_shared>> -> memref<640x128xf32, #tpu.memory_space<vmem_shared>>
          tpu.enqueue_dma source(%dma_start3A_37 : memref<640x128xf32, #tpu.memory_space<vmem_shared>>) target(%dma_start3A_35 : memref<640x128xf32, #tpu.memory_space<hbm>>) target_semaphore(%run_scoped3A : memref<!tpu.dma_semaphore, #tpu.memory_space<semaphore_mem>>)
          %dma_wait3A = arith.constant 0 : i32
          %dma_wait3A_38 = tpu.memref_slice %arg7[%multiple_of3A, %dma_wait3A] : memref<10000x128xf32, #tpu.memory_space<hbm>> -> memref<640x128xf32, #tpu.memory_space<hbm>>
          %dma_wait3A_39 = arith.constant 0 : i32
          %dma_wait3A_40 = tpu.memref_slice %arg11[%multiple_of3A, %dma_wait3A_39] : memref<10000x128xf32, #tpu.memory_space<vmem_shared>> -> memref<640x128xf32, #tpu.memory_space<vmem_shared>>
          tpu.wait_dma2 semaphore(%run_scoped3A : memref<!tpu.dma_semaphore, #tpu.memory_space<semaphore_mem>>) src(%dma_wait3A_40 : memref<640x128xf32, #tpu.memory_space<vmem_shared>>) dst(%dma_wait3A_38 : memref<640x128xf32, #tpu.memory_space<hbm>>)
          tpu.yield
        }) : () -> ()
      } else {
      }
    } else {
    }
    return
  }
}

module attributes {stable_mosaic.version = 14 : i64} {
  func.func @_tca_body(%arg0: i32, %arg1: memref<1000x128xf32, #tpu.memory_space<vmem>>, %arg2: memref<1000x128xf32, #tpu.memory_space<vmem>>, %arg3: memref<1000x128xf32, #tpu.memory_space<vmem>>, %arg4: memref<128x256xf32, #tpu.memory_space<vmem>>, %arg5: memref<1000x1xf32, #tpu.memory_space<vmem>>, %arg6: memref<1000x128xf32, #tpu.memory_space<vmem>>, %arg7: memref<1000x128xf32, #tpu.memory_space<vmem>>) attributes {dimension_semantics = [#tpu.dimension_semantics<arbitrary>], iteration_bounds = array<i64: 10>, scalar_prefetch = 0 : i64, scratch_operands = 0 : i64, tpu.core_type = #tpu.core_type<tc>, window_params = [{transform_indices = @transform_0, window_bounds = array<i64: 1000, 128>}, {transform_indices = @transform_1, window_bounds = array<i64: 1000, 128>}, {transform_indices = @transform_2, window_bounds = array<i64: 1000, 128>}, {pipeline_mode = #tpu.pipeline_mode<synchronous>, transform_indices = @transform_3, window_bounds = array<i64: 128, 256>}, {transform_indices = @transform_4, window_bounds = array<i64: 1000, 1>}, {transform_indices = @transform_5, window_bounds = array<i64: 1000, 128>}, {transform_indices = @transform_6, window_bounds = array<i64: 1000, 128>}]} {
    %get3A = arith.constant 0 : index
    %get3A_0 = arith.constant 0 : index
    %get3A_1 = vector.load %arg1[%get3A, %get3A_0] : memref<1000x128xf32, #tpu.memory_space<vmem>>, vector<1000x1xf32>
    %get3A_2 = vector.shape_cast %get3A_1 : vector<1000x1xf32> to vector<1000xf32>
    %add3A = arith.constant 1.000000e+00 : f32
    %add3A_3 = vector.broadcast %add3A : f32 to vector<1000xf32>
    %add3A_4 = arith.addf %add3A_3, %get3A_2 : vector<1000xf32>
    %get3A_5 = arith.constant 0 : index
    %get3A_6 = arith.constant 0 : index
    %get3A_7 = vector.load %arg2[%get3A_5, %get3A_6] : memref<1000x128xf32, #tpu.memory_space<vmem>>, vector<1000x1xf32>
    %get3A_8 = vector.shape_cast %get3A_7 : vector<1000x1xf32> to vector<1000xf32>
    %add3A_9 = arith.addf %add3A_4, %get3A_8 : vector<1000xf32>
    %rsqrt3A = math.rsqrt %add3A_9 : vector<1000xf32>
    %broadcast_in_dim3A = vector.shape_cast %rsqrt3A : vector<1000xf32> to vector<1000x1xf32>
    %get3A_10 = arith.constant 0 : index
    %get3A_11 = arith.constant 0 : index
    %get3A_12 = vector.load %arg3[%get3A_10, %get3A_11] : memref<1000x128xf32, #tpu.memory_space<vmem>>, vector<1000x128xf32>
    %get3A_13 = arith.constant 0 : index
    %get3A_14 = arith.constant 0 : index
    %get3A_15 = vector.load %arg4[%get3A_13, %get3A_14] : memref<128x256xf32, #tpu.memory_space<vmem>>, vector<128x256xf32>
    %dot_general3A = arith.constant dense<0.000000e+00> : vector<1000x256xf32>
    %dot_general3A_16 = tpu.matmul %get3A_12, %get3A_15, %dot_general3A {dimension_numbers = #tpu.dot_dimension_numbers<[1], [0], [0], [1], [0, 0, 1, 1], [], []>, transpose_lhs_hint = false} : vector<1000x128xf32>, vector<128x256xf32>, vector<1000x256xf32> -> vector<1000x256xf32>
    %mul3A = vector.broadcast %broadcast_in_dim3A : vector<1000x1xf32> to vector<1000x256xf32>
    %mul3A_17 = arith.mulf %dot_general3A_16, %mul3A : vector<1000x256xf32>
    %swap3A = arith.constant 0 : index
    %swap3A_18 = arith.constant 0 : index
    %swap3A_19 = vector.load %arg5[%swap3A, %swap3A_18] : memref<1000x1xf32, #tpu.memory_space<vmem>>, vector<1000x1xf32>
    tpu.vector_store %arg5[%swap3A, %swap3A_18], %broadcast_in_dim3A {strides = array<i32>} : memref<1000x1xf32, #tpu.memory_space<vmem>>, vector<1000x1xf32>,
    %slice3A = vector.extract_strided_slice %mul3A_17 {offsets = [0, 0], sizes = [1000, 128], strides = [1, 1]} : vector<1000x256xf32> to vector<1000x128xf32>
    %swap3A_20 = arith.constant 0 : index
    %swap3A_21 = arith.constant 0 : index
    %swap3A_22 = vector.load %arg6[%swap3A_20, %swap3A_21] : memref<1000x128xf32, #tpu.memory_space<vmem>>, vector<1000x128xf32>
    tpu.vector_store %arg6[%swap3A_20, %swap3A_21], %slice3A {strides = array<i32>} : memref<1000x128xf32, #tpu.memory_space<vmem>>, vector<1000x128xf32>,
    %slice3A_23 = vector.extract_strided_slice %mul3A_17 {offsets = [0, 128], sizes = [1000, 128], strides = [1, 1]} : vector<1000x256xf32> to vector<1000x128xf32>
    %swap3A_24 = arith.constant 0 : index
    %swap3A_25 = arith.constant 0 : index
    %swap3A_26 = vector.load %arg7[%swap3A_24, %swap3A_25] : memref<1000x128xf32, #tpu.memory_space<vmem>>, vector<1000x128xf32>
    tpu.vector_store %arg7[%swap3A_24, %swap3A_25], %slice3A_23 {strides = array<i32>} : memref<1000x128xf32, #tpu.memory_space<vmem>>, vector<1000x128xf32>,
    return
  }
  func.func @transform_0(%arg0: i32) -> (i32, i32) {
    %c0_i32 = arith.constant 0 : i32
    %c0_i32_0 = arith.constant 0 : i32
    return %arg0, %c0_i32 : i32, i32
  }
  func.func @transform_1(%arg0: i32) -> (i32, i32) {
    %c0_i32 = arith.constant 0 : i32
    %c0_i32_0 = arith.constant 0 : i32
    return %arg0, %c0_i32 : i32, i32
  }
  func.func @transform_2(%arg0: i32) -> (i32, i32) {
    %c0_i32 = arith.constant 0 : i32
    %c0_i32_0 = arith.constant 0 : i32
    return %arg0, %c0_i32 : i32, i32
  }
  func.func @transform_3(%arg0: i32) -> (i32, i32) {
    %c0_i32 = arith.constant 0 : i32
    %c0_i32_0 = arith.constant 0 : i32
    %c0_i32_1 = arith.constant 0 : i32
    return %c0_i32, %c0_i32_0 : i32, i32
  }
  func.func @transform_4(%arg0: i32) -> (i32, i32) {
    %c0_i32 = arith.constant 0 : i32
    %c0_i32_0 = arith.constant 0 : i32
    return %arg0, %c0_i32 : i32, i32
  }
  func.func @transform_5(%arg0: i32) -> (i32, i32) {
    %c0_i32 = arith.constant 0 : i32
    %c0_i32_0 = arith.constant 0 : i32
    return %arg0, %c0_i32 : i32, i32
  }
  func.func @transform_6(%arg0: i32) -> (i32, i32) {
    %c0_i32 = arith.constant 0 : i32
    %c0_i32_0 = arith.constant 0 : i32
    return %arg0, %c0_i32 : i32, i32
  }
}

module attributes {stable_mosaic.version = 14 : i64} {
  func.func @_tcb_body(%arg0: i32, %arg1: memref<1000x128xf32, #tpu.memory_space<vmem>>, %arg2: memref<1000x128xf32, #tpu.memory_space<vmem>>, %arg3: memref<1000x1xf32, #tpu.memory_space<vmem>>, %arg4: memref<1x256xf32, #tpu.memory_space<vmem>>, %arg5: memref<256x256xf32, #tpu.memory_space<vmem>>, %arg6: memref<1000x128xf32, #tpu.memory_space<vmem>>, %arg7: memref<1000x128xf32, #tpu.memory_space<vmem>>) attributes {dimension_semantics = [#tpu.dimension_semantics<arbitrary>], iteration_bounds = array<i64: 10>, scalar_prefetch = 0 : i64, scratch_operands = 0 : i64, tpu.core_type = #tpu.core_type<tc>, window_params = [{transform_indices = @transform_0, window_bounds = array<i64: 1000, 128>}, {transform_indices = @transform_1, window_bounds = array<i64: 1000, 128>}, {transform_indices = @transform_2, window_bounds = array<i64: 1000, 1>}, {pipeline_mode = #tpu.pipeline_mode<synchronous>, transform_indices = @transform_3, window_bounds = array<i64: 1, 256>}, {pipeline_mode = #tpu.pipeline_mode<synchronous>, transform_indices = @transform_4, window_bounds = array<i64: 256, 256>}, {transform_indices = @transform_5, window_bounds = array<i64: 1000, 128>}, {transform_indices = @transform_6, window_bounds = array<i64: 1000, 128>}]} {
    %get3A = arith.constant 0 : index
    %get3A_0 = arith.constant 0 : index
    %get3A_1 = vector.load %arg3[%get3A, %get3A_0] : memref<1000x1xf32, #tpu.memory_space<vmem>>, vector<1000x1xf32>
    %get3A_2 = arith.constant 0 : index
    %get3A_3 = arith.constant 0 : index
    %get3A_4 = vector.load %arg1[%get3A_2, %get3A_3] : memref<1000x128xf32, #tpu.memory_space<vmem>>, vector<1000x128xf32>
    %get3A_5 = arith.constant 0 : index
    %get3A_6 = arith.constant 0 : index
    %get3A_7 = vector.load %arg2[%get3A_5, %get3A_6] : memref<1000x128xf32, #tpu.memory_space<vmem>>, vector<1000x128xf32>
    %concatenate3A = tpu.concatenate %get3A_4, %get3A_7 in 1 : vector<1000x128xf32>, vector<1000x128xf32> -> vector<1000x256xf32>
    %mul3A = vector.broadcast %get3A_1 : vector<1000x1xf32> to vector<1000x256xf32>
    %mul3A_8 = arith.mulf %concatenate3A, %mul3A : vector<1000x256xf32>
    %get3A_9 = arith.constant 0 : index
    %get3A_10 = arith.constant 0 : index
    %get3A_11 = vector.load %arg4[%get3A_9, %get3A_10] : memref<1x256xf32, #tpu.memory_space<vmem>>, vector<1x256xf32>
    %add3A = vector.broadcast %get3A_11 : vector<1x256xf32> to vector<1000x256xf32>
    %add3A_12 = arith.addf %mul3A_8, %add3A : vector<1000x256xf32>
    %max3A = arith.constant 0.000000e+00 : f32
    %max3A_13 = vector.broadcast %max3A : f32 to vector<1000x256xf32>
    %max3A_14 = arith.maximumf %add3A_12, %max3A_13 : vector<1000x256xf32>
    %get3A_15 = arith.constant 0 : index
    %get3A_16 = arith.constant 0 : index
    %get3A_17 = vector.load %arg5[%get3A_15, %get3A_16] : memref<256x256xf32, #tpu.memory_space<vmem>>, vector<256x256xf32>
    %dot_general3A = arith.constant dense<0.000000e+00> : vector<1000x256xf32>
    %dot_general3A_18 = tpu.matmul %max3A_14, %get3A_17, %dot_general3A {dimension_numbers = #tpu.dot_dimension_numbers<[1], [0], [0], [1], [0, 0, 1, 1], [], []>, transpose_lhs_hint = false} : vector<1000x256xf32>, vector<256x256xf32>, vector<1000x256xf32> -> vector<1000x256xf32>
    %mul3A_19 = vector.broadcast %get3A_1 : vector<1000x1xf32> to vector<1000x256xf32>
    %mul3A_20 = arith.mulf %dot_general3A_18, %mul3A_19 : vector<1000x256xf32>
    %slice3A = vector.extract_strided_slice %mul3A_20 {offsets = [0, 0], sizes = [1000, 128], strides = [1, 1]} : vector<1000x256xf32> to vector<1000x128xf32>
    %swap3A = arith.constant 0 : index
    %swap3A_21 = arith.constant 0 : index
    %swap3A_22 = vector.load %arg6[%swap3A, %swap3A_21] : memref<1000x128xf32, #tpu.memory_space<vmem>>, vector<1000x128xf32>
    tpu.vector_store %arg6[%swap3A, %swap3A_21], %slice3A {strides = array<i32>} : memref<1000x128xf32, #tpu.memory_space<vmem>>, vector<1000x128xf32>,
    %slice3A_23 = vector.extract_strided_slice %mul3A_20 {offsets = [0, 128], sizes = [1000, 128], strides = [1, 1]} : vector<1000x256xf32> to vector<1000x128xf32>
    %swap3A_24 = arith.constant 0 : index
    %swap3A_25 = arith.constant 0 : index
    %swap3A_26 = vector.load %arg7[%swap3A_24, %swap3A_25] : memref<1000x128xf32, #tpu.memory_space<vmem>>, vector<1000x128xf32>
    tpu.vector_store %arg7[%swap3A_24, %swap3A_25], %slice3A_23 {strides = array<i32>} : memref<1000x128xf32, #tpu.memory_space<vmem>>, vector<1000x128xf32>,
    return
  }
  func.func @transform_0(%arg0: i32) -> (i32, i32) {
    %c0_i32 = arith.constant 0 : i32
    %c0_i32_0 = arith.constant 0 : i32
    return %arg0, %c0_i32 : i32, i32
  }
  func.func @transform_1(%arg0: i32) -> (i32, i32) {
    %c0_i32 = arith.constant 0 : i32
    %c0_i32_0 = arith.constant 0 : i32
    return %arg0, %c0_i32 : i32, i32
  }
  func.func @transform_2(%arg0: i32) -> (i32, i32) {
    %c0_i32 = arith.constant 0 : i32
    %c0_i32_0 = arith.constant 0 : i32
    return %arg0, %c0_i32 : i32, i32
  }
  func.func @transform_3(%arg0: i32) -> (i32, i32) {
    %c0_i32 = arith.constant 0 : i32
    %c0_i32_0 = arith.constant 0 : i32
    %c0_i32_1 = arith.constant 0 : i32
    return %c0_i32, %c0_i32_0 : i32, i32
  }
  func.func @transform_4(%arg0: i32) -> (i32, i32) {
    %c0_i32 = arith.constant 0 : i32
    %c0_i32_0 = arith.constant 0 : i32
    %c0_i32_1 = arith.constant 0 : i32
    return %c0_i32, %c0_i32_0 : i32, i32
  }
  func.func @transform_5(%arg0: i32) -> (i32, i32) {
    %c0_i32 = arith.constant 0 : i32
    %c0_i32_0 = arith.constant 0 : i32
    return %arg0, %c0_i32 : i32, i32
  }
  func.func @transform_6(%arg0: i32) -> (i32, i32) {
    %c0_i32 = arith.constant 0 : i32
    %c0_i32_0 = arith.constant 0 : i32
    return %arg0, %c0_i32 : i32, i32
  }
}

module attributes {stable_mosaic.version = 14 : i64} {
  func.func @_tcc_body(%arg0: i32, %arg1: memref<1000x128xf32, #tpu.memory_space<vmem>>, %arg2: memref<1000x128xf32, #tpu.memory_space<vmem>>, %arg3: memref<1000x1xf32, #tpu.memory_space<vmem>>, %arg4: memref<1x256xf32, #tpu.memory_space<vmem>>, %arg5: memref<256x64xf32, #tpu.memory_space<vmem>>, %arg6: memref<1x64xf32, #tpu.memory_space<vmem>>, %arg7: memref<64x1xf32, #tpu.memory_space<vmem>>, %arg8: memref<1x1xf32, #tpu.memory_space<vmem>>, %arg9: memref<1000x1xf32, #tpu.memory_space<vmem>>) attributes {dimension_semantics = [#tpu.dimension_semantics<arbitrary>], iteration_bounds = array<i64: 10>, scalar_prefetch = 0 : i64, scratch_operands = 0 : i64, tpu.core_type = #tpu.core_type<tc>, window_params = [{transform_indices = @transform_0, window_bounds = array<i64: 1000, 128>}, {transform_indices = @transform_1, window_bounds = array<i64: 1000, 128>}, {transform_indices = @transform_2, window_bounds = array<i64: 1000, 1>}, {pipeline_mode = #tpu.pipeline_mode<synchronous>, transform_indices = @transform_3, window_bounds = array<i64: 1, 256>}, {pipeline_mode = #tpu.pipeline_mode<synchronous>, transform_indices = @transform_4, window_bounds = array<i64: 256, 64>}, {pipeline_mode = #tpu.pipeline_mode<synchronous>, transform_indices = @transform_5, window_bounds = array<i64: 1, 64>}, {pipeline_mode = #tpu.pipeline_mode<synchronous>, transform_indices = @transform_6, window_bounds = array<i64: 64, 1>}, {pipeline_mode = #tpu.pipeline_mode<synchronous>, transform_indices = @transform_7, window_bounds = array<i64: 1, 1>}, {transform_indices = @transform_8, window_bounds = array<i64: 1000, 1>}]} {
    %get3A = arith.constant 0 : index
    %get3A_0 = arith.constant 0 : index
    %get3A_1 = vector.load %arg3[%get3A, %get3A_0] : memref<1000x1xf32, #tpu.memory_space<vmem>>, vector<1000x1xf32>
    %get3A_2 = arith.constant 0 : index
    %get3A_3 = arith.constant 0 : index
    %get3A_4 = vector.load %arg1[%get3A_2, %get3A_3] : memref<1000x128xf32, #tpu.memory_space<vmem>>, vector<1000x128xf32>
    %get3A_5 = arith.constant 0 : index
    %get3A_6 = arith.constant 0 : index
    %get3A_7 = vector.load %arg2[%get3A_5, %get3A_6] : memref<1000x128xf32, #tpu.memory_space<vmem>>, vector<1000x128xf32>
    %concatenate3A = tpu.concatenate %get3A_4, %get3A_7 in 1 : vector<1000x128xf32>, vector<1000x128xf32> -> vector<1000x256xf32>
    %mul3A = vector.broadcast %get3A_1 : vector<1000x1xf32> to vector<1000x256xf32>
    %mul3A_8 = arith.mulf %concatenate3A, %mul3A : vector<1000x256xf32>
    %get3A_9 = arith.constant 0 : index
    %get3A_10 = arith.constant 0 : index
    %get3A_11 = vector.load %arg4[%get3A_9, %get3A_10] : memref<1x256xf32, #tpu.memory_space<vmem>>, vector<1x256xf32>
    %add3A = vector.broadcast %get3A_11 : vector<1x256xf32> to vector<1000x256xf32>
    %add3A_12 = arith.addf %mul3A_8, %add3A : vector<1000x256xf32>
    %max3A = arith.constant 0.000000e+00 : f32
    %max3A_13 = vector.broadcast %max3A : f32 to vector<1000x256xf32>
    %max3A_14 = arith.maximumf %add3A_12, %max3A_13 : vector<1000x256xf32>
    %get3A_15 = arith.constant 0 : index
    %get3A_16 = arith.constant 0 : index
    %get3A_17 = vector.load %arg5[%get3A_15, %get3A_16] : memref<256x64xf32, #tpu.memory_space<vmem>>, vector<256x64xf32>
    %dot_general3A = arith.constant dense<0.000000e+00> : vector<1000x64xf32>
    %dot_general3A_18 = tpu.matmul %max3A_14, %get3A_17, %dot_general3A {dimension_numbers = #tpu.dot_dimension_numbers<[1], [0], [0], [1], [0, 0, 1, 1], [], []>, transpose_lhs_hint = false} : vector<1000x256xf32>, vector<256x64xf32>, vector<1000x64xf32> -> vector<1000x64xf32>
    %get3A_19 = arith.constant 0 : index
    %get3A_20 = arith.constant 0 : index
    %get3A_21 = vector.load %arg6[%get3A_19, %get3A_20] : memref<1x64xf32, #tpu.memory_space<vmem>>, vector<1x64xf32>
    %add3A_22 = vector.broadcast %get3A_21 : vector<1x64xf32> to vector<1000x64xf32>
    %add3A_23 = arith.addf %dot_general3A_18, %add3A_22 : vector<1000x64xf32>
    %mul3A_24 = arith.constant 5.000000e-01 : f32
    %mul3A_25 = vector.broadcast %mul3A_24 : f32 to vector<1000x64xf32>
    %mul3A_26 = arith.mulf %mul3A_25, %add3A_23 : vector<1000x64xf32>
    %mul3A_27 = arith.constant 0.707106769 : f32
    %mul3A_28 = vector.broadcast %mul3A_27 : f32 to vector<1000x64xf32>
    %mul3A_29 = arith.mulf %add3A_23, %mul3A_28 : vector<1000x64xf32>
    %erf3A = math.erf %mul3A_29 : vector<1000x64xf32>
    %add3A_30 = arith.constant 1.000000e+00 : f32
    %add3A_31 = vector.broadcast %add3A_30 : f32 to vector<1000x64xf32>
    %add3A_32 = arith.addf %add3A_31, %erf3A : vector<1000x64xf32>
    %mul3A_33 = arith.mulf %mul3A_26, %add3A_32 : vector<1000x64xf32>
    %get3A_34 = arith.constant 0 : index
    %get3A_35 = arith.constant 0 : index
    %get3A_36 = vector.load %arg7[%get3A_34, %get3A_35] : memref<64x1xf32, #tpu.memory_space<vmem>>, vector<64x1xf32>
    %dot_general3A_37 = arith.constant dense<0.000000e+00> : vector<1000x1xf32>
    %dot_general3A_38 = tpu.matmul %mul3A_33, %get3A_36, %dot_general3A_37 {dimension_numbers = #tpu.dot_dimension_numbers<[1], [0], [0], [1], [0, 0, 1, 1], [], []>, transpose_lhs_hint = false} : vector<1000x64xf32>, vector<64x1xf32>, vector<1000x1xf32> -> vector<1000x1xf32>
    %get3A_39 = arith.constant 0 : index
    %get3A_40 = arith.constant 0 : index
    %get3A_41 = vector.load %arg8[%get3A_39, %get3A_40] : memref<1x1xf32, #tpu.memory_space<vmem>>, vector<1x1xf32>
    %add3A_42 = vector.broadcast %get3A_41 : vector<1x1xf32> to vector<1000x1xf32>
    %add3A_43 = arith.addf %dot_general3A_38, %add3A_42 : vector<1000x1xf32>
    %logistic3A = arith.negf %add3A_43 : vector<1000x1xf32>
    %logistic3A_44 = math.exp %logistic3A : vector<1000x1xf32>
    %logistic3A_45 = arith.constant 1.000000e+00 : f32
    %logistic3A_46 = vector.broadcast %logistic3A_45 : f32 to vector<1000x1xf32>
    %logistic3A_47 = arith.addf %logistic3A_46, %logistic3A_44 : vector<1000x1xf32>
    %logistic3A_48 = arith.divf %logistic3A_46, %logistic3A_47 : vector<1000x1xf32>
    %swap3A = arith.constant 0 : index
    %swap3A_49 = arith.constant 0 : index
    %swap3A_50 = vector.load %arg9[%swap3A, %swap3A_49] : memref<1000x1xf32, #tpu.memory_space<vmem>>, vector<1000x1xf32>
    tpu.vector_store %arg9[%swap3A, %swap3A_49], %logistic3A_48 {strides = array<i32>} : memref<1000x1xf32, #tpu.memory_space<vmem>>, vector<1000x1xf32>,
    return
  }
  func.func @transform_0(%arg0: i32) -> (i32, i32) {
    %c0_i32 = arith.constant 0 : i32
    %c0_i32_0 = arith.constant 0 : i32
    return %arg0, %c0_i32 : i32, i32
  }
  func.func @transform_1(%arg0: i32) -> (i32, i32) {
    %c0_i32 = arith.constant 0 : i32
    %c0_i32_0 = arith.constant 0 : i32
    return %arg0, %c0_i32 : i32, i32
  }
  func.func @transform_2(%arg0: i32) -> (i32, i32) {
    %c0_i32 = arith.constant 0 : i32
    %c0_i32_0 = arith.constant 0 : i32
    return %arg0, %c0_i32 : i32, i32
  }
  func.func @transform_3(%arg0: i32) -> (i32, i32) {
    %c0_i32 = arith.constant 0 : i32
    %c0_i32_0 = arith.constant 0 : i32
    %c0_i32_1 = arith.constant 0 : i32
    return %c0_i32, %c0_i32_0 : i32, i32
  }
  func.func @transform_4(%arg0: i32) -> (i32, i32) {
    %c0_i32 = arith.constant 0 : i32
    %c0_i32_0 = arith.constant 0 : i32
    %c0_i32_1 = arith.constant 0 : i32
    return %c0_i32, %c0_i32_0 : i32, i32
  }
  func.func @transform_5(%arg0: i32) -> (i32, i32) {
    %c0_i32 = arith.constant 0 : i32
    %c0_i32_0 = arith.constant 0 : i32
    %c0_i32_1 = arith.constant 0 : i32
    return %c0_i32, %c0_i32_0 : i32, i32
  }
  func.func @transform_6(%arg0: i32) -> (i32, i32) {
    %c0_i32 = arith.constant 0 : i32
    %c0_i32_0 = arith.constant 0 : i32
    %c0_i32_1 = arith.constant 0 : i32
    return %c0_i32, %c0_i32_0 : i32, i32
  }
  func.func @transform_7(%arg0: i32) -> (i32, i32) {
    %c0_i32 = arith.constant 0 : i32
    %c0_i32_0 = arith.constant 0 : i32
    %c0_i32_1 = arith.constant 0 : i32
    return %c0_i32, %c0_i32_0 : i32, i32
  }
  func.func @transform_8(%arg0: i32) -> (i32, i32) {
    %c0_i32 = arith.constant 0 : i32
    %c0_i32_0 = arith.constant 0 : i32
    return %arg0, %c0_i32 : i32, i32
  }
}

</mosaic_0001>

<sc_bundles>
// kernel: kernel.11.cloned.1.call-start
scs
__scs_entry_jumppad:
0x0: {  	(pc) =	sbr.rel $0x88, $3  }
0x1: {  	(tag) =	ssettag $0x0;
	lr =	simm.s32 $0x1  }
0x2: {  	[smem:$0x3F97] =	sst lr;
	_ =	strace $0xD0000000  }
0x3: {  	_ = 	snop  }
0x4: {  	_ = 	snop  }
0x5: {  	_ = 	snop  }
0x6: {  	_ = 	snop  }
0x7: {  	_ = 	snop  }
__scs_overlays_trampoline_lowered:
0x8: {  	[smem:$0x3FA6] =	sst s0  }
0x9: {  	[smem:$0x3FA7] =	sst s1  }
0xa: {  	[smem:$0x3FA8] =	sst s2  }
0xb: {  	[smem:$0x3FA9] =	sst s3  }
0xc: {  	[smem:$0x3FAA] =	sst s4  }
0xd: {  	[smem:$0x3FAB] =	sst s5  }
0xe: {  	[smem:$0x3FAC] =	sst s6  }
0xf: {  	[smem:$0x3FAD] =	sst s7  }
0x10: {  	[smem:$0x3FAE] =	sst s8  }
0x11: {  	[smem:$0x3FAF] =	sst s9;
	s0 =	simm.s32 @!p0 $0x0  }
0x12: {  	s1 =	sld [smem:$0x3F95];
	s0 =	simm.s32 @p0 $0x1  }
0x13: {  	[smem:$0x3FB0] =	sst s0;
	s0 =	simm.s32 @!p1 $0x0  }
0x14: {  	s2 =	sld [smem:$0x3F94];
	s0 =	simm.s32 @p1 $0x1  }
0x15: {  	[smem:$0x3FB1] =	sst s0;
	s0 =	simm.s32 @!p2 $0x0  }
0x16: {  	s3 =	sld [smem:$0x3FDB];
	s0 =	simm.s32 @p2 $0x1  }
0x17: {  	s4 =	simm.s32 $0x1BF5;
	[smem:$0x3FB3] =	sst s0  }
0x18: {  	s0 =	sld [smem:$0x3F96];
	_ =	swait.ge [sflag:s4], $0x0  }
0x19: {  	s7 =	sld [smem:$0x3F97]  }
0x1a: {  	s8 =	sadd.s32 $0xFFFFE003, lr  }
0x1b: {  	s9 =	sadd.s32 $0xFFFFFEF7, lr;
	s5 =	simm.s32 $0xFFFFFFFF;
	p2 =	slt.u32 s8, $0xFFFFF086  }
0x1c: {  	p1 =	slt.u32 s9, $0xF7A;
	s5 =	simm.s32 @!p2 $0x0  }
0x1d: {  	s5 =	simm.s32 @p1 $0x1;
	p0 =	seq.s32 s7, s2  }
0x1e: {  	s7 =	smul.u32 @!p0 $0xF7A, s2;
	p2 =	seq.s32 @!p0 s5, $0x0  }
0x1f: {  	s9 =	smul.u32 $0xF7A, s1;
	s8 =	simm.s32 @!p0 $0x1BF5;
	p2 =	por !p2, p0  }
0x20: {  	[sflag:s8] =	ssyncset.s32 @!p0 $0xFFFFF086;
	s6 =	sadd.s32 @!p0 s3, s7;
	s7 =	simm.s32 @!p0 $0x108  }
0x21: {  	s3 =	sadd.s32 s3, s9;
	s6 =	sadd.s32 @!p0 $0x88, s6;
	s7 =	simm.s32 @p2 $0x1082  }
0x22: {  	[simem:s7], [sflag:s8] =	dma.local @!p0 [hbm:s6], $0xF7A  }
0x23: {  	s9 =	sor.u32 $0xD0000000, s2;
	s6 =	simm.s32 $0x108;
	_ =	swait.ge @!p0 [sflag:s8], $0x0  }
0x24: {  	s3 =	sadd.s32 $0x88, s3;
	s6 =	simm.s32 @!p1 $0x1082;
	[sflag:s4] =	ssyncset.s32 $0xFFFFF086  }
0x25: {  	[simem:s6], [sflag:s4] =	dma.local [hbm:s3], $0xF7A  }
0x26: {  	[smem:$0x3F97] =	sst s1;
	(tag) =	ssettag s2;
	_ =	strace s9  }
0x27: {  	s1 =	sld [smem:$0x3FA7]  }
0x28: {  	s2 =	sld [smem:$0x3FA8]  }
0x29: {  	s4 =	sld [smem:$0x3FAA]  }
0x2a: {  	p0 =	seq.s32 s5, $0x0;
	s5 =	sld [smem:$0x3FAB]  }
0x2b: {  	s6 =	sld [smem:$0x3FAC]  }
0x2c: {  	s7 =	sld [smem:$0x3FAD]  }
0x2d: {  	s3 =	simm.s32 $0x108;
	s8 =	sld [smem:$0x3FAE]  }
0x2e: {  	s3 =	simm.s32 @!p0 $0x1082;
	s9 =	sld [smem:$0x3FAF]  }
0x2f: {  	lr =	sadd.s32 s0, s3;
	s0 =	sld [smem:$0x3FA6]  }
0x30: {  	s3 =	sld [smem:$0x3FA9]  }
0x31: {  	[smem:$0x3FB2] =	sst s10  }
0x32: {  	s10 =	sld [smem:$0x3FB0];
	_ =	sdelay $0x3  }
0x33: {  	p0 =	seq.s32 s10, $0x1;
	s10 =	sld [smem:$0x3FB2];
	_ =	sdelay $0x3  }
0x34: {  	[smem:$0x3FB2] =	sst s10  }
0x35: {  	s10 =	sld [smem:$0x3FB1];
	_ =	sdelay $0x3  }
0x36: {  	p1 =	seq.s32 s10, $0x1;
	s10 =	sld [smem:$0x3FB2];
	_ =	sdelay $0x3  }
0x37: {  	[smem:$0x3FB2] =	sst s10  }
0x38: {  	s10 =	sld [smem:$0x3FB3]  }
0x39: {  	_ = 	snop;
	(pc) =	sbr.ind lr, $3  }
0x3a: {  	_ = 	snop  }
0x3b: {  	_ = 	snop  }
0x3c: {  	p2 =	seq.s32 s10, $0x1;
	s10 =	sld [smem:$0x3FB2]  }
0x3d: {  	_ =	shalt  }
0x3e: {  	_ =	shalt  }
0x3f: {  	_ =	shalt  }
0x40: {  	_ =	shalt  }
0x41: {  	_ =	shalt  }
0x42: {  	_ =	shalt  }
0x43: {  	_ =	shalt  }
0x44: {  	_ =	shalt  }
0x45: {  	_ =	shalt  }
0x46: {  	_ =	shalt  }
0x47: {  	_ =	shalt  }
0x48: {  	_ =	shalt  }
0x49: {  	_ =	shalt  }
0x4a: {  	_ =	shalt  }
0x4b: {  	_ =	shalt  }
0x4c: {  	_ =	shalt  }
0x4d: {  	_ =	shalt  }
0x4e: {  	_ =	shalt  }
0x4f: {  	_ =	shalt  }
0x50: {  	_ =	shalt  }
0x51: {  	_ =	shalt  }
0x52: {  	_ =	shalt  }
0x53: {  	_ =	shalt  }
0x54: {  	_ =	shalt  }
0x55: {  	_ =	shalt  }
0x56: {  	_ =	shalt  }
0x57: {  	_ =	shalt  }
0x58: {  	_ =	shalt  }
0x59: {  	_ =	shalt  }
0x5a: {  	_ =	shalt  }
0x5b: {  	_ =	shalt  }
0x5c: {  	_ =	shalt  }
0x5d: {  	_ =	shalt  }
0x5e: {  	_ =	shalt  }
0x5f: {  	_ =	shalt  }
0x60: {  	_ =	shalt  }
0x61: {  	_ =	shalt  }
0x62: {  	_ =	shalt  }
0x63: {  	_ =	shalt  }
0x64: {  	_ =	shalt  }
0x65: {  	_ =	shalt  }
0x66: {  	_ =	shalt  }
0x67: {  	_ =	shalt  }
0x68: {  	_ =	shalt  }
0x69: {  	_ =	shalt  }
0x6a: {  	_ =	shalt  }
0x6b: {  	_ =	shalt  }
0x6c: {  	_ =	shalt  }
0x6d: {  	_ =	shalt  }
0x6e: {  	_ =	shalt  }
0x6f: {  	_ =	shalt  }
0x70: {  	_ =	shalt  }
0x71: {  	_ =	shalt  }
0x72: {  	_ =	shalt  }
0x73: {  	_ =	shalt  }
0x74: {  	_ =	shalt  }
0x75: {  	_ =	shalt  }
0x76: {  	_ =	shalt  }
0x77: {  	_ =	shalt  }
0x78: {  	_ =	shalt  }
0x79: {  	_ =	shalt  }
0x7a: {  	_ =	shalt  }
0x7b: {  	_ =	shalt  }
0x7c: {  	_ =	shalt  }
0x7d: {  	_ =	shalt  }
0x7e: {  	_ =	shalt  }
0x7f: {  	_ =	shalt  }
0x80: {  	_ =	shalt  }
0x81: {  	_ =	shalt  }
0x82: {  	_ =	shalt  }
0x83: {  	_ =	shalt  }
0x84: {  	_ =	shalt  }
0x85: {  	_ =	shalt  }
0x86: {  	_ =	shalt  }
0x87: {  	_ =	shalt  }
.Lfunc_end0:
.L_simem_size_0:
called_computation.1_lowered:
.L_overlay_start_0:
0x88: {  	s2 =	sld [smem:$0x3FD9]  }
0x89: {  	s3 =	sld [smem:$0x3FFE];
	_ =	sdelay $0x1  }
0x8a: {  	s1 =	srdreg.scid  }
0x8b: {  	s0 =	sand.u32 $0x1, s1  }
0x8c: {  	s16 =	sshll.u32 s0, $0xA;
	s2 =	sadd.s32 s3, s2  }
0x8d: {  	s2 =	sadd.s32 s2, s16  }
0x8e: {  	[smem:$0x3FBE] =	sst s2  }
0x8f: {  	_ = 	snop  }
0x90: {  	(tm) =	ssettm $0x1  }
0x91: {  	s17 =	sld [smem:$0x3FFB];
	_ =	sdelay $0x3  }
0x92: {  	_ =	strace s17  }
0x93: {  	s2 =	sld [smem:$0x3FFC];
	_ =	sdelay $0x3  }
0x94: {  	_ =	strace s2  }
0x95: {  	s2 =	sld [smem:$0x3FFD];
	_ =	sdelay $0x3  }
0x96: {  	_ =	strace s2  }
0x97: {  	_ =	strace $0x8FFFFFFF  }
0x98: {  	s18 =	sld [smem:$0x3FDB];
	_ =	sdelay $0x1  }
0x99: {  	s19 =	simm.s32 $_scs_section_size  }
0x9a: {  	s4 =	simm.s32 $_size__tile_overlayer_lowered;
	s5 =	simm.s32 $_tile_overlayer_lowered  }
0x9b: {  	s22 =	simm.s32 $0x1BFF;
	s21 =	sshll.u32 s5, $0x1;
	s2 =	sadd.s32 s19, s18  }
0x9c: {  	s6 =	simm.s32 $0x0;
	s20 =	sshll.u32 s4, $0x1;
	s4 =	sadd.s32 s21, s2  }
0x9d: {  	[timem:s6], [sflag:s22] =	dma.local [hbm:s4], s20  }
0x9e: {  	_ =	swait.ge [sflag:s22], s20  }
0x9f: {  	s3 =	ssub.s32 $0x0, s20;
	[sflag:s22] =	ssyncset.done $0x0  }
0xa0: {  	[sflag:s22] =	ssyncadd.s32 s3;
	_ =	sdelay $0x1  }
0xa1: {  	s23 =	simm.s32 $0x1B8B  }
0xa2: {  	_ =	swait.ge [sflag:s23], $0x1  }
0xa3: {  	[sflag:s23] =	ssyncset.done $0x0  }
0xa4: {  	s25 =	simm.s32 $0x1B8E;
	s24 =	sld [smem:$0x3FFE];
	[sflag:s23] =	ssyncadd.s32 $0xFFFFFFFF  }
0xa5: {  	s26 =	simm.s32 $execute0_lowered;
	[smem:$0x3FD2] =	sst s25  }
0xa6: {  	s4 =	sshll.u32 s26, $0x1;
	_ =	strace $0x80000049;
	[dreg:$0x1] =	wrdreg $0xFFFFFFFF  }
0xa7: {  	s28 =	simm.s32 $_size_execute0_lowered;
	s2 =	sadd.s32 s2, s4;
	[dreg:$0x0] =	wrdreg $0x0  }
0xa8: {  	s4 =	sshll.u32 s28, $0x1;
	[dreg:$0x2] =	wrdreg s2  }
0xa9: {  	[dreg:$0x3] =	wrdreg s4  }
0xaa: {  	[dreg:$0x4] =	wrdreg $0xC0  }
0xab: {  	_ =	task [dreg:s6], $0x5FFFF  }
0xac: {  	[dreg:$0x1] =	wrdreg $0xFFFFFFFF  }
0xad: {  	[dreg:$0x0] =	wrdreg $0x60  }
0xae: {  	[dreg:$0x2] =	wrdreg s24  }
0xaf: {  	[dreg:$0x3] =	wrdreg $0x50000  }
0xb0: {  	[dreg:$0x4] =	wrdreg $0x9  }
0xb1: {  	_ =	task.clear_ibuf [dreg:s6], $0x5FFFF;
	_ =	strace $0x90000049  }
0xb2: {  	s29 =	simm.s32 $0x9;
	_ =	strace $0x8000004B  }
0xb3: {  	_ =	swait.ge [sflag:s29], $0x1  }
0xb4: {  	[sflag:s29] =	ssyncadd.s32 $0xFFFFFFFF  }
0xb5: {  	_ =	strace $0x9000004B  }
0xb6: {  	_ =	sfence  }
0xb7: {  	s30 =	sld [smem:$0x0];
	_ =	sdelay $0x2  }
0xb8: {  	s31 =	sshll.u32 s1, $0xD;
	s1 =	sshrl.u32 s1, $0x2  }
0xb9: {  	s3 =	sand.u32 $0x4000, s31;
	s1 =	sadd.s32 s1, s30  }
0xba: {  	s0 =	sor.u32 s3, s0;
	s1 =	sshll.u32 s1, $0x11  }
0xbb: {  	s0 =	sor.u32 s1, s0  }
0xbc: {  	s0 =	sadd.s32 $0x8F2B, s0  }
0xbd: {  	[sflag:s0] =	ssyncadd.remote.s32 $0x1  }
0xbe: {  	_ =	sfence.sel $0xFFFF  }
0xbf: {  	[dreg:$0x0] =	wrdreg $0xFFFFFFFF;
	(pc) =	sbr.abs _section_cstart, $3  }
0xc0: {  	[dreg:$0x1] =	wrdreg $0xFFFFFFFF  }
0xc1: {  	_ =	task.clear_ibuf [dreg:s6], $0x2FFFF;
	_ =	strace $0x9FFFFFFF  }
0xc2: {  	(tm) =	ssettm $0x7FFFFFFF  }
0xc3: {  	_ =	shalt  }
tec
execute0_lowered:
.L_overlay_start_1:
0x0: {  	(tag) =	ssettag $0x1  }
0x1: {  	s14 =	rddreg [dreg:$0x0]  }
0x2: {  	s2 =	rddreg [dreg:$0x1];
	s3 =	simm.s32 $0x0  }
0x3: {  	s0 =	stileid.u32;
	s5 =	srdreg.scid;
	s21 =	simm.s32 $0x80  }
0x4: {  	s22 =	simm.s32 $0x4500;
	s23 =	simm.s32 $0x1;
	s24 =	simm.s32 $0x4D00  }
0x5: {  	s28 =	simm.s32 $0x4D80;
	s29 =	simm.s32 $0x0;
	s6 =	smul.u32 $0xA00, s0  }
0x6: {  	[smem:$0x7FF] =	sst s3;
	s4 =	sadd.s32 $0x3C00, s14;
	s11 =	smul.u32 $0x2700, s0  }
0x7: {  	s7 =	sand.u32 $0x1, s5;
	s5 =	sadd.s32 $0x2AE00, s14;
	s9 =	smul.u32 $0x4E000, s0  }
0x8: {  	s18 =	sadd.s32 $0x124800, s2;
	s30 =	sadd.s32 $0x28500, s14;
	s10 =	sadd.s32 $0xBC300, s14  }
0x9: {  	s12 =	sadd.s32 $0x4F700, s14;
	p1 =	seq.s32 s0, $0xF;
	_ =	strace $0x8000004A  }
0xa: {  	s8 =	ssub.s32 $0x2, s7;
	p0 =	seq.s32 s7, $0x1;
	[dreg:$0x4] =	wrdreg s30  }
0xb: {  	s19 =	sshll.u32 @!p1 s0, $0x6;
	s18 =	sshrl.u32 @p1 s18, $0x3;
	s17 =	sadd.s32 s6, s14  }
0xc: {  	s13 =	sadd.s32 s11, s14;
	s25 =	sshrl.u32 s8, $0x1;
	s26 =	sshrl.u32 s9, $0x2  }
0xd: {  	s1 =	sadd.s32 s4, s11;
	s11 =	sadd.s32 s5, s11;
	s14 =	sadd.s32 $0xE3500, s14  }
.Ltmp0:
0xe: {  	s19 =	sor.u32 @!p1 $0x1C02, s19;
	s15 =	ssub.s32 s8, s25;
	(pc) =	sbr.rel .LBB2_1-.Ltmp0, $4  }
0xf: {  	s20 =	sadd.s32 s26, s2;
	[dreg:$0x3] =	wrdreg s1;
	s8 =	smul.u32 $0xA0, s0  }
0x10: {  	s31 =	sadd.s32 $0x97A00, s13;
	s13 =	sadd.s32 $0xBEC00, s13;
	s16 =	sadd.s32 $0x8D800, s17  }
0x11: {  	s17 =	sadd.s32 $0x83600, s17;
	s25 =	simm.s32 $0x3;
	s26 =	simm.s32 $0x4580  }
0x12: {  	[dreg:$0x5] =	wrdreg s31;
	s15 =	smax.u32 s15, $0x1;
	s20 =	sshrl.u32 @!p1 s20, $0x3  }
.LBB2_11:
0x13: {  	[bflag:$0x0] =	sbarrier.arrive $0xFFFF;
	s0 =	simm.s32 @p1 $0x1FC2  }
0x14: {  	[hbm:s14], [sflag:s0] =	dma.local @p1 [spmem:s18], $0x2800  }
0x15: {  	s0 =	simm.s32 @p1 $0x2  }
0x16: {  	_ =	swait.ge @p1 [sflag:s0], $0x2800  }
0x17: {  	[sflag:s0] =	ssyncset.done @p1 $0x0  }
0x18: {  	[sflag:s0] =	ssyncadd.s32 @p1 $0xFFFFD800;
	s0 =	simm.s32 @!p1 $0x2  }
0x19: {  	[hbm:s13], [sflag:s19] =	dma.local @!p1 [spmem:s20], $0x2700  }
0x1a: {  	_ =	swait.ge @!p1 [sflag:s0], $0x2700  }
0x1b: {  	[sflag:s0] =	ssyncset.done @!p1 $0x0  }
0x1c: {  	[sflag:s0] =	ssyncadd.s32 @!p1 $0xFFFFD900  }
.LBB2_12:
0x1d: {  	s29 =	sadd.s32 $0x1, s29  }
0x1e: {  	p2 =	sne.s32 s29, s15  }
.Ltmp1:
0x1f: {  	_ = 	snop;
	(pc) =	sbr.rel @!p2 .LBB2_13-.Ltmp1, $1  }
0x20: {  	_ =	sdelay $0x3  }
.LBB2_1:
.Ltmp2:
0x21: {  	(pc) =	sbr.rel @!p0 .LBB2_2-.Ltmp2, $1  }
0x22: {  	_ =	sdelay $0x3  }
0x23: {  	s0 =	simm.s32 @p1 $0x1FC2  }
0x24: {  	[spmem:s18], [sflag:s0] =	dma.local @p1 [hbm:s12], $0x2800  }
0x25: {  	s0 =	simm.s32 @p1 $0x2  }
0x26: {  	_ =	swait.ge @p1 [sflag:s0], $0x2800  }
0x27: {  	[sflag:s0] =	ssyncset.done @p1 $0x0  }
0x28: {  	[sflag:s0] =	ssyncadd.s32 @p1 $0xFFFFD800;
	s0 =	simm.s32 @!p1 $0x2  }
0x29: {  	[spmem:s20], [sflag:s19] =	dma.local @!p1 [hbm:s11], $0x2700  }
.Ltmp3:
0x2a: {  	_ =	swait.ge @!p1 [sflag:s0], $0x2700;
	(pc) =	sbr.rel .LBB2_8-.Ltmp3, $4  }
0x2b: {  	[sflag:s0] =	ssyncset.done @!p1 $0x0  }
0x2c: {  	[sflag:s0] =	ssyncadd.s32 @!p1 $0xFFFFD900  }
0x2d: {  	[bflag:$0x0] =	sbarrier.arrive $0xFFFF  }
0x2e: {  	s30 =	simm.s32 $0x0;
	s31 =	smov.u32 s8  }
.LBB2_10:
0x2f: {  	s30 =	sadd.s32 $0x100, s30  }
0x30: {  	p2 =	sne.s32 s30, $0xA00  }
.Ltmp4:
0x31: {  	_ = 	snop;
	(pc) =	sbr.rel @!p2 .LBB2_11-.Ltmp4, $2  }
0x32: {  	_ =	sdelay $0x2  }
0x33: {  	s31 =	sadd.s32 $0x10, s31  }
.LBB2_8:
0x34: {  	p2 =	sgt.u32 s31, $0x9C3  }
0x35: {  	s0 =	sadd.s32 @!p2 s30, s16;
	s1 =	simm.s32 @!p2 $0x0;
	s6 =	simm.s32 @!p2 $0x4000  }
0x36: {  	[tilespmem:s6], [sflag:$0x3] =	stream.linear.gather @!p2 [hbm4b:s0+s1], $0x800, $0x38;
	[tilespmem:$0x18880] =	vst v63  }
0x37: {  	s0 =	simm.s32 @!p2 $0x3  }
0x38: {  	_ =	swait.ge @!p2 [sflag:s0], $0x800  }
0x39: {  	[sflag:s0] =	ssyncset.done @!p2 $0x0  }
0x3a: {  	s7 =	sadd.s32 @!p2 s30, s17;
	s9 =	simm.s32 @!p2 $0x4800;
	[sflag:s0] =	ssyncadd.s32 @!p2 $0xFFFFF800  }
0x3b: {  	[tilespmem:s9], [sflag:$0x3] =	stream.linear.gather @!p2 [hbm4b:s7+s1], $0x800, $0x38;
	[tilespmem:$0x18880] =	vst v63  }
0x3c: {  	_ =	swait.ge @!p2 [sflag:s0], $0x800  }
0x3d: {  	[sflag:s0] =	ssyncset.done @!p2 $0x0  }
0x3e: {  	s7 =	simm.s32 @!p2 $0x80;
	[sflag:s0] =	ssyncadd.s32 @!p2 $0xFFFFF800  }
0x3f: {  	[tilespmem:s1], [sflag:$0x1] =	stream.indirect.gather @!p2 [hbm4b:s5+s7], $0x80, s6, s7, $0xb8;
	[tilespmem:$0x18880] =	vst v63  }
0x40: {  	s6 =	simm.s32 @!p2 $0x1  }
0x41: {  	_ =	swait.ge @!p2 [sflag:s6], $0x4000  }
0x42: {  	[sflag:s6] =	ssyncset.done @!p2 $0x0  }
0x43: {  	[sflag:s6] =	ssyncadd.s32 @!p2 $0xFFFFC000  }
0x44: {  	[spmem:s2] =	stream.indirect.scatter.add.f32 @!p2 [tilespmem:s1], [sflag:$0x3], $0x80, s9, s7, $0xb8;
	[tilespmem:$0x18880] =	vst v63  }
0x45: {  	_ =	swait.ge @!p2 [sflag:s0], $0x4000  }
0x46: {  	[sflag:s0] =	ssyncset.done @!p2 $0x0  }
0x47: {  	s9 =	simm.s32 @!p2 $0x4080;
	[sflag:s0] =	ssyncadd.s32 @!p2 $0xFFFFC000  }
0x48: {  	[tilespmem:s1], [sflag:$0x1] =	stream.indirect.gather @!p2 [hbm4b:s5+s7], $0x80, s9, s7, $0xb8;
	[tilespmem:$0x18880] =	vst v63  }
0x49: {  	_ =	swait.ge @!p2 [sflag:s6], $0x4000  }
0x4a: {  	[sflag:s6] =	ssyncset.done @!p2 $0x0  }
0x4b: {  	[sflag:s6] =	ssyncadd.s32 @!p2 $0xFFFFC000;
	s6 =	simm.s32 @!p2 $0x4880  }
0x4c: {  	[spmem:s2] =	stream.indirect.scatter.add.f32 @!p2 [tilespmem:s1], [sflag:$0x3], $0x80, s6, s7, $0xb8;
	[tilespmem:$0x18880] =	vst v63  }
0x4d: {  	_ =	swait.ge @!p2 [sflag:s0], $0x4000  }
0x4e: {  	p3 =	sgt.u32 @!p2 s31, $0x9C1;
	[sflag:s0] =	ssyncset.done @!p2 $0x0  }
0x4f: {  	[sflag:s0] =	ssyncadd.s32 @!p2 $0xFFFFC000;
	p2 =	por p2, p3  }
0x50: {  	s0 =	simm.s32 @!p2 $0x80;
	s1 =	simm.s32 @!p2 $0x4100;
	s6 =	simm.s32 @!p2 $0x0  }
0x51: {  	[tilespmem:s6], [sflag:$0x1] =	stream.indirect.gather @!p2 [hbm4b:s5+s0], $0x80, s1, s0, $0xb8;
	[tilespmem:$0x18880] =	vst v63  }
0x52: {  	s1 =	simm.s32 @!p2 $0x1  }
0x53: {  	_ =	swait.ge @!p2 [sflag:s1], $0x4000  }
0x54: {  	[sflag:s1] =	ssyncset.done @!p2 $0x0  }
0x55: {  	s7 =	simm.s32 @!p2 $0x4900;
	[sflag:s1] =	ssyncadd.s32 @!p2 $0xFFFFC000  }
0x56: {  	[spmem:s2] =	stream.indirect.scatter.add.f32 @!p2 [tilespmem:s6], [sflag:$0x3], $0x80, s7, s0, $0xb8;
	[tilespmem:$0x18880] =	vst v63  }
0x57: {  	s7 =	simm.s32 @!p2 $0x3  }
0x58: {  	_ =	swait.ge @!p2 [sflag:s7], $0x4000  }
0x59: {  	[sflag:s7] =	ssyncset.done @!p2 $0x0  }
0x5a: {  	s9 =	simm.s32 @!p2 $0x4180;
	[sflag:s7] =	ssyncadd.s32 @!p2 $0xFFFFC000  }
0x5b: {  	[tilespmem:s6], [sflag:$0x1] =	stream.indirect.gather @!p2 [hbm4b:s5+s0], $0x80, s9, s0, $0xb8;
	[tilespmem:$0x18880] =	vst v63  }
0x5c: {  	_ =	swait.ge @!p2 [sflag:s1], $0x4000  }
0x5d: {  	[sflag:s1] =	ssyncset.done @!p2 $0x0  }
0x5e: {  	[sflag:s1] =	ssyncadd.s32 @!p2 $0xFFFFC000;
	s1 =	simm.s32 @!p2 $0x4980  }
0x5f: {  	[spmem:s2] =	stream.indirect.scatter.add.f32 @!p2 [tilespmem:s6], [sflag:$0x3], $0x80, s1, s0, $0xb8;
	[tilespmem:$0x18880] =	vst v63  }
0x60: {  	_ =	swait.ge @!p2 [sflag:s7], $0x4000  }
0x61: {  	p3 =	sgt.u32 @!p2 s31, $0x9BF;
	[sflag:s7] =	ssyncset.done @!p2 $0x0  }
0x62: {  	[sflag:s7] =	ssyncadd.s32 @!p2 $0xFFFFC000;
	p2 =	por p2, p3  }
0x63: {  	s0 =	simm.s32 @!p2 $0x80;
	s1 =	simm.s32 @!p2 $0x4200;
	s6 =	simm.s32 @!p2 $0x0  }
0x64: {  	[tilespmem:s6], [sflag:$0x1] =	stream.indirect.gather @!p2 [hbm4b:s5+s0], $0x80, s1, s0, $0xb8;
	[tilespmem:$0x18880] =	vst v63  }
0x65: {  	s1 =	simm.s32 @!p2 $0x1  }
0x66: {  	_ =	swait.ge @!p2 [sflag:s1], $0x4000  }
0x67: {  	[sflag:s1] =	ssyncset.done @!p2 $0x0  }
0x68: {  	s7 =	simm.s32 @!p2 $0x4A00;
	[sflag:s1] =	ssyncadd.s32 @!p2 $0xFFFFC000  }
0x69: {  	[spmem:s2] =	stream.indirect.scatter.add.f32 @!p2 [tilespmem:s6], [sflag:$0x3], $0x80, s7, s0, $0xb8;
	[tilespmem:$0x18880] =	vst v63  }
0x6a: {  	s7 =	simm.s32 @!p2 $0x3  }
0x6b: {  	_ =	swait.ge @!p2 [sflag:s7], $0x4000  }
0x6c: {  	[sflag:s7] =	ssyncset.done @!p2 $0x0  }
0x6d: {  	s9 =	simm.s32 @!p2 $0x4280;
	[sflag:s7] =	ssyncadd.s32 @!p2 $0xFFFFC000  }
0x6e: {  	[tilespmem:s6], [sflag:$0x1] =	stream.indirect.gather @!p2 [hbm4b:s5+s0], $0x80, s9, s0, $0xb8;
	[tilespmem:$0x18880] =	vst v63  }
0x6f: {  	_ =	swait.ge @!p2 [sflag:s1], $0x4000  }
0x70: {  	[sflag:s1] =	ssyncset.done @!p2 $0x0  }
0x71: {  	[sflag:s1] =	ssyncadd.s32 @!p2 $0xFFFFC000;
	s1 =	simm.s32 @!p2 $0x4A80  }
0x72: {  	[spmem:s2] =	stream.indirect.scatter.add.f32 @!p2 [tilespmem:s6], [sflag:$0x3], $0x80, s1, s0, $0xb8;
	[tilespmem:$0x18880] =	vst v63  }
0x73: {  	_ =	swait.ge @!p2 [sflag:s7], $0x4000  }
0x74: {  	p3 =	sgt.u32 @!p2 s31, $0x9BD;
	[sflag:s7] =	ssyncset.done @!p2 $0x0  }
0x75: {  	[sflag:s7] =	ssyncadd.s32 @!p2 $0xFFFFC000;
	p2 =	por p2, p3  }
0x76: {  	s0 =	simm.s32 @!p2 $0x80;
	s1 =	simm.s32 @!p2 $0x4300;
	s6 =	simm.s32 @!p2 $0x0  }
0x77: {  	[tilespmem:s6], [sflag:$0x1] =	stream.indirect.gather @!p2 [hbm4b:s5+s0], $0x80, s1, s0, $0xb8;
	[tilespmem:$0x18880] =	vst v63  }
0x78: {  	s1 =	simm.s32 @!p2 $0x1  }
0x79: {  	_ =	swait.ge @!p2 [sflag:s1], $0x4000  }
0x7a: {  	[sflag:s1] =	ssyncset.done @!p2 $0x0  }
0x7b: {  	s7 =	simm.s32 @!p2 $0x4B00;
	[sflag:s1] =	ssyncadd.s32 @!p2 $0xFFFFC000  }
0x7c: {  	[spmem:s2] =	stream.indirect.scatter.add.f32 @!p2 [tilespmem:s6], [sflag:$0x3], $0x80, s7, s0, $0xb8;
	[tilespmem:$0x18880] =	vst v63  }
0x7d: {  	s7 =	simm.s32 @!p2 $0x3  }
0x7e: {  	_ =	swait.ge @!p2 [sflag:s7], $0x4000  }
0x7f: {  	[sflag:s7] =	ssyncset.done @!p2 $0x0  }
0x80: {  	s9 =	simm.s32 @!p2 $0x4380;
	[sflag:s7] =	ssyncadd.s32 @!p2 $0xFFFFC000  }
0x81: {  	[tilespmem:s6], [sflag:$0x1] =	stream.indirect.gather @!p2 [hbm4b:s5+s0], $0x80, s9, s0, $0xb8;
	[tilespmem:$0x18880] =	vst v63  }
0x82: {  	_ =	swait.ge @!p2 [sflag:s1], $0x4000  }
0x83: {  	[sflag:s1] =	ssyncset.done @!p2 $0x0  }
0x84: {  	[sflag:s1] =	ssyncadd.s32 @!p2 $0xFFFFC000;
	s1 =	simm.s32 @!p2 $0x4B80  }
0x85: {  	[spmem:s2] =	stream.indirect.scatter.add.f32 @!p2 [tilespmem:s6], [sflag:$0x3], $0x80, s1, s0, $0xb8;
	[tilespmem:$0x18880] =	vst v63  }
0x86: {  	_ =	swait.ge @!p2 [sflag:s7], $0x4000  }
0x87: {  	p3 =	sgt.u32 @!p2 s31, $0x9BB;
	[sflag:s7] =	ssyncset.done @!p2 $0x0  }
0x88: {  	[sflag:s7] =	ssyncadd.s32 @!p2 $0xFFFFC000;
	p2 =	por p2, p3  }
0x89: {  	s0 =	simm.s32 @!p2 $0x80;
	s1 =	simm.s32 @!p2 $0x4400;
	s6 =	simm.s32 @!p2 $0x0  }
0x8a: {  	[tilespmem:s6], [sflag:$0x1] =	stream.indirect.gather @!p2 [hbm4b:s5+s0], $0x80, s1, s0, $0xb8;
	[tilespmem:$0x18880] =	vst v63  }
0x8b: {  	s1 =	simm.s32 @!p2 $0x1  }
0x8c: {  	_ =	swait.ge @!p2 [sflag:s1], $0x4000  }
0x8d: {  	[sflag:s1] =	ssyncset.done @!p2 $0x0  }
0x8e: {  	s7 =	simm.s32 @!p2 $0x4C00;
	[sflag:s1] =	ssyncadd.s32 @!p2 $0xFFFFC000  }
0x8f: {  	[spmem:s2] =	stream.indirect.scatter.add.f32 @!p2 [tilespmem:s6], [sflag:$0x3], $0x80, s7, s0, $0xb8;
	[tilespmem:$0x18880] =	vst v63  }
0x90: {  	s7 =	simm.s32 @!p2 $0x3  }
0x91: {  	_ =	swait.ge @!p2 [sflag:s7], $0x4000  }
0x92: {  	[sflag:s7] =	ssyncset.done @!p2 $0x0  }
0x93: {  	s9 =	simm.s32 @!p2 $0x4480;
	[sflag:s7] =	ssyncadd.s32 @!p2 $0xFFFFC000  }
0x94: {  	[tilespmem:s6], [sflag:$0x1] =	stream.indirect.gather @!p2 [hbm4b:s5+s0], $0x80, s9, s0, $0xb8;
	[tilespmem:$0x18880] =	vst v63  }
0x95: {  	p3 =	sgt.u32 @!p2 s31, $0x9B9;
	_ =	swait.ge @!p2 [sflag:s1], $0x4000  }
0x96: {  	p3 =	por p2, p3;
	[sflag:s1] =	ssyncset.done @!p2 $0x0  }
.Ltmp5:
0x97: {  	[sflag:s1] =	ssyncadd.s32 @!p2 $0xFFFFC000;
	s1 =	simm.s32 @!p2 $0x4C80;
	(pc) =	sbr.rel @p3 .LBB2_10-.Ltmp5, $4  }
0x98: {  	[spmem:s2] =	stream.indirect.scatter.add.f32 @!p2 [tilespmem:s6], [sflag:$0x3], $0x80, s1, s0, $0xb8;
	[tilespmem:$0x18880] =	vst v63  }
0x99: {  	_ =	swait.ge @!p2 [sflag:s7], $0x4000  }
0x9a: {  	[sflag:s7] =	ssyncset.done @!p2 $0x0  }
0x9b: {  	[sflag:s7] =	ssyncadd.s32 @!p2 $0xFFFFC000  }
0x9c: {  	[tilespmem:s3], [sflag:$0x1] =	stream.indirect.gather [hbm4b:s5+s21], $0x80, s22, s21, $0xb8;
	[tilespmem:$0x18880] =	vst v63  }
0x9d: {  	_ =	swait.ge [sflag:s23], $0x4000  }
0x9e: {  	[sflag:s23] =	ssyncset.done $0x0  }
0x9f: {  	[sflag:s23] =	ssyncadd.s32 $0xFFFFC000  }
0xa0: {  	[spmem:s2] =	stream.indirect.scatter.add.f32 [tilespmem:s3], [sflag:$0x3], $0x80, s24, s21, $0xb8;
	[tilespmem:$0x18880] =	vst v63  }
0xa1: {  	_ =	swait.ge [sflag:s25], $0x4000  }
0xa2: {  	[sflag:s25] =	ssyncset.done $0x0  }
0xa3: {  	[sflag:s25] =	ssyncadd.s32 $0xFFFFC000  }
0xa4: {  	[tilespmem:s3], [sflag:$0x1] =	stream.indirect.gather [hbm4b:s5+s21], $0x80, s26, s21, $0xb8;
	[tilespmem:$0x18880] =	vst v63  }
0xa5: {  	_ =	swait.ge [sflag:s23], $0x4000  }
0xa6: {  	[sflag:s23] =	ssyncset.done $0x0  }
0xa7: {  	[sflag:s23] =	ssyncadd.s32 $0xFFFFC000  }
0xa8: {  	[spmem:s2] =	stream.indirect.scatter.add.f32 [tilespmem:s3], [sflag:$0x3], $0x80, s28, s21, $0xb8;
	[tilespmem:$0x18880] =	vst v63  }
0xa9: {  	p2 =	sgt.u32 s31, $0x9B7;
	_ =	swait.ge [sflag:s25], $0x4000  }
0xaa: {  	s0 =	simm.s32 @!p2 $0x80;
	[sflag:s25] =	ssyncset.done $0x0  }
0xab: {  	s1 =	simm.s32 @!p2 $0x4600;
	s6 =	simm.s32 @!p2 $0x0;
	[sflag:s25] =	ssyncadd.s32 $0xFFFFC000  }
0xac: {  	[tilespmem:s6], [sflag:$0x1] =	stream.indirect.gather @!p2 [hbm4b:s5+s0], $0x80, s1, s0, $0xb8;
	[tilespmem:$0x18880] =	vst v63  }
0xad: {  	s1 =	simm.s32 @!p2 $0x1  }
0xae: {  	_ =	swait.ge @!p2 [sflag:s1], $0x4000  }
0xaf: {  	[sflag:s1] =	ssyncset.done @!p2 $0x0  }
0xb0: {  	s7 =	simm.s32 @!p2 $0x4E00;
	[sflag:s1] =	ssyncadd.s32 @!p2 $0xFFFFC000  }
0xb1: {  	[spmem:s2] =	stream.indirect.scatter.add.f32 @!p2 [tilespmem:s6], [sflag:$0x3], $0x80, s7, s0, $0xb8;
	[tilespmem:$0x18880] =	vst v63  }
0xb2: {  	s7 =	simm.s32 @!p2 $0x3  }
0xb3: {  	_ =	swait.ge @!p2 [sflag:s7], $0x4000  }
0xb4: {  	[sflag:s7] =	ssyncset.done @!p2 $0x0  }
0xb5: {  	s9 =	simm.s32 @!p2 $0x4680;
	[sflag:s7] =	ssyncadd.s32 @!p2 $0xFFFFC000  }
0xb6: {  	[tilespmem:s6], [sflag:$0x1] =	stream.indirect.gather @!p2 [hbm4b:s5+s0], $0x80, s9, s0, $0xb8;
	[tilespmem:$0x18880] =	vst v63  }
0xb7: {  	_ =	swait.ge @!p2 [sflag:s1], $0x4000  }
0xb8: {  	[sflag:s1] =	ssyncset.done @!p2 $0x0  }
0xb9: {  	[sflag:s1] =	ssyncadd.s32 @!p2 $0xFFFFC000;
	s1 =	simm.s32 @!p2 $0x4E80  }
0xba: {  	[spmem:s2] =	stream.indirect.scatter.add.f32 @!p2 [tilespmem:s6], [sflag:$0x3], $0x80, s1, s0, $0xb8;
	[tilespmem:$0x18880] =	vst v63  }
0xbb: {  	_ =	swait.ge @!p2 [sflag:s7], $0x4000  }
0xbc: {  	p3 =	sgt.u32 @!p2 s31, $0x9B5;
	[sflag:s7] =	ssyncset.done @!p2 $0x0  }
0xbd: {  	[sflag:s7] =	ssyncadd.s32 @!p2 $0xFFFFC000;
	p2 =	por p3, p2  }
0xbe: {  	s0 =	simm.s32 @!p2 $0x80;
	s1 =	simm.s32 @!p2 $0x4700;
	s6 =	simm.s32 @!p2 $0x0  }
0xbf: {  	[tilespmem:s6], [sflag:$0x1] =	stream.indirect.gather @!p2 [hbm4b:s5+s0], $0x80, s1, s0, $0xb8;
	[tilespmem:$0x18880] =	vst v63  }
0xc0: {  	s1 =	simm.s32 @!p2 $0x1  }
0xc1: {  	_ =	swait.ge @!p2 [sflag:s1], $0x4000  }
0xc2: {  	[sflag:s1] =	ssyncset.done @!p2 $0x0  }
0xc3: {  	s7 =	simm.s32 @!p2 $0x4F00;
	[sflag:s1] =	ssyncadd.s32 @!p2 $0xFFFFC000  }
0xc4: {  	[spmem:s2] =	stream.indirect.scatter.add.f32 @!p2 [tilespmem:s6], [sflag:$0x3], $0x80, s7, s0, $0xb8;
	[tilespmem:$0x18880] =	vst v63  }
0xc5: {  	s7 =	simm.s32 @!p2 $0x3  }
0xc6: {  	_ =	swait.ge @!p2 [sflag:s7], $0x4000  }
0xc7: {  	[sflag:s7] =	ssyncset.done @!p2 $0x0  }
0xc8: {  	[sflag:s7] =	ssyncadd.s32 @!p2 $0xFFFFC000;
	s7 =	simm.s32 @!p2 $0x4780  }
0xc9: {  	[tilespmem:s6], [sflag:$0x1] =	stream.indirect.gather @!p2 [hbm4b:s5+s0], $0x80, s7, s0, $0xb8;
	[tilespmem:$0x18880] =	vst v63  }
0xca: {  	_ =	swait.ge @!p2 [sflag:s1], $0x4000  }
0xcb: {  	[sflag:s1] =	ssyncset.done @!p2 $0x0  }
0xcc: {  	[sflag:s1] =	ssyncadd.s32 @!p2 $0xFFFFC000;
	s1 =	simm.s32 @!p2 $0x4F80  }
0xcd: {  	[spmem:s2] =	stream.indirect.scatter.add.f32 @!p2 [tilespmem:s6], [sflag:$0x2], $0x80, s1, s0, $0xb8;
	[tilespmem:$0x18880] =	vst v63  }
.Ltmp6:
0xce: {  	_ = 	snop;
	(pc) =	sbr.rel .LBB2_10-.Ltmp6, $4  }
0xcf: {  	s0 =	simm.s32 @!p2 $0x2  }
0xd0: {  	_ =	swait.ge @!p2 [sflag:s0], $0x4000  }
0xd1: {  	[sflag:s0] =	ssyncset.done @!p2 $0x0  }
0xd2: {  	[sflag:s0] =	ssyncadd.s32 @!p2 $0xFFFFC000  }
.LBB2_2:
0xd3: {  	s30 =	simm.s32 @p1 $0x1FC2;
	s0 =	rddreg [dreg:$0x4]  }
0xd4: {  	[spmem:s18], [sflag:s30] =	dma.local @p1 [hbm:s0], $0x2800  }
0xd5: {  	s30 =	simm.s32 @p1 $0x2  }
0xd6: {  	_ =	swait.ge @p1 [sflag:s30], $0x2800  }
0xd7: {  	[sflag:s30] =	ssyncset.done @p1 $0x0  }
0xd8: {  	s0 =	rddreg [dreg:$0x3];
	[sflag:s30] =	ssyncadd.s32 @p1 $0xFFFFD800;
	s30 =	simm.s32 @!p1 $0x2  }
0xd9: {  	[spmem:s20], [sflag:s19] =	dma.local @!p1 [hbm:s0], $0x2700  }
.Ltmp7:
0xda: {  	_ =	swait.ge @!p1 [sflag:s30], $0x2700;
	(pc) =	sbr.rel .LBB2_3-.Ltmp7, $4  }
0xdb: {  	[sflag:s30] =	ssyncset.done @!p1 $0x0  }
0xdc: {  	[sflag:s30] =	ssyncadd.s32 @!p1 $0xFFFFD900  }
0xdd: {  	[bflag:$0x0] =	sbarrier.arrive $0xFFFF  }
0xde: {  	s31 =	smov.u32 s8;
	s30 =	simm.s32 $0x0  }
.LBB2_5:
0xdf: {  	s30 =	sadd.s32 $0x100, s30  }
0xe0: {  	p2 =	sne.s32 s30, $0xA00  }
.Ltmp8:
0xe1: {  	_ = 	snop;
	(pc) =	sbr.rel @!p2 .LBB2_6-.Ltmp8, $2  }
0xe2: {  	_ =	sdelay $0x2  }
0xe3: {  	s31 =	sadd.s32 $0x10, s31  }
.LBB2_3:
0xe4: {  	p2 =	sgt.u32 s31, $0x9C3  }
0xe5: {  	s0 =	sadd.s32 @!p2 s30, s16;
	s1 =	simm.s32 @!p2 $0x0;
	s6 =	simm.s32 @!p2 $0x4000  }
0xe6: {  	[tilespmem:s6], [sflag:$0x3] =	stream.linear.gather @!p2 [hbm4b:s0+s1], $0x800, $0x38;
	[tilespmem:$0x18880] =	vst v63  }
0xe7: {  	s0 =	simm.s32 @!p2 $0x3  }
0xe8: {  	_ =	swait.ge @!p2 [sflag:s0], $0x800  }
0xe9: {  	[sflag:s0] =	ssyncset.done @!p2 $0x0  }
0xea: {  	s7 =	sadd.s32 @!p2 s30, s17;
	s9 =	simm.s32 @!p2 $0x4800;
	[sflag:s0] =	ssyncadd.s32 @!p2 $0xFFFFF800  }
0xeb: {  	[tilespmem:s9], [sflag:$0x3] =	stream.linear.gather @!p2 [hbm4b:s7+s1], $0x800, $0x38;
	[tilespmem:$0x18880] =	vst v63  }
0xec: {  	_ =	swait.ge @!p2 [sflag:s0], $0x800  }
0xed: {  	[sflag:s0] =	ssyncset.done @!p2 $0x0  }
0xee: {  	s7 =	simm.s32 @!p2 $0x80;
	[sflag:s0] =	ssyncadd.s32 @!p2 $0xFFFFF800  }
0xef: {  	[tilespmem:s1], [sflag:$0x1] =	stream.indirect.gather @!p2 [hbm4b:s4+s7], $0x80, s6, s7, $0xb8;
	[tilespmem:$0x18880] =	vst v63  }
0xf0: {  	s6 =	simm.s32 @!p2 $0x1  }
0xf1: {  	_ =	swait.ge @!p2 [sflag:s6], $0x4000  }
0xf2: {  	[sflag:s6] =	ssyncset.done @!p2 $0x0  }
0xf3: {  	[sflag:s6] =	ssyncadd.s32 @!p2 $0xFFFFC000  }
0xf4: {  	[spmem:s2] =	stream.indirect.scatter.add.f32 @!p2 [tilespmem:s1], [sflag:$0x3], $0x80, s9, s7, $0xb8;
	[tilespmem:$0x18880] =	vst v63  }
0xf5: {  	_ =	swait.ge @!p2 [sflag:s0], $0x4000  }
0xf6: {  	[sflag:s0] =	ssyncset.done @!p2 $0x0  }
0xf7: {  	s9 =	simm.s32 @!p2 $0x4080;
	[sflag:s0] =	ssyncadd.s32 @!p2 $0xFFFFC000  }
0xf8: {  	[tilespmem:s1], [sflag:$0x1] =	stream.indirect.gather @!p2 [hbm4b:s4+s7], $0x80, s9, s7, $0xb8;
	[tilespmem:$0x18880] =	vst v63  }
0xf9: {  	_ =	swait.ge @!p2 [sflag:s6], $0x4000  }
0xfa: {  	[sflag:s6] =	ssyncset.done @!p2 $0x0  }
0xfb: {  	[sflag:s6] =	ssyncadd.s32 @!p2 $0xFFFFC000;
	s6 =	simm.s32 @!p2 $0x4880  }
0xfc: {  	[spmem:s2] =	stream.indirect.scatter.add.f32 @!p2 [tilespmem:s1], [sflag:$0x3], $0x80, s6, s7, $0xb8;
	[tilespmem:$0x18880] =	vst v63  }
0xfd: {  	_ =	swait.ge @!p2 [sflag:s0], $0x4000  }
0xfe: {  	p3 =	sgt.u32 @!p2 s31, $0x9C1;
	[sflag:s0] =	ssyncset.done @!p2 $0x0  }
0xff: {  	[sflag:s0] =	ssyncadd.s32 @!p2 $0xFFFFC000;
	p2 =	por p2, p3  }
0x100: {  	s0 =	simm.s32 @!p2 $0x80;
	s1 =	simm.s32 @!p2 $0x4100;
	s6 =	simm.s32 @!p2 $0x0  }
0x101: {  	[tilespmem:s6], [sflag:$0x1] =	stream.indirect.gather @!p2 [hbm4b:s4+s0], $0x80, s1, s0, $0xb8;
	[tilespmem:$0x18880] =	vst v63  }
0x102: {  	s1 =	simm.s32 @!p2 $0x1  }
0x103: {  	_ =	swait.ge @!p2 [sflag:s1], $0x4000  }
0x104: {  	[sflag:s1] =	ssyncset.done @!p2 $0x0  }
0x105: {  	s7 =	simm.s32 @!p2 $0x4900;
	[sflag:s1] =	ssyncadd.s32 @!p2 $0xFFFFC000  }
0x106: {  	[spmem:s2] =	stream.indirect.scatter.add.f32 @!p2 [tilespmem:s6], [sflag:$0x3], $0x80, s7, s0, $0xb8;
	[tilespmem:$0x18880] =	vst v63  }
0x107: {  	s7 =	simm.s32 @!p2 $0x3  }
0x108: {  	_ =	swait.ge @!p2 [sflag:s7], $0x4000  }
0x109: {  	[sflag:s7] =	ssyncset.done @!p2 $0x0  }
0x10a: {  	s9 =	simm.s32 @!p2 $0x4180;
	[sflag:s7] =	ssyncadd.s32 @!p2 $0xFFFFC000  }
0x10b: {  	[tilespmem:s6], [sflag:$0x1] =	stream.indirect.gather @!p2 [hbm4b:s4+s0], $0x80, s9, s0, $0xb8;
	[tilespmem:$0x18880] =	vst v63  }
0x10c: {  	_ =	swait.ge @!p2 [sflag:s1], $0x4000  }
0x10d: {  	[sflag:s1] =	ssyncset.done @!p2 $0x0  }
0x10e: {  	[sflag:s1] =	ssyncadd.s32 @!p2 $0xFFFFC000;
	s1 =	simm.s32 @!p2 $0x4980  }
0x10f: {  	[spmem:s2] =	stream.indirect.scatter.add.f32 @!p2 [tilespmem:s6], [sflag:$0x3], $0x80, s1, s0, $0xb8;
	[tilespmem:$0x18880] =	vst v63  }
0x110: {  	_ =	swait.ge @!p2 [sflag:s7], $0x4000  }
0x111: {  	p3 =	sgt.u32 @!p2 s31, $0x9BF;
	[sflag:s7] =	ssyncset.done @!p2 $0x0  }
0x112: {  	[sflag:s7] =	ssyncadd.s32 @!p2 $0xFFFFC000;
	p2 =	por p2, p3  }
0x113: {  	s0 =	simm.s32 @!p2 $0x80;
	s1 =	simm.s32 @!p2 $0x4200;
	s6 =	simm.s32 @!p2 $0x0  }
0x114: {  	[tilespmem:s6], [sflag:$0x1] =	stream.indirect.gather @!p2 [hbm4b:s4+s0], $0x80, s1, s0, $0xb8;
	[tilespmem:$0x18880] =	vst v63  }
0x115: {  	s1 =	simm.s32 @!p2 $0x1  }
0x116: {  	_ =	swait.ge @!p2 [sflag:s1], $0x4000  }
0x117: {  	[sflag:s1] =	ssyncset.done @!p2 $0x0  }
0x118: {  	s7 =	simm.s32 @!p2 $0x4A00;
	[sflag:s1] =	ssyncadd.s32 @!p2 $0xFFFFC000  }
0x119: {  	[spmem:s2] =	stream.indirect.scatter.add.f32 @!p2 [tilespmem:s6], [sflag:$0x3], $0x80, s7, s0, $0xb8;
	[tilespmem:$0x18880] =	vst v63  }
0x11a: {  	s7 =	simm.s32 @!p2 $0x3  }
0x11b: {  	_ =	swait.ge @!p2 [sflag:s7], $0x4000  }
0x11c: {  	[sflag:s7] =	ssyncset.done @!p2 $0x0  }
0x11d: {  	s9 =	simm.s32 @!p2 $0x4280;
	[sflag:s7] =	ssyncadd.s32 @!p2 $0xFFFFC000  }
0x11e: {  	[tilespmem:s6], [sflag:$0x1] =	stream.indirect.gather @!p2 [hbm4b:s4+s0], $0x80, s9, s0, $0xb8;
	[tilespmem:$0x18880] =	vst v63  }
0x11f: {  	_ =	swait.ge @!p2 [sflag:s1], $0x4000  }
0x120: {  	[sflag:s1] =	ssyncset.done @!p2 $0x0  }
0x121: {  	[sflag:s1] =	ssyncadd.s32 @!p2 $0xFFFFC000;
	s1 =	simm.s32 @!p2 $0x4A80  }
0x122: {  	[spmem:s2] =	stream.indirect.scatter.add.f32 @!p2 [tilespmem:s6], [sflag:$0x3], $0x80, s1, s0, $0xb8;
	[tilespmem:$0x18880] =	vst v63  }
0x123: {  	_ =	swait.ge @!p2 [sflag:s7], $0x4000  }
0x124: {  	p3 =	sgt.u32 @!p2 s31, $0x9BD;
	[sflag:s7] =	ssyncset.done @!p2 $0x0  }
0x125: {  	[sflag:s7] =	ssyncadd.s32 @!p2 $0xFFFFC000;
	p2 =	por p2, p3  }
0x126: {  	s0 =	simm.s32 @!p2 $0x80;
	s1 =	simm.s32 @!p2 $0x4300;
	s6 =	simm.s32 @!p2 $0x0  }
0x127: {  	[tilespmem:s6], [sflag:$0x1] =	stream.indirect.gather @!p2 [hbm4b:s4+s0], $0x80, s1, s0, $0xb8;
	[tilespmem:$0x18880] =	vst v63  }
0x128: {  	s1 =	simm.s32 @!p2 $0x1  }
0x129: {  	_ =	swait.ge @!p2 [sflag:s1], $0x4000  }
0x12a: {  	[sflag:s1] =	ssyncset.done @!p2 $0x0  }
0x12b: {  	s7 =	simm.s32 @!p2 $0x4B00;
	[sflag:s1] =	ssyncadd.s32 @!p2 $0xFFFFC000  }
0x12c: {  	[spmem:s2] =	stream.indirect.scatter.add.f32 @!p2 [tilespmem:s6], [sflag:$0x3], $0x80, s7, s0, $0xb8;
	[tilespmem:$0x18880] =	vst v63  }
0x12d: {  	s7 =	simm.s32 @!p2 $0x3  }
0x12e: {  	_ =	swait.ge @!p2 [sflag:s7], $0x4000  }
0x12f: {  	[sflag:s7] =	ssyncset.done @!p2 $0x0  }
0x130: {  	s9 =	simm.s32 @!p2 $0x4380;
	[sflag:s7] =	ssyncadd.s32 @!p2 $0xFFFFC000  }
0x131: {  	[tilespmem:s6], [sflag:$0x1] =	stream.indirect.gather @!p2 [hbm4b:s4+s0], $0x80, s9, s0, $0xb8;
	[tilespmem:$0x18880] =	vst v63  }
0x132: {  	_ =	swait.ge @!p2 [sflag:s1], $0x4000  }
0x133: {  	[sflag:s1] =	ssyncset.done @!p2 $0x0  }
0x134: {  	[sflag:s1] =	ssyncadd.s32 @!p2 $0xFFFFC000;
	s1 =	simm.s32 @!p2 $0x4B80  }
0x135: {  	[spmem:s2] =	stream.indirect.scatter.add.f32 @!p2 [tilespmem:s6], [sflag:$0x3], $0x80, s1, s0, $0xb8;
	[tilespmem:$0x18880] =	vst v63  }
0x136: {  	_ =	swait.ge @!p2 [sflag:s7], $0x4000  }
0x137: {  	p3 =	sgt.u32 @!p2 s31, $0x9BB;
	[sflag:s7] =	ssyncset.done @!p2 $0x0  }
0x138: {  	[sflag:s7] =	ssyncadd.s32 @!p2 $0xFFFFC000;
	p2 =	por p2, p3  }
0x139: {  	s0 =	simm.s32 @!p2 $0x80;
	s1 =	simm.s32 @!p2 $0x4400;
	s6 =	simm.s32 @!p2 $0x0  }
0x13a: {  	[tilespmem:s6], [sflag:$0x1] =	stream.indirect.gather @!p2 [hbm4b:s4+s0], $0x80, s1, s0, $0xb8;
	[tilespmem:$0x18880] =	vst v63  }
0x13b: {  	s1 =	simm.s32 @!p2 $0x1  }
0x13c: {  	_ =	swait.ge @!p2 [sflag:s1], $0x4000  }
0x13d: {  	[sflag:s1] =	ssyncset.done @!p2 $0x0  }
0x13e: {  	s7 =	simm.s32 @!p2 $0x4C00;
	[sflag:s1] =	ssyncadd.s32 @!p2 $0xFFFFC000  }
0x13f: {  	[spmem:s2] =	stream.indirect.scatter.add.f32 @!p2 [tilespmem:s6], [sflag:$0x3], $0x80, s7, s0, $0xb8;
	[tilespmem:$0x18880] =	vst v63  }
0x140: {  	s7 =	simm.s32 @!p2 $0x3  }
0x141: {  	_ =	swait.ge @!p2 [sflag:s7], $0x4000  }
0x142: {  	[sflag:s7] =	ssyncset.done @!p2 $0x0  }
0x143: {  	s9 =	simm.s32 @!p2 $0x4480;
	[sflag:s7] =	ssyncadd.s32 @!p2 $0xFFFFC000  }
0x144: {  	[tilespmem:s6], [sflag:$0x1] =	stream.indirect.gather @!p2 [hbm4b:s4+s0], $0x80, s9, s0, $0xb8;
	[tilespmem:$0x18880] =	vst v63  }
0x145: {  	p3 =	sgt.u32 @!p2 s31, $0x9B9;
	_ =	swait.ge @!p2 [sflag:s1], $0x4000  }
0x146: {  	p3 =	por p2, p3;
	[sflag:s1] =	ssyncset.done @!p2 $0x0  }
.Ltmp9:
0x147: {  	[sflag:s1] =	ssyncadd.s32 @!p2 $0xFFFFC000;
	s1 =	simm.s32 @!p2 $0x4C80;
	(pc) =	sbr.rel @p3 .LBB2_5-.Ltmp9, $4  }
0x148: {  	[spmem:s2] =	stream.indirect.scatter.add.f32 @!p2 [tilespmem:s6], [sflag:$0x3], $0x80, s1, s0, $0xb8;
	[tilespmem:$0x18880] =	vst v63  }
0x149: {  	_ =	swait.ge @!p2 [sflag:s7], $0x4000  }
0x14a: {  	[sflag:s7] =	ssyncset.done @!p2 $0x0  }
0x14b: {  	[sflag:s7] =	ssyncadd.s32 @!p2 $0xFFFFC000  }
0x14c: {  	[tilespmem:s3], [sflag:$0x1] =	stream.indirect.gather [hbm4b:s4+s21], $0x80, s22, s21, $0xb8;
	[tilespmem:$0x18880] =	vst v63  }
0x14d: {  	_ =	swait.ge [sflag:s23], $0x4000  }
0x14e: {  	[sflag:s23] =	ssyncset.done $0x0  }
0x14f: {  	[sflag:s23] =	ssyncadd.s32 $0xFFFFC000  }
0x150: {  	[spmem:s2] =	stream.indirect.scatter.add.f32 [tilespmem:s3], [sflag:$0x3], $0x80, s24, s21, $0xb8;
	[tilespmem:$0x18880] =	vst v63  }
0x151: {  	_ =	swait.ge [sflag:s25], $0x4000  }
0x152: {  	[sflag:s25] =	ssyncset.done $0x0  }
0x153: {  	[sflag:s25] =	ssyncadd.s32 $0xFFFFC000  }
0x154: {  	[tilespmem:s3], [sflag:$0x1] =	stream.indirect.gather [hbm4b:s4+s21], $0x80, s26, s21, $0xb8;
	[tilespmem:$0x18880] =	vst v63  }
0x155: {  	_ =	swait.ge [sflag:s23], $0x4000  }
0x156: {  	[sflag:s23] =	ssyncset.done $0x0  }
0x157: {  	[sflag:s23] =	ssyncadd.s32 $0xFFFFC000  }
0x158: {  	[spmem:s2] =	stream.indirect.scatter.add.f32 [tilespmem:s3], [sflag:$0x3], $0x80, s28, s21, $0xb8;
	[tilespmem:$0x18880] =	vst v63  }
0x159: {  	p2 =	sgt.u32 s31, $0x9B7;
	_ =	swait.ge [sflag:s25], $0x4000  }
0x15a: {  	s0 =	simm.s32 @!p2 $0x80;
	[sflag:s25] =	ssyncset.done $0x0  }
0x15b: {  	s1 =	simm.s32 @!p2 $0x4600;
	s6 =	simm.s32 @!p2 $0x0;
	[sflag:s25] =	ssyncadd.s32 $0xFFFFC000  }
0x15c: {  	[tilespmem:s6], [sflag:$0x1] =	stream.indirect.gather @!p2 [hbm4b:s4+s0], $0x80, s1, s0, $0xb8;
	[tilespmem:$0x18880] =	vst v63  }
0x15d: {  	s1 =	simm.s32 @!p2 $0x1  }
0x15e: {  	_ =	swait.ge @!p2 [sflag:s1], $0x4000  }
0x15f: {  	[sflag:s1] =	ssyncset.done @!p2 $0x0  }
0x160: {  	s7 =	simm.s32 @!p2 $0x4E00;
	[sflag:s1] =	ssyncadd.s32 @!p2 $0xFFFFC000  }
0x161: {  	[spmem:s2] =	stream.indirect.scatter.add.f32 @!p2 [tilespmem:s6], [sflag:$0x3], $0x80, s7, s0, $0xb8;
	[tilespmem:$0x18880] =	vst v63  }
0x162: {  	s7 =	simm.s32 @!p2 $0x3  }
0x163: {  	_ =	swait.ge @!p2 [sflag:s7], $0x4000  }
0x164: {  	[sflag:s7] =	ssyncset.done @!p2 $0x0  }
0x165: {  	s9 =	simm.s32 @!p2 $0x4680;
	[sflag:s7] =	ssyncadd.s32 @!p2 $0xFFFFC000  }
0x166: {  	[tilespmem:s6], [sflag:$0x1] =	stream.indirect.gather @!p2 [hbm4b:s4+s0], $0x80, s9, s0, $0xb8;
	[tilespmem:$0x18880] =	vst v63  }
0x167: {  	_ =	swait.ge @!p2 [sflag:s1], $0x4000  }
0x168: {  	[sflag:s1] =	ssyncset.done @!p2 $0x0  }
0x169: {  	[sflag:s1] =	ssyncadd.s32 @!p2 $0xFFFFC000;
	s1 =	simm.s32 @!p2 $0x4E80  }
0x16a: {  	[spmem:s2] =	stream.indirect.scatter.add.f32 @!p2 [tilespmem:s6], [sflag:$0x3], $0x80, s1, s0, $0xb8;
	[tilespmem:$0x18880] =	vst v63  }
0x16b: {  	_ =	swait.ge @!p2 [sflag:s7], $0x4000  }
0x16c: {  	p3 =	sgt.u32 @!p2 s31, $0x9B5;
	[sflag:s7] =	ssyncset.done @!p2 $0x0  }
0x16d: {  	[sflag:s7] =	ssyncadd.s32 @!p2 $0xFFFFC000;
	p2 =	por p3, p2  }
0x16e: {  	s0 =	simm.s32 @!p2 $0x80;
	s1 =	simm.s32 @!p2 $0x4700;
	s6 =	simm.s32 @!p2 $0x0  }
0x16f: {  	[tilespmem:s6], [sflag:$0x1] =	stream.indirect.gather @!p2 [hbm4b:s4+s0], $0x80, s1, s0, $0xb8;
	[tilespmem:$0x18880] =	vst v63  }
0x170: {  	s1 =	simm.s32 @!p2 $0x1  }
0x171: {  	_ =	swait.ge @!p2 [sflag:s1], $0x4000  }
0x172: {  	[sflag:s1] =	ssyncset.done @!p2 $0x0  }
0x173: {  	s7 =	simm.s32 @!p2 $0x4F00;
	[sflag:s1] =	ssyncadd.s32 @!p2 $0xFFFFC000  }
0x174: {  	[spmem:s2] =	stream.indirect.scatter.add.f32 @!p2 [tilespmem:s6], [sflag:$0x3], $0x80, s7, s0, $0xb8;
	[tilespmem:$0x18880] =	vst v63  }
0x175: {  	s7 =	simm.s32 @!p2 $0x3  }
0x176: {  	_ =	swait.ge @!p2 [sflag:s7], $0x4000  }
0x177: {  	[sflag:s7] =	ssyncset.done @!p2 $0x0  }
0x178: {  	[sflag:s7] =	ssyncadd.s32 @!p2 $0xFFFFC000;
	s7 =	simm.s32 @!p2 $0x4780  }
0x179: {  	[tilespmem:s6], [sflag:$0x1] =	stream.indirect.gather @!p2 [hbm4b:s4+s0], $0x80, s7, s0, $0xb8;
	[tilespmem:$0x18880] =	vst v63  }
0x17a: {  	_ =	swait.ge @!p2 [sflag:s1], $0x4000  }
0x17b: {  	[sflag:s1] =	ssyncset.done @!p2 $0x0  }
0x17c: {  	[sflag:s1] =	ssyncadd.s32 @!p2 $0xFFFFC000;
	s1 =	simm.s32 @!p2 $0x4F80  }
0x17d: {  	[spmem:s2] =	stream.indirect.scatter.add.f32 @!p2 [tilespmem:s6], [sflag:$0x2], $0x80, s1, s0, $0xb8;
	[tilespmem:$0x18880] =	vst v63  }
.Ltmp10:
0x17e: {  	_ = 	snop;
	(pc) =	sbr.rel .LBB2_5-.Ltmp10, $4  }
0x17f: {  	s0 =	simm.s32 @!p2 $0x2  }
0x180: {  	_ =	swait.ge @!p2 [sflag:s0], $0x4000  }
0x181: {  	[sflag:s0] =	ssyncset.done @!p2 $0x0  }
0x182: {  	[sflag:s0] =	ssyncadd.s32 @!p2 $0xFFFFC000  }
.LBB2_6:
0x183: {  	[bflag:$0x0] =	sbarrier.arrive $0xFFFF;
	s0 =	simm.s32 @p1 $0x1FC2  }
0x184: {  	[hbm:s10], [sflag:s0] =	dma.local @p1 [spmem:s18], $0x2800  }
0x185: {  	s0 =	simm.s32 @p1 $0x2  }
0x186: {  	_ =	swait.ge @p1 [sflag:s0], $0x2800  }
0x187: {  	[sflag:s0] =	ssyncset.done @p1 $0x0  }
0x188: {  	[sflag:s0] =	ssyncadd.s32 @p1 $0xFFFFD800;
	s0 =	rddreg [dreg:$0x5]  }
0x189: {  	[hbm:s0], [sflag:s19] =	dma.local @!p1 [spmem:s20], $0x2700  }
.Ltmp11:
0x18a: {  	_ = 	snop;
	(pc) =	sbr.rel .LBB2_12-.Ltmp11, $4  }
0x18b: {  	s0 =	simm.s32 @!p1 $0x2  }
0x18c: {  	_ =	swait.ge @!p1 [sflag:s0], $0x2700  }
0x18d: {  	[sflag:s0] =	ssyncset.done @!p1 $0x0  }
0x18e: {  	[sflag:s0] =	ssyncadd.s32 @!p1 $0xFFFFD900  }
.LBB2_13:
0x18f: {  	_ =	sfence.sel $0x180000  }
0x190: {  	[bflag:$0x0] =	sbarrier.arrive $0xFFFF  }
0x191: {  	_ =	strace $0x9000004A  }
0x192: {  	s0 =	stileid.u32;
	[bflag:$0x2] =	sbarrier.arrive $0xFFFF  }
0x193: {  	p0 =	sne.s32 s0, $0x0;
	s0 =	rddreg [dreg:$0x2]  }
0x194: {  	s0 =	sadd.s32 @!p0 $0x100000, s0  }
0x195: {  	[sflag:s0] =	ssyncadd.tile.s32 @!p0 $0x1;
	_ =	shalt  }
.Lfunc_end2:
_tile_overlayer_lowered:
.L_overlay_start_2:
0x196: {  	(tag) =	ssettag $0x2  }
0x197: {  	s0 =	rddreg [dreg:$0x0];
	s2 =	stileid.u32  }
0x198: {  	s1 =	rddreg [dreg:$0x1];
	p0 =	sne.s32 s2, $0x0  }
0x199: {  	s3 =	rddreg [dreg:$0x2];
	[bflag:$0x3] =	sbarrier.arrive $0xFFFF;
	s2 =	simm.s32 @!p0 $0x1C02  }
0x19a: {  	[timem:s3], [sflag:s2] =	dma.local @!p0 [hbm:s0], s1  }
0x19b: {  	s0 =	simm.s32 @!p0 $0x2  }
0x19c: {  	_ =	swait.ge @!p0 [sflag:s0], s1  }
0x19d: {  	s1 =	ssub.s32 @!p0 $0x0, s1;
	[sflag:s0] =	ssyncset.done @!p0 $0x0  }
0x19e: {  	[sflag:s0] =	ssyncadd.s32 @!p0 s1  }
0x19f: {  	[bflag:$0x3] =	sbarrier.arrive $0xFFFF  }
0x1a0: {  	_ =	shalt  }

// kernel: kernel.14.cloned.1.call-start
scs
__scs_entry_jumppad:
0x0: {  	(pc) =	sbr.rel $0x88, $3  }
0x1: {  	(tag) =	ssettag $0x0;
	lr =	simm.s32 $0x1  }
0x2: {  	[smem:$0x3F97] =	sst lr;
	_ =	strace $0xD0000000  }
0x3: {  	_ = 	snop  }
0x4: {  	_ = 	snop  }
0x5: {  	_ = 	snop  }
0x6: {  	_ = 	snop  }
0x7: {  	_ = 	snop  }
__scs_overlays_trampoline_lowered:
0x8: {  	[smem:$0x3FA6] =	sst s0  }
0x9: {  	[smem:$0x3FA7] =	sst s1  }
0xa: {  	[smem:$0x3FA8] =	sst s2  }
0xb: {  	[smem:$0x3FA9] =	sst s3  }
0xc: {  	[smem:$0x3FAA] =	sst s4  }
0xd: {  	[smem:$0x3FAB] =	sst s5  }
0xe: {  	[smem:$0x3FAC] =	sst s6  }
0xf: {  	[smem:$0x3FAD] =	sst s7  }
0x10: {  	[smem:$0x3FAE] =	sst s8  }
0x11: {  	[smem:$0x3FAF] =	sst s9;
	s0 =	simm.s32 @!p0 $0x0  }
0x12: {  	s1 =	sld [smem:$0x3F95];
	s0 =	simm.s32 @p0 $0x1  }
0x13: {  	[smem:$0x3FB0] =	sst s0;
	s0 =	simm.s32 @!p1 $0x0  }
0x14: {  	s2 =	sld [smem:$0x3F94];
	s0 =	simm.s32 @p1 $0x1  }
0x15: {  	[smem:$0x3FB1] =	sst s0;
	s0 =	simm.s32 @!p2 $0x0  }
0x16: {  	s3 =	sld [smem:$0x3FDB];
	s0 =	simm.s32 @p2 $0x1  }
0x17: {  	s4 =	simm.s32 $0x1BF5;
	[smem:$0x3FB3] =	sst s0  }
0x18: {  	s0 =	sld [smem:$0x3F96];
	_ =	swait.ge [sflag:s4], $0x0  }
0x19: {  	s7 =	sld [smem:$0x3F97]  }
0x1a: {  	s8 =	sadd.s32 $0xFFFFE003, lr  }
0x1b: {  	s9 =	sadd.s32 $0xFFFFFEF7, lr;
	s5 =	simm.s32 $0xFFFFFFFF;
	p2 =	slt.u32 s8, $0xFFFFF086  }
0x1c: {  	p1 =	slt.u32 s9, $0xF7A;
	s5 =	simm.s32 @!p2 $0x0  }
0x1d: {  	s5 =	simm.s32 @p1 $0x1;
	p0 =	seq.s32 s7, s2  }
0x1e: {  	s7 =	smul.u32 @!p0 $0xF7A, s2;
	p2 =	seq.s32 @!p0 s5, $0x0  }
0x1f: {  	s9 =	smul.u32 $0xF7A, s1;
	s8 =	simm.s32 @!p0 $0x1BF5;
	p2 =	por !p2, p0  }
0x20: {  	[sflag:s8] =	ssyncset.s32 @!p0 $0xFFFFF086;
	s6 =	sadd.s32 @!p0 s3, s7;
	s7 =	simm.s32 @!p0 $0x108  }
0x21: {  	s3 =	sadd.s32 s3, s9;
	s6 =	sadd.s32 @!p0 $0x88, s6;
	s7 =	simm.s32 @p2 $0x1082  }
0x22: {  	[simem:s7], [sflag:s8] =	dma.local @!p0 [hbm:s6], $0xF7A  }
0x23: {  	s9 =	sor.u32 $0xD0000000, s2;
	s6 =	simm.s32 $0x108;
	_ =	swait.ge @!p0 [sflag:s8], $0x0  }
0x24: {  	s3 =	sadd.s32 $0x88, s3;
	s6 =	simm.s32 @!p1 $0x1082;
	[sflag:s4] =	ssyncset.s32 $0xFFFFF086  }
0x25: {  	[simem:s6], [sflag:s4] =	dma.local [hbm:s3], $0xF7A  }
0x26: {  	[smem:$0x3F97] =	sst s1;
	(tag) =	ssettag s2;
	_ =	strace s9  }
0x27: {  	s1 =	sld [smem:$0x3FA7]  }
0x28: {  	s2 =	sld [smem:$0x3FA8]  }
0x29: {  	s4 =	sld [smem:$0x3FAA]  }
0x2a: {  	p0 =	seq.s32 s5, $0x0;
	s5 =	sld [smem:$0x3FAB]  }
0x2b: {  	s6 =	sld [smem:$0x3FAC]  }
0x2c: {  	s7 =	sld [smem:$0x3FAD]  }
0x2d: {  	s3 =	simm.s32 $0x108;
	s8 =	sld [smem:$0x3FAE]  }
0x2e: {  	s3 =	simm.s32 @!p0 $0x1082;
	s9 =	sld [smem:$0x3FAF]  }
0x2f: {  	lr =	sadd.s32 s0, s3;
	s0 =	sld [smem:$0x3FA6]  }
0x30: {  	s3 =	sld [smem:$0x3FA9]  }
0x31: {  	[smem:$0x3FB2] =	sst s10  }
0x32: {  	s10 =	sld [smem:$0x3FB0];
	_ =	sdelay $0x3  }
0x33: {  	p0 =	seq.s32 s10, $0x1;
	s10 =	sld [smem:$0x3FB2];
	_ =	sdelay $0x3  }
0x34: {  	[smem:$0x3FB2] =	sst s10  }
0x35: {  	s10 =	sld [smem:$0x3FB1];
	_ =	sdelay $0x3  }
0x36: {  	p1 =	seq.s32 s10, $0x1;
	s10 =	sld [smem:$0x3FB2];
	_ =	sdelay $0x3  }
0x37: {  	[smem:$0x3FB2] =	sst s10  }
0x38: {  	s10 =	sld [smem:$0x3FB3]  }
0x39: {  	_ = 	snop;
	(pc) =	sbr.ind lr, $3  }
0x3a: {  	_ = 	snop  }
0x3b: {  	_ = 	snop  }
0x3c: {  	p2 =	seq.s32 s10, $0x1;
	s10 =	sld [smem:$0x3FB2]  }
0x3d: {  	_ =	shalt  }
0x3e: {  	_ =	shalt  }
0x3f: {  	_ =	shalt  }
0x40: {  	_ =	shalt  }
0x41: {  	_ =	shalt  }
0x42: {  	_ =	shalt  }
0x43: {  	_ =	shalt  }
0x44: {  	_ =	shalt  }
0x45: {  	_ =	shalt  }
0x46: {  	_ =	shalt  }
0x47: {  	_ =	shalt  }
0x48: {  	_ =	shalt  }
0x49: {  	_ =	shalt  }
0x4a: {  	_ =	shalt  }
0x4b: {  	_ =	shalt  }
0x4c: {  	_ =	shalt  }
0x4d: {  	_ =	shalt  }
0x4e: {  	_ =	shalt  }
0x4f: {  	_ =	shalt  }
0x50: {  	_ =	shalt  }
0x51: {  	_ =	shalt  }
0x52: {  	_ =	shalt  }
0x53: {  	_ =	shalt  }
0x54: {  	_ =	shalt  }
0x55: {  	_ =	shalt  }
0x56: {  	_ =	shalt  }
0x57: {  	_ =	shalt  }
0x58: {  	_ =	shalt  }
0x59: {  	_ =	shalt  }
0x5a: {  	_ =	shalt  }
0x5b: {  	_ =	shalt  }
0x5c: {  	_ =	shalt  }
0x5d: {  	_ =	shalt  }
0x5e: {  	_ =	shalt  }
0x5f: {  	_ =	shalt  }
0x60: {  	_ =	shalt  }
0x61: {  	_ =	shalt  }
0x62: {  	_ =	shalt  }
0x63: {  	_ =	shalt  }
0x64: {  	_ =	shalt  }
0x65: {  	_ =	shalt  }
0x66: {  	_ =	shalt  }
0x67: {  	_ =	shalt  }
0x68: {  	_ =	shalt  }
0x69: {  	_ =	shalt  }
0x6a: {  	_ =	shalt  }
0x6b: {  	_ =	shalt  }
0x6c: {  	_ =	shalt  }
0x6d: {  	_ =	shalt  }
0x6e: {  	_ =	shalt  }
0x6f: {  	_ =	shalt  }
0x70: {  	_ =	shalt  }
0x71: {  	_ =	shalt  }
0x72: {  	_ =	shalt  }
0x73: {  	_ =	shalt  }
0x74: {  	_ =	shalt  }
0x75: {  	_ =	shalt  }
0x76: {  	_ =	shalt  }
0x77: {  	_ =	shalt  }
0x78: {  	_ =	shalt  }
0x79: {  	_ =	shalt  }
0x7a: {  	_ =	shalt  }
0x7b: {  	_ =	shalt  }
0x7c: {  	_ =	shalt  }
0x7d: {  	_ =	shalt  }
0x7e: {  	_ =	shalt  }
0x7f: {  	_ =	shalt  }
0x80: {  	_ =	shalt  }
0x81: {  	_ =	shalt  }
0x82: {  	_ =	shalt  }
0x83: {  	_ =	shalt  }
0x84: {  	_ =	shalt  }
0x85: {  	_ =	shalt  }
0x86: {  	_ =	shalt  }
0x87: {  	_ =	shalt  }
.Lfunc_end0:
.L_simem_size_0:
called_computation.2_lowered:
.L_overlay_start_0:
0x88: {  	s2 =	sld [smem:$0x3FD9]  }
0x89: {  	s3 =	sld [smem:$0x3FFE];
	_ =	sdelay $0x1  }
0x8a: {  	s1 =	srdreg.scid  }
0x8b: {  	s0 =	sand.u32 $0x1, s1  }
0x8c: {  	s16 =	sshll.u32 s0, $0xA;
	s2 =	sadd.s32 s3, s2  }
0x8d: {  	s2 =	sadd.s32 s2, s16  }
0x8e: {  	[smem:$0x3FBE] =	sst s2  }
0x8f: {  	_ = 	snop  }
0x90: {  	(tm) =	ssettm $0x1  }
0x91: {  	s17 =	sld [smem:$0x3FFB];
	_ =	sdelay $0x3  }
0x92: {  	_ =	strace s17  }
0x93: {  	s2 =	sld [smem:$0x3FFC];
	_ =	sdelay $0x3  }
0x94: {  	_ =	strace s2  }
0x95: {  	s2 =	sld [smem:$0x3FFD];
	_ =	sdelay $0x3  }
0x96: {  	_ =	strace s2  }
0x97: {  	_ =	strace $0x8FFFFFFF  }
0x98: {  	s18 =	sld [smem:$0x3FDB];
	_ =	sdelay $0x1  }
0x99: {  	s19 =	simm.s32 $_scs_section_size  }
0x9a: {  	s4 =	simm.s32 $_size__tile_overlayer_lowered;
	s5 =	simm.s32 $_tile_overlayer_lowered  }
0x9b: {  	s22 =	simm.s32 $0x1BFF;
	s21 =	sshll.u32 s5, $0x1;
	s2 =	sadd.s32 s19, s18  }
0x9c: {  	s6 =	simm.s32 $0x0;
	s20 =	sshll.u32 s4, $0x1;
	s4 =	sadd.s32 s21, s2  }
0x9d: {  	[timem:s6], [sflag:s22] =	dma.local [hbm:s4], s20  }
0x9e: {  	_ =	swait.ge [sflag:s22], s20  }
0x9f: {  	s3 =	ssub.s32 $0x0, s20;
	[sflag:s22] =	ssyncset.done $0x0  }
0xa0: {  	[sflag:s22] =	ssyncadd.s32 s3;
	_ =	sdelay $0x1  }
0xa1: {  	s23 =	simm.s32 $0x1B8B  }
0xa2: {  	_ =	swait.ge [sflag:s23], $0x1  }
0xa3: {  	[sflag:s23] =	ssyncset.done $0x0  }
0xa4: {  	s25 =	simm.s32 $0x1B8E;
	s24 =	sld [smem:$0x3FFE];
	[sflag:s23] =	ssyncadd.s32 $0xFFFFFFFF  }
0xa5: {  	s26 =	simm.s32 $execute0_lowered;
	[smem:$0x3FD2] =	sst s25  }
0xa6: {  	s4 =	sshll.u32 s26, $0x1;
	_ =	strace $0x8000004C;
	[dreg:$0x1] =	wrdreg $0xFFFFFFFF  }
0xa7: {  	s28 =	simm.s32 $_size_execute0_lowered;
	s2 =	sadd.s32 s2, s4;
	[dreg:$0x0] =	wrdreg $0x0  }
0xa8: {  	s4 =	sshll.u32 s28, $0x1;
	[dreg:$0x2] =	wrdreg s2  }
0xa9: {  	[dreg:$0x3] =	wrdreg s4  }
0xaa: {  	[dreg:$0x4] =	wrdreg $0xC0  }
0xab: {  	_ =	task [dreg:s6], $0x5FFFF  }
0xac: {  	[dreg:$0x1] =	wrdreg $0xFFFFFFFF  }
0xad: {  	[dreg:$0x0] =	wrdreg $0x60  }
0xae: {  	[dreg:$0x2] =	wrdreg s24  }
0xaf: {  	[dreg:$0x3] =	wrdreg $0x50000  }
0xb0: {  	[dreg:$0x4] =	wrdreg $0x9  }
0xb1: {  	_ =	task.clear_ibuf [dreg:s6], $0x5FFFF;
	_ =	strace $0x9000004C  }
0xb2: {  	s29 =	simm.s32 $0x9;
	_ =	strace $0x8000004E  }
0xb3: {  	_ =	swait.ge [sflag:s29], $0x1  }
0xb4: {  	[sflag:s29] =	ssyncadd.s32 $0xFFFFFFFF  }
0xb5: {  	_ =	strace $0x9000004E  }
0xb6: {  	_ =	sfence  }
0xb7: {  	s30 =	sld [smem:$0x0];
	_ =	sdelay $0x2  }
0xb8: {  	s31 =	sshll.u32 s1, $0xD;
	s1 =	sshrl.u32 s1, $0x2  }
0xb9: {  	s3 =	sand.u32 $0x4000, s31;
	s1 =	sadd.s32 s1, s30  }
0xba: {  	s0 =	sor.u32 s3, s0;
	s1 =	sshll.u32 s1, $0x11  }
0xbb: {  	s0 =	sor.u32 s1, s0  }
0xbc: {  	s0 =	sadd.s32 $0x8F2B, s0  }
0xbd: {  	[sflag:s0] =	ssyncadd.remote.s32 $0x1  }
0xbe: {  	_ =	sfence.sel $0xFFFF  }
0xbf: {  	[dreg:$0x0] =	wrdreg $0xFFFFFFFF;
	(pc) =	sbr.abs _section_cstart, $3  }
0xc0: {  	[dreg:$0x1] =	wrdreg $0xFFFFFFFF  }
0xc1: {  	_ =	task.clear_ibuf [dreg:s6], $0x2FFFF;
	_ =	strace $0x9FFFFFFF  }
0xc2: {  	(tm) =	ssettm $0x7FFFFFFF  }
0xc3: {  	_ =	shalt  }
tec
execute0_lowered:
.L_overlay_start_1:
0x0: {  	(tag) =	ssettag $0x1  }
0x1: {  	s14 =	rddreg [dreg:$0x0]  }
0x2: {  	s2 =	rddreg [dreg:$0x1];
	s3 =	simm.s32 $0x0  }
0x3: {  	s0 =	stileid.u32;
	s5 =	srdreg.scid;
	s21 =	simm.s32 $0x80  }
0x4: {  	s22 =	simm.s32 $0x4500;
	s23 =	simm.s32 $0x1;
	s24 =	simm.s32 $0x4D00  }
0x5: {  	s28 =	simm.s32 $0x4D80;
	s29 =	simm.s32 $0x0;
	s6 =	smul.u32 $0xA00, s0  }
0x6: {  	[smem:$0x7FF] =	sst s3;
	s4 =	sadd.s32 $0x3C00, s14;
	s11 =	smul.u32 $0x2700, s0  }
0x7: {  	s7 =	sand.u32 $0x1, s5;
	s5 =	sadd.s32 $0x2AE00, s14;
	s9 =	smul.u32 $0x4E000, s0  }
0x8: {  	s18 =	sadd.s32 $0x124800, s2;
	s30 =	sadd.s32 $0x28500, s14;
	s10 =	sadd.s32 $0xBC300, s14  }
0x9: {  	s12 =	sadd.s32 $0x4F700, s14;
	p1 =	seq.s32 s0, $0xF;
	_ =	strace $0x8000004D  }
0xa: {  	s8 =	ssub.s32 $0x2, s7;
	p0 =	seq.s32 s7, $0x1;
	[dreg:$0x4] =	wrdreg s30  }
0xb: {  	s19 =	sshll.u32 @!p1 s0, $0x6;
	s18 =	sshrl.u32 @p1 s18, $0x3;
	s17 =	sadd.s32 s6, s14  }
0xc: {  	s13 =	sadd.s32 s11, s14;
	s25 =	sshrl.u32 s8, $0x1;
	s26 =	sshrl.u32 s9, $0x2  }
0xd: {  	s1 =	sadd.s32 s4, s11;
	s11 =	sadd.s32 s5, s11;
	s14 =	sadd.s32 $0xE3500, s14  }
.Ltmp0:
0xe: {  	s19 =	sor.u32 @!p1 $0x1C02, s19;
	s15 =	ssub.s32 s8, s25;
	(pc) =	sbr.rel .LBB2_1-.Ltmp0, $4  }
0xf: {  	s20 =	sadd.s32 s26, s2;
	[dreg:$0x3] =	wrdreg s1;
	s8 =	smul.u32 $0xA0, s0  }
0x10: {  	s31 =	sadd.s32 $0x97A00, s13;
	s13 =	sadd.s32 $0xBEC00, s13;
	s16 =	sadd.s32 $0x8D800, s17  }
0x11: {  	s17 =	sadd.s32 $0x83600, s17;
	s25 =	simm.s32 $0x3;
	s26 =	simm.s32 $0x4580  }
0x12: {  	[dreg:$0x5] =	wrdreg s31;
	s15 =	smax.u32 s15, $0x1;
	s20 =	sshrl.u32 @!p1 s20, $0x3  }
.LBB2_11:
0x13: {  	[bflag:$0x0] =	sbarrier.arrive $0xFFFF;
	s0 =	simm.s32 @p1 $0x1FC2  }
0x14: {  	[hbm:s14], [sflag:s0] =	dma.local @p1 [spmem:s18], $0x2800  }
0x15: {  	s0 =	simm.s32 @p1 $0x2  }
0x16: {  	_ =	swait.ge @p1 [sflag:s0], $0x2800  }
0x17: {  	[sflag:s0] =	ssyncset.done @p1 $0x0  }
0x18: {  	[sflag:s0] =	ssyncadd.s32 @p1 $0xFFFFD800;
	s0 =	simm.s32 @!p1 $0x2  }
0x19: {  	[hbm:s13], [sflag:s19] =	dma.local @!p1 [spmem:s20], $0x2700  }
0x1a: {  	_ =	swait.ge @!p1 [sflag:s0], $0x2700  }
0x1b: {  	[sflag:s0] =	ssyncset.done @!p1 $0x0  }
0x1c: {  	[sflag:s0] =	ssyncadd.s32 @!p1 $0xFFFFD900  }
.LBB2_12:
0x1d: {  	s29 =	sadd.s32 $0x1, s29  }
0x1e: {  	p2 =	sne.s32 s29, s15  }
.Ltmp1:
0x1f: {  	_ = 	snop;
	(pc) =	sbr.rel @!p2 .LBB2_13-.Ltmp1, $1  }
0x20: {  	_ =	sdelay $0x3  }
.LBB2_1:
.Ltmp2:
0x21: {  	(pc) =	sbr.rel @!p0 .LBB2_2-.Ltmp2, $1  }
0x22: {  	_ =	sdelay $0x3  }
0x23: {  	s0 =	simm.s32 @p1 $0x1FC2  }
0x24: {  	[spmem:s18], [sflag:s0] =	dma.local @p1 [hbm:s12], $0x2800  }
0x25: {  	s0 =	simm.s32 @p1 $0x2  }
0x26: {  	_ =	swait.ge @p1 [sflag:s0], $0x2800  }
0x27: {  	[sflag:s0] =	ssyncset.done @p1 $0x0  }
0x28: {  	[sflag:s0] =	ssyncadd.s32 @p1 $0xFFFFD800;
	s0 =	simm.s32 @!p1 $0x2  }
0x29: {  	[spmem:s20], [sflag:s19] =	dma.local @!p1 [hbm:s11], $0x2700  }
.Ltmp3:
0x2a: {  	_ =	swait.ge @!p1 [sflag:s0], $0x2700;
	(pc) =	sbr.rel .LBB2_8-.Ltmp3, $4  }
0x2b: {  	[sflag:s0] =	ssyncset.done @!p1 $0x0  }
0x2c: {  	[sflag:s0] =	ssyncadd.s32 @!p1 $0xFFFFD900  }
0x2d: {  	[bflag:$0x0] =	sbarrier.arrive $0xFFFF  }
0x2e: {  	s30 =	simm.s32 $0x0;
	s31 =	smov.u32 s8  }
.LBB2_10:
0x2f: {  	s30 =	sadd.s32 $0x100, s30  }
0x30: {  	p2 =	sne.s32 s30, $0xA00  }
.Ltmp4:
0x31: {  	_ = 	snop;
	(pc) =	sbr.rel @!p2 .LBB2_11-.Ltmp4, $2  }
0x32: {  	_ =	sdelay $0x2  }
0x33: {  	s31 =	sadd.s32 $0x10, s31  }
.LBB2_8:
0x34: {  	p2 =	sgt.u32 s31, $0x9C3  }
0x35: {  	s0 =	sadd.s32 @!p2 s30, s16;
	s1 =	simm.s32 @!p2 $0x0;
	s6 =	simm.s32 @!p2 $0x4000  }
0x36: {  	[tilespmem:s6], [sflag:$0x3] =	stream.linear.gather @!p2 [hbm4b:s0+s1], $0x800, $0x38;
	[tilespmem:$0x18880] =	vst v63  }
0x37: {  	s0 =	simm.s32 @!p2 $0x3  }
0x38: {  	_ =	swait.ge @!p2 [sflag:s0], $0x800  }
0x39: {  	[sflag:s0] =	ssyncset.done @!p2 $0x0  }
0x3a: {  	s7 =	sadd.s32 @!p2 s30, s17;
	s9 =	simm.s32 @!p2 $0x4800;
	[sflag:s0] =	ssyncadd.s32 @!p2 $0xFFFFF800  }
0x3b: {  	[tilespmem:s9], [sflag:$0x3] =	stream.linear.gather @!p2 [hbm4b:s7+s1], $0x800, $0x38;
	[tilespmem:$0x18880] =	vst v63  }
0x3c: {  	_ =	swait.ge @!p2 [sflag:s0], $0x800  }
0x3d: {  	[sflag:s0] =	ssyncset.done @!p2 $0x0  }
0x3e: {  	s7 =	simm.s32 @!p2 $0x80;
	[sflag:s0] =	ssyncadd.s32 @!p2 $0xFFFFF800  }
0x3f: {  	[tilespmem:s1], [sflag:$0x1] =	stream.indirect.gather @!p2 [hbm4b:s5+s7], $0x80, s6, s7, $0xb8;
	[tilespmem:$0x18880] =	vst v63  }
0x40: {  	s6 =	simm.s32 @!p2 $0x1  }
0x41: {  	_ =	swait.ge @!p2 [sflag:s6], $0x4000  }
0x42: {  	[sflag:s6] =	ssyncset.done @!p2 $0x0  }
0x43: {  	[sflag:s6] =	ssyncadd.s32 @!p2 $0xFFFFC000  }
0x44: {  	[spmem:s2] =	stream.indirect.scatter.add.f32 @!p2 [tilespmem:s1], [sflag:$0x3], $0x80, s9, s7, $0xb8;
	[tilespmem:$0x18880] =	vst v63  }
0x45: {  	_ =	swait.ge @!p2 [sflag:s0], $0x4000  }
0x46: {  	[sflag:s0] =	ssyncset.done @!p2 $0x0  }
0x47: {  	s9 =	simm.s32 @!p2 $0x4080;
	[sflag:s0] =	ssyncadd.s32 @!p2 $0xFFFFC000  }
0x48: {  	[tilespmem:s1], [sflag:$0x1] =	stream.indirect.gather @!p2 [hbm4b:s5+s7], $0x80, s9, s7, $0xb8;
	[tilespmem:$0x18880] =	vst v63  }
0x49: {  	_ =	swait.ge @!p2 [sflag:s6], $0x4000  }
0x4a: {  	[sflag:s6] =	ssyncset.done @!p2 $0x0  }
0x4b: {  	[sflag:s6] =	ssyncadd.s32 @!p2 $0xFFFFC000;
	s6 =	simm.s32 @!p2 $0x4880  }
0x4c: {  	[spmem:s2] =	stream.indirect.scatter.add.f32 @!p2 [tilespmem:s1], [sflag:$0x3], $0x80, s6, s7, $0xb8;
	[tilespmem:$0x18880] =	vst v63  }
0x4d: {  	_ =	swait.ge @!p2 [sflag:s0], $0x4000  }
0x4e: {  	p3 =	sgt.u32 @!p2 s31, $0x9C1;
	[sflag:s0] =	ssyncset.done @!p2 $0x0  }
0x4f: {  	[sflag:s0] =	ssyncadd.s32 @!p2 $0xFFFFC000;
	p2 =	por p2, p3  }
0x50: {  	s0 =	simm.s32 @!p2 $0x80;
	s1 =	simm.s32 @!p2 $0x4100;
	s6 =	simm.s32 @!p2 $0x0  }
0x51: {  	[tilespmem:s6], [sflag:$0x1] =	stream.indirect.gather @!p2 [hbm4b:s5+s0], $0x80, s1, s0, $0xb8;
	[tilespmem:$0x18880] =	vst v63  }
0x52: {  	s1 =	simm.s32 @!p2 $0x1  }
0x53: {  	_ =	swait.ge @!p2 [sflag:s1], $0x4000  }
0x54: {  	[sflag:s1] =	ssyncset.done @!p2 $0x0  }
0x55: {  	s7 =	simm.s32 @!p2 $0x4900;
	[sflag:s1] =	ssyncadd.s32 @!p2 $0xFFFFC000  }
0x56: {  	[spmem:s2] =	stream.indirect.scatter.add.f32 @!p2 [tilespmem:s6], [sflag:$0x3], $0x80, s7, s0, $0xb8;
	[tilespmem:$0x18880] =	vst v63  }
0x57: {  	s7 =	simm.s32 @!p2 $0x3  }
0x58: {  	_ =	swait.ge @!p2 [sflag:s7], $0x4000  }
0x59: {  	[sflag:s7] =	ssyncset.done @!p2 $0x0  }
0x5a: {  	s9 =	simm.s32 @!p2 $0x4180;
	[sflag:s7] =	ssyncadd.s32 @!p2 $0xFFFFC000  }
0x5b: {  	[tilespmem:s6], [sflag:$0x1] =	stream.indirect.gather @!p2 [hbm4b:s5+s0], $0x80, s9, s0, $0xb8;
	[tilespmem:$0x18880] =	vst v63  }
0x5c: {  	_ =	swait.ge @!p2 [sflag:s1], $0x4000  }
0x5d: {  	[sflag:s1] =	ssyncset.done @!p2 $0x0  }
0x5e: {  	[sflag:s1] =	ssyncadd.s32 @!p2 $0xFFFFC000;
	s1 =	simm.s32 @!p2 $0x4980  }
0x5f: {  	[spmem:s2] =	stream.indirect.scatter.add.f32 @!p2 [tilespmem:s6], [sflag:$0x3], $0x80, s1, s0, $0xb8;
	[tilespmem:$0x18880] =	vst v63  }
0x60: {  	_ =	swait.ge @!p2 [sflag:s7], $0x4000  }
0x61: {  	p3 =	sgt.u32 @!p2 s31, $0x9BF;
	[sflag:s7] =	ssyncset.done @!p2 $0x0  }
0x62: {  	[sflag:s7] =	ssyncadd.s32 @!p2 $0xFFFFC000;
	p2 =	por p2, p3  }
0x63: {  	s0 =	simm.s32 @!p2 $0x80;
	s1 =	simm.s32 @!p2 $0x4200;
	s6 =	simm.s32 @!p2 $0x0  }
0x64: {  	[tilespmem:s6], [sflag:$0x1] =	stream.indirect.gather @!p2 [hbm4b:s5+s0], $0x80, s1, s0, $0xb8;
	[tilespmem:$0x18880] =	vst v63  }
0x65: {  	s1 =	simm.s32 @!p2 $0x1  }
0x66: {  	_ =	swait.ge @!p2 [sflag:s1], $0x4000  }
0x67: {  	[sflag:s1] =	ssyncset.done @!p2 $0x0  }
0x68: {  	s7 =	simm.s32 @!p2 $0x4A00;
	[sflag:s1] =	ssyncadd.s32 @!p2 $0xFFFFC000  }
0x69: {  	[spmem:s2] =	stream.indirect.scatter.add.f32 @!p2 [tilespmem:s6], [sflag:$0x3], $0x80, s7, s0, $0xb8;
	[tilespmem:$0x18880] =	vst v63  }
0x6a: {  	s7 =	simm.s32 @!p2 $0x3  }
0x6b: {  	_ =	swait.ge @!p2 [sflag:s7], $0x4000  }
0x6c: {  	[sflag:s7] =	ssyncset.done @!p2 $0x0  }
0x6d: {  	s9 =	simm.s32 @!p2 $0x4280;
	[sflag:s7] =	ssyncadd.s32 @!p2 $0xFFFFC000  }
0x6e: {  	[tilespmem:s6], [sflag:$0x1] =	stream.indirect.gather @!p2 [hbm4b:s5+s0], $0x80, s9, s0, $0xb8;
	[tilespmem:$0x18880] =	vst v63  }
0x6f: {  	_ =	swait.ge @!p2 [sflag:s1], $0x4000  }
0x70: {  	[sflag:s1] =	ssyncset.done @!p2 $0x0  }
0x71: {  	[sflag:s1] =	ssyncadd.s32 @!p2 $0xFFFFC000;
	s1 =	simm.s32 @!p2 $0x4A80  }
0x72: {  	[spmem:s2] =	stream.indirect.scatter.add.f32 @!p2 [tilespmem:s6], [sflag:$0x3], $0x80, s1, s0, $0xb8;
	[tilespmem:$0x18880] =	vst v63  }
0x73: {  	_ =	swait.ge @!p2 [sflag:s7], $0x4000  }
0x74: {  	p3 =	sgt.u32 @!p2 s31, $0x9BD;
	[sflag:s7] =	ssyncset.done @!p2 $0x0  }
0x75: {  	[sflag:s7] =	ssyncadd.s32 @!p2 $0xFFFFC000;
	p2 =	por p2, p3  }
0x76: {  	s0 =	simm.s32 @!p2 $0x80;
	s1 =	simm.s32 @!p2 $0x4300;
	s6 =	simm.s32 @!p2 $0x0  }
0x77: {  	[tilespmem:s6], [sflag:$0x1] =	stream.indirect.gather @!p2 [hbm4b:s5+s0], $0x80, s1, s0, $0xb8;
	[tilespmem:$0x18880] =	vst v63  }
0x78: {  	s1 =	simm.s32 @!p2 $0x1  }
0x79: {  	_ =	swait.ge @!p2 [sflag:s1], $0x4000  }
0x7a: {  	[sflag:s1] =	ssyncset.done @!p2 $0x0  }
0x7b: {  	s7 =	simm.s32 @!p2 $0x4B00;
	[sflag:s1] =	ssyncadd.s32 @!p2 $0xFFFFC000  }
0x7c: {  	[spmem:s2] =	stream.indirect.scatter.add.f32 @!p2 [tilespmem:s6], [sflag:$0x3], $0x80, s7, s0, $0xb8;
	[tilespmem:$0x18880] =	vst v63  }
0x7d: {  	s7 =	simm.s32 @!p2 $0x3  }
0x7e: {  	_ =	swait.ge @!p2 [sflag:s7], $0x4000  }
0x7f: {  	[sflag:s7] =	ssyncset.done @!p2 $0x0  }
0x80: {  	s9 =	simm.s32 @!p2 $0x4380;
	[sflag:s7] =	ssyncadd.s32 @!p2 $0xFFFFC000  }
0x81: {  	[tilespmem:s6], [sflag:$0x1] =	stream.indirect.gather @!p2 [hbm4b:s5+s0], $0x80, s9, s0, $0xb8;
	[tilespmem:$0x18880] =	vst v63  }
0x82: {  	_ =	swait.ge @!p2 [sflag:s1], $0x4000  }
0x83: {  	[sflag:s1] =	ssyncset.done @!p2 $0x0  }
0x84: {  	[sflag:s1] =	ssyncadd.s32 @!p2 $0xFFFFC000;
	s1 =	simm.s32 @!p2 $0x4B80  }
0x85: {  	[spmem:s2] =	stream.indirect.scatter.add.f32 @!p2 [tilespmem:s6], [sflag:$0x3], $0x80, s1, s0, $0xb8;
	[tilespmem:$0x18880] =	vst v63  }
0x86: {  	_ =	swait.ge @!p2 [sflag:s7], $0x4000  }
0x87: {  	p3 =	sgt.u32 @!p2 s31, $0x9BB;
	[sflag:s7] =	ssyncset.done @!p2 $0x0  }
0x88: {  	[sflag:s7] =	ssyncadd.s32 @!p2 $0xFFFFC000;
	p2 =	por p2, p3  }
0x89: {  	s0 =	simm.s32 @!p2 $0x80;
	s1 =	simm.s32 @!p2 $0x4400;
	s6 =	simm.s32 @!p2 $0x0  }
0x8a: {  	[tilespmem:s6], [sflag:$0x1] =	stream.indirect.gather @!p2 [hbm4b:s5+s0], $0x80, s1, s0, $0xb8;
	[tilespmem:$0x18880] =	vst v63  }
0x8b: {  	s1 =	simm.s32 @!p2 $0x1  }
0x8c: {  	_ =	swait.ge @!p2 [sflag:s1], $0x4000  }
0x8d: {  	[sflag:s1] =	ssyncset.done @!p2 $0x0  }
0x8e: {  	s7 =	simm.s32 @!p2 $0x4C00;
	[sflag:s1] =	ssyncadd.s32 @!p2 $0xFFFFC000  }
0x8f: {  	[spmem:s2] =	stream.indirect.scatter.add.f32 @!p2 [tilespmem:s6], [sflag:$0x3], $0x80, s7, s0, $0xb8;
	[tilespmem:$0x18880] =	vst v63  }
0x90: {  	s7 =	simm.s32 @!p2 $0x3  }
0x91: {  	_ =	swait.ge @!p2 [sflag:s7], $0x4000  }
0x92: {  	[sflag:s7] =	ssyncset.done @!p2 $0x0  }
0x93: {  	s9 =	simm.s32 @!p2 $0x4480;
	[sflag:s7] =	ssyncadd.s32 @!p2 $0xFFFFC000  }
0x94: {  	[tilespmem:s6], [sflag:$0x1] =	stream.indirect.gather @!p2 [hbm4b:s5+s0], $0x80, s9, s0, $0xb8;
	[tilespmem:$0x18880] =	vst v63  }
0x95: {  	p3 =	sgt.u32 @!p2 s31, $0x9B9;
	_ =	swait.ge @!p2 [sflag:s1], $0x4000  }
0x96: {  	p3 =	por p2, p3;
	[sflag:s1] =	ssyncset.done @!p2 $0x0  }
.Ltmp5:
0x97: {  	[sflag:s1] =	ssyncadd.s32 @!p2 $0xFFFFC000;
	s1 =	simm.s32 @!p2 $0x4C80;
	(pc) =	sbr.rel @p3 .LBB2_10-.Ltmp5, $4  }
0x98: {  	[spmem:s2] =	stream.indirect.scatter.add.f32 @!p2 [tilespmem:s6], [sflag:$0x3], $0x80, s1, s0, $0xb8;
	[tilespmem:$0x18880] =	vst v63  }
0x99: {  	_ =	swait.ge @!p2 [sflag:s7], $0x4000  }
0x9a: {  	[sflag:s7] =	ssyncset.done @!p2 $0x0  }
0x9b: {  	[sflag:s7] =	ssyncadd.s32 @!p2 $0xFFFFC000  }
0x9c: {  	[tilespmem:s3], [sflag:$0x1] =	stream.indirect.gather [hbm4b:s5+s21], $0x80, s22, s21, $0xb8;
	[tilespmem:$0x18880] =	vst v63  }
0x9d: {  	_ =	swait.ge [sflag:s23], $0x4000  }
0x9e: {  	[sflag:s23] =	ssyncset.done $0x0  }
0x9f: {  	[sflag:s23] =	ssyncadd.s32 $0xFFFFC000  }
0xa0: {  	[spmem:s2] =	stream.indirect.scatter.add.f32 [tilespmem:s3], [sflag:$0x3], $0x80, s24, s21, $0xb8;
	[tilespmem:$0x18880] =	vst v63  }
0xa1: {  	_ =	swait.ge [sflag:s25], $0x4000  }
0xa2: {  	[sflag:s25] =	ssyncset.done $0x0  }
0xa3: {  	[sflag:s25] =	ssyncadd.s32 $0xFFFFC000  }
0xa4: {  	[tilespmem:s3], [sflag:$0x1] =	stream.indirect.gather [hbm4b:s5+s21], $0x80, s26, s21, $0xb8;
	[tilespmem:$0x18880] =	vst v63  }
0xa5: {  	_ =	swait.ge [sflag:s23], $0x4000  }
0xa6: {  	[sflag:s23] =	ssyncset.done $0x0  }
0xa7: {  	[sflag:s23] =	ssyncadd.s32 $0xFFFFC000  }
0xa8: {  	[spmem:s2] =	stream.indirect.scatter.add.f32 [tilespmem:s3], [sflag:$0x3], $0x80, s28, s21, $0xb8;
	[tilespmem:$0x18880] =	vst v63  }
0xa9: {  	p2 =	sgt.u32 s31, $0x9B7;
	_ =	swait.ge [sflag:s25], $0x4000  }
0xaa: {  	s0 =	simm.s32 @!p2 $0x80;
	[sflag:s25] =	ssyncset.done $0x0  }
0xab: {  	s1 =	simm.s32 @!p2 $0x4600;
	s6 =	simm.s32 @!p2 $0x0;
	[sflag:s25] =	ssyncadd.s32 $0xFFFFC000  }
0xac: {  	[tilespmem:s6], [sflag:$0x1] =	stream.indirect.gather @!p2 [hbm4b:s5+s0], $0x80, s1, s0, $0xb8;
	[tilespmem:$0x18880] =	vst v63  }
0xad: {  	s1 =	simm.s32 @!p2 $0x1  }
0xae: {  	_ =	swait.ge @!p2 [sflag:s1], $0x4000  }
0xaf: {  	[sflag:s1] =	ssyncset.done @!p2 $0x0  }
0xb0: {  	s7 =	simm.s32 @!p2 $0x4E00;
	[sflag:s1] =	ssyncadd.s32 @!p2 $0xFFFFC000  }
0xb1: {  	[spmem:s2] =	stream.indirect.scatter.add.f32 @!p2 [tilespmem:s6], [sflag:$0x3], $0x80, s7, s0, $0xb8;
	[tilespmem:$0x18880] =	vst v63  }
0xb2: {  	s7 =	simm.s32 @!p2 $0x3  }
0xb3: {  	_ =	swait.ge @!p2 [sflag:s7], $0x4000  }
0xb4: {  	[sflag:s7] =	ssyncset.done @!p2 $0x0  }
0xb5: {  	s9 =	simm.s32 @!p2 $0x4680;
	[sflag:s7] =	ssyncadd.s32 @!p2 $0xFFFFC000  }
0xb6: {  	[tilespmem:s6], [sflag:$0x1] =	stream.indirect.gather @!p2 [hbm4b:s5+s0], $0x80, s9, s0, $0xb8;
	[tilespmem:$0x18880] =	vst v63  }
0xb7: {  	_ =	swait.ge @!p2 [sflag:s1], $0x4000  }
0xb8: {  	[sflag:s1] =	ssyncset.done @!p2 $0x0  }
0xb9: {  	[sflag:s1] =	ssyncadd.s32 @!p2 $0xFFFFC000;
	s1 =	simm.s32 @!p2 $0x4E80  }
0xba: {  	[spmem:s2] =	stream.indirect.scatter.add.f32 @!p2 [tilespmem:s6], [sflag:$0x3], $0x80, s1, s0, $0xb8;
	[tilespmem:$0x18880] =	vst v63  }
0xbb: {  	_ =	swait.ge @!p2 [sflag:s7], $0x4000  }
0xbc: {  	p3 =	sgt.u32 @!p2 s31, $0x9B5;
	[sflag:s7] =	ssyncset.done @!p2 $0x0  }
0xbd: {  	[sflag:s7] =	ssyncadd.s32 @!p2 $0xFFFFC000;
	p2 =	por p3, p2  }
0xbe: {  	s0 =	simm.s32 @!p2 $0x80;
	s1 =	simm.s32 @!p2 $0x4700;
	s6 =	simm.s32 @!p2 $0x0  }
0xbf: {  	[tilespmem:s6], [sflag:$0x1] =	stream.indirect.gather @!p2 [hbm4b:s5+s0], $0x80, s1, s0, $0xb8;
	[tilespmem:$0x18880] =	vst v63  }
0xc0: {  	s1 =	simm.s32 @!p2 $0x1  }
0xc1: {  	_ =	swait.ge @!p2 [sflag:s1], $0x4000  }
0xc2: {  	[sflag:s1] =	ssyncset.done @!p2 $0x0  }
0xc3: {  	s7 =	simm.s32 @!p2 $0x4F00;
	[sflag:s1] =	ssyncadd.s32 @!p2 $0xFFFFC000  }
0xc4: {  	[spmem:s2] =	stream.indirect.scatter.add.f32 @!p2 [tilespmem:s6], [sflag:$0x3], $0x80, s7, s0, $0xb8;
	[tilespmem:$0x18880] =	vst v63  }
0xc5: {  	s7 =	simm.s32 @!p2 $0x3  }
0xc6: {  	_ =	swait.ge @!p2 [sflag:s7], $0x4000  }
0xc7: {  	[sflag:s7] =	ssyncset.done @!p2 $0x0  }
0xc8: {  	[sflag:s7] =	ssyncadd.s32 @!p2 $0xFFFFC000;
	s7 =	simm.s32 @!p2 $0x4780  }
0xc9: {  	[tilespmem:s6], [sflag:$0x1] =	stream.indirect.gather @!p2 [hbm4b:s5+s0], $0x80, s7, s0, $0xb8;
	[tilespmem:$0x18880] =	vst v63  }
0xca: {  	_ =	swait.ge @!p2 [sflag:s1], $0x4000  }
0xcb: {  	[sflag:s1] =	ssyncset.done @!p2 $0x0  }
0xcc: {  	[sflag:s1] =	ssyncadd.s32 @!p2 $0xFFFFC000;
	s1 =	simm.s32 @!p2 $0x4F80  }
0xcd: {  	[spmem:s2] =	stream.indirect.scatter.add.f32 @!p2 [tilespmem:s6], [sflag:$0x2], $0x80, s1, s0, $0xb8;
	[tilespmem:$0x18880] =	vst v63  }
.Ltmp6:
0xce: {  	_ = 	snop;
	(pc) =	sbr.rel .LBB2_10-.Ltmp6, $4  }
0xcf: {  	s0 =	simm.s32 @!p2 $0x2  }
0xd0: {  	_ =	swait.ge @!p2 [sflag:s0], $0x4000  }
0xd1: {  	[sflag:s0] =	ssyncset.done @!p2 $0x0  }
0xd2: {  	[sflag:s0] =	ssyncadd.s32 @!p2 $0xFFFFC000  }
.LBB2_2:
0xd3: {  	s30 =	simm.s32 @p1 $0x1FC2;
	s0 =	rddreg [dreg:$0x4]  }
0xd4: {  	[spmem:s18], [sflag:s30] =	dma.local @p1 [hbm:s0], $0x2800  }
0xd5: {  	s30 =	simm.s32 @p1 $0x2  }
0xd6: {  	_ =	swait.ge @p1 [sflag:s30], $0x2800  }
0xd7: {  	[sflag:s30] =	ssyncset.done @p1 $0x0  }
0xd8: {  	s0 =	rddreg [dreg:$0x3];
	[sflag:s30] =	ssyncadd.s32 @p1 $0xFFFFD800;
	s30 =	simm.s32 @!p1 $0x2  }
0xd9: {  	[spmem:s20], [sflag:s19] =	dma.local @!p1 [hbm:s0], $0x2700  }
.Ltmp7:
0xda: {  	_ =	swait.ge @!p1 [sflag:s30], $0x2700;
	(pc) =	sbr.rel .LBB2_3-.Ltmp7, $4  }
0xdb: {  	[sflag:s30] =	ssyncset.done @!p1 $0x0  }
0xdc: {  	[sflag:s30] =	ssyncadd.s32 @!p1 $0xFFFFD900  }
0xdd: {  	[bflag:$0x0] =	sbarrier.arrive $0xFFFF  }
0xde: {  	s31 =	smov.u32 s8;
	s30 =	simm.s32 $0x0  }
.LBB2_5:
0xdf: {  	s30 =	sadd.s32 $0x100, s30  }
0xe0: {  	p2 =	sne.s32 s30, $0xA00  }
.Ltmp8:
0xe1: {  	_ = 	snop;
	(pc) =	sbr.rel @!p2 .LBB2_6-.Ltmp8, $2  }
0xe2: {  	_ =	sdelay $0x2  }
0xe3: {  	s31 =	sadd.s32 $0x10, s31  }
.LBB2_3:
0xe4: {  	p2 =	sgt.u32 s31, $0x9C3  }
0xe5: {  	s0 =	sadd.s32 @!p2 s30, s16;
	s1 =	simm.s32 @!p2 $0x0;
	s6 =	simm.s32 @!p2 $0x4000  }
0xe6: {  	[tilespmem:s6], [sflag:$0x3] =	stream.linear.gather @!p2 [hbm4b:s0+s1], $0x800, $0x38;
	[tilespmem:$0x18880] =	vst v63  }
0xe7: {  	s0 =	simm.s32 @!p2 $0x3  }
0xe8: {  	_ =	swait.ge @!p2 [sflag:s0], $0x800  }
0xe9: {  	[sflag:s0] =	ssyncset.done @!p2 $0x0  }
0xea: {  	s7 =	sadd.s32 @!p2 s30, s17;
	s9 =	simm.s32 @!p2 $0x4800;
	[sflag:s0] =	ssyncadd.s32 @!p2 $0xFFFFF800  }
0xeb: {  	[tilespmem:s9], [sflag:$0x3] =	stream.linear.gather @!p2 [hbm4b:s7+s1], $0x800, $0x38;
	[tilespmem:$0x18880] =	vst v63  }
0xec: {  	_ =	swait.ge @!p2 [sflag:s0], $0x800  }
0xed: {  	[sflag:s0] =	ssyncset.done @!p2 $0x0  }
0xee: {  	s7 =	simm.s32 @!p2 $0x80;
	[sflag:s0] =	ssyncadd.s32 @!p2 $0xFFFFF800  }
0xef: {  	[tilespmem:s1], [sflag:$0x1] =	stream.indirect.gather @!p2 [hbm4b:s4+s7], $0x80, s6, s7, $0xb8;
	[tilespmem:$0x18880] =	vst v63  }
0xf0: {  	s6 =	simm.s32 @!p2 $0x1  }
0xf1: {  	_ =	swait.ge @!p2 [sflag:s6], $0x4000  }
0xf2: {  	[sflag:s6] =	ssyncset.done @!p2 $0x0  }
0xf3: {  	[sflag:s6] =	ssyncadd.s32 @!p2 $0xFFFFC000  }
0xf4: {  	[spmem:s2] =	stream.indirect.scatter.add.f32 @!p2 [tilespmem:s1], [sflag:$0x3], $0x80, s9, s7, $0xb8;
	[tilespmem:$0x18880] =	vst v63  }
0xf5: {  	_ =	swait.ge @!p2 [sflag:s0], $0x4000  }
0xf6: {  	[sflag:s0] =	ssyncset.done @!p2 $0x0  }
0xf7: {  	s9 =	simm.s32 @!p2 $0x4080;
	[sflag:s0] =	ssyncadd.s32 @!p2 $0xFFFFC000  }
0xf8: {  	[tilespmem:s1], [sflag:$0x1] =	stream.indirect.gather @!p2 [hbm4b:s4+s7], $0x80, s9, s7, $0xb8;
	[tilespmem:$0x18880] =	vst v63  }
0xf9: {  	_ =	swait.ge @!p2 [sflag:s6], $0x4000  }
0xfa: {  	[sflag:s6] =	ssyncset.done @!p2 $0x0  }
0xfb: {  	[sflag:s6] =	ssyncadd.s32 @!p2 $0xFFFFC000;
	s6 =	simm.s32 @!p2 $0x4880  }
0xfc: {  	[spmem:s2] =	stream.indirect.scatter.add.f32 @!p2 [tilespmem:s1], [sflag:$0x3], $0x80, s6, s7, $0xb8;
	[tilespmem:$0x18880] =	vst v63  }
0xfd: {  	_ =	swait.ge @!p2 [sflag:s0], $0x4000  }
0xfe: {  	p3 =	sgt.u32 @!p2 s31, $0x9C1;
	[sflag:s0] =	ssyncset.done @!p2 $0x0  }
0xff: {  	[sflag:s0] =	ssyncadd.s32 @!p2 $0xFFFFC000;
	p2 =	por p2, p3  }
0x100: {  	s0 =	simm.s32 @!p2 $0x80;
	s1 =	simm.s32 @!p2 $0x4100;
	s6 =	simm.s32 @!p2 $0x0  }
0x101: {  	[tilespmem:s6], [sflag:$0x1] =	stream.indirect.gather @!p2 [hbm4b:s4+s0], $0x80, s1, s0, $0xb8;
	[tilespmem:$0x18880] =	vst v63  }
0x102: {  	s1 =	simm.s32 @!p2 $0x1  }
0x103: {  	_ =	swait.ge @!p2 [sflag:s1], $0x4000  }
0x104: {  	[sflag:s1] =	ssyncset.done @!p2 $0x0  }
0x105: {  	s7 =	simm.s32 @!p2 $0x4900;
	[sflag:s1] =	ssyncadd.s32 @!p2 $0xFFFFC000  }
0x106: {  	[spmem:s2] =	stream.indirect.scatter.add.f32 @!p2 [tilespmem:s6], [sflag:$0x3], $0x80, s7, s0, $0xb8;
	[tilespmem:$0x18880] =	vst v63  }
0x107: {  	s7 =	simm.s32 @!p2 $0x3  }
0x108: {  	_ =	swait.ge @!p2 [sflag:s7], $0x4000  }
0x109: {  	[sflag:s7] =	ssyncset.done @!p2 $0x0  }
0x10a: {  	s9 =	simm.s32 @!p2 $0x4180;
	[sflag:s7] =	ssyncadd.s32 @!p2 $0xFFFFC000  }
0x10b: {  	[tilespmem:s6], [sflag:$0x1] =	stream.indirect.gather @!p2 [hbm4b:s4+s0], $0x80, s9, s0, $0xb8;
	[tilespmem:$0x18880] =	vst v63  }
0x10c: {  	_ =	swait.ge @!p2 [sflag:s1], $0x4000  }
0x10d: {  	[sflag:s1] =	ssyncset.done @!p2 $0x0  }
0x10e: {  	[sflag:s1] =	ssyncadd.s32 @!p2 $0xFFFFC000;
	s1 =	simm.s32 @!p2 $0x4980  }
0x10f: {  	[spmem:s2] =	stream.indirect.scatter.add.f32 @!p2 [tilespmem:s6], [sflag:$0x3], $0x80, s1, s0, $0xb8;
	[tilespmem:$0x18880] =	vst v63  }
0x110: {  	_ =	swait.ge @!p2 [sflag:s7], $0x4000  }
0x111: {  	p3 =	sgt.u32 @!p2 s31, $0x9BF;
	[sflag:s7] =	ssyncset.done @!p2 $0x0  }
0x112: {  	[sflag:s7] =	ssyncadd.s32 @!p2 $0xFFFFC000;
	p2 =	por p2, p3  }
0x113: {  	s0 =	simm.s32 @!p2 $0x80;
	s1 =	simm.s32 @!p2 $0x4200;
	s6 =	simm.s32 @!p2 $0x0  }
0x114: {  	[tilespmem:s6], [sflag:$0x1] =	stream.indirect.gather @!p2 [hbm4b:s4+s0], $0x80, s1, s0, $0xb8;
	[tilespmem:$0x18880] =	vst v63  }
0x115: {  	s1 =	simm.s32 @!p2 $0x1  }
0x116: {  	_ =	swait.ge @!p2 [sflag:s1], $0x4000  }
0x117: {  	[sflag:s1] =	ssyncset.done @!p2 $0x0  }
0x118: {  	s7 =	simm.s32 @!p2 $0x4A00;
	[sflag:s1] =	ssyncadd.s32 @!p2 $0xFFFFC000  }
0x119: {  	[spmem:s2] =	stream.indirect.scatter.add.f32 @!p2 [tilespmem:s6], [sflag:$0x3], $0x80, s7, s0, $0xb8;
	[tilespmem:$0x18880] =	vst v63  }
0x11a: {  	s7 =	simm.s32 @!p2 $0x3  }
0x11b: {  	_ =	swait.ge @!p2 [sflag:s7], $0x4000  }
0x11c: {  	[sflag:s7] =	ssyncset.done @!p2 $0x0  }
0x11d: {  	s9 =	simm.s32 @!p2 $0x4280;
	[sflag:s7] =	ssyncadd.s32 @!p2 $0xFFFFC000  }
0x11e: {  	[tilespmem:s6], [sflag:$0x1] =	stream.indirect.gather @!p2 [hbm4b:s4+s0], $0x80, s9, s0, $0xb8;
	[tilespmem:$0x18880] =	vst v63  }
0x11f: {  	_ =	swait.ge @!p2 [sflag:s1], $0x4000  }
0x120: {  	[sflag:s1] =	ssyncset.done @!p2 $0x0  }
0x121: {  	[sflag:s1] =	ssyncadd.s32 @!p2 $0xFFFFC000;
	s1 =	simm.s32 @!p2 $0x4A80  }
0x122: {  	[spmem:s2] =	stream.indirect.scatter.add.f32 @!p2 [tilespmem:s6], [sflag:$0x3], $0x80, s1, s0, $0xb8;
	[tilespmem:$0x18880] =	vst v63  }
0x123: {  	_ =	swait.ge @!p2 [sflag:s7], $0x4000  }
0x124: {  	p3 =	sgt.u32 @!p2 s31, $0x9BD;
	[sflag:s7] =	ssyncset.done @!p2 $0x0  }
0x125: {  	[sflag:s7] =	ssyncadd.s32 @!p2 $0xFFFFC000;
	p2 =	por p2, p3  }
0x126: {  	s0 =	simm.s32 @!p2 $0x80;
	s1 =	simm.s32 @!p2 $0x4300;
	s6 =	simm.s32 @!p2 $0x0  }
0x127: {  	[tilespmem:s6], [sflag:$0x1] =	stream.indirect.gather @!p2 [hbm4b:s4+s0], $0x80, s1, s0, $0xb8;
	[tilespmem:$0x18880] =	vst v63  }
0x128: {  	s1 =	simm.s32 @!p2 $0x1  }
0x129: {  	_ =	swait.ge @!p2 [sflag:s1], $0x4000  }
0x12a: {  	[sflag:s1] =	ssyncset.done @!p2 $0x0  }
0x12b: {  	s7 =	simm.s32 @!p2 $0x4B00;
	[sflag:s1] =	ssyncadd.s32 @!p2 $0xFFFFC000  }
0x12c: {  	[spmem:s2] =	stream.indirect.scatter.add.f32 @!p2 [tilespmem:s6], [sflag:$0x3], $0x80, s7, s0, $0xb8;
	[tilespmem:$0x18880] =	vst v63  }
0x12d: {  	s7 =	simm.s32 @!p2 $0x3  }
0x12e: {  	_ =	swait.ge @!p2 [sflag:s7], $0x4000  }
0x12f: {  	[sflag:s7] =	ssyncset.done @!p2 $0x0  }
0x130: {  	s9 =	simm.s32 @!p2 $0x4380;
	[sflag:s7] =	ssyncadd.s32 @!p2 $0xFFFFC000  }
0x131: {  	[tilespmem:s6], [sflag:$0x1] =	stream.indirect.gather @!p2 [hbm4b:s4+s0], $0x80, s9, s0, $0xb8;
	[tilespmem:$0x18880] =	vst v63  }
0x132: {  	_ =	swait.ge @!p2 [sflag:s1], $0x4000  }
0x133: {  	[sflag:s1] =	ssyncset.done @!p2 $0x0  }
0x134: {  	[sflag:s1] =	ssyncadd.s32 @!p2 $0xFFFFC000;
	s1 =	simm.s32 @!p2 $0x4B80  }
0x135: {  	[spmem:s2] =	stream.indirect.scatter.add.f32 @!p2 [tilespmem:s6], [sflag:$0x3], $0x80, s1, s0, $0xb8;
	[tilespmem:$0x18880] =	vst v63  }
0x136: {  	_ =	swait.ge @!p2 [sflag:s7], $0x4000  }
0x137: {  	p3 =	sgt.u32 @!p2 s31, $0x9BB;
	[sflag:s7] =	ssyncset.done @!p2 $0x0  }
0x138: {  	[sflag:s7] =	ssyncadd.s32 @!p2 $0xFFFFC000;
	p2 =	por p2, p3  }
0x139: {  	s0 =	simm.s32 @!p2 $0x80;
	s1 =	simm.s32 @!p2 $0x4400;
	s6 =	simm.s32 @!p2 $0x0  }
0x13a: {  	[tilespmem:s6], [sflag:$0x1] =	stream.indirect.gather @!p2 [hbm4b:s4+s0], $0x80, s1, s0, $0xb8;
	[tilespmem:$0x18880] =	vst v63  }
0x13b: {  	s1 =	simm.s32 @!p2 $0x1  }
0x13c: {  	_ =	swait.ge @!p2 [sflag:s1], $0x4000  }
0x13d: {  	[sflag:s1] =	ssyncset.done @!p2 $0x0  }
0x13e: {  	s7 =	simm.s32 @!p2 $0x4C00;
	[sflag:s1] =	ssyncadd.s32 @!p2 $0xFFFFC000  }
0x13f: {  	[spmem:s2] =	stream.indirect.scatter.add.f32 @!p2 [tilespmem:s6], [sflag:$0x3], $0x80, s7, s0, $0xb8;
	[tilespmem:$0x18880] =	vst v63  }
0x140: {  	s7 =	simm.s32 @!p2 $0x3  }
0x141: {  	_ =	swait.ge @!p2 [sflag:s7], $0x4000  }
0x142: {  	[sflag:s7] =	ssyncset.done @!p2 $0x0  }
0x143: {  	s9 =	simm.s32 @!p2 $0x4480;
	[sflag:s7] =	ssyncadd.s32 @!p2 $0xFFFFC000  }
0x144: {  	[tilespmem:s6], [sflag:$0x1] =	stream.indirect.gather @!p2 [hbm4b:s4+s0], $0x80, s9, s0, $0xb8;
	[tilespmem:$0x18880] =	vst v63  }
0x145: {  	p3 =	sgt.u32 @!p2 s31, $0x9B9;
	_ =	swait.ge @!p2 [sflag:s1], $0x4000  }
0x146: {  	p3 =	por p2, p3;
	[sflag:s1] =	ssyncset.done @!p2 $0x0  }
.Ltmp9:
0x147: {  	[sflag:s1] =	ssyncadd.s32 @!p2 $0xFFFFC000;
	s1 =	simm.s32 @!p2 $0x4C80;
	(pc) =	sbr.rel @p3 .LBB2_5-.Ltmp9, $4  }
0x148: {  	[spmem:s2] =	stream.indirect.scatter.add.f32 @!p2 [tilespmem:s6], [sflag:$0x3], $0x80, s1, s0, $0xb8;
	[tilespmem:$0x18880] =	vst v63  }
0x149: {  	_ =	swait.ge @!p2 [sflag:s7], $0x4000  }
0x14a: {  	[sflag:s7] =	ssyncset.done @!p2 $0x0  }
0x14b: {  	[sflag:s7] =	ssyncadd.s32 @!p2 $0xFFFFC000  }
0x14c: {  	[tilespmem:s3], [sflag:$0x1] =	stream.indirect.gather [hbm4b:s4+s21], $0x80, s22, s21, $0xb8;
	[tilespmem:$0x18880] =	vst v63  }
0x14d: {  	_ =	swait.ge [sflag:s23], $0x4000  }
0x14e: {  	[sflag:s23] =	ssyncset.done $0x0  }
0x14f: {  	[sflag:s23] =	ssyncadd.s32 $0xFFFFC000  }
0x150: {  	[spmem:s2] =	stream.indirect.scatter.add.f32 [tilespmem:s3], [sflag:$0x3], $0x80, s24, s21, $0xb8;
	[tilespmem:$0x18880] =	vst v63  }
0x151: {  	_ =	swait.ge [sflag:s25], $0x4000  }
0x152: {  	[sflag:s25] =	ssyncset.done $0x0  }
0x153: {  	[sflag:s25] =	ssyncadd.s32 $0xFFFFC000  }
0x154: {  	[tilespmem:s3], [sflag:$0x1] =	stream.indirect.gather [hbm4b:s4+s21], $0x80, s26, s21, $0xb8;
	[tilespmem:$0x18880] =	vst v63  }
0x155: {  	_ =	swait.ge [sflag:s23], $0x4000  }
0x156: {  	[sflag:s23] =	ssyncset.done $0x0  }
0x157: {  	[sflag:s23] =	ssyncadd.s32 $0xFFFFC000  }
0x158: {  	[spmem:s2] =	stream.indirect.scatter.add.f32 [tilespmem:s3], [sflag:$0x3], $0x80, s28, s21, $0xb8;
	[tilespmem:$0x18880] =	vst v63  }
0x159: {  	p2 =	sgt.u32 s31, $0x9B7;
	_ =	swait.ge [sflag:s25], $0x4000  }
0x15a: {  	s0 =	simm.s32 @!p2 $0x80;
	[sflag:s25] =	ssyncset.done $0x0  }
0x15b: {  	s1 =	simm.s32 @!p2 $0x4600;
	s6 =	simm.s32 @!p2 $0x0;
	[sflag:s25] =	ssyncadd.s32 $0xFFFFC000  }
0x15c: {  	[tilespmem:s6], [sflag:$0x1] =	stream.indirect.gather @!p2 [hbm4b:s4+s0], $0x80, s1, s0, $0xb8;
	[tilespmem:$0x18880] =	vst v63  }
0x15d: {  	s1 =	simm.s32 @!p2 $0x1  }
0x15e: {  	_ =	swait.ge @!p2 [sflag:s1], $0x4000  }
0x15f: {  	[sflag:s1] =	ssyncset.done @!p2 $0x0  }
0x160: {  	s7 =	simm.s32 @!p2 $0x4E00;
	[sflag:s1] =	ssyncadd.s32 @!p2 $0xFFFFC000  }
0x161: {  	[spmem:s2] =	stream.indirect.scatter.add.f32 @!p2 [tilespmem:s6], [sflag:$0x3], $0x80, s7, s0, $0xb8;
	[tilespmem:$0x18880] =	vst v63  }
0x162: {  	s7 =	simm.s32 @!p2 $0x3  }
0x163: {  	_ =	swait.ge @!p2 [sflag:s7], $0x4000  }
0x164: {  	[sflag:s7] =	ssyncset.done @!p2 $0x0  }
0x165: {  	s9 =	simm.s32 @!p2 $0x4680;
	[sflag:s7] =	ssyncadd.s32 @!p2 $0xFFFFC000  }
0x166: {  	[tilespmem:s6], [sflag:$0x1] =	stream.indirect.gather @!p2 [hbm4b:s4+s0], $0x80, s9, s0, $0xb8;
	[tilespmem:$0x18880] =	vst v63  }
0x167: {  	_ =	swait.ge @!p2 [sflag:s1], $0x4000  }
0x168: {  	[sflag:s1] =	ssyncset.done @!p2 $0x0  }
0x169: {  	[sflag:s1] =	ssyncadd.s32 @!p2 $0xFFFFC000;
	s1 =	simm.s32 @!p2 $0x4E80  }
0x16a: {  	[spmem:s2] =	stream.indirect.scatter.add.f32 @!p2 [tilespmem:s6], [sflag:$0x3], $0x80, s1, s0, $0xb8;
	[tilespmem:$0x18880] =	vst v63  }
0x16b: {  	_ =	swait.ge @!p2 [sflag:s7], $0x4000  }
0x16c: {  	p3 =	sgt.u32 @!p2 s31, $0x9B5;
	[sflag:s7] =	ssyncset.done @!p2 $0x0  }
0x16d: {  	[sflag:s7] =	ssyncadd.s32 @!p2 $0xFFFFC000;
	p2 =	por p3, p2  }
0x16e: {  	s0 =	simm.s32 @!p2 $0x80;
	s1 =	simm.s32 @!p2 $0x4700;
	s6 =	simm.s32 @!p2 $0x0  }
0x16f: {  	[tilespmem:s6], [sflag:$0x1] =	stream.indirect.gather @!p2 [hbm4b:s4+s0], $0x80, s1, s0, $0xb8;
	[tilespmem:$0x18880] =	vst v63  }
0x170: {  	s1 =	simm.s32 @!p2 $0x1  }
0x171: {  	_ =	swait.ge @!p2 [sflag:s1], $0x4000  }
0x172: {  	[sflag:s1] =	ssyncset.done @!p2 $0x0  }
0x173: {  	s7 =	simm.s32 @!p2 $0x4F00;
	[sflag:s1] =	ssyncadd.s32 @!p2 $0xFFFFC000  }
0x174: {  	[spmem:s2] =	stream.indirect.scatter.add.f32 @!p2 [tilespmem:s6], [sflag:$0x3], $0x80, s7, s0, $0xb8;
	[tilespmem:$0x18880] =	vst v63  }
0x175: {  	s7 =	simm.s32 @!p2 $0x3  }
0x176: {  	_ =	swait.ge @!p2 [sflag:s7], $0x4000  }
0x177: {  	[sflag:s7] =	ssyncset.done @!p2 $0x0  }
0x178: {  	[sflag:s7] =	ssyncadd.s32 @!p2 $0xFFFFC000;
	s7 =	simm.s32 @!p2 $0x4780  }
0x179: {  	[tilespmem:s6], [sflag:$0x1] =	stream.indirect.gather @!p2 [hbm4b:s4+s0], $0x80, s7, s0, $0xb8;
	[tilespmem:$0x18880] =	vst v63  }
0x17a: {  	_ =	swait.ge @!p2 [sflag:s1], $0x4000  }
0x17b: {  	[sflag:s1] =	ssyncset.done @!p2 $0x0  }
0x17c: {  	[sflag:s1] =	ssyncadd.s32 @!p2 $0xFFFFC000;
	s1 =	simm.s32 @!p2 $0x4F80  }
0x17d: {  	[spmem:s2] =	stream.indirect.scatter.add.f32 @!p2 [tilespmem:s6], [sflag:$0x2], $0x80, s1, s0, $0xb8;
	[tilespmem:$0x18880] =	vst v63  }
.Ltmp10:
0x17e: {  	_ = 	snop;
	(pc) =	sbr.rel .LBB2_5-.Ltmp10, $4  }
0x17f: {  	s0 =	simm.s32 @!p2 $0x2  }
0x180: {  	_ =	swait.ge @!p2 [sflag:s0], $0x4000  }
0x181: {  	[sflag:s0] =	ssyncset.done @!p2 $0x0  }
0x182: {  	[sflag:s0] =	ssyncadd.s32 @!p2 $0xFFFFC000  }
.LBB2_6:
0x183: {  	[bflag:$0x0] =	sbarrier.arrive $0xFFFF;
	s0 =	simm.s32 @p1 $0x1FC2  }
0x184: {  	[hbm:s10], [sflag:s0] =	dma.local @p1 [spmem:s18], $0x2800  }
0x185: {  	s0 =	simm.s32 @p1 $0x2  }
0x186: {  	_ =	swait.ge @p1 [sflag:s0], $0x2800  }
0x187: {  	[sflag:s0] =	ssyncset.done @p1 $0x0  }
0x188: {  	[sflag:s0] =	ssyncadd.s32 @p1 $0xFFFFD800;
	s0 =	rddreg [dreg:$0x5]  }
0x189: {  	[hbm:s0], [sflag:s19] =	dma.local @!p1 [spmem:s20], $0x2700  }
.Ltmp11:
0x18a: {  	_ = 	snop;
	(pc) =	sbr.rel .LBB2_12-.Ltmp11, $4  }
0x18b: {  	s0 =	simm.s32 @!p1 $0x2  }
0x18c: {  	_ =	swait.ge @!p1 [sflag:s0], $0x2700  }
0x18d: {  	[sflag:s0] =	ssyncset.done @!p1 $0x0  }
0x18e: {  	[sflag:s0] =	ssyncadd.s32 @!p1 $0xFFFFD900  }
.LBB2_13:
0x18f: {  	_ =	sfence.sel $0x180000  }
0x190: {  	[bflag:$0x0] =	sbarrier.arrive $0xFFFF  }
0x191: {  	_ =	strace $0x9000004D  }
0x192: {  	s0 =	stileid.u32;
	[bflag:$0x2] =	sbarrier.arrive $0xFFFF  }
0x193: {  	p0 =	sne.s32 s0, $0x0;
	s0 =	rddreg [dreg:$0x2]  }
0x194: {  	s0 =	sadd.s32 @!p0 $0x100000, s0  }
0x195: {  	[sflag:s0] =	ssyncadd.tile.s32 @!p0 $0x1;
	_ =	shalt  }
.Lfunc_end2:
_tile_overlayer_lowered:
.L_overlay_start_2:
0x196: {  	(tag) =	ssettag $0x2  }
0x197: {  	s0 =	rddreg [dreg:$0x0];
	s2 =	stileid.u32  }
0x198: {  	s1 =	rddreg [dreg:$0x1];
	p0 =	sne.s32 s2, $0x0  }
0x199: {  	s3 =	rddreg [dreg:$0x2];
	[bflag:$0x3] =	sbarrier.arrive $0xFFFF;
	s2 =	simm.s32 @!p0 $0x1C02  }
0x19a: {  	[timem:s3], [sflag:s2] =	dma.local @!p0 [hbm:s0], s1  }
0x19b: {  	s0 =	simm.s32 @!p0 $0x2  }
0x19c: {  	_ =	swait.ge @!p0 [sflag:s0], s1  }
0x19d: {  	s1 =	ssub.s32 @!p0 $0x0, s1;
	[sflag:s0] =	ssyncset.done @!p0 $0x0  }
0x19e: {  	[sflag:s0] =	ssyncadd.s32 @!p0 s1  }
0x19f: {  	[bflag:$0x3] =	sbarrier.arrive $0xFFFF  }
0x1a0: {  	_ =	shalt  }

// kernel: kernel.8.cloned.1.call-start
scs
__scs_entry_jumppad:
0x0: {  	(pc) =	sbr.rel $0x88, $3  }
0x1: {  	(tag) =	ssettag $0x0;
	lr =	simm.s32 $0x1  }
0x2: {  	[smem:$0x3F97] =	sst lr;
	_ =	strace $0xD0000000  }
0x3: {  	_ = 	snop  }
0x4: {  	_ = 	snop  }
0x5: {  	_ = 	snop  }
0x6: {  	_ = 	snop  }
0x7: {  	_ = 	snop  }
__scs_overlays_trampoline_lowered:
0x8: {  	[smem:$0x3FA6] =	sst s0  }
0x9: {  	[smem:$0x3FA7] =	sst s1  }
0xa: {  	[smem:$0x3FA8] =	sst s2  }
0xb: {  	[smem:$0x3FA9] =	sst s3  }
0xc: {  	[smem:$0x3FAA] =	sst s4  }
0xd: {  	[smem:$0x3FAB] =	sst s5  }
0xe: {  	[smem:$0x3FAC] =	sst s6  }
0xf: {  	[smem:$0x3FAD] =	sst s7  }
0x10: {  	[smem:$0x3FAE] =	sst s8  }
0x11: {  	[smem:$0x3FAF] =	sst s9;
	s0 =	simm.s32 @!p0 $0x0  }
0x12: {  	s1 =	sld [smem:$0x3F95];
	s0 =	simm.s32 @p0 $0x1  }
0x13: {  	[smem:$0x3FB0] =	sst s0;
	s0 =	simm.s32 @!p1 $0x0  }
0x14: {  	s2 =	sld [smem:$0x3F94];
	s0 =	simm.s32 @p1 $0x1  }
0x15: {  	[smem:$0x3FB1] =	sst s0;
	s0 =	simm.s32 @!p2 $0x0  }
0x16: {  	s3 =	sld [smem:$0x3FDB];
	s0 =	simm.s32 @p2 $0x1  }
0x17: {  	s4 =	simm.s32 $0x1BF5;
	[smem:$0x3FB3] =	sst s0  }
0x18: {  	s0 =	sld [smem:$0x3F96];
	_ =	swait.ge [sflag:s4], $0x0  }
0x19: {  	s7 =	sld [smem:$0x3F97]  }
0x1a: {  	s8 =	sadd.s32 $0xFFFFE003, lr  }
0x1b: {  	s9 =	sadd.s32 $0xFFFFFEF7, lr;
	s5 =	simm.s32 $0xFFFFFFFF;
	p2 =	slt.u32 s8, $0xFFFFF086  }
0x1c: {  	p1 =	slt.u32 s9, $0xF7A;
	s5 =	simm.s32 @!p2 $0x0  }
0x1d: {  	s5 =	simm.s32 @p1 $0x1;
	p0 =	seq.s32 s7, s2  }
0x1e: {  	s7 =	smul.u32 @!p0 $0xF7A, s2;
	p2 =	seq.s32 @!p0 s5, $0x0  }
0x1f: {  	s9 =	smul.u32 $0xF7A, s1;
	s8 =	simm.s32 @!p0 $0x1BF5;
	p2 =	por !p2, p0  }
0x20: {  	[sflag:s8] =	ssyncset.s32 @!p0 $0xFFFFF086;
	s6 =	sadd.s32 @!p0 s3, s7;
	s7 =	simm.s32 @!p0 $0x108  }
0x21: {  	s3 =	sadd.s32 s3, s9;
	s6 =	sadd.s32 @!p0 $0x88, s6;
	s7 =	simm.s32 @p2 $0x1082  }
0x22: {  	[simem:s7], [sflag:s8] =	dma.local @!p0 [hbm:s6], $0xF7A  }
0x23: {  	s9 =	sor.u32 $0xD0000000, s2;
	s6 =	simm.s32 $0x108;
	_ =	swait.ge @!p0 [sflag:s8], $0x0  }
0x24: {  	s3 =	sadd.s32 $0x88, s3;
	s6 =	simm.s32 @!p1 $0x1082;
	[sflag:s4] =	ssyncset.s32 $0xFFFFF086  }
0x25: {  	[simem:s6], [sflag:s4] =	dma.local [hbm:s3], $0xF7A  }
0x26: {  	[smem:$0x3F97] =	sst s1;
	(tag) =	ssettag s2;
	_ =	strace s9  }
0x27: {  	s1 =	sld [smem:$0x3FA7]  }
0x28: {  	s2 =	sld [smem:$0x3FA8]  }
0x29: {  	s4 =	sld [smem:$0x3FAA]  }
0x2a: {  	p0 =	seq.s32 s5, $0x0;
	s5 =	sld [smem:$0x3FAB]  }
0x2b: {  	s6 =	sld [smem:$0x3FAC]  }
0x2c: {  	s7 =	sld [smem:$0x3FAD]  }
0x2d: {  	s3 =	simm.s32 $0x108;
	s8 =	sld [smem:$0x3FAE]  }
0x2e: {  	s3 =	simm.s32 @!p0 $0x1082;
	s9 =	sld [smem:$0x3FAF]  }
0x2f: {  	lr =	sadd.s32 s0, s3;
	s0 =	sld [smem:$0x3FA6]  }
0x30: {  	s3 =	sld [smem:$0x3FA9]  }
0x31: {  	[smem:$0x3FB2] =	sst s10  }
0x32: {  	s10 =	sld [smem:$0x3FB0];
	_ =	sdelay $0x3  }
0x33: {  	p0 =	seq.s32 s10, $0x1;
	s10 =	sld [smem:$0x3FB2];
	_ =	sdelay $0x3  }
0x34: {  	[smem:$0x3FB2] =	sst s10  }
0x35: {  	s10 =	sld [smem:$0x3FB1];
	_ =	sdelay $0x3  }
0x36: {  	p1 =	seq.s32 s10, $0x1;
	s10 =	sld [smem:$0x3FB2];
	_ =	sdelay $0x3  }
0x37: {  	[smem:$0x3FB2] =	sst s10  }
0x38: {  	s10 =	sld [smem:$0x3FB3]  }
0x39: {  	_ = 	snop;
	(pc) =	sbr.ind lr, $3  }
0x3a: {  	_ = 	snop  }
0x3b: {  	_ = 	snop  }
0x3c: {  	p2 =	seq.s32 s10, $0x1;
	s10 =	sld [smem:$0x3FB2]  }
0x3d: {  	_ =	shalt  }
0x3e: {  	_ =	shalt  }
0x3f: {  	_ =	shalt  }
0x40: {  	_ =	shalt  }
0x41: {  	_ =	shalt  }
0x42: {  	_ =	shalt  }
0x43: {  	_ =	shalt  }
0x44: {  	_ =	shalt  }
0x45: {  	_ =	shalt  }
0x46: {  	_ =	shalt  }
0x47: {  	_ =	shalt  }
0x48: {  	_ =	shalt  }
0x49: {  	_ =	shalt  }
0x4a: {  	_ =	shalt  }
0x4b: {  	_ =	shalt  }
0x4c: {  	_ =	shalt  }
0x4d: {  	_ =	shalt  }
0x4e: {  	_ =	shalt  }
0x4f: {  	_ =	shalt  }
0x50: {  	_ =	shalt  }
0x51: {  	_ =	shalt  }
0x52: {  	_ =	shalt  }
0x53: {  	_ =	shalt  }
0x54: {  	_ =	shalt  }
0x55: {  	_ =	shalt  }
0x56: {  	_ =	shalt  }
0x57: {  	_ =	shalt  }
0x58: {  	_ =	shalt  }
0x59: {  	_ =	shalt  }
0x5a: {  	_ =	shalt  }
0x5b: {  	_ =	shalt  }
0x5c: {  	_ =	shalt  }
0x5d: {  	_ =	shalt  }
0x5e: {  	_ =	shalt  }
0x5f: {  	_ =	shalt  }
0x60: {  	_ =	shalt  }
0x61: {  	_ =	shalt  }
0x62: {  	_ =	shalt  }
0x63: {  	_ =	shalt  }
0x64: {  	_ =	shalt  }
0x65: {  	_ =	shalt  }
0x66: {  	_ =	shalt  }
0x67: {  	_ =	shalt  }
0x68: {  	_ =	shalt  }
0x69: {  	_ =	shalt  }
0x6a: {  	_ =	shalt  }
0x6b: {  	_ =	shalt  }
0x6c: {  	_ =	shalt  }
0x6d: {  	_ =	shalt  }
0x6e: {  	_ =	shalt  }
0x6f: {  	_ =	shalt  }
0x70: {  	_ =	shalt  }
0x71: {  	_ =	shalt  }
0x72: {  	_ =	shalt  }
0x73: {  	_ =	shalt  }
0x74: {  	_ =	shalt  }
0x75: {  	_ =	shalt  }
0x76: {  	_ =	shalt  }
0x77: {  	_ =	shalt  }
0x78: {  	_ =	shalt  }
0x79: {  	_ =	shalt  }
0x7a: {  	_ =	shalt  }
0x7b: {  	_ =	shalt  }
0x7c: {  	_ =	shalt  }
0x7d: {  	_ =	shalt  }
0x7e: {  	_ =	shalt  }
0x7f: {  	_ =	shalt  }
0x80: {  	_ =	shalt  }
0x81: {  	_ =	shalt  }
0x82: {  	_ =	shalt  }
0x83: {  	_ =	shalt  }
0x84: {  	_ =	shalt  }
0x85: {  	_ =	shalt  }
0x86: {  	_ =	shalt  }
0x87: {  	_ =	shalt  }
.Lfunc_end0:
.L_simem_size_0:
called_computation_lowered:
.L_overlay_start_0:
0x88: {  	s2 =	sld [smem:$0x3FD9]  }
0x89: {  	s3 =	sld [smem:$0x3FFE];
	_ =	sdelay $0x1  }
0x8a: {  	s1 =	srdreg.scid  }
0x8b: {  	s0 =	sand.u32 $0x1, s1  }
0x8c: {  	s16 =	sshll.u32 s0, $0xA;
	s2 =	sadd.s32 s3, s2  }
0x8d: {  	s2 =	sadd.s32 s2, s16  }
0x8e: {  	[smem:$0x3FBE] =	sst s2  }
0x8f: {  	_ = 	snop  }
0x90: {  	(tm) =	ssettm $0x1  }
0x91: {  	s17 =	sld [smem:$0x3FFB];
	_ =	sdelay $0x3  }
0x92: {  	_ =	strace s17  }
0x93: {  	s2 =	sld [smem:$0x3FFC];
	_ =	sdelay $0x3  }
0x94: {  	_ =	strace s2  }
0x95: {  	s2 =	sld [smem:$0x3FFD];
	_ =	sdelay $0x3  }
0x96: {  	_ =	strace s2  }
0x97: {  	_ =	strace $0x8FFFFFFF  }
0x98: {  	s18 =	sld [smem:$0x3FDB];
	_ =	sdelay $0x1  }
0x99: {  	s19 =	simm.s32 $_scs_section_size  }
0x9a: {  	s4 =	simm.s32 $_size__tile_overlayer_lowered;
	s5 =	simm.s32 $_tile_overlayer_lowered  }
0x9b: {  	s22 =	simm.s32 $0x1BFF;
	s21 =	sshll.u32 s5, $0x1;
	s2 =	sadd.s32 s19, s18  }
0x9c: {  	s6 =	simm.s32 $0x0;
	s20 =	sshll.u32 s4, $0x1;
	s4 =	sadd.s32 s21, s2  }
0x9d: {  	[timem:s6], [sflag:s22] =	dma.local [hbm:s4], s20  }
0x9e: {  	_ =	swait.ge [sflag:s22], s20  }
0x9f: {  	s3 =	ssub.s32 $0x0, s20;
	[sflag:s22] =	ssyncset.done $0x0  }
0xa0: {  	[sflag:s22] =	ssyncadd.s32 s3;
	_ =	sdelay $0x1  }
0xa1: {  	s23 =	simm.s32 $0x1B8B  }
0xa2: {  	_ =	swait.ge [sflag:s23], $0x1  }
0xa3: {  	[sflag:s23] =	ssyncset.done $0x0  }
0xa4: {  	s25 =	simm.s32 $0x1B8E;
	s24 =	sld [smem:$0x3FFE];
	[sflag:s23] =	ssyncadd.s32 $0xFFFFFFFF  }
0xa5: {  	s26 =	simm.s32 $execute0_lowered;
	[smem:$0x3FD2] =	sst s25  }
0xa6: {  	s4 =	sshll.u32 s26, $0x1;
	_ =	strace $0x80000046;
	[dreg:$0x1] =	wrdreg $0xFFFFFFFF  }
0xa7: {  	s28 =	simm.s32 $_size_execute0_lowered;
	s2 =	sadd.s32 s2, s4;
	[dreg:$0x0] =	wrdreg $0x0  }
0xa8: {  	s4 =	sshll.u32 s28, $0x1;
	[dreg:$0x2] =	wrdreg s2  }
0xa9: {  	[dreg:$0x3] =	wrdreg s4  }
0xaa: {  	[dreg:$0x4] =	wrdreg $0xC0  }
0xab: {  	_ =	task [dreg:s6], $0x5FFFF  }
0xac: {  	[dreg:$0x1] =	wrdreg $0xFFFFFFFF  }
0xad: {  	[dreg:$0x0] =	wrdreg $0x60  }
0xae: {  	[dreg:$0x2] =	wrdreg s24  }
0xaf: {  	[dreg:$0x3] =	wrdreg $0x40800  }
0xb0: {  	[dreg:$0x4] =	wrdreg $0x9  }
0xb1: {  	_ =	task.clear_ibuf [dreg:s6], $0x5FFFF;
	_ =	strace $0x90000046  }
0xb2: {  	s29 =	simm.s32 $0x9;
	_ =	strace $0x80000048  }
0xb3: {  	_ =	swait.ge [sflag:s29], $0x1  }
0xb4: {  	[sflag:s29] =	ssyncadd.s32 $0xFFFFFFFF  }
0xb5: {  	_ =	strace $0x90000048  }
0xb6: {  	_ =	sfence  }
0xb7: {  	s30 =	sld [smem:$0x0];
	_ =	sdelay $0x2  }
0xb8: {  	s31 =	sshll.u32 s1, $0xD;
	s1 =	sshrl.u32 s1, $0x2  }
0xb9: {  	s3 =	sand.u32 $0x4000, s31;
	s1 =	sadd.s32 s1, s30  }
0xba: {  	s0 =	sor.u32 s3, s0;
	s1 =	sshll.u32 s1, $0x11  }
0xbb: {  	s0 =	sor.u32 s1, s0  }
0xbc: {  	s0 =	sadd.s32 $0x8F2B, s0  }
0xbd: {  	[sflag:s0] =	ssyncadd.remote.s32 $0x1  }
0xbe: {  	_ =	sfence.sel $0xFFFF  }
0xbf: {  	[dreg:$0x0] =	wrdreg $0xFFFFFFFF;
	(pc) =	sbr.abs _section_cstart, $3  }
0xc0: {  	[dreg:$0x1] =	wrdreg $0xFFFFFFFF  }
0xc1: {  	_ =	task.clear_ibuf [dreg:s6], $0x2FFFF;
	_ =	strace $0x9FFFFFFF  }
0xc2: {  	(tm) =	ssettm $0x7FFFFFFF  }
0xc3: {  	_ =	shalt  }
tec
execute0_lowered:
.L_overlay_start_1:
0x0: {  	(tag) =	ssettag $0x1  }
0x1: {  	s6 =	rddreg [dreg:$0x0]  }
0x2: {  	s1 =	rddreg [dreg:$0x1];
	s2 =	srdreg.scid  }
0x3: {  	s0 =	rddreg [dreg:$0x2];
	s5 =	sand.u32 $0x1, s2  }
0x4: {  	s2 =	stileid.u32;
	s4 =	smul.u32 $0x4E20, s5  }
0x5: {  	s3 =	simm.s32 $0x0;
	s16 =	simm.s32 $0x0;
	s7 =	smul.u32 $0x2700, s2  }
0x6: {  	[smem:$0x7FF] =	sst s3;
	s12 =	sadd.s32 $0x35400, s6;
	s11 =	smul.u32 $0x4E000, s2  }
0x7: {  	_ =	strace $0x80000047;
	s10 =	ssub.s32 $0x2, s5;
	s14 =	smul.u32 $0x27100, s5  }
0x8: {  	s29 =	smul.u32 $0x138800, s5;
	s31 =	sshll.u32 s2, $0x4;
	p0 =	seq.s32 s2, $0xF  }
0x9: {  	s13 =	sshrl.u32 s10, $0x1;
	s9 =	sadd.s32 s4, s6;
	s4 =	sadd.s32 $0x34C00, s6  }
0xa: {  	s8 =	sadd.s32 s7, s6;
	s10 =	ssub.s32 s10, s13;
	s11 =	sshrl.u32 s11, $0x2  }
0xb: {  	s6 =	sadd.s32 $0x32300, s6;
	s7 =	sadd.s32 s7, s14;
	s30 =	sshrl.u32 s29, $0x3  }
0xc: {  	s14 =	simm.s32 $0x80;
	s15 =	sadd.s32 s11, s1;
	s5 =	sadd.s32 $0xDA00, s8  }
0xd: {  	s11 =	sadd.s32 $0x124800, s1;
	s7 =	sadd.s32 s12, s7;
	s8 =	sadd.s32 s12, s30  }
0xe: {  	s12 =	sadd.s32 s31, s9;
	s9 =	smax.u32 s10, $0x1;
	s8 =	sadd.s32 $0x24900, s8  }
0xf: {  	s10 =	sadd.s32 $0x3C00, s12;
	s12 =	sshll.u32 @!p0 s2, $0x6;
	s11 =	sshrl.u32 @p0 s11, $0x3  }
0x10: {  	s13 =	sshrl.u32 @!p0 s15, $0x3;
	s15 =	simm.s32 $0x1;
	s12 =	sor.u32 @!p0 $0x1C01, s12  }
.LBB2_1:
0x11: {  	s17 =	simm.s32 @p0 $0x1FC1  }
0x12: {  	[spmem:s11], [sflag:s17] =	dma.local @p0 [hbm:s6], $0x2800  }
0x13: {  	s17 =	simm.s32 @p0 $0x1  }
0x14: {  	_ =	swait.ge @p0 [sflag:s17], $0x2800  }
0x15: {  	[sflag:s17] =	ssyncset.done @p0 $0x0  }
0x16: {  	[sflag:s17] =	ssyncadd.s32 @p0 $0xFFFFD800;
	s17 =	simm.s32 @!p0 $0x1  }
0x17: {  	[spmem:s13], [sflag:s12] =	dma.local @!p0 [hbm:s5], $0x2700  }
0x18: {  	_ =	swait.ge @!p0 [sflag:s17], $0x2700  }
0x19: {  	[sflag:s17] =	ssyncset.done @!p0 $0x0  }
0x1a: {  	[sflag:s17] =	ssyncadd.s32 @!p0 $0xFFFFD900  }
0x1b: {  	[tilespmem:s14], [sflag:$0x1] =	stream.linear.gather [hbm4b:s4+s3], $0x4000, $0x38;
	[tilespmem:$0x17900] =	vst v63  }
0x1c: {  	_ =	swait.ge [sflag:s15], $0x4000  }
0x1d: {  	s30 =	sadd.s32 $0x0, s2;
	[sflag:s15] =	ssyncset.done $0x0  }
0x1e: {  	p1 =	sgt.u32 s30, $0x4E1;
	[sflag:s15] =	ssyncadd.s32 $0xFFFFC000  }
0x1f: {  	s18 =	simm.s32 @!p1 $0x0;
	s19 =	simm.s32 @!p1 $0x2;
	[bflag:$0x0] =	sbarrier.arrive $0xFFFF  }
0x20: {  	[tilespmem:s18], [sflag:$0x2] =	stream.linear.gather @!p1 [hbm4b:s10+s18], $0x80, $0x38;
	[tilespmem:$0x17900] =	vst v63  }
0x21: {  	_ =	swait.ge @!p1 [sflag:s19], $0x80  }
0x22: {  	s31 =	sadd.s32 $0x10, s2;
	[sflag:s19] =	ssyncset.done @!p1 $0x0  }
0x23: {  	s20 =	simm.s32 @!p1 $0x80;
	[sflag:s19] =	ssyncadd.s32 @!p1 $0xFFFFFF80;
	s19 =	simm.s32 @!p1 $0x1  }
0x24: {  	[spmem:s1] =	stream.indirect.scatter.add.f32 @!p1 [tilespmem:s20], [sflag:$0x1], $0x80, s18, s20, $0xb8;
	[tilespmem:$0x17900] =	vst v63  }
0x25: {  	p2 =	por p1, p1;
	s17 =	simm.s32 $0x20;
	_ =	swait.ge @!p1 [sflag:s19], $0x4000  }
0x26: {  	s18 =	sadd.s32 $0x100, s10;
	p1 =	sgt.u32 s31, $0x4E1;
	[sflag:s19] =	ssyncset.done @!p2 $0x0  }
.LBB2_2:
0x27: {  	s20 =	simm.s32 @!p1 $0x0;
	s21 =	simm.s32 @!p1 $0x2  }
0x28: {  	[sflag:s19] =	ssyncadd.s32 @!p2 $0xFFFFC000;
	s22 =	smov.u32 s17;
	s17 =	sadd.s32 $0x10, s17  }
0x29: {  	[tilespmem:s20], [sflag:$0x2] =	stream.linear.gather @!p1 [hbm4b:s18+s20], $0x80, $0x38;
	[tilespmem:$0x17900] =	vst v63  }
0x2a: {  	p3 =	sne.s32 s17, $0x4F0;
	_ =	swait.ge @!p1 [sflag:s21], $0x80  }
.Ltmp0:
0x2b: {  	[sflag:s21] =	ssyncset.done @!p1 $0x0;
	(pc) =	sbr.rel @p3 .LBB2_2-.Ltmp0, $4  }
0x2c: {  	s19 =	simm.s32 @!p1 $0x1;
	[sflag:s21] =	ssyncadd.s32 @!p1 $0xFFFFFF80;
	s21 =	simm.s32 @!p1 $0x80  }
0x2d: {  	[spmem:s1] =	stream.indirect.scatter.add.f32 @!p1 [tilespmem:s21], [sflag:$0x1], $0x80, s20, s21, $0xb8;
	[tilespmem:$0x17900] =	vst v63  }
0x2e: {  	p2 =	por p1, p1;
	s20 =	sadd.s32 s22, s2;
	_ =	swait.ge @!p1 [sflag:s19], $0x4000  }
0x2f: {  	s18 =	sadd.s32 $0x100, s18;
	p1 =	sgt.u32 s20, $0x4E1;
	[sflag:s19] =	ssyncset.done @!p2 $0x0  }
0x30: {  	s17 =	simm.s32 @!p1 $0x0;
	s20 =	simm.s32 @!p1 $0x2;
	[sflag:s19] =	ssyncadd.s32 @!p2 $0xFFFFC000  }
0x31: {  	[tilespmem:s17], [sflag:$0x2] =	stream.linear.gather @!p1 [hbm4b:s18+s17], $0x80, $0x38;
	[tilespmem:$0x17900] =	vst v63  }
0x32: {  	_ =	swait.ge @!p1 [sflag:s20], $0x80  }
0x33: {  	[sflag:s20] =	ssyncset.done @!p1 $0x0  }
0x34: {  	s19 =	simm.s32 @!p1 $0x1;
	s18 =	simm.s32 @!p1 $0x80;
	[sflag:s20] =	ssyncadd.s32 @!p1 $0xFFFFFF80  }
0x35: {  	[spmem:s1] =	stream.indirect.scatter.add.f32 @!p1 [tilespmem:s18], [sflag:$0x1], $0x80, s17, s18, $0xb8;
	[tilespmem:$0x17900] =	vst v63  }
0x36: {  	_ =	swait.ge @!p1 [sflag:s19], $0x4000;
	p1 =	por p1, p1  }
0x37: {  	[sflag:s19] =	ssyncset.done @!p1 $0x0  }
0x38: {  	[sflag:s19] =	ssyncadd.s32 @!p1 $0xFFFFC000  }
0x39: {  	s17 =	simm.s32 @p0 $0x1FC1;
	[bflag:$0x0] =	sbarrier.arrive $0xFFFF  }
0x3a: {  	[hbm:s8], [sflag:s17] =	dma.local @p0 [spmem:s11], $0x2800  }
0x3b: {  	s17 =	simm.s32 @p0 $0x1  }
0x3c: {  	s16 =	sadd.s32 $0x1, s16;
	_ =	swait.ge @p0 [sflag:s17], $0x2800  }
0x3d: {  	p1 =	sne.s32 s16, s9;
	[sflag:s17] =	ssyncset.done @p0 $0x0  }
.Ltmp1:
0x3e: {  	[sflag:s17] =	ssyncadd.s32 @p0 $0xFFFFD800;
	s17 =	simm.s32 @!p0 $0x1;
	(pc) =	sbr.rel @p1 .LBB2_1-.Ltmp1, $4  }
0x3f: {  	[hbm:s7], [sflag:s12] =	dma.local @!p0 [spmem:s13], $0x2700  }
0x40: {  	_ =	swait.ge @!p0 [sflag:s17], $0x2700  }
0x41: {  	[sflag:s17] =	ssyncset.done @!p0 $0x0  }
0x42: {  	[sflag:s17] =	ssyncadd.s32 @!p0 $0xFFFFD900  }
0x43: {  	_ =	sfence.sel $0x180000  }
0x44: {  	[bflag:$0x0] =	sbarrier.arrive $0xFFFF  }
0x45: {  	p0 =	sne.s32 s2, $0x0;
	_ =	strace $0x90000047  }
0x46: {  	s0 =	sadd.s32 @!p0 $0x100000, s0;
	[bflag:$0x2] =	sbarrier.arrive $0xFFFF  }
0x47: {  	[sflag:s0] =	ssyncadd.tile.s32 @!p0 $0x1;
	_ =	shalt  }
.Lfunc_end2:
_tile_overlayer_lowered:
.L_overlay_start_2:
0x48: {  	(tag) =	ssettag $0x2  }
0x49: {  	s0 =	rddreg [dreg:$0x0];
	s2 =	stileid.u32  }
0x4a: {  	s1 =	rddreg [dreg:$0x1];
	p0 =	sne.s32 s2, $0x0  }
0x4b: {  	s3 =	rddreg [dreg:$0x2];
	[bflag:$0x3] =	sbarrier.arrive $0xFFFF;
	s2 =	simm.s32 @!p0 $0x1C01  }
0x4c: {  	[timem:s3], [sflag:s2] =	dma.local @!p0 [hbm:s0], s1  }
0x4d: {  	s0 =	simm.s32 @!p0 $0x1  }
0x4e: {  	_ =	swait.ge @!p0 [sflag:s0], s1  }
0x4f: {  	s1 =	ssub.s32 @!p0 $0x0, s1;
	[sflag:s0] =	ssyncset.done @!p0 $0x0  }
0x50: {  	[sflag:s0] =	ssyncadd.s32 @!p0 s1  }
0x51: {  	[bflag:$0x3] =	sbarrier.arrive $0xFFFF  }
0x52: {  	_ =	shalt  }

</sc_bundles>
